<compile_context>
chip_gen: v7x
topology: tpu7x:2x2x1
jax: 0.10.2.dev20260603
libtpu: 0.0.44.dev20260713+nightly
codegen_flags: <defaults>
</compile_context>

<pallas_src>
import jax
import jax.numpy as jnp
from jax import lax
from jax.experimental import pallas as pl
from jax.experimental.pallas import tpu as pltpu
from jax.experimental.pallas import tpu_sc as plsc

N = 10000
E = 320000
IN_FEAT = 128
OUT_FEAT = 16
ORDER = 3
K = OUT_FEAT * (ORDER - 1) + 1
KP = 64

NT = 16
NPAD = 10240
NODES_PT = NPAD // NT
EPT = E // NT
L = 16


def _prep_body(x_ref, row_ref, col_ref, z0_ref, pk_ref):
    z0_ref[...] = jnp.sum(x_ref[...], axis=1)
    pk_ref[...] = col_ref[...] | (row_ref[...] << 16)


def _prep(x, rows, cols):
    return pl.pallas_call(
        _prep_body,
        out_shape=(jax.ShapeDtypeStruct((N,), jnp.float32),
                   jax.ShapeDtypeStruct((E,), jnp.int32)),
    )(x, rows, cols)


def _sc_body(z0, packed, vals, o1a, o2a, c1a, c2a, out,
             pk_v, val_v, z_v, acc_a, acc_b, red_v, zsl_v, y_v,
             o1_v, o2_v, c1_v, c2_v, dma_sem, part_sh, z_sh):
    tid = lax.axis_index("s")
    eoff = tid * EPT
    noff = tid * NODES_PT

    pltpu.sync_copy(packed.at[pl.ds(eoff, EPT)], pk_v)
    pltpu.sync_copy(vals.at[pl.ds(eoff, EPT)], val_v)
    pltpu.sync_copy(o1a, o1_v)
    pltpu.sync_copy(o2a, o2_v)
    pltpu.sync_copy(c1a, c1_v)
    pltpu.sync_copy(c2a, c2_v)
    pltpu.sync_copy(z0, z_v.at[pl.ds(0, N)])

    zero = jnp.zeros((L,), jnp.float32)
    for i in range(N, NPAD, L):
        z_v[pl.ds(i, L)] = zero

    def _zero_y(i):
        y_v[pl.ds(i, L)] = zero

    plsc.parallel_loop(0, OUT_FEAT * NODES_PT, step=L, unroll=8)(_zero_y)

    accs = [acc_a, acc_b]

    def _zero_into(acc_v):
        def _zero_acc(i):
            acc_v[pl.ds(i, L)] = zero
        plsc.parallel_loop(0, NPAD, step=L, unroll=8)(_zero_acc)

    _zero_into(acc_a)

    def _edges_into(acc_v):
        def _edges(i):
            pk = pk_v[pl.ds(i, L)]
            ci = pk & 0xFFFF
            ri = lax.shift_right_logical(pk, 16)
            zg = plsc.load_gather(z_v, [ci])
            vv = val_v[pl.ds(i, L)]
            plsc.addupdate_scatter(acc_v, [ri], zg * vv)
        plsc.parallel_loop(0, EPT, step=L, unroll=25)(_edges)

    def _one_k(k, cur, nxt, zero_next):
        _edges_into(cur)
        cp = pltpu.async_copy(cur, part_sh.at[tid], dma_sem)
        if zero_next:
            _zero_into(nxt)
        cp.wait()
        plsc.subcore_barrier()
        HALF = 384
        REST = NODES_PT - HALF
        cpa = pltpu.async_copy(part_sh.at[:, pl.ds(noff, HALF)],
                               red_v.at[:, pl.ds(0, HALF)], dma_sem)
        cpb = pltpu.async_copy(part_sh.at[:, pl.ds(noff + HALF, REST)],
                               red_v.at[:, pl.ds(HALF, REST)], dma_sem)
        o1 = o1_v[pl.ds(k, L)][0]
        o2 = o2_v[pl.ds(k, L)][0]
        c1 = c1_v[pl.ds(k, L)][0]
        c2 = c2_v[pl.ds(k, L)][0]

        def _reduce(c):
            parts = [red_v[t, pl.ds(c, L)] for t in range(NT)]
            while len(parts) > 1:
                parts = [parts[a] + parts[a + 1]
                         for a in range(0, len(parts), 2)]
            zsl_v[pl.ds(c, L)] = parts[0]

        cpa.wait()
        plsc.parallel_loop(0, HALF, step=L, unroll=2)(_reduce)
        cpb.wait()
        plsc.parallel_loop(HALF, NODES_PT, step=L, unroll=2)(_reduce)
        pltpu.sync_copy(zsl_v, z_sh.at[pl.ds(noff, NODES_PT)])

        def _upd(c):
            s = zsl_v[pl.ds(c, L)]
            y_v[pl.ds(o1 + c, L)] = y_v[pl.ds(o1 + c, L)] + c1 * s
            y_v[pl.ds(o2 + c, L)] = y_v[pl.ds(o2 + c, L)] + c2 * s

        plsc.parallel_loop(0, NODES_PT, step=L, unroll=4)(_upd)
        plsc.subcore_barrier()
        pltpu.sync_copy(z_sh, z_v)

    def _two_k(m, carry):
        _one_k(2 * m, acc_a, acc_b, True)
        _one_k(2 * m + 1, acc_b, acc_a, True)
        return carry

    lax.fori_loop(0, K // 2, _two_k, 0)
    _one_k(K - 1, acc_a, acc_b, False)
    for j in range(OUT_FEAT):
        pltpu.sync_copy(y_v.at[pl.ds(j * NODES_PT, NODES_PT)],
                        out.at[j, pl.ds(noff, NODES_PT)])


def _sc_filter(z0, packed, vals, o1a, o2a, c1a, c2a):
    mesh = plsc.VectorSubcoreMesh(
        core_axis_name="c", subcore_axis_name="s", num_cores=1)
    return pl.kernel(
        _sc_body,
        out_type=jax.ShapeDtypeStruct((OUT_FEAT, NPAD), jnp.float32),
        mesh=mesh,
        compiler_params=pltpu.CompilerParams(needs_layout_passes=False),
        scratch_types=[
            pltpu.VMEM((EPT,), jnp.int32),
            pltpu.VMEM((EPT,), jnp.float32),
            pltpu.VMEM((NPAD,), jnp.float32),
            pltpu.VMEM((NPAD,), jnp.float32),
            pltpu.VMEM((NPAD,), jnp.float32),
            pltpu.VMEM((NT, NODES_PT), jnp.float32),
            pltpu.VMEM((NODES_PT,), jnp.float32),
            pltpu.VMEM((OUT_FEAT * NODES_PT,), jnp.float32),
            pltpu.VMEM((KP,), jnp.int32),
            pltpu.VMEM((KP,), jnp.int32),
            pltpu.VMEM((KP,), jnp.float32),
            pltpu.VMEM((KP,), jnp.float32),
            pltpu.SemaphoreType.DMA,
            pltpu.VMEM_SHARED((NT, NPAD), jnp.float32),
            pltpu.VMEM_SHARED((NPAD,), jnp.float32),
        ],
    )(z0, packed, vals, o1a, o2a, c1a, c2a)


@jax.jit
def kernel(x, edge_row, edge_col, edge_val, filterCoeff, ind):
    del ind
    vals = edge_val.astype(jnp.float32)

    karr = jnp.arange(1, K + 1, dtype=jnp.int32)
    j_hi = (karr - 1) // 2
    j_lo = j_hi - 1
    jh = jnp.clip(j_hi, 0, OUT_FEAT - 1)
    jl = jnp.clip(j_lo, 0, OUT_FEAT - 1)
    i_hi = karr - 1 - 2 * j_hi
    c_hi = jnp.where(j_hi <= OUT_FEAT - 1, filterCoeff[jh, i_hi], 0.0)
    c_lo = jnp.where((j_lo >= 0) & (i_hi == 0), filterCoeff[jl, ORDER - 1],
                     0.0)
    pad = KP - K
    o1a = jnp.pad(jh * NODES_PT, (0, pad)).astype(jnp.int32)
    o2a = jnp.pad(jl * NODES_PT, (0, pad)).astype(jnp.int32)
    c1a = jnp.pad(c_hi, (0, pad)).astype(jnp.float32)
    c2a = jnp.pad(c_lo, (0, pad)).astype(jnp.float32)

    z0, packed = _prep(x, edge_row.astype(jnp.int32),
                       edge_col.astype(jnp.int32))
    y = _sc_filter(z0, packed, vals, o1a, o2a, c1a, c2a)
    return y.T[:N]

# --- scband reference (transcript-rebuilt; emitter-appended) ---
"""Pipeline reference for scband-graph-filtering-layer-62895501082684 (READ-ONLY COPY).

The authoritative reference and input builder live on the scoring server;
editing this copy changes nothing except your own understanding.
"""

import jax, jax.numpy as jnp
import numpy as np

N = 10000
DEG = 32
E = N * DEG
IN_FEAT = 128
OUT_FEAT = 16
ORDER = 3


def setup_inputs(seed: int = 0) -> dict:
    key = jax.random.key(seed)
    k1, k2, k3, k4, k5 = jax.random.split(key, 5)
    x = jax.random.normal(k1, (N, IN_FEAT), dtype=jnp.float32)
    # COO representation of GSODict[0]; values scaled so spectral radius < 1
    # (the layer applies up to S^(OUT_FEAT*(ORDER-1)+1) x due to the carried-over state)
    edge_row = jax.random.randint(k2, (E,), 0, N, dtype=jnp.int64)
    edge_col = jax.random.randint(k3, (E,), 0, N, dtype=jnp.int64)
    edge_val = (jax.random.uniform(k4, (E,)) / DEG).astype(jnp.float32)
    # learned parameter: filterCoeff [outFeat, order]
    filterCoeff = (jax.random.normal(k5, (OUT_FEAT, ORDER)) * 0.1).astype(jnp.float32)
    ind = 0
    return {"x": x, "edge_row": edge_row, "edge_col": edge_col,
            "edge_val": edge_val, "filterCoeff": filterCoeff, "ind": ind}


def _spmm(edge_row, edge_col, edge_val, X):
    # y = S @ X with S given in COO: y[r] += val * X[c]
    msgs = X[edge_col] * edge_val[:, None]
    return jax.ops.segment_sum(msgs, edge_row, num_segments=N)


def reference(x, edge_row, edge_col, edge_val, filterCoeff, ind):
    # ind selects GSODict[ind]; a single GSO (key 0) is materialized here.
    # The torch code loops spmv per input feature; doing spmm over all
    # IN_FEAT columns at once is mathematically identical.
    V = _spmm(edge_row, edge_col, edge_val, x)  # S @ x, shape [N, IN_FEAT]
    outs = []
    for j in range(OUT_FEAT):
        tmp = jnp.zeros_like(V)
        for i in range(ORDER):
            tmp = tmp + filterCoeff[j, i] * V
            if i == ORDER - 1:
                continue
            # NOTE: V intentionally carries over across the outFeat loop,
            # faithfully reproducing the original module's semantics.
            V = _spmm(edge_row, edge_col, edge_val, V)
        outs.append(tmp)
    y = jnp.stack(outs, axis=1)  # [N, OUT_FEAT, IN_FEAT]
    y = jnp.sum(y, axis=2)       # [N, OUT_FEAT]
    return y


if False:  # reference __main__ guard neutralized (emitter)
    out = reference(**setup_inputs())
    print(out.shape, out.dtype)

if __name__ == "__main__":
    import jax
    _d = setup_inputs()
    print(jax.jit(kernel)(*tuple(_d.values())))

</pallas_src>

<mosaic_0001>
#map = affine_map<(d0, d1) -> (0)>
#map1 = affine_map<(d0, d1) -> (0, 0)>
module attributes {stable_mosaic.version = 14 : i64} {
  func.func @_sc_body(%arg0: i32, %arg1: i32, %arg2: memref<10000xf32, #tpu.memory_space<hbm>>, %arg3: memref<320000xi32, #tpu.memory_space<hbm>>, %arg4: memref<320000xf32, #tpu.memory_space<hbm>>, %arg5: memref<64xi32, #tpu.memory_space<hbm>>, %arg6: memref<64xi32, #tpu.memory_space<hbm>>, %arg7: memref<64xf32, #tpu.memory_space<hbm>>, %arg8: memref<64xf32, #tpu.memory_space<hbm>>, %arg9: memref<16x10240xf32, #tpu.memory_space<hbm>>, %arg10: memref<20000xi32, #tpu.memory_space<vmem>>, %arg11: memref<20000xf32, #tpu.memory_space<vmem>>, %arg12: memref<10240xf32, #tpu.memory_space<vmem>>, %arg13: memref<10240xf32, #tpu.memory_space<vmem>>, %arg14: memref<10240xf32, #tpu.memory_space<vmem>>, %arg15: memref<16x640xf32, #tpu.memory_space<vmem>>, %arg16: memref<640xf32, #tpu.memory_space<vmem>>, %arg17: memref<10240xf32, #tpu.memory_space<vmem>>, %arg18: memref<64xi32, #tpu.memory_space<vmem>>, %arg19: memref<64xi32, #tpu.memory_space<vmem>>, %arg20: memref<64xf32, #tpu.memory_space<vmem>>, %arg21: memref<64xf32, #tpu.memory_space<vmem>>, %arg22: memref<!tpu.dma_semaphore, #tpu.memory_space<semaphore_mem>>, %arg23: memref<16x10240xf32, #tpu.memory_space<vmem_shared>>, %arg24: memref<10240xf32, #tpu.memory_space<vmem_shared>>) attributes {dimension_semantics = [#tpu.dimension_semantics<core_parallel>, #tpu.dimension_semantics<subcore_parallel>], iteration_bounds = array<i64: 1, 16>, scalar_prefetch = 0 : i64, scratch_operands = 15 : i64, tpu.core_type = #tpu.core_type<sc_vector_subcore>, window_params = [{transform_indices = #map}, {transform_indices = #map}, {transform_indices = #map}, {transform_indices = #map}, {transform_indices = #map}, {transform_indices = #map}, {transform_indices = #map}, {transform_indices = #map1}]} {
    %mul3A = arith.constant 20000 : i32
    %mul3A_0 = arith.muli %arg1, %mul3A : i32
    %mul3A_1 = arith.constant 640 : i32
    %mul3A_2 = arith.muli %arg1, %mul3A_1 : i32
    "tpu.region"() ({
      %run_scoped3A_135 = tpu.sem_alloc : memref<!tpu.dma_semaphore, #tpu.memory_space<semaphore_mem>>
      %dma_start3A_136 = tpu.memref_slice %arg3[%mul3A_0] : memref<320000xi32, #tpu.memory_space<hbm>> -> memref<20000xi32, #tpu.memory_space<hbm>>
      %dma_start3A_137 = tpu.memref_slice %arg3[%mul3A_0] : memref<320000xi32, #tpu.memory_space<hbm>> -> memref<20000xi32, #tpu.memory_space<hbm>>
      tpu.enqueue_dma source(%dma_start3A_137 : memref<20000xi32, #tpu.memory_space<hbm>>) target(%arg10 : memref<20000xi32, #tpu.memory_space<vmem>>) target_semaphore(%run_scoped3A_135 : memref<!tpu.dma_semaphore, #tpu.memory_space<semaphore_mem>>)
      %dma_wait3A_138 = tpu.memref_slice %arg3[%mul3A_0] : memref<320000xi32, #tpu.memory_space<hbm>> -> memref<20000xi32, #tpu.memory_space<hbm>>
      %dma_wait3A_139 = tpu.memref_slice %arg3[%mul3A_0] : memref<320000xi32, #tpu.memory_space<hbm>> -> memref<20000xi32, #tpu.memory_space<hbm>>
      tpu.wait_dma2 semaphore(%run_scoped3A_135 : memref<!tpu.dma_semaphore, #tpu.memory_space<semaphore_mem>>) src(%dma_wait3A_139 : memref<20000xi32, #tpu.memory_space<hbm>>) dst(%arg10 : memref<20000xi32, #tpu.memory_space<vmem>>)
      tpu.yield
    }) : () -> ()
    "tpu.region"() ({
      %run_scoped3A_135 = tpu.sem_alloc : memref<!tpu.dma_semaphore, #tpu.memory_space<semaphore_mem>>
      %dma_start3A_136 = tpu.memref_slice %arg4[%mul3A_0] : memref<320000xf32, #tpu.memory_space<hbm>> -> memref<20000xf32, #tpu.memory_space<hbm>>
      %dma_start3A_137 = tpu.memref_slice %arg4[%mul3A_0] : memref<320000xf32, #tpu.memory_space<hbm>> -> memref<20000xf32, #tpu.memory_space<hbm>>
      tpu.enqueue_dma source(%dma_start3A_137 : memref<20000xf32, #tpu.memory_space<hbm>>) target(%arg11 : memref<20000xf32, #tpu.memory_space<vmem>>) target_semaphore(%run_scoped3A_135 : memref<!tpu.dma_semaphore, #tpu.memory_space<semaphore_mem>>)
      %dma_wait3A_138 = tpu.memref_slice %arg4[%mul3A_0] : memref<320000xf32, #tpu.memory_space<hbm>> -> memref<20000xf32, #tpu.memory_space<hbm>>
      %dma_wait3A_139 = tpu.memref_slice %arg4[%mul3A_0] : memref<320000xf32, #tpu.memory_space<hbm>> -> memref<20000xf32, #tpu.memory_space<hbm>>
      tpu.wait_dma2 semaphore(%run_scoped3A_135 : memref<!tpu.dma_semaphore, #tpu.memory_space<semaphore_mem>>) src(%dma_wait3A_139 : memref<20000xf32, #tpu.memory_space<hbm>>) dst(%arg11 : memref<20000xf32, #tpu.memory_space<vmem>>)
      tpu.yield
    }) : () -> ()
    "tpu.region"() ({
      %run_scoped3A_135 = tpu.sem_alloc : memref<!tpu.dma_semaphore, #tpu.memory_space<semaphore_mem>>
      tpu.enqueue_dma source(%arg5 : memref<64xi32, #tpu.memory_space<hbm>>) target(%arg18 : memref<64xi32, #tpu.memory_space<vmem>>) target_semaphore(%run_scoped3A_135 : memref<!tpu.dma_semaphore, #tpu.memory_space<semaphore_mem>>)
      tpu.wait_dma2 semaphore(%run_scoped3A_135 : memref<!tpu.dma_semaphore, #tpu.memory_space<semaphore_mem>>) src(%arg5 : memref<64xi32, #tpu.memory_space<hbm>>) dst(%arg18 : memref<64xi32, #tpu.memory_space<vmem>>)
      tpu.yield
    }) : () -> ()
    "tpu.region"() ({
      %run_scoped3A_135 = tpu.sem_alloc : memref<!tpu.dma_semaphore, #tpu.memory_space<semaphore_mem>>
      tpu.enqueue_dma source(%arg6 : memref<64xi32, #tpu.memory_space<hbm>>) target(%arg19 : memref<64xi32, #tpu.memory_space<vmem>>) target_semaphore(%run_scoped3A_135 : memref<!tpu.dma_semaphore, #tpu.memory_space<semaphore_mem>>)
      tpu.wait_dma2 semaphore(%run_scoped3A_135 : memref<!tpu.dma_semaphore, #tpu.memory_space<semaphore_mem>>) src(%arg6 : memref<64xi32, #tpu.memory_space<hbm>>) dst(%arg19 : memref<64xi32, #tpu.memory_space<vmem>>)
      tpu.yield
    }) : () -> ()
    "tpu.region"() ({
      %run_scoped3A_135 = tpu.sem_alloc : memref<!tpu.dma_semaphore, #tpu.memory_space<semaphore_mem>>
      tpu.enqueue_dma source(%arg7 : memref<64xf32, #tpu.memory_space<hbm>>) target(%arg20 : memref<64xf32, #tpu.memory_space<vmem>>) target_semaphore(%run_scoped3A_135 : memref<!tpu.dma_semaphore, #tpu.memory_space<semaphore_mem>>)
      tpu.wait_dma2 semaphore(%run_scoped3A_135 : memref<!tpu.dma_semaphore, #tpu.memory_space<semaphore_mem>>) src(%arg7 : memref<64xf32, #tpu.memory_space<hbm>>) dst(%arg20 : memref<64xf32, #tpu.memory_space<vmem>>)
      tpu.yield
    }) : () -> ()
    "tpu.region"() ({
      %run_scoped3A_135 = tpu.sem_alloc : memref<!tpu.dma_semaphore, #tpu.memory_space<semaphore_mem>>
      tpu.enqueue_dma source(%arg8 : memref<64xf32, #tpu.memory_space<hbm>>) target(%arg21 : memref<64xf32, #tpu.memory_space<vmem>>) target_semaphore(%run_scoped3A_135 : memref<!tpu.dma_semaphore, #tpu.memory_space<semaphore_mem>>)
      tpu.wait_dma2 semaphore(%run_scoped3A_135 : memref<!tpu.dma_semaphore, #tpu.memory_space<semaphore_mem>>) src(%arg8 : memref<64xf32, #tpu.memory_space<hbm>>) dst(%arg21 : memref<64xf32, #tpu.memory_space<vmem>>)
      tpu.yield
    }) : () -> ()
    "tpu.region"() ({
      %run_scoped3A_135 = tpu.sem_alloc : memref<!tpu.dma_semaphore, #tpu.memory_space<semaphore_mem>>
      %dma_start3A_136 = arith.constant 0 : i32
      %dma_start3A_137 = tpu.memref_slice %arg12[%dma_start3A_136] : memref<10240xf32, #tpu.memory_space<vmem>> -> memref<10000xf32, #tpu.memory_space<vmem>>
      %dma_start3A_138 = arith.constant 0 : i32
      %dma_start3A_139 = tpu.memref_slice %arg12[%dma_start3A_138] : memref<10240xf32, #tpu.memory_space<vmem>> -> memref<10000xf32, #tpu.memory_space<vmem>>
      tpu.enqueue_dma source(%arg2 : memref<10000xf32, #tpu.memory_space<hbm>>) target(%dma_start3A_139 : memref<10000xf32, #tpu.memory_space<vmem>>) target_semaphore(%run_scoped3A_135 : memref<!tpu.dma_semaphore, #tpu.memory_space<semaphore_mem>>)
      %dma_wait3A_140 = arith.constant 0 : i32
      %dma_wait3A_141 = tpu.memref_slice %arg12[%dma_wait3A_140] : memref<10240xf32, #tpu.memory_space<vmem>> -> memref<10000xf32, #tpu.memory_space<vmem>>
      %dma_wait3A_142 = arith.constant 0 : i32
      %dma_wait3A_143 = tpu.memref_slice %arg12[%dma_wait3A_142] : memref<10240xf32, #tpu.memory_space<vmem>> -> memref<10000xf32, #tpu.memory_space<vmem>>
      tpu.wait_dma2 semaphore(%run_scoped3A_135 : memref<!tpu.dma_semaphore, #tpu.memory_space<semaphore_mem>>) src(%arg2 : memref<10000xf32, #tpu.memory_space<hbm>>) dst(%dma_wait3A_143 : memref<10000xf32, #tpu.memory_space<vmem>>)
      tpu.yield
    }) : () -> ()
    %broadcast_in_dim3A = arith.constant 0.000000e+00 : f32
    %broadcast_in_dim3A_3 = vector.broadcast %broadcast_in_dim3A : f32 to vector<16xf32>
    %swap3A = arith.constant 10000 : index
    %swap3A_4 = tpu.vector_load %arg12[%swap3A] {strides = array<i32>} : memref<10240xf32, #tpu.memory_space<vmem>>, vector<16xf32>,
    tpu.vector_store %arg12[%swap3A], %broadcast_in_dim3A_3 {strides = array<i32>} : memref<10240xf32, #tpu.memory_space<vmem>>, vector<16xf32>,
    %swap3A_5 = arith.constant 10016 : index
    %swap3A_6 = tpu.vector_load %arg12[%swap3A_5] {strides = array<i32>} : memref<10240xf32, #tpu.memory_space<vmem>>, vector<16xf32>,
    tpu.vector_store %arg12[%swap3A_5], %broadcast_in_dim3A_3 {strides = array<i32>} : memref<10240xf32, #tpu.memory_space<vmem>>, vector<16xf32>,
    %swap3A_7 = arith.constant 10032 : index
    %swap3A_8 = tpu.vector_load %arg12[%swap3A_7] {strides = array<i32>} : memref<10240xf32, #tpu.memory_space<vmem>>, vector<16xf32>,
    tpu.vector_store %arg12[%swap3A_7], %broadcast_in_dim3A_3 {strides = array<i32>} : memref<10240xf32, #tpu.memory_space<vmem>>, vector<16xf32>,
    %swap3A_9 = arith.constant 10048 : index
    %swap3A_10 = tpu.vector_load %arg12[%swap3A_9] {strides = array<i32>} : memref<10240xf32, #tpu.memory_space<vmem>>, vector<16xf32>,
    tpu.vector_store %arg12[%swap3A_9], %broadcast_in_dim3A_3 {strides = array<i32>} : memref<10240xf32, #tpu.memory_space<vmem>>, vector<16xf32>,
    %swap3A_11 = arith.constant 10064 : index
    %swap3A_12 = tpu.vector_load %arg12[%swap3A_11] {strides = array<i32>} : memref<10240xf32, #tpu.memory_space<vmem>>, vector<16xf32>,
    tpu.vector_store %arg12[%swap3A_11], %broadcast_in_dim3A_3 {strides = array<i32>} : memref<10240xf32, #tpu.memory_space<vmem>>, vector<16xf32>,
    %swap3A_13 = arith.constant 10080 : index
    %swap3A_14 = tpu.vector_load %arg12[%swap3A_13] {strides = array<i32>} : memref<10240xf32, #tpu.memory_space<vmem>>, vector<16xf32>,
    tpu.vector_store %arg12[%swap3A_13], %broadcast_in_dim3A_3 {strides = array<i32>} : memref<10240xf32, #tpu.memory_space<vmem>>, vector<16xf32>,
    %swap3A_15 = arith.constant 10096 : index
    %swap3A_16 = tpu.vector_load %arg12[%swap3A_15] {strides = array<i32>} : memref<10240xf32, #tpu.memory_space<vmem>>, vector<16xf32>,
    tpu.vector_store %arg12[%swap3A_15], %broadcast_in_dim3A_3 {strides = array<i32>} : memref<10240xf32, #tpu.memory_space<vmem>>, vector<16xf32>,
    %swap3A_17 = arith.constant 10112 : index
    %swap3A_18 = tpu.vector_load %arg12[%swap3A_17] {strides = array<i32>} : memref<10240xf32, #tpu.memory_space<vmem>>, vector<16xf32>,
    tpu.vector_store %arg12[%swap3A_17], %broadcast_in_dim3A_3 {strides = array<i32>} : memref<10240xf32, #tpu.memory_space<vmem>>, vector<16xf32>,
    %swap3A_19 = arith.constant 10128 : index
    %swap3A_20 = tpu.vector_load %arg12[%swap3A_19] {strides = array<i32>} : memref<10240xf32, #tpu.memory_space<vmem>>, vector<16xf32>,
    tpu.vector_store %arg12[%swap3A_19], %broadcast_in_dim3A_3 {strides = array<i32>} : memref<10240xf32, #tpu.memory_space<vmem>>, vector<16xf32>,
    %swap3A_21 = arith.constant 10144 : index
    %swap3A_22 = tpu.vector_load %arg12[%swap3A_21] {strides = array<i32>} : memref<10240xf32, #tpu.memory_space<vmem>>, vector<16xf32>,
    tpu.vector_store %arg12[%swap3A_21], %broadcast_in_dim3A_3 {strides = array<i32>} : memref<10240xf32, #tpu.memory_space<vmem>>, vector<16xf32>,
    %swap3A_23 = arith.constant 10160 : index
    %swap3A_24 = tpu.vector_load %arg12[%swap3A_23] {strides = array<i32>} : memref<10240xf32, #tpu.memory_space<vmem>>, vector<16xf32>,
    tpu.vector_store %arg12[%swap3A_23], %broadcast_in_dim3A_3 {strides = array<i32>} : memref<10240xf32, #tpu.memory_space<vmem>>, vector<16xf32>,
    %swap3A_25 = arith.constant 10176 : index
    %swap3A_26 = tpu.vector_load %arg12[%swap3A_25] {strides = array<i32>} : memref<10240xf32, #tpu.memory_space<vmem>>, vector<16xf32>,
    tpu.vector_store %arg12[%swap3A_25], %broadcast_in_dim3A_3 {strides = array<i32>} : memref<10240xf32, #tpu.memory_space<vmem>>, vector<16xf32>,
    %swap3A_27 = arith.constant 10192 : index
    %swap3A_28 = tpu.vector_load %arg12[%swap3A_27] {strides = array<i32>} : memref<10240xf32, #tpu.memory_space<vmem>>, vector<16xf32>,
    tpu.vector_store %arg12[%swap3A_27], %broadcast_in_dim3A_3 {strides = array<i32>} : memref<10240xf32, #tpu.memory_space<vmem>>, vector<16xf32>,
    %swap3A_29 = arith.constant 10208 : index
    %swap3A_30 = tpu.vector_load %arg12[%swap3A_29] {strides = array<i32>} : memref<10240xf32, #tpu.memory_space<vmem>>, vector<16xf32>,
    tpu.vector_store %arg12[%swap3A_29], %broadcast_in_dim3A_3 {strides = array<i32>} : memref<10240xf32, #tpu.memory_space<vmem>>, vector<16xf32>,
    %swap3A_31 = arith.constant 10224 : index
    %swap3A_32 = tpu.vector_load %arg12[%swap3A_31] {strides = array<i32>} : memref<10240xf32, #tpu.memory_space<vmem>>, vector<16xf32>,
    tpu.vector_store %arg12[%swap3A_31], %broadcast_in_dim3A_3 {strides = array<i32>} : memref<10240xf32, #tpu.memory_space<vmem>>, vector<16xf32>,
    %parallel_loop3A = arith.constant 0 : i32
    %parallel_loop3A_33 = arith.constant 10240 : i32
    %parallel_loop3A_34 = arith.constant 16 : i32
    scf.for %parallel_loop3A_135 = %parallel_loop3A to %parallel_loop3A_33 step %parallel_loop3A_34  : i32 {
      %parallel_loop3A_136 = arith.index_cast %parallel_loop3A_135 : i32 to index
      %parallel_loop3A_137 = tpu.vector_load %arg17[%parallel_loop3A_136] {strides = array<i32>} : memref<10240xf32, #tpu.memory_space<vmem>>, vector<16xf32>,
      tpu.vector_store %arg17[%parallel_loop3A_136], %broadcast_in_dim3A_3 {strides = array<i32>} : memref<10240xf32, #tpu.memory_space<vmem>>, vector<16xf32>,
    } {sc.loop_unroll_factor = 8 : i64, sc.parallel_access}
    %parallel_loop3A_35 = arith.constant 0 : i32
    %parallel_loop3A_36 = arith.constant 10240 : i32
    %parallel_loop3A_37 = arith.constant 16 : i32
    scf.for %parallel_loop3A_135 = %parallel_loop3A_35 to %parallel_loop3A_36 step %parallel_loop3A_37  : i32 {
      %parallel_loop3A_136 = arith.index_cast %parallel_loop3A_135 : i32 to index
      %parallel_loop3A_137 = tpu.vector_load %arg13[%parallel_loop3A_136] {strides = array<i32>} : memref<10240xf32, #tpu.memory_space<vmem>>, vector<16xf32>,
      tpu.vector_store %arg13[%parallel_loop3A_136], %broadcast_in_dim3A_3 {strides = array<i32>} : memref<10240xf32, #tpu.memory_space<vmem>>, vector<16xf32>,
    } {sc.loop_unroll_factor = 8 : i64, sc.parallel_access}
    %scan3A = arith.constant 0 : i32
    %scan3A_38 = arith.constant 0 : i32
    %scan3A_39 = arith.constant 16 : i32
    %scan3A_40 = arith.addi %scan3A_38, %scan3A_39 : i32
    %scan3A_41 = arith.constant 1 : i32
    scf.for %scan3A_135 = %scan3A_38 to %scan3A_40 step %scan3A_41  : i32 {
      %mul3A_136 = arith.constant 2 : i32
      %mul3A_137 = arith.muli %mul3A_136, %scan3A_135 : i32
      %parallel_loop3A_138 = arith.constant 0 : i32
      %parallel_loop3A_139 = arith.constant 20000 : i32
      %parallel_loop3A_140 = arith.constant 16 : i32
      scf.for %parallel_loop3A_316 = %parallel_loop3A_138 to %parallel_loop3A_139 step %parallel_loop3A_140  : i32 {
        %parallel_loop3A_317 = arith.index_cast %parallel_loop3A_316 : i32 to index
        %parallel_loop3A_318 = tpu.vector_load %arg10[%parallel_loop3A_317] {strides = array<i32>} : memref<20000xi32, #tpu.memory_space<vmem>>, vector<16xi32>,
        %parallel_loop3A_319 = arith.constant 65535 : i32
        %parallel_loop3A_320 = vector.broadcast %parallel_loop3A_319 : i32 to vector<16xi32>
        %parallel_loop3A_321 = arith.andi %parallel_loop3A_318, %parallel_loop3A_320 : vector<16xi32>
        %parallel_loop3A_322 = arith.constant 16 : i32
        %parallel_loop3A_323 = vector.broadcast %parallel_loop3A_322 : i32 to vector<16xi32>
        %parallel_loop3A_324 = arith.shrui %parallel_loop3A_318, %parallel_loop3A_323 : vector<16xi32>
        %parallel_loop3A_325 = tpu.vector_load_idx %arg12[%parallel_loop3A_321] : memref<10240xf32, #tpu.memory_space<vmem>>[vector<16xi32>], vector<16xf32>,
        %parallel_loop3A_326 = arith.index_cast %parallel_loop3A_316 : i32 to index
        %parallel_loop3A_327 = tpu.vector_load %arg11[%parallel_loop3A_326] {strides = array<i32>} : memref<20000xf32, #tpu.memory_space<vmem>>, vector<16xf32>,
        %parallel_loop3A_328 = arith.mulf %parallel_loop3A_325, %parallel_loop3A_327 : vector<16xf32>
        tpu.vector_store_idx %arg13[%parallel_loop3A_324], %parallel_loop3A_328 {add = true} : memref<10240xf32, #tpu.memory_space<vmem>>[vector<16xi32>], vector<16xf32>,
      } {sc.loop_unroll_factor = 25 : i64, sc.parallel_access}
      %dma_start3A_141 = arith.constant 0 : i32
      %dma_start3A_142 = tpu.memref_slice %arg23[%arg1, %dma_start3A_141] : memref<16x10240xf32, #tpu.memory_space<vmem_shared>> -> memref<1x10240xf32, #tpu.memory_space<vmem_shared>>
      %dma_start3A_143 = tpu.memref_squeeze %dma_start3A_142 : memref<1x10240xf32, #tpu.memory_space<vmem_shared>> -> memref<10240xf32, #tpu.memory_space<vmem_shared>>
      %dma_start3A_144 = arith.constant 0 : i32
      %dma_start3A_145 = tpu.memref_slice %arg23[%arg1, %dma_start3A_144] : memref<16x10240xf32, #tpu.memory_space<vmem_shared>> -> memref<1x10240xf32, #tpu.memory_space<vmem_shared>>
      %dma_start3A_146 = tpu.memref_squeeze %dma_start3A_145 : memref<1x10240xf32, #tpu.memory_space<vmem_shared>> -> memref<10240xf32, #tpu.memory_space<vmem_shared>>
      tpu.enqueue_dma source(%arg13 : memref<10240xf32, #tpu.memory_space<vmem>>) target(%dma_start3A_146 : memref<10240xf32, #tpu.memory_space<vmem_shared>>) target_semaphore(%arg22 : memref<!tpu.dma_semaphore, #tpu.memory_space<semaphore_mem>>)
      %parallel_loop3A_147 = arith.constant 0 : i32
      %parallel_loop3A_148 = arith.constant 10240 : i32
      %parallel_loop3A_149 = arith.constant 16 : i32
      scf.for %parallel_loop3A_316 = %parallel_loop3A_147 to %parallel_loop3A_148 step %parallel_loop3A_149  : i32 {
        %parallel_loop3A_317 = arith.index_cast %parallel_loop3A_316 : i32 to index
        %parallel_loop3A_318 = tpu.vector_load %arg14[%parallel_loop3A_317] {strides = array<i32>} : memref<10240xf32, #tpu.memory_space<vmem>>, vector<16xf32>,
        tpu.vector_store %arg14[%parallel_loop3A_317], %broadcast_in_dim3A_3 {strides = array<i32>} : memref<10240xf32, #tpu.memory_space<vmem>>, vector<16xf32>,
      } {sc.loop_unroll_factor = 8 : i64, sc.parallel_access}
      %dma_wait3A_150 = arith.constant 0 : i32
      %dma_wait3A_151 = tpu.memref_slice %arg23[%arg1, %dma_wait3A_150] : memref<16x10240xf32, #tpu.memory_space<vmem_shared>> -> memref<1x10240xf32, #tpu.memory_space<vmem_shared>>
      %dma_wait3A_152 = tpu.memref_squeeze %dma_wait3A_151 : memref<1x10240xf32, #tpu.memory_space<vmem_shared>> -> memref<10240xf32, #tpu.memory_space<vmem_shared>>
      %dma_wait3A_153 = arith.constant 0 : i32
      %dma_wait3A_154 = tpu.memref_slice %arg23[%arg1, %dma_wait3A_153] : memref<16x10240xf32, #tpu.memory_space<vmem_shared>> -> memref<1x10240xf32, #tpu.memory_space<vmem_shared>>
      %dma_wait3A_155 = tpu.memref_squeeze %dma_wait3A_154 : memref<1x10240xf32, #tpu.memory_space<vmem_shared>> -> memref<10240xf32, #tpu.memory_space<vmem_shared>>
      tpu.wait_dma2 semaphore(%arg22 : memref<!tpu.dma_semaphore, #tpu.memory_space<semaphore_mem>>) src(%arg13 : memref<10240xf32, #tpu.memory_space<vmem>>) dst(%dma_wait3A_155 : memref<10240xf32, #tpu.memory_space<vmem_shared>>)
      %barrier3A_156 = arith.constant 0 : index
      tpu.barrier barrier_id(%barrier3A_156)
      %dma_start3A_157 = arith.constant 0 : i32
      %dma_start3A_158 = arith.constant 0 : i32
      %dma_start3A_159 = tpu.memref_slice %arg15[%dma_start3A_157, %dma_start3A_158] : memref<16x640xf32, #tpu.memory_space<vmem>> -> memref<16x384xf32, #tpu.memory_space<vmem>>
      %dma_start3A_160 = arith.constant 0 : i32
      %dma_start3A_161 = tpu.memref_slice %arg23[%dma_start3A_160, %mul3A_2] : memref<16x10240xf32, #tpu.memory_space<vmem_shared>> -> memref<16x384xf32, #tpu.memory_space<vmem_shared>>
      %dma_start3A_162 = arith.constant 0 : i32
      %dma_start3A_163 = arith.constant 0 : i32
      %dma_start3A_164 = tpu.memref_slice %arg15[%dma_start3A_162, %dma_start3A_163] : memref<16x640xf32, #tpu.memory_space<vmem>> -> memref<16x384xf32, #tpu.memory_space<vmem>>
      %dma_start3A_165 = arith.constant 0 : i32
      %dma_start3A_166 = tpu.memref_slice %arg23[%dma_start3A_165, %mul3A_2] : memref<16x10240xf32, #tpu.memory_space<vmem_shared>> -> memref<16x384xf32, #tpu.memory_space<vmem_shared>>
      tpu.enqueue_dma source(%dma_start3A_166 : memref<16x384xf32, #tpu.memory_space<vmem_shared>>) target(%dma_start3A_164 : memref<16x384xf32, #tpu.memory_space<vmem>>) target_semaphore(%arg22 : memref<!tpu.dma_semaphore, #tpu.memory_space<semaphore_mem>>)
      %add3A_167 = arith.constant 384 : i32
      %add3A_168 = arith.addi %mul3A_2, %add3A_167 : i32
      %dma_start3A_169 = arith.constant 0 : i32
      %dma_start3A_170 = arith.constant 384 : i32
      %dma_start3A_171 = tpu.memref_slice %arg15[%dma_start3A_169, %dma_start3A_170] : memref<16x640xf32, #tpu.memory_space<vmem>> -> memref<16x256xf32, #tpu.memory_space<vmem>>
      %dma_start3A_172 = arith.constant 0 : i32
      %dma_start3A_173 = tpu.memref_slice %arg23[%dma_start3A_172, %add3A_168] : memref<16x10240xf32, #tpu.memory_space<vmem_shared>> -> memref<16x256xf32, #tpu.memory_space<vmem_shared>>
      %dma_start3A_174 = arith.constant 0 : i32
      %dma_start3A_175 = arith.constant 384 : i32
      %dma_start3A_176 = tpu.memref_slice %arg15[%dma_start3A_174, %dma_start3A_175] : memref<16x640xf32, #tpu.memory_space<vmem>> -> memref<16x256xf32, #tpu.memory_space<vmem>>
      %dma_start3A_177 = arith.constant 0 : i32
      %dma_start3A_178 = tpu.memref_slice %arg23[%dma_start3A_177, %add3A_168] : memref<16x10240xf32, #tpu.memory_space<vmem_shared>> -> memref<16x256xf32, #tpu.memory_space<vmem_shared>>
      tpu.enqueue_dma source(%dma_start3A_178 : memref<16x256xf32, #tpu.memory_space<vmem_shared>>) target(%dma_start3A_176 : memref<16x256xf32, #tpu.memory_space<vmem>>) target_semaphore(%arg22 : memref<!tpu.dma_semaphore, #tpu.memory_space<semaphore_mem>>)
      %get3A_179 = arith.index_cast %mul3A_137 : i32 to index
      %get3A_180 = tpu.vector_load %arg18[%get3A_179] {strides = array<i32>} : memref<64xi32, #tpu.memory_space<vmem>>, vector<16xi32>,
      %slice3A_181 = vector.extract_strided_slice %get3A_180 {offsets = [0], sizes = [1], strides = [1]} : vector<16xi32> to vector<1xi32>
      %squeeze3A_182 = vector.extract %slice3A_181[0] : i32 from vector<1xi32>
      %get3A_183 = arith.index_cast %mul3A_137 : i32 to index
      %get3A_184 = tpu.vector_load %arg19[%get3A_183] {strides = array<i32>} : memref<64xi32, #tpu.memory_space<vmem>>, vector<16xi32>,
      %slice3A_185 = vector.extract_strided_slice %get3A_184 {offsets = [0], sizes = [1], strides = [1]} : vector<16xi32> to vector<1xi32>
      %squeeze3A_186 = vector.extract %slice3A_185[0] : i32 from vector<1xi32>
      %get3A_187 = arith.index_cast %mul3A_137 : i32 to index
      %get3A_188 = tpu.vector_load %arg20[%get3A_187] {strides = array<i32>} : memref<64xf32, #tpu.memory_space<vmem>>, vector<16xf32>,
      %slice3A_189 = vector.extract_strided_slice %get3A_188 {offsets = [0], sizes = [1], strides = [1]} : vector<16xf32> to vector<1xf32>
      %squeeze3A_190 = vector.extract %slice3A_189[0] : f32 from vector<1xf32>
      %get3A_191 = arith.index_cast %mul3A_137 : i32 to index
      %get3A_192 = tpu.vector_load %arg21[%get3A_191] {strides = array<i32>} : memref<64xf32, #tpu.memory_space<vmem>>, vector<16xf32>,
      %slice3A_193 = vector.extract_strided_slice %get3A_192 {offsets = [0], sizes = [1], strides = [1]} : vector<16xf32> to vector<1xf32>
      %squeeze3A_194 = vector.extract %slice3A_193[0] : f32 from vector<1xf32>
      %dma_wait3A_195 = arith.constant 0 : i32
      %dma_wait3A_196 = arith.constant 0 : i32
      %dma_wait3A_197 = tpu.memref_slice %arg15[%dma_wait3A_195, %dma_wait3A_196] : memref<16x640xf32, #tpu.memory_space<vmem>> -> memref<16x384xf32, #tpu.memory_space<vmem>>
      %dma_wait3A_198 = arith.constant 0 : i32
      %dma_wait3A_199 = tpu.memref_slice %arg23[%dma_wait3A_198, %mul3A_2] : memref<16x10240xf32, #tpu.memory_space<vmem_shared>> -> memref<16x384xf32, #tpu.memory_space<vmem_shared>>
      %dma_wait3A_200 = arith.constant 0 : i32
      %dma_wait3A_201 = arith.constant 0 : i32
      %dma_wait3A_202 = tpu.memref_slice %arg15[%dma_wait3A_200, %dma_wait3A_201] : memref<16x640xf32, #tpu.memory_space<vmem>> -> memref<16x384xf32, #tpu.memory_space<vmem>>
      %dma_wait3A_203 = arith.constant 0 : i32
      %dma_wait3A_204 = tpu.memref_slice %arg23[%dma_wait3A_203, %mul3A_2] : memref<16x10240xf32, #tpu.memory_space<vmem_shared>> -> memref<16x384xf32, #tpu.memory_space<vmem_shared>>
      tpu.wait_dma2 semaphore(%arg22 : memref<!tpu.dma_semaphore, #tpu.memory_space<semaphore_mem>>) src(%dma_wait3A_204 : memref<16x384xf32, #tpu.memory_space<vmem_shared>>) dst(%dma_wait3A_202 : memref<16x384xf32, #tpu.memory_space<vmem>>)
      %parallel_loop3A_205 = arith.constant 0 : i32
      %parallel_loop3A_206 = arith.constant 384 : i32
      %parallel_loop3A_207 = arith.constant 16 : i32
      scf.for %parallel_loop3A_316 = %parallel_loop3A_205 to %parallel_loop3A_206 step %parallel_loop3A_207  : i32 {
        %parallel_loop3A_317 = arith.constant 0 : i32
        %parallel_loop3A_318 = arith.index_cast %parallel_loop3A_317 : i32 to index
        %parallel_loop3A_319 = arith.index_cast %parallel_loop3A_316 : i32 to index
        %parallel_loop3A_320 = tpu.vector_load %arg15[%parallel_loop3A_318, %parallel_loop3A_319] {strides = array<i32>} : memref<16x640xf32, #tpu.memory_space<vmem>>, vector<16xf32>,
        %parallel_loop3A_321 = arith.constant 1 : i32
        %parallel_loop3A_322 = arith.index_cast %parallel_loop3A_321 : i32 to index
        %parallel_loop3A_323 = arith.index_cast %parallel_loop3A_316 : i32 to index
        %parallel_loop3A_324 = tpu.vector_load %arg15[%parallel_loop3A_322, %parallel_loop3A_323] {strides = array<i32>} : memref<16x640xf32, #tpu.memory_space<vmem>>, vector<16xf32>,
        %parallel_loop3A_325 = arith.constant 2 : i32
        %parallel_loop3A_326 = arith.index_cast %parallel_loop3A_325 : i32 to index
        %parallel_loop3A_327 = arith.index_cast %parallel_loop3A_316 : i32 to index
        %parallel_loop3A_328 = tpu.vector_load %arg15[%parallel_loop3A_326, %parallel_loop3A_327] {strides = array<i32>} : memref<16x640xf32, #tpu.memory_space<vmem>>, vector<16xf32>,
        %parallel_loop3A_329 = arith.constant 3 : i32
        %parallel_loop3A_330 = arith.index_cast %parallel_loop3A_329 : i32 to index
        %parallel_loop3A_331 = arith.index_cast %parallel_loop3A_316 : i32 to index
        %parallel_loop3A_332 = tpu.vector_load %arg15[%parallel_loop3A_330, %parallel_loop3A_331] {strides = array<i32>} : memref<16x640xf32, #tpu.memory_space<vmem>>, vector<16xf32>,
        %parallel_loop3A_333 = arith.constant 4 : i32
        %parallel_loop3A_334 = arith.index_cast %parallel_loop3A_333 : i32 to index
        %parallel_loop3A_335 = arith.index_cast %parallel_loop3A_316 : i32 to index
        %parallel_loop3A_336 = tpu.vector_load %arg15[%parallel_loop3A_334, %parallel_loop3A_335] {strides = array<i32>} : memref<16x640xf32, #tpu.memory_space<vmem>>, vector<16xf32>,
        %parallel_loop3A_337 = arith.constant 5 : i32
        %parallel_loop3A_338 = arith.index_cast %parallel_loop3A_337 : i32 to index
        %parallel_loop3A_339 = arith.index_cast %parallel_loop3A_316 : i32 to index
        %parallel_loop3A_340 = tpu.vector_load %arg15[%parallel_loop3A_338, %parallel_loop3A_339] {strides = array<i32>} : memref<16x640xf32, #tpu.memory_space<vmem>>, vector<16xf32>,
        %parallel_loop3A_341 = arith.constant 6 : i32
        %parallel_loop3A_342 = arith.index_cast %parallel_loop3A_341 : i32 to index
        %parallel_loop3A_343 = arith.index_cast %parallel_loop3A_316 : i32 to index
        %parallel_loop3A_344 = tpu.vector_load %arg15[%parallel_loop3A_342, %parallel_loop3A_343] {strides = array<i32>} : memref<16x640xf32, #tpu.memory_space<vmem>>, vector<16xf32>,
        %parallel_loop3A_345 = arith.constant 7 : i32
        %parallel_loop3A_346 = arith.index_cast %parallel_loop3A_345 : i32 to index
        %parallel_loop3A_347 = arith.index_cast %parallel_loop3A_316 : i32 to index
        %parallel_loop3A_348 = tpu.vector_load %arg15[%parallel_loop3A_346, %parallel_loop3A_347] {strides = array<i32>} : memref<16x640xf32, #tpu.memory_space<vmem>>, vector<16xf32>,
        %parallel_loop3A_349 = arith.constant 8 : i32
        %parallel_loop3A_350 = arith.index_cast %parallel_loop3A_349 : i32 to index
        %parallel_loop3A_351 = arith.index_cast %parallel_loop3A_316 : i32 to index
        %parallel_loop3A_352 = tpu.vector_load %arg15[%parallel_loop3A_350, %parallel_loop3A_351] {strides = array<i32>} : memref<16x640xf32, #tpu.memory_space<vmem>>, vector<16xf32>,
        %parallel_loop3A_353 = arith.constant 9 : i32
        %parallel_loop3A_354 = arith.index_cast %parallel_loop3A_353 : i32 to index
        %parallel_loop3A_355 = arith.index_cast %parallel_loop3A_316 : i32 to index
        %parallel_loop3A_356 = tpu.vector_load %arg15[%parallel_loop3A_354, %parallel_loop3A_355] {strides = array<i32>} : memref<16x640xf32, #tpu.memory_space<vmem>>, vector<16xf32>,
        %parallel_loop3A_357 = arith.constant 10 : i32
        %parallel_loop3A_358 = arith.index_cast %parallel_loop3A_357 : i32 to index
        %parallel_loop3A_359 = arith.index_cast %parallel_loop3A_316 : i32 to index
        %parallel_loop3A_360 = tpu.vector_load %arg15[%parallel_loop3A_358, %parallel_loop3A_359] {strides = array<i32>} : memref<16x640xf32, #tpu.memory_space<vmem>>, vector<16xf32>,
        %parallel_loop3A_361 = arith.constant 11 : i32
        %parallel_loop3A_362 = arith.index_cast %parallel_loop3A_361 : i32 to index
        %parallel_loop3A_363 = arith.index_cast %parallel_loop3A_316 : i32 to index
        %parallel_loop3A_364 = tpu.vector_load %arg15[%parallel_loop3A_362, %parallel_loop3A_363] {strides = array<i32>} : memref<16x640xf32, #tpu.memory_space<vmem>>, vector<16xf32>,
        %parallel_loop3A_365 = arith.constant 12 : i32
        %parallel_loop3A_366 = arith.index_cast %parallel_loop3A_365 : i32 to index
        %parallel_loop3A_367 = arith.index_cast %parallel_loop3A_316 : i32 to index
        %parallel_loop3A_368 = tpu.vector_load %arg15[%parallel_loop3A_366, %parallel_loop3A_367] {strides = array<i32>} : memref<16x640xf32, #tpu.memory_space<vmem>>, vector<16xf32>,
        %parallel_loop3A_369 = arith.constant 13 : i32
        %parallel_loop3A_370 = arith.index_cast %parallel_loop3A_369 : i32 to index
        %parallel_loop3A_371 = arith.index_cast %parallel_loop3A_316 : i32 to index
        %parallel_loop3A_372 = tpu.vector_load %arg15[%parallel_loop3A_370, %parallel_loop3A_371] {strides = array<i32>} : memref<16x640xf32, #tpu.memory_space<vmem>>, vector<16xf32>,
        %parallel_loop3A_373 = arith.constant 14 : i32
        %parallel_loop3A_374 = arith.index_cast %parallel_loop3A_373 : i32 to index
        %parallel_loop3A_375 = arith.index_cast %parallel_loop3A_316 : i32 to index
        %parallel_loop3A_376 = tpu.vector_load %arg15[%parallel_loop3A_374, %parallel_loop3A_375] {strides = array<i32>} : memref<16x640xf32, #tpu.memory_space<vmem>>, vector<16xf32>,
        %parallel_loop3A_377 = arith.constant 15 : i32
        %parallel_loop3A_378 = arith.index_cast %parallel_loop3A_377 : i32 to index
        %parallel_loop3A_379 = arith.index_cast %parallel_loop3A_316 : i32 to index
        %parallel_loop3A_380 = tpu.vector_load %arg15[%parallel_loop3A_378, %parallel_loop3A_379] {strides = array<i32>} : memref<16x640xf32, #tpu.memory_space<vmem>>, vector<16xf32>,
        %parallel_loop3A_381 = arith.addf %parallel_loop3A_320, %parallel_loop3A_324 : vector<16xf32>
        %parallel_loop3A_382 = arith.addf %parallel_loop3A_328, %parallel_loop3A_332 : vector<16xf32>
        %parallel_loop3A_383 = arith.addf %parallel_loop3A_336, %parallel_loop3A_340 : vector<16xf32>
        %parallel_loop3A_384 = arith.addf %parallel_loop3A_344, %parallel_loop3A_348 : vector<16xf32>
        %parallel_loop3A_385 = arith.addf %parallel_loop3A_352, %parallel_loop3A_356 : vector<16xf32>
        %parallel_loop3A_386 = arith.addf %parallel_loop3A_360, %parallel_loop3A_364 : vector<16xf32>
        %parallel_loop3A_387 = arith.addf %parallel_loop3A_368, %parallel_loop3A_372 : vector<16xf32>
        %parallel_loop3A_388 = arith.addf %parallel_loop3A_376, %parallel_loop3A_380 : vector<16xf32>
        %parallel_loop3A_389 = arith.addf %parallel_loop3A_381, %parallel_loop3A_382 : vector<16xf32>
        %parallel_loop3A_390 = arith.addf %parallel_loop3A_383, %parallel_loop3A_384 : vector<16xf32>
        %parallel_loop3A_391 = arith.addf %parallel_loop3A_385, %parallel_loop3A_386 : vector<16xf32>
        %parallel_loop3A_392 = arith.addf %parallel_loop3A_387, %parallel_loop3A_388 : vector<16xf32>
        %parallel_loop3A_393 = arith.addf %parallel_loop3A_389, %parallel_loop3A_390 : vector<16xf32>
        %parallel_loop3A_394 = arith.addf %parallel_loop3A_391, %parallel_loop3A_392 : vector<16xf32>
        %parallel_loop3A_395 = arith.addf %parallel_loop3A_393, %parallel_loop3A_394 : vector<16xf32>
        %parallel_loop3A_396 = arith.index_cast %parallel_loop3A_316 : i32 to index
        %parallel_loop3A_397 = tpu.vector_load %arg16[%parallel_loop3A_396] {strides = array<i32>} : memref<640xf32, #tpu.memory_space<vmem>>, vector<16xf32>,
        tpu.vector_store %arg16[%parallel_loop3A_396], %parallel_loop3A_395 {strides = array<i32>} : memref<640xf32, #tpu.memory_space<vmem>>, vector<16xf32>,
      } {sc.loop_unroll_factor = 2 : i64, sc.parallel_access}
      %dma_wait3A_208 = arith.constant 0 : i32
      %dma_wait3A_209 = arith.constant 384 : i32
      %dma_wait3A_210 = tpu.memref_slice %arg15[%dma_wait3A_208, %dma_wait3A_209] : memref<16x640xf32, #tpu.memory_space<vmem>> -> memref<16x256xf32, #tpu.memory_space<vmem>>
      %dma_wait3A_211 = arith.constant 0 : i32
      %dma_wait3A_212 = tpu.memref_slice %arg23[%dma_wait3A_211, %add3A_168] : memref<16x10240xf32, #tpu.memory_space<vmem_shared>> -> memref<16x256xf32, #tpu.memory_space<vmem_shared>>
      %dma_wait3A_213 = arith.constant 0 : i32
      %dma_wait3A_214 = arith.constant 384 : i32
      %dma_wait3A_215 = tpu.memref_slice %arg15[%dma_wait3A_213, %dma_wait3A_214] : memref<16x640xf32, #tpu.memory_space<vmem>> -> memref<16x256xf32, #tpu.memory_space<vmem>>
      %dma_wait3A_216 = arith.constant 0 : i32
      %dma_wait3A_217 = tpu.memref_slice %arg23[%dma_wait3A_216, %add3A_168] : memref<16x10240xf32, #tpu.memory_space<vmem_shared>> -> memref<16x256xf32, #tpu.memory_space<vmem_shared>>
      tpu.wait_dma2 semaphore(%arg22 : memref<!tpu.dma_semaphore, #tpu.memory_space<semaphore_mem>>) src(%dma_wait3A_217 : memref<16x256xf32, #tpu.memory_space<vmem_shared>>) dst(%dma_wait3A_215 : memref<16x256xf32, #tpu.memory_space<vmem>>)
      %parallel_loop3A_218 = arith.constant 384 : i32
      %parallel_loop3A_219 = arith.constant 640 : i32
      %parallel_loop3A_220 = arith.constant 16 : i32
      scf.for %parallel_loop3A_316 = %parallel_loop3A_218 to %parallel_loop3A_219 step %parallel_loop3A_220  : i32 {
        %parallel_loop3A_317 = arith.constant 0 : i32
        %parallel_loop3A_318 = arith.index_cast %parallel_loop3A_317 : i32 to index
        %parallel_loop3A_319 = arith.index_cast %parallel_loop3A_316 : i32 to index
        %parallel_loop3A_320 = tpu.vector_load %arg15[%parallel_loop3A_318, %parallel_loop3A_319] {strides = array<i32>} : memref<16x640xf32, #tpu.memory_space<vmem>>, vector<16xf32>,
        %parallel_loop3A_321 = arith.constant 1 : i32
        %parallel_loop3A_322 = arith.index_cast %parallel_loop3A_321 : i32 to index
        %parallel_loop3A_323 = arith.index_cast %parallel_loop3A_316 : i32 to index
        %parallel_loop3A_324 = tpu.vector_load %arg15[%parallel_loop3A_322, %parallel_loop3A_323] {strides = array<i32>} : memref<16x640xf32, #tpu.memory_space<vmem>>, vector<16xf32>,
        %parallel_loop3A_325 = arith.constant 2 : i32
        %parallel_loop3A_326 = arith.index_cast %parallel_loop3A_325 : i32 to index
        %parallel_loop3A_327 = arith.index_cast %parallel_loop3A_316 : i32 to index
        %parallel_loop3A_328 = tpu.vector_load %arg15[%parallel_loop3A_326, %parallel_loop3A_327] {strides = array<i32>} : memref<16x640xf32, #tpu.memory_space<vmem>>, vector<16xf32>,
        %parallel_loop3A_329 = arith.constant 3 : i32
        %parallel_loop3A_330 = arith.index_cast %parallel_loop3A_329 : i32 to index
        %parallel_loop3A_331 = arith.index_cast %parallel_loop3A_316 : i32 to index
        %parallel_loop3A_332 = tpu.vector_load %arg15[%parallel_loop3A_330, %parallel_loop3A_331] {strides = array<i32>} : memref<16x640xf32, #tpu.memory_space<vmem>>, vector<16xf32>,
        %parallel_loop3A_333 = arith.constant 4 : i32
        %parallel_loop3A_334 = arith.index_cast %parallel_loop3A_333 : i32 to index
        %parallel_loop3A_335 = arith.index_cast %parallel_loop3A_316 : i32 to index
        %parallel_loop3A_336 = tpu.vector_load %arg15[%parallel_loop3A_334, %parallel_loop3A_335] {strides = array<i32>} : memref<16x640xf32, #tpu.memory_space<vmem>>, vector<16xf32>,
        %parallel_loop3A_337 = arith.constant 5 : i32
        %parallel_loop3A_338 = arith.index_cast %parallel_loop3A_337 : i32 to index
        %parallel_loop3A_339 = arith.index_cast %parallel_loop3A_316 : i32 to index
        %parallel_loop3A_340 = tpu.vector_load %arg15[%parallel_loop3A_338, %parallel_loop3A_339] {strides = array<i32>} : memref<16x640xf32, #tpu.memory_space<vmem>>, vector<16xf32>,
        %parallel_loop3A_341 = arith.constant 6 : i32
        %parallel_loop3A_342 = arith.index_cast %parallel_loop3A_341 : i32 to index
        %parallel_loop3A_343 = arith.index_cast %parallel_loop3A_316 : i32 to index
        %parallel_loop3A_344 = tpu.vector_load %arg15[%parallel_loop3A_342, %parallel_loop3A_343] {strides = array<i32>} : memref<16x640xf32, #tpu.memory_space<vmem>>, vector<16xf32>,
        %parallel_loop3A_345 = arith.constant 7 : i32
        %parallel_loop3A_346 = arith.index_cast %parallel_loop3A_345 : i32 to index
        %parallel_loop3A_347 = arith.index_cast %parallel_loop3A_316 : i32 to index
        %parallel_loop3A_348 = tpu.vector_load %arg15[%parallel_loop3A_346, %parallel_loop3A_347] {strides = array<i32>} : memref<16x640xf32, #tpu.memory_space<vmem>>, vector<16xf32>,
        %parallel_loop3A_349 = arith.constant 8 : i32
        %parallel_loop3A_350 = arith.index_cast %parallel_loop3A_349 : i32 to index
        %parallel_loop3A_351 = arith.index_cast %parallel_loop3A_316 : i32 to index
        %parallel_loop3A_352 = tpu.vector_load %arg15[%parallel_loop3A_350, %parallel_loop3A_351] {strides = array<i32>} : memref<16x640xf32, #tpu.memory_space<vmem>>, vector<16xf32>,
        %parallel_loop3A_353 = arith.constant 9 : i32
        %parallel_loop3A_354 = arith.index_cast %parallel_loop3A_353 : i32 to index
        %parallel_loop3A_355 = arith.index_cast %parallel_loop3A_316 : i32 to index
        %parallel_loop3A_356 = tpu.vector_load %arg15[%parallel_loop3A_354, %parallel_loop3A_355] {strides = array<i32>} : memref<16x640xf32, #tpu.memory_space<vmem>>, vector<16xf32>,
        %parallel_loop3A_357 = arith.constant 10 : i32
        %parallel_loop3A_358 = arith.index_cast %parallel_loop3A_357 : i32 to index
        %parallel_loop3A_359 = arith.index_cast %parallel_loop3A_316 : i32 to index
        %parallel_loop3A_360 = tpu.vector_load %arg15[%parallel_loop3A_358, %parallel_loop3A_359] {strides = array<i32>} : memref<16x640xf32, #tpu.memory_space<vmem>>, vector<16xf32>,
        %parallel_loop3A_361 = arith.constant 11 : i32
        %parallel_loop3A_362 = arith.index_cast %parallel_loop3A_361 : i32 to index
        %parallel_loop3A_363 = arith.index_cast %parallel_loop3A_316 : i32 to index
        %parallel_loop3A_364 = tpu.vector_load %arg15[%parallel_loop3A_362, %parallel_loop3A_363] {strides = array<i32>} : memref<16x640xf32, #tpu.memory_space<vmem>>, vector<16xf32>,
        %parallel_loop3A_365 = arith.constant 12 : i32
        %parallel_loop3A_366 = arith.index_cast %parallel_loop3A_365 : i32 to index
        %parallel_loop3A_367 = arith.index_cast %parallel_loop3A_316 : i32 to index
        %parallel_loop3A_368 = tpu.vector_load %arg15[%parallel_loop3A_366, %parallel_loop3A_367] {strides = array<i32>} : memref<16x640xf32, #tpu.memory_space<vmem>>, vector<16xf32>,
        %parallel_loop3A_369 = arith.constant 13 : i32
        %parallel_loop3A_370 = arith.index_cast %parallel_loop3A_369 : i32 to index
        %parallel_loop3A_371 = arith.index_cast %parallel_loop3A_316 : i32 to index
        %parallel_loop3A_372 = tpu.vector_load %arg15[%parallel_loop3A_370, %parallel_loop3A_371] {strides = array<i32>} : memref<16x640xf32, #tpu.memory_space<vmem>>, vector<16xf32>,
        %parallel_loop3A_373 = arith.constant 14 : i32
        %parallel_loop3A_374 = arith.index_cast %parallel_loop3A_373 : i32 to index
        %parallel_loop3A_375 = arith.index_cast %parallel_loop3A_316 : i32 to index
        %parallel_loop3A_376 = tpu.vector_load %arg15[%parallel_loop3A_374, %parallel_loop3A_375] {strides = array<i32>} : memref<16x640xf32, #tpu.memory_space<vmem>>, vector<16xf32>,
        %parallel_loop3A_377 = arith.constant 15 : i32
        %parallel_loop3A_378 = arith.index_cast %parallel_loop3A_377 : i32 to index
        %parallel_loop3A_379 = arith.index_cast %parallel_loop3A_316 : i32 to index
        %parallel_loop3A_380 = tpu.vector_load %arg15[%parallel_loop3A_378, %parallel_loop3A_379] {strides = array<i32>} : memref<16x640xf32, #tpu.memory_space<vmem>>, vector<16xf32>,
        %parallel_loop3A_381 = arith.addf %parallel_loop3A_320, %parallel_loop3A_324 : vector<16xf32>
        %parallel_loop3A_382 = arith.addf %parallel_loop3A_328, %parallel_loop3A_332 : vector<16xf32>
        %parallel_loop3A_383 = arith.addf %parallel_loop3A_336, %parallel_loop3A_340 : vector<16xf32>
        %parallel_loop3A_384 = arith.addf %parallel_loop3A_344, %parallel_loop3A_348 : vector<16xf32>
        %parallel_loop3A_385 = arith.addf %parallel_loop3A_352, %parallel_loop3A_356 : vector<16xf32>
        %parallel_loop3A_386 = arith.addf %parallel_loop3A_360, %parallel_loop3A_364 : vector<16xf32>
        %parallel_loop3A_387 = arith.addf %parallel_loop3A_368, %parallel_loop3A_372 : vector<16xf32>
        %parallel_loop3A_388 = arith.addf %parallel_loop3A_376, %parallel_loop3A_380 : vector<16xf32>
        %parallel_loop3A_389 = arith.addf %parallel_loop3A_381, %parallel_loop3A_382 : vector<16xf32>
        %parallel_loop3A_390 = arith.addf %parallel_loop3A_383, %parallel_loop3A_384 : vector<16xf32>
        %parallel_loop3A_391 = arith.addf %parallel_loop3A_385, %parallel_loop3A_386 : vector<16xf32>
        %parallel_loop3A_392 = arith.addf %parallel_loop3A_387, %parallel_loop3A_388 : vector<16xf32>
        %parallel_loop3A_393 = arith.addf %parallel_loop3A_389, %parallel_loop3A_390 : vector<16xf32>
        %parallel_loop3A_394 = arith.addf %parallel_loop3A_391, %parallel_loop3A_392 : vector<16xf32>
        %parallel_loop3A_395 = arith.addf %parallel_loop3A_393, %parallel_loop3A_394 : vector<16xf32>
        %parallel_loop3A_396 = arith.index_cast %parallel_loop3A_316 : i32 to index
        %parallel_loop3A_397 = tpu.vector_load %arg16[%parallel_loop3A_396] {strides = array<i32>} : memref<640xf32, #tpu.memory_space<vmem>>, vector<16xf32>,
        tpu.vector_store %arg16[%parallel_loop3A_396], %parallel_loop3A_395 {strides = array<i32>} : memref<640xf32, #tpu.memory_space<vmem>>, vector<16xf32>,
      } {sc.loop_unroll_factor = 2 : i64, sc.parallel_access}
      "tpu.region"() ({
        %run_scoped3A_316 = tpu.sem_alloc : memref<!tpu.dma_semaphore, #tpu.memory_space<semaphore_mem>>
        %dma_start3A_317 = tpu.memref_slice %arg24[%mul3A_2] : memref<10240xf32, #tpu.memory_space<vmem_shared>> -> memref<640xf32, #tpu.memory_space<vmem_shared>>
        %dma_start3A_318 = tpu.memref_slice %arg24[%mul3A_2] : memref<10240xf32, #tpu.memory_space<vmem_shared>> -> memref<640xf32, #tpu.memory_space<vmem_shared>>
        tpu.enqueue_dma source(%arg16 : memref<640xf32, #tpu.memory_space<vmem>>) target(%dma_start3A_318 : memref<640xf32, #tpu.memory_space<vmem_shared>>) target_semaphore(%run_scoped3A_316 : memref<!tpu.dma_semaphore, #tpu.memory_space<semaphore_mem>>)
        %dma_wait3A_319 = tpu.memref_slice %arg24[%mul3A_2] : memref<10240xf32, #tpu.memory_space<vmem_shared>> -> memref<640xf32, #tpu.memory_space<vmem_shared>>
        %dma_wait3A_320 = tpu.memref_slice %arg24[%mul3A_2] : memref<10240xf32, #tpu.memory_space<vmem_shared>> -> memref<640xf32, #tpu.memory_space<vmem_shared>>
        tpu.wait_dma2 semaphore(%run_scoped3A_316 : memref<!tpu.dma_semaphore, #tpu.memory_space<semaphore_mem>>) src(%arg16 : memref<640xf32, #tpu.memory_space<vmem>>) dst(%dma_wait3A_320 : memref<640xf32, #tpu.memory_space<vmem_shared>>)
        tpu.yield
      }) : () -> ()
      %parallel_loop3A_221 = arith.constant 0 : i32
      %parallel_loop3A_222 = arith.constant 640 : i32
      %parallel_loop3A_223 = arith.constant 16 : i32
      scf.for %parallel_loop3A_316 = %parallel_loop3A_221 to %parallel_loop3A_222 step %parallel_loop3A_223  : i32 {
        %parallel_loop3A_317 = arith.index_cast %parallel_loop3A_316 : i32 to index
        %parallel_loop3A_318 = tpu.vector_load %arg16[%parallel_loop3A_317] {strides = array<i32>} : memref<640xf32, #tpu.memory_space<vmem>>, vector<16xf32>,
        %parallel_loop3A_319 = arith.addi %squeeze3A_182, %parallel_loop3A_316 : i32
        %parallel_loop3A_320 = arith.index_cast %parallel_loop3A_319 : i32 to index
        %parallel_loop3A_321 = tpu.vector_load %arg17[%parallel_loop3A_320] {strides = array<i32>} : memref<10240xf32, #tpu.memory_space<vmem>>, vector<16xf32>,
        %parallel_loop3A_322 = vector.broadcast %squeeze3A_190 : f32 to vector<16xf32>
        %parallel_loop3A_323 = arith.mulf %parallel_loop3A_322, %parallel_loop3A_318 : vector<16xf32>
        %parallel_loop3A_324 = arith.addf %parallel_loop3A_321, %parallel_loop3A_323 : vector<16xf32>
        %parallel_loop3A_325 = arith.addi %squeeze3A_182, %parallel_loop3A_316 : i32
        %parallel_loop3A_326 = arith.index_cast %parallel_loop3A_325 : i32 to index
        %parallel_loop3A_327 = tpu.vector_load %arg17[%parallel_loop3A_326] {strides = array<i32>} : memref<10240xf32, #tpu.memory_space<vmem>>, vector<16xf32>,
        tpu.vector_store %arg17[%parallel_loop3A_326], %parallel_loop3A_324 {strides = array<i32>} : memref<10240xf32, #tpu.memory_space<vmem>>, vector<16xf32>,
        %parallel_loop3A_328 = arith.addi %squeeze3A_186, %parallel_loop3A_316 : i32
        %parallel_loop3A_329 = arith.index_cast %parallel_loop3A_328 : i32 to index
        %parallel_loop3A_330 = tpu.vector_load %arg17[%parallel_loop3A_329] {strides = array<i32>} : memref<10240xf32, #tpu.memory_space<vmem>>, vector<16xf32>,
        %parallel_loop3A_331 = vector.broadcast %squeeze3A_194 : f32 to vector<16xf32>
        %parallel_loop3A_332 = arith.mulf %parallel_loop3A_331, %parallel_loop3A_318 : vector<16xf32>
        %parallel_loop3A_333 = arith.addf %parallel_loop3A_330, %parallel_loop3A_332 : vector<16xf32>
        %parallel_loop3A_334 = arith.addi %squeeze3A_186, %parallel_loop3A_316 : i32
        %parallel_loop3A_335 = arith.index_cast %parallel_loop3A_334 : i32 to index
        %parallel_loop3A_336 = tpu.vector_load %arg17[%parallel_loop3A_335] {strides = array<i32>} : memref<10240xf32, #tpu.memory_space<vmem>>, vector<16xf32>,
        tpu.vector_store %arg17[%parallel_loop3A_335], %parallel_loop3A_333 {strides = array<i32>} : memref<10240xf32, #tpu.memory_space<vmem>>, vector<16xf32>,
      } {sc.loop_unroll_factor = 4 : i64, sc.parallel_access}
      %barrier3A_224 = arith.constant 0 : index
      tpu.barrier barrier_id(%barrier3A_224)
      "tpu.region"() ({
        %run_scoped3A_316 = tpu.sem_alloc : memref<!tpu.dma_semaphore, #tpu.memory_space<semaphore_mem>>
        tpu.enqueue_dma source(%arg24 : memref<10240xf32, #tpu.memory_space<vmem_shared>>) target(%arg12 : memref<10240xf32, #tpu.memory_space<vmem>>) target_semaphore(%run_scoped3A_316 : memref<!tpu.dma_semaphore, #tpu.memory_space<semaphore_mem>>)
        tpu.wait_dma2 semaphore(%run_scoped3A_316 : memref<!tpu.dma_semaphore, #tpu.memory_space<semaphore_mem>>) src(%arg24 : memref<10240xf32, #tpu.memory_space<vmem_shared>>) dst(%arg12 : memref<10240xf32, #tpu.memory_space<vmem>>)
        tpu.yield
      }) : () -> ()
      %mul3A_225 = arith.constant 2 : i32
      %mul3A_226 = arith.muli %mul3A_225, %scan3A_135 : i32
      %add3A_227 = arith.constant 1 : i32
      %add3A_228 = arith.addi %mul3A_226, %add3A_227 : i32
      %parallel_loop3A_229 = arith.constant 0 : i32
      %parallel_loop3A_230 = arith.constant 20000 : i32
      %parallel_loop3A_231 = arith.constant 16 : i32
      scf.for %parallel_loop3A_316 = %parallel_loop3A_229 to %parallel_loop3A_230 step %parallel_loop3A_231  : i32 {
        %parallel_loop3A_317 = arith.index_cast %parallel_loop3A_316 : i32 to index
        %parallel_loop3A_318 = tpu.vector_load %arg10[%parallel_loop3A_317] {strides = array<i32>} : memref<20000xi32, #tpu.memory_space<vmem>>, vector<16xi32>,
        %parallel_loop3A_319 = arith.constant 65535 : i32
        %parallel_loop3A_320 = vector.broadcast %parallel_loop3A_319 : i32 to vector<16xi32>
        %parallel_loop3A_321 = arith.andi %parallel_loop3A_318, %parallel_loop3A_320 : vector<16xi32>
        %parallel_loop3A_322 = arith.constant 16 : i32
        %parallel_loop3A_323 = vector.broadcast %parallel_loop3A_322 : i32 to vector<16xi32>
        %parallel_loop3A_324 = arith.shrui %parallel_loop3A_318, %parallel_loop3A_323 : vector<16xi32>
        %parallel_loop3A_325 = tpu.vector_load_idx %arg12[%parallel_loop3A_321] : memref<10240xf32, #tpu.memory_space<vmem>>[vector<16xi32>], vector<16xf32>,
        %parallel_loop3A_326 = arith.index_cast %parallel_loop3A_316 : i32 to index
        %parallel_loop3A_327 = tpu.vector_load %arg11[%parallel_loop3A_326] {strides = array<i32>} : memref<20000xf32, #tpu.memory_space<vmem>>, vector<16xf32>,
        %parallel_loop3A_328 = arith.mulf %parallel_loop3A_325, %parallel_loop3A_327 : vector<16xf32>
        tpu.vector_store_idx %arg14[%parallel_loop3A_324], %parallel_loop3A_328 {add = true} : memref<10240xf32, #tpu.memory_space<vmem>>[vector<16xi32>], vector<16xf32>,
      } {sc.loop_unroll_factor = 25 : i64, sc.parallel_access}
      %dma_start3A_232 = arith.constant 0 : i32
      %dma_start3A_233 = tpu.memref_slice %arg23[%arg1, %dma_start3A_232] : memref<16x10240xf32, #tpu.memory_space<vmem_shared>> -> memref<1x10240xf32, #tpu.memory_space<vmem_shared>>
      %dma_start3A_234 = tpu.memref_squeeze %dma_start3A_233 : memref<1x10240xf32, #tpu.memory_space<vmem_shared>> -> memref<10240xf32, #tpu.memory_space<vmem_shared>>
      %dma_start3A_235 = arith.constant 0 : i32
      %dma_start3A_236 = tpu.memref_slice %arg23[%arg1, %dma_start3A_235] : memref<16x10240xf32, #tpu.memory_space<vmem_shared>> -> memref<1x10240xf32, #tpu.memory_space<vmem_shared>>
      %dma_start3A_237 = tpu.memref_squeeze %dma_start3A_236 : memref<1x10240xf32, #tpu.memory_space<vmem_shared>> -> memref<10240xf32, #tpu.memory_space<vmem_shared>>
      tpu.enqueue_dma source(%arg14 : memref<10240xf32, #tpu.memory_space<vmem>>) target(%dma_start3A_237 : memref<10240xf32, #tpu.memory_space<vmem_shared>>) target_semaphore(%arg22 : memref<!tpu.dma_semaphore, #tpu.memory_space<semaphore_mem>>)
      %parallel_loop3A_238 = arith.constant 0 : i32
      %parallel_loop3A_239 = arith.constant 10240 : i32
      %parallel_loop3A_240 = arith.constant 16 : i32
      scf.for %parallel_loop3A_316 = %parallel_loop3A_238 to %parallel_loop3A_239 step %parallel_loop3A_240  : i32 {
        %parallel_loop3A_317 = arith.index_cast %parallel_loop3A_316 : i32 to index
        %parallel_loop3A_318 = tpu.vector_load %arg13[%parallel_loop3A_317] {strides = array<i32>} : memref<10240xf32, #tpu.memory_space<vmem>>, vector<16xf32>,
        tpu.vector_store %arg13[%parallel_loop3A_317], %broadcast_in_dim3A_3 {strides = array<i32>} : memref<10240xf32, #tpu.memory_space<vmem>>, vector<16xf32>,
      } {sc.loop_unroll_factor = 8 : i64, sc.parallel_access}
      %dma_wait3A_241 = arith.constant 0 : i32
      %dma_wait3A_242 = tpu.memref_slice %arg23[%arg1, %dma_wait3A_241] : memref<16x10240xf32, #tpu.memory_space<vmem_shared>> -> memref<1x10240xf32, #tpu.memory_space<vmem_shared>>
      %dma_wait3A_243 = tpu.memref_squeeze %dma_wait3A_242 : memref<1x10240xf32, #tpu.memory_space<vmem_shared>> -> memref<10240xf32, #tpu.memory_space<vmem_shared>>
      %dma_wait3A_244 = arith.constant 0 : i32
      %dma_wait3A_245 = tpu.memref_slice %arg23[%arg1, %dma_wait3A_244] : memref<16x10240xf32, #tpu.memory_space<vmem_shared>> -> memref<1x10240xf32, #tpu.memory_space<vmem_shared>>
      %dma_wait3A_246 = tpu.memref_squeeze %dma_wait3A_245 : memref<1x10240xf32, #tpu.memory_space<vmem_shared>> -> memref<10240xf32, #tpu.memory_space<vmem_shared>>
      tpu.wait_dma2 semaphore(%arg22 : memref<!tpu.dma_semaphore, #tpu.memory_space<semaphore_mem>>) src(%arg14 : memref<10240xf32, #tpu.memory_space<vmem>>) dst(%dma_wait3A_246 : memref<10240xf32, #tpu.memory_space<vmem_shared>>)
      %barrier3A_247 = arith.constant 0 : index
      tpu.barrier barrier_id(%barrier3A_247)
      %dma_start3A_248 = arith.constant 0 : i32
      %dma_start3A_249 = arith.constant 0 : i32
      %dma_start3A_250 = tpu.memref_slice %arg15[%dma_start3A_248, %dma_start3A_249] : memref<16x640xf32, #tpu.memory_space<vmem>> -> memref<16x384xf32, #tpu.memory_space<vmem>>
      %dma_start3A_251 = arith.constant 0 : i32
      %dma_start3A_252 = tpu.memref_slice %arg23[%dma_start3A_251, %mul3A_2] : memref<16x10240xf32, #tpu.memory_space<vmem_shared>> -> memref<16x384xf32, #tpu.memory_space<vmem_shared>>
      %dma_start3A_253 = arith.constant 0 : i32
      %dma_start3A_254 = arith.constant 0 : i32
      %dma_start3A_255 = tpu.memref_slice %arg15[%dma_start3A_253, %dma_start3A_254] : memref<16x640xf32, #tpu.memory_space<vmem>> -> memref<16x384xf32, #tpu.memory_space<vmem>>
      %dma_start3A_256 = arith.constant 0 : i32
      %dma_start3A_257 = tpu.memref_slice %arg23[%dma_start3A_256, %mul3A_2] : memref<16x10240xf32, #tpu.memory_space<vmem_shared>> -> memref<16x384xf32, #tpu.memory_space<vmem_shared>>
      tpu.enqueue_dma source(%dma_start3A_257 : memref<16x384xf32, #tpu.memory_space<vmem_shared>>) target(%dma_start3A_255 : memref<16x384xf32, #tpu.memory_space<vmem>>) target_semaphore(%arg22 : memref<!tpu.dma_semaphore, #tpu.memory_space<semaphore_mem>>)
      %add3A_258 = arith.constant 384 : i32
      %add3A_259 = arith.addi %mul3A_2, %add3A_258 : i32
      %dma_start3A_260 = arith.constant 0 : i32
      %dma_start3A_261 = arith.constant 384 : i32
      %dma_start3A_262 = tpu.memref_slice %arg15[%dma_start3A_260, %dma_start3A_261] : memref<16x640xf32, #tpu.memory_space<vmem>> -> memref<16x256xf32, #tpu.memory_space<vmem>>
      %dma_start3A_263 = arith.constant 0 : i32
      %dma_start3A_264 = tpu.memref_slice %arg23[%dma_start3A_263, %add3A_259] : memref<16x10240xf32, #tpu.memory_space<vmem_shared>> -> memref<16x256xf32, #tpu.memory_space<vmem_shared>>
      %dma_start3A_265 = arith.constant 0 : i32
      %dma_start3A_266 = arith.constant 384 : i32
      %dma_start3A_267 = tpu.memref_slice %arg15[%dma_start3A_265, %dma_start3A_266] : memref<16x640xf32, #tpu.memory_space<vmem>> -> memref<16x256xf32, #tpu.memory_space<vmem>>
      %dma_start3A_268 = arith.constant 0 : i32
      %dma_start3A_269 = tpu.memref_slice %arg23[%dma_start3A_268, %add3A_259] : memref<16x10240xf32, #tpu.memory_space<vmem_shared>> -> memref<16x256xf32, #tpu.memory_space<vmem_shared>>
      tpu.enqueue_dma source(%dma_start3A_269 : memref<16x256xf32, #tpu.memory_space<vmem_shared>>) target(%dma_start3A_267 : memref<16x256xf32, #tpu.memory_space<vmem>>) target_semaphore(%arg22 : memref<!tpu.dma_semaphore, #tpu.memory_space<semaphore_mem>>)
      %get3A_270 = arith.index_cast %add3A_228 : i32 to index
      %get3A_271 = tpu.vector_load %arg18[%get3A_270] {strides = array<i32>} : memref<64xi32, #tpu.memory_space<vmem>>, vector<16xi32>,
      %slice3A_272 = vector.extract_strided_slice %get3A_271 {offsets = [0], sizes = [1], strides = [1]} : vector<16xi32> to vector<1xi32>
      %squeeze3A_273 = vector.extract %slice3A_272[0] : i32 from vector<1xi32>
      %get3A_274 = arith.index_cast %add3A_228 : i32 to index
      %get3A_275 = tpu.vector_load %arg19[%get3A_274] {strides = array<i32>} : memref<64xi32, #tpu.memory_space<vmem>>, vector<16xi32>,
      %slice3A_276 = vector.extract_strided_slice %get3A_275 {offsets = [0], sizes = [1], strides = [1]} : vector<16xi32> to vector<1xi32>
      %squeeze3A_277 = vector.extract %slice3A_276[0] : i32 from vector<1xi32>
      %get3A_278 = arith.index_cast %add3A_228 : i32 to index
      %get3A_279 = tpu.vector_load %arg20[%get3A_278] {strides = array<i32>} : memref<64xf32, #tpu.memory_space<vmem>>, vector<16xf32>,
      %slice3A_280 = vector.extract_strided_slice %get3A_279 {offsets = [0], sizes = [1], strides = [1]} : vector<16xf32> to vector<1xf32>
      %squeeze3A_281 = vector.extract %slice3A_280[0] : f32 from vector<1xf32>
      %get3A_282 = arith.index_cast %add3A_228 : i32 to index
      %get3A_283 = tpu.vector_load %arg21[%get3A_282] {strides = array<i32>} : memref<64xf32, #tpu.memory_space<vmem>>, vector<16xf32>,
      %slice3A_284 = vector.extract_strided_slice %get3A_283 {offsets = [0], sizes = [1], strides = [1]} : vector<16xf32> to vector<1xf32>
      %squeeze3A_285 = vector.extract %slice3A_284[0] : f32 from vector<1xf32>
      %dma_wait3A_286 = arith.constant 0 : i32
      %dma_wait3A_287 = arith.constant 0 : i32
      %dma_wait3A_288 = tpu.memref_slice %arg15[%dma_wait3A_286, %dma_wait3A_287] : memref<16x640xf32, #tpu.memory_space<vmem>> -> memref<16x384xf32, #tpu.memory_space<vmem>>
      %dma_wait3A_289 = arith.constant 0 : i32
      %dma_wait3A_290 = tpu.memref_slice %arg23[%dma_wait3A_289, %mul3A_2] : memref<16x10240xf32, #tpu.memory_space<vmem_shared>> -> memref<16x384xf32, #tpu.memory_space<vmem_shared>>
      %dma_wait3A_291 = arith.constant 0 : i32
      %dma_wait3A_292 = arith.constant 0 : i32
      %dma_wait3A_293 = tpu.memref_slice %arg15[%dma_wait3A_291, %dma_wait3A_292] : memref<16x640xf32, #tpu.memory_space<vmem>> -> memref<16x384xf32, #tpu.memory_space<vmem>>
      %dma_wait3A_294 = arith.constant 0 : i32
      %dma_wait3A_295 = tpu.memref_slice %arg23[%dma_wait3A_294, %mul3A_2] : memref<16x10240xf32, #tpu.memory_space<vmem_shared>> -> memref<16x384xf32, #tpu.memory_space<vmem_shared>>
      tpu.wait_dma2 semaphore(%arg22 : memref<!tpu.dma_semaphore, #tpu.memory_space<semaphore_mem>>) src(%dma_wait3A_295 : memref<16x384xf32, #tpu.memory_space<vmem_shared>>) dst(%dma_wait3A_293 : memref<16x384xf32, #tpu.memory_space<vmem>>)
      %parallel_loop3A_296 = arith.constant 0 : i32
      %parallel_loop3A_297 = arith.constant 384 : i32
      %parallel_loop3A_298 = arith.constant 16 : i32
      scf.for %parallel_loop3A_316 = %parallel_loop3A_296 to %parallel_loop3A_297 step %parallel_loop3A_298  : i32 {
        %parallel_loop3A_317 = arith.constant 0 : i32
        %parallel_loop3A_318 = arith.index_cast %parallel_loop3A_317 : i32 to index
        %parallel_loop3A_319 = arith.index_cast %parallel_loop3A_316 : i32 to index
        %parallel_loop3A_320 = tpu.vector_load %arg15[%parallel_loop3A_318, %parallel_loop3A_319] {strides = array<i32>} : memref<16x640xf32, #tpu.memory_space<vmem>>, vector<16xf32>,
        %parallel_loop3A_321 = arith.constant 1 : i32
        %parallel_loop3A_322 = arith.index_cast %parallel_loop3A_321 : i32 to index
        %parallel_loop3A_323 = arith.index_cast %parallel_loop3A_316 : i32 to index
        %parallel_loop3A_324 = tpu.vector_load %arg15[%parallel_loop3A_322, %parallel_loop3A_323] {strides = array<i32>} : memref<16x640xf32, #tpu.memory_space<vmem>>, vector<16xf32>,
        %parallel_loop3A_325 = arith.constant 2 : i32
        %parallel_loop3A_326 = arith.index_cast %parallel_loop3A_325 : i32 to index
        %parallel_loop3A_327 = arith.index_cast %parallel_loop3A_316 : i32 to index
        %parallel_loop3A_328 = tpu.vector_load %arg15[%parallel_loop3A_326, %parallel_loop3A_327] {strides = array<i32>} : memref<16x640xf32, #tpu.memory_space<vmem>>, vector<16xf32>,
        %parallel_loop3A_329 = arith.constant 3 : i32
        %parallel_loop3A_330 = arith.index_cast %parallel_loop3A_329 : i32 to index
        %parallel_loop3A_331 = arith.index_cast %parallel_loop3A_316 : i32 to index
        %parallel_loop3A_332 = tpu.vector_load %arg15[%parallel_loop3A_330, %parallel_loop3A_331] {strides = array<i32>} : memref<16x640xf32, #tpu.memory_space<vmem>>, vector<16xf32>,
        %parallel_loop3A_333 = arith.constant 4 : i32
        %parallel_loop3A_334 = arith.index_cast %parallel_loop3A_333 : i32 to index
        %parallel_loop3A_335 = arith.index_cast %parallel_loop3A_316 : i32 to index
        %parallel_loop3A_336 = tpu.vector_load %arg15[%parallel_loop3A_334, %parallel_loop3A_335] {strides = array<i32>} : memref<16x640xf32, #tpu.memory_space<vmem>>, vector<16xf32>,
        %parallel_loop3A_337 = arith.constant 5 : i32
        %parallel_loop3A_338 = arith.index_cast %parallel_loop3A_337 : i32 to index
        %parallel_loop3A_339 = arith.index_cast %parallel_loop3A_316 : i32 to index
        %parallel_loop3A_340 = tpu.vector_load %arg15[%parallel_loop3A_338, %parallel_loop3A_339] {strides = array<i32>} : memref<16x640xf32, #tpu.memory_space<vmem>>, vector<16xf32>,
        %parallel_loop3A_341 = arith.constant 6 : i32
        %parallel_loop3A_342 = arith.index_cast %parallel_loop3A_341 : i32 to index
        %parallel_loop3A_343 = arith.index_cast %parallel_loop3A_316 : i32 to index
        %parallel_loop3A_344 = tpu.vector_load %arg15[%parallel_loop3A_342, %parallel_loop3A_343] {strides = array<i32>} : memref<16x640xf32, #tpu.memory_space<vmem>>, vector<16xf32>,
        %parallel_loop3A_345 = arith.constant 7 : i32
        %parallel_loop3A_346 = arith.index_cast %parallel_loop3A_345 : i32 to index
        %parallel_loop3A_347 = arith.index_cast %parallel_loop3A_316 : i32 to index
        %parallel_loop3A_348 = tpu.vector_load %arg15[%parallel_loop3A_346, %parallel_loop3A_347] {strides = array<i32>} : memref<16x640xf32, #tpu.memory_space<vmem>>, vector<16xf32>,
        %parallel_loop3A_349 = arith.constant 8 : i32
        %parallel_loop3A_350 = arith.index_cast %parallel_loop3A_349 : i32 to index
        %parallel_loop3A_351 = arith.index_cast %parallel_loop3A_316 : i32 to index
        %parallel_loop3A_352 = tpu.vector_load %arg15[%parallel_loop3A_350, %parallel_loop3A_351] {strides = array<i32>} : memref<16x640xf32, #tpu.memory_space<vmem>>, vector<16xf32>,
        %parallel_loop3A_353 = arith.constant 9 : i32
        %parallel_loop3A_354 = arith.index_cast %parallel_loop3A_353 : i32 to index
        %parallel_loop3A_355 = arith.index_cast %parallel_loop3A_316 : i32 to index
        %parallel_loop3A_356 = tpu.vector_load %arg15[%parallel_loop3A_354, %parallel_loop3A_355] {strides = array<i32>} : memref<16x640xf32, #tpu.memory_space<vmem>>, vector<16xf32>,
        %parallel_loop3A_357 = arith.constant 10 : i32
        %parallel_loop3A_358 = arith.index_cast %parallel_loop3A_357 : i32 to index
        %parallel_loop3A_359 = arith.index_cast %parallel_loop3A_316 : i32 to index
        %parallel_loop3A_360 = tpu.vector_load %arg15[%parallel_loop3A_358, %parallel_loop3A_359] {strides = array<i32>} : memref<16x640xf32, #tpu.memory_space<vmem>>, vector<16xf32>,
        %parallel_loop3A_361 = arith.constant 11 : i32
        %parallel_loop3A_362 = arith.index_cast %parallel_loop3A_361 : i32 to index
        %parallel_loop3A_363 = arith.index_cast %parallel_loop3A_316 : i32 to index
        %parallel_loop3A_364 = tpu.vector_load %arg15[%parallel_loop3A_362, %parallel_loop3A_363] {strides = array<i32>} : memref<16x640xf32, #tpu.memory_space<vmem>>, vector<16xf32>,
        %parallel_loop3A_365 = arith.constant 12 : i32
        %parallel_loop3A_366 = arith.index_cast %parallel_loop3A_365 : i32 to index
        %parallel_loop3A_367 = arith.index_cast %parallel_loop3A_316 : i32 to index
        %parallel_loop3A_368 = tpu.vector_load %arg15[%parallel_loop3A_366, %parallel_loop3A_367] {strides = array<i32>} : memref<16x640xf32, #tpu.memory_space<vmem>>, vector<16xf32>,
        %parallel_loop3A_369 = arith.constant 13 : i32
        %parallel_loop3A_370 = arith.index_cast %parallel_loop3A_369 : i32 to index
        %parallel_loop3A_371 = arith.index_cast %parallel_loop3A_316 : i32 to index
        %parallel_loop3A_372 = tpu.vector_load %arg15[%parallel_loop3A_370, %parallel_loop3A_371] {strides = array<i32>} : memref<16x640xf32, #tpu.memory_space<vmem>>, vector<16xf32>,
        %parallel_loop3A_373 = arith.constant 14 : i32
        %parallel_loop3A_374 = arith.index_cast %parallel_loop3A_373 : i32 to index
        %parallel_loop3A_375 = arith.index_cast %parallel_loop3A_316 : i32 to index
        %parallel_loop3A_376 = tpu.vector_load %arg15[%parallel_loop3A_374, %parallel_loop3A_375] {strides = array<i32>} : memref<16x640xf32, #tpu.memory_space<vmem>>, vector<16xf32>,
        %parallel_loop3A_377 = arith.constant 15 : i32
        %parallel_loop3A_378 = arith.index_cast %parallel_loop3A_377 : i32 to index
        %parallel_loop3A_379 = arith.index_cast %parallel_loop3A_316 : i32 to index
        %parallel_loop3A_380 = tpu.vector_load %arg15[%parallel_loop3A_378, %parallel_loop3A_379] {strides = array<i32>} : memref<16x640xf32, #tpu.memory_space<vmem>>, vector<16xf32>,
        %parallel_loop3A_381 = arith.addf %parallel_loop3A_320, %parallel_loop3A_324 : vector<16xf32>
        %parallel_loop3A_382 = arith.addf %parallel_loop3A_328, %parallel_loop3A_332 : vector<16xf32>
        %parallel_loop3A_383 = arith.addf %parallel_loop3A_336, %parallel_loop3A_340 : vector<16xf32>
        %parallel_loop3A_384 = arith.addf %parallel_loop3A_344, %parallel_loop3A_348 : vector<16xf32>
        %parallel_loop3A_385 = arith.addf %parallel_loop3A_352, %parallel_loop3A_356 : vector<16xf32>
        %parallel_loop3A_386 = arith.addf %parallel_loop3A_360, %parallel_loop3A_364 : vector<16xf32>
        %parallel_loop3A_387 = arith.addf %parallel_loop3A_368, %parallel_loop3A_372 : vector<16xf32>
        %parallel_loop3A_388 = arith.addf %parallel_loop3A_376, %parallel_loop3A_380 : vector<16xf32>
        %parallel_loop3A_389 = arith.addf %parallel_loop3A_381, %parallel_loop3A_382 : vector<16xf32>
        %parallel_loop3A_390 = arith.addf %parallel_loop3A_383, %parallel_loop3A_384 : vector<16xf32>
        %parallel_loop3A_391 = arith.addf %parallel_loop3A_385, %parallel_loop3A_386 : vector<16xf32>
        %parallel_loop3A_392 = arith.addf %parallel_loop3A_387, %parallel_loop3A_388 : vector<16xf32>
        %parallel_loop3A_393 = arith.addf %parallel_loop3A_389, %parallel_loop3A_390 : vector<16xf32>
        %parallel_loop3A_394 = arith.addf %parallel_loop3A_391, %parallel_loop3A_392 : vector<16xf32>
        %parallel_loop3A_395 = arith.addf %parallel_loop3A_393, %parallel_loop3A_394 : vector<16xf32>
        %parallel_loop3A_396 = arith.index_cast %parallel_loop3A_316 : i32 to index
        %parallel_loop3A_397 = tpu.vector_load %arg16[%parallel_loop3A_396] {strides = array<i32>} : memref<640xf32, #tpu.memory_space<vmem>>, vector<16xf32>,
        tpu.vector_store %arg16[%parallel_loop3A_396], %parallel_loop3A_395 {strides = array<i32>} : memref<640xf32, #tpu.memory_space<vmem>>, vector<16xf32>,
      } {sc.loop_unroll_factor = 2 : i64, sc.parallel_access}
      %dma_wait3A_299 = arith.constant 0 : i32
      %dma_wait3A_300 = arith.constant 384 : i32
      %dma_wait3A_301 = tpu.memref_slice %arg15[%dma_wait3A_299, %dma_wait3A_300] : memref<16x640xf32, #tpu.memory_space<vmem>> -> memref<16x256xf32, #tpu.memory_space<vmem>>
      %dma_wait3A_302 = arith.constant 0 : i32
      %dma_wait3A_303 = tpu.memref_slice %arg23[%dma_wait3A_302, %add3A_259] : memref<16x10240xf32, #tpu.memory_space<vmem_shared>> -> memref<16x256xf32, #tpu.memory_space<vmem_shared>>
      %dma_wait3A_304 = arith.constant 0 : i32
      %dma_wait3A_305 = arith.constant 384 : i32
      %dma_wait3A_306 = tpu.memref_slice %arg15[%dma_wait3A_304, %dma_wait3A_305] : memref<16x640xf32, #tpu.memory_space<vmem>> -> memref<16x256xf32, #tpu.memory_space<vmem>>
      %dma_wait3A_307 = arith.constant 0 : i32
      %dma_wait3A_308 = tpu.memref_slice %arg23[%dma_wait3A_307, %add3A_259] : memref<16x10240xf32, #tpu.memory_space<vmem_shared>> -> memref<16x256xf32, #tpu.memory_space<vmem_shared>>
      tpu.wait_dma2 semaphore(%arg22 : memref<!tpu.dma_semaphore, #tpu.memory_space<semaphore_mem>>) src(%dma_wait3A_308 : memref<16x256xf32, #tpu.memory_space<vmem_shared>>) dst(%dma_wait3A_306 : memref<16x256xf32, #tpu.memory_space<vmem>>)
      %parallel_loop3A_309 = arith.constant 384 : i32
      %parallel_loop3A_310 = arith.constant 640 : i32
      %parallel_loop3A_311 = arith.constant 16 : i32
      scf.for %parallel_loop3A_316 = %parallel_loop3A_309 to %parallel_loop3A_310 step %parallel_loop3A_311  : i32 {
        %parallel_loop3A_317 = arith.constant 0 : i32
        %parallel_loop3A_318 = arith.index_cast %parallel_loop3A_317 : i32 to index
        %parallel_loop3A_319 = arith.index_cast %parallel_loop3A_316 : i32 to index
        %parallel_loop3A_320 = tpu.vector_load %arg15[%parallel_loop3A_318, %parallel_loop3A_319] {strides = array<i32>} : memref<16x640xf32, #tpu.memory_space<vmem>>, vector<16xf32>,
        %parallel_loop3A_321 = arith.constant 1 : i32
        %parallel_loop3A_322 = arith.index_cast %parallel_loop3A_321 : i32 to index
        %parallel_loop3A_323 = arith.index_cast %parallel_loop3A_316 : i32 to index
        %parallel_loop3A_324 = tpu.vector_load %arg15[%parallel_loop3A_322, %parallel_loop3A_323] {strides = array<i32>} : memref<16x640xf32, #tpu.memory_space<vmem>>, vector<16xf32>,
        %parallel_loop3A_325 = arith.constant 2 : i32
        %parallel_loop3A_326 = arith.index_cast %parallel_loop3A_325 : i32 to index
        %parallel_loop3A_327 = arith.index_cast %parallel_loop3A_316 : i32 to index
        %parallel_loop3A_328 = tpu.vector_load %arg15[%parallel_loop3A_326, %parallel_loop3A_327] {strides = array<i32>} : memref<16x640xf32, #tpu.memory_space<vmem>>, vector<16xf32>,
        %parallel_loop3A_329 = arith.constant 3 : i32
        %parallel_loop3A_330 = arith.index_cast %parallel_loop3A_329 : i32 to index
        %parallel_loop3A_331 = arith.index_cast %parallel_loop3A_316 : i32 to index
        %parallel_loop3A_332 = tpu.vector_load %arg15[%parallel_loop3A_330, %parallel_loop3A_331] {strides = array<i32>} : memref<16x640xf32, #tpu.memory_space<vmem>>, vector<16xf32>,
        %parallel_loop3A_333 = arith.constant 4 : i32
        %parallel_loop3A_334 = arith.index_cast %parallel_loop3A_333 : i32 to index
        %parallel_loop3A_335 = arith.index_cast %parallel_loop3A_316 : i32 to index
        %parallel_loop3A_336 = tpu.vector_load %arg15[%parallel_loop3A_334, %parallel_loop3A_335] {strides = array<i32>} : memref<16x640xf32, #tpu.memory_space<vmem>>, vector<16xf32>,
        %parallel_loop3A_337 = arith.constant 5 : i32
        %parallel_loop3A_338 = arith.index_cast %parallel_loop3A_337 : i32 to index
        %parallel_loop3A_339 = arith.index_cast %parallel_loop3A_316 : i32 to index
        %parallel_loop3A_340 = tpu.vector_load %arg15[%parallel_loop3A_338, %parallel_loop3A_339] {strides = array<i32>} : memref<16x640xf32, #tpu.memory_space<vmem>>, vector<16xf32>,
        %parallel_loop3A_341 = arith.constant 6 : i32
        %parallel_loop3A_342 = arith.index_cast %parallel_loop3A_341 : i32 to index
        %parallel_loop3A_343 = arith.index_cast %parallel_loop3A_316 : i32 to index
        %parallel_loop3A_344 = tpu.vector_load %arg15[%parallel_loop3A_342, %parallel_loop3A_343] {strides = array<i32>} : memref<16x640xf32, #tpu.memory_space<vmem>>, vector<16xf32>,
        %parallel_loop3A_345 = arith.constant 7 : i32
        %parallel_loop3A_346 = arith.index_cast %parallel_loop3A_345 : i32 to index
        %parallel_loop3A_347 = arith.index_cast %parallel_loop3A_316 : i32 to index
        %parallel_loop3A_348 = tpu.vector_load %arg15[%parallel_loop3A_346, %parallel_loop3A_347] {strides = array<i32>} : memref<16x640xf32, #tpu.memory_space<vmem>>, vector<16xf32>,
        %parallel_loop3A_349 = arith.constant 8 : i32
        %parallel_loop3A_350 = arith.index_cast %parallel_loop3A_349 : i32 to index
        %parallel_loop3A_351 = arith.index_cast %parallel_loop3A_316 : i32 to index
        %parallel_loop3A_352 = tpu.vector_load %arg15[%parallel_loop3A_350, %parallel_loop3A_351] {strides = array<i32>} : memref<16x640xf32, #tpu.memory_space<vmem>>, vector<16xf32>,
        %parallel_loop3A_353 = arith.constant 9 : i32
        %parallel_loop3A_354 = arith.index_cast %parallel_loop3A_353 : i32 to index
        %parallel_loop3A_355 = arith.index_cast %parallel_loop3A_316 : i32 to index
        %parallel_loop3A_356 = tpu.vector_load %arg15[%parallel_loop3A_354, %parallel_loop3A_355] {strides = array<i32>} : memref<16x640xf32, #tpu.memory_space<vmem>>, vector<16xf32>,
        %parallel_loop3A_357 = arith.constant 10 : i32
        %parallel_loop3A_358 = arith.index_cast %parallel_loop3A_357 : i32 to index
        %parallel_loop3A_359 = arith.index_cast %parallel_loop3A_316 : i32 to index
        %parallel_loop3A_360 = tpu.vector_load %arg15[%parallel_loop3A_358, %parallel_loop3A_359] {strides = array<i32>} : memref<16x640xf32, #tpu.memory_space<vmem>>, vector<16xf32>,
        %parallel_loop3A_361 = arith.constant 11 : i32
        %parallel_loop3A_362 = arith.index_cast %parallel_loop3A_361 : i32 to index
        %parallel_loop3A_363 = arith.index_cast %parallel_loop3A_316 : i32 to index
        %parallel_loop3A_364 = tpu.vector_load %arg15[%parallel_loop3A_362, %parallel_loop3A_363] {strides = array<i32>} : memref<16x640xf32, #tpu.memory_space<vmem>>, vector<16xf32>,
        %parallel_loop3A_365 = arith.constant 12 : i32
        %parallel_loop3A_366 = arith.index_cast %parallel_loop3A_365 : i32 to index
        %parallel_loop3A_367 = arith.index_cast %parallel_loop3A_316 : i32 to index
        %parallel_loop3A_368 = tpu.vector_load %arg15[%parallel_loop3A_366, %parallel_loop3A_367] {strides = array<i32>} : memref<16x640xf32, #tpu.memory_space<vmem>>, vector<16xf32>,
        %parallel_loop3A_369 = arith.constant 13 : i32
        %parallel_loop3A_370 = arith.index_cast %parallel_loop3A_369 : i32 to index
        %parallel_loop3A_371 = arith.index_cast %parallel_loop3A_316 : i32 to index
        %parallel_loop3A_372 = tpu.vector_load %arg15[%parallel_loop3A_370, %parallel_loop3A_371] {strides = array<i32>} : memref<16x640xf32, #tpu.memory_space<vmem>>, vector<16xf32>,
        %parallel_loop3A_373 = arith.constant 14 : i32
        %parallel_loop3A_374 = arith.index_cast %parallel_loop3A_373 : i32 to index
        %parallel_loop3A_375 = arith.index_cast %parallel_loop3A_316 : i32 to index
        %parallel_loop3A_376 = tpu.vector_load %arg15[%parallel_loop3A_374, %parallel_loop3A_375] {strides = array<i32>} : memref<16x640xf32, #tpu.memory_space<vmem>>, vector<16xf32>,
        %parallel_loop3A_377 = arith.constant 15 : i32
        %parallel_loop3A_378 = arith.index_cast %parallel_loop3A_377 : i32 to index
        %parallel_loop3A_379 = arith.index_cast %parallel_loop3A_316 : i32 to index
        %parallel_loop3A_380 = tpu.vector_load %arg15[%parallel_loop3A_378, %parallel_loop3A_379] {strides = array<i32>} : memref<16x640xf32, #tpu.memory_space<vmem>>, vector<16xf32>,
        %parallel_loop3A_381 = arith.addf %parallel_loop3A_320, %parallel_loop3A_324 : vector<16xf32>
        %parallel_loop3A_382 = arith.addf %parallel_loop3A_328, %parallel_loop3A_332 : vector<16xf32>
        %parallel_loop3A_383 = arith.addf %parallel_loop3A_336, %parallel_loop3A_340 : vector<16xf32>
        %parallel_loop3A_384 = arith.addf %parallel_loop3A_344, %parallel_loop3A_348 : vector<16xf32>
        %parallel_loop3A_385 = arith.addf %parallel_loop3A_352, %parallel_loop3A_356 : vector<16xf32>
        %parallel_loop3A_386 = arith.addf %parallel_loop3A_360, %parallel_loop3A_364 : vector<16xf32>
        %parallel_loop3A_387 = arith.addf %parallel_loop3A_368, %parallel_loop3A_372 : vector<16xf32>
        %parallel_loop3A_388 = arith.addf %parallel_loop3A_376, %parallel_loop3A_380 : vector<16xf32>
        %parallel_loop3A_389 = arith.addf %parallel_loop3A_381, %parallel_loop3A_382 : vector<16xf32>
        %parallel_loop3A_390 = arith.addf %parallel_loop3A_383, %parallel_loop3A_384 : vector<16xf32>
        %parallel_loop3A_391 = arith.addf %parallel_loop3A_385, %parallel_loop3A_386 : vector<16xf32>
        %parallel_loop3A_392 = arith.addf %parallel_loop3A_387, %parallel_loop3A_388 : vector<16xf32>
        %parallel_loop3A_393 = arith.addf %parallel_loop3A_389, %parallel_loop3A_390 : vector<16xf32>
        %parallel_loop3A_394 = arith.addf %parallel_loop3A_391, %parallel_loop3A_392 : vector<16xf32>
        %parallel_loop3A_395 = arith.addf %parallel_loop3A_393, %parallel_loop3A_394 : vector<16xf32>
        %parallel_loop3A_396 = arith.index_cast %parallel_loop3A_316 : i32 to index
        %parallel_loop3A_397 = tpu.vector_load %arg16[%parallel_loop3A_396] {strides = array<i32>} : memref<640xf32, #tpu.memory_space<vmem>>, vector<16xf32>,
        tpu.vector_store %arg16[%parallel_loop3A_396], %parallel_loop3A_395 {strides = array<i32>} : memref<640xf32, #tpu.memory_space<vmem>>, vector<16xf32>,
      } {sc.loop_unroll_factor = 2 : i64, sc.parallel_access}
      "tpu.region"() ({
        %run_scoped3A_316 = tpu.sem_alloc : memref<!tpu.dma_semaphore, #tpu.memory_space<semaphore_mem>>
        %dma_start3A_317 = tpu.memref_slice %arg24[%mul3A_2] : memref<10240xf32, #tpu.memory_space<vmem_shared>> -> memref<640xf32, #tpu.memory_space<vmem_shared>>
        %dma_start3A_318 = tpu.memref_slice %arg24[%mul3A_2] : memref<10240xf32, #tpu.memory_space<vmem_shared>> -> memref<640xf32, #tpu.memory_space<vmem_shared>>
        tpu.enqueue_dma source(%arg16 : memref<640xf32, #tpu.memory_space<vmem>>) target(%dma_start3A_318 : memref<640xf32, #tpu.memory_space<vmem_shared>>) target_semaphore(%run_scoped3A_316 : memref<!tpu.dma_semaphore, #tpu.memory_space<semaphore_mem>>)
        %dma_wait3A_319 = tpu.memref_slice %arg24[%mul3A_2] : memref<10240xf32, #tpu.memory_space<vmem_shared>> -> memref<640xf32, #tpu.memory_space<vmem_shared>>
        %dma_wait3A_320 = tpu.memref_slice %arg24[%mul3A_2] : memref<10240xf32, #tpu.memory_space<vmem_shared>> -> memref<640xf32, #tpu.memory_space<vmem_shared>>
        tpu.wait_dma2 semaphore(%run_scoped3A_316 : memref<!tpu.dma_semaphore, #tpu.memory_space<semaphore_mem>>) src(%arg16 : memref<640xf32, #tpu.memory_space<vmem>>) dst(%dma_wait3A_320 : memref<640xf32, #tpu.memory_space<vmem_shared>>)
        tpu.yield
      }) : () -> ()
      %parallel_loop3A_312 = arith.constant 0 : i32
      %parallel_loop3A_313 = arith.constant 640 : i32
      %parallel_loop3A_314 = arith.constant 16 : i32
      scf.for %parallel_loop3A_316 = %parallel_loop3A_312 to %parallel_loop3A_313 step %parallel_loop3A_314  : i32 {
        %parallel_loop3A_317 = arith.index_cast %parallel_loop3A_316 : i32 to index
        %parallel_loop3A_318 = tpu.vector_load %arg16[%parallel_loop3A_317] {strides = array<i32>} : memref<640xf32, #tpu.memory_space<vmem>>, vector<16xf32>,
        %parallel_loop3A_319 = arith.addi %squeeze3A_273, %parallel_loop3A_316 : i32
        %parallel_loop3A_320 = arith.index_cast %parallel_loop3A_319 : i32 to index
        %parallel_loop3A_321 = tpu.vector_load %arg17[%parallel_loop3A_320] {strides = array<i32>} : memref<10240xf32, #tpu.memory_space<vmem>>, vector<16xf32>,
        %parallel_loop3A_322 = vector.broadcast %squeeze3A_281 : f32 to vector<16xf32>
        %parallel_loop3A_323 = arith.mulf %parallel_loop3A_322, %parallel_loop3A_318 : vector<16xf32>
        %parallel_loop3A_324 = arith.addf %parallel_loop3A_321, %parallel_loop3A_323 : vector<16xf32>
        %parallel_loop3A_325 = arith.addi %squeeze3A_273, %parallel_loop3A_316 : i32
        %parallel_loop3A_326 = arith.index_cast %parallel_loop3A_325 : i32 to index
        %parallel_loop3A_327 = tpu.vector_load %arg17[%parallel_loop3A_326] {strides = array<i32>} : memref<10240xf32, #tpu.memory_space<vmem>>, vector<16xf32>,
        tpu.vector_store %arg17[%parallel_loop3A_326], %parallel_loop3A_324 {strides = array<i32>} : memref<10240xf32, #tpu.memory_space<vmem>>, vector<16xf32>,
        %parallel_loop3A_328 = arith.addi %squeeze3A_277, %parallel_loop3A_316 : i32
        %parallel_loop3A_329 = arith.index_cast %parallel_loop3A_328 : i32 to index
        %parallel_loop3A_330 = tpu.vector_load %arg17[%parallel_loop3A_329] {strides = array<i32>} : memref<10240xf32, #tpu.memory_space<vmem>>, vector<16xf32>,
        %parallel_loop3A_331 = vector.broadcast %squeeze3A_285 : f32 to vector<16xf32>
        %parallel_loop3A_332 = arith.mulf %parallel_loop3A_331, %parallel_loop3A_318 : vector<16xf32>
        %parallel_loop3A_333 = arith.addf %parallel_loop3A_330, %parallel_loop3A_332 : vector<16xf32>
        %parallel_loop3A_334 = arith.addi %squeeze3A_277, %parallel_loop3A_316 : i32
        %parallel_loop3A_335 = arith.index_cast %parallel_loop3A_334 : i32 to index
        %parallel_loop3A_336 = tpu.vector_load %arg17[%parallel_loop3A_335] {strides = array<i32>} : memref<10240xf32, #tpu.memory_space<vmem>>, vector<16xf32>,
        tpu.vector_store %arg17[%parallel_loop3A_335], %parallel_loop3A_333 {strides = array<i32>} : memref<10240xf32, #tpu.memory_space<vmem>>, vector<16xf32>,
      } {sc.loop_unroll_factor = 4 : i64, sc.parallel_access}
      %barrier3A_315 = arith.constant 0 : index
      tpu.barrier barrier_id(%barrier3A_315)
      "tpu.region"() ({
        %run_scoped3A_316 = tpu.sem_alloc : memref<!tpu.dma_semaphore, #tpu.memory_space<semaphore_mem>>
        tpu.enqueue_dma source(%arg24 : memref<10240xf32, #tpu.memory_space<vmem_shared>>) target(%arg12 : memref<10240xf32, #tpu.memory_space<vmem>>) target_semaphore(%run_scoped3A_316 : memref<!tpu.dma_semaphore, #tpu.memory_space<semaphore_mem>>)
        tpu.wait_dma2 semaphore(%run_scoped3A_316 : memref<!tpu.dma_semaphore, #tpu.memory_space<semaphore_mem>>) src(%arg24 : memref<10240xf32, #tpu.memory_space<vmem_shared>>) dst(%arg12 : memref<10240xf32, #tpu.memory_space<vmem>>)
        tpu.yield
      }) : () -> ()
    }
    %scan3A_42 = arith.constant 16 : i32
    %parallel_loop3A_43 = arith.constant 0 : i32
    %parallel_loop3A_44 = arith.constant 20000 : i32
    %parallel_loop3A_45 = arith.constant 16 : i32
    scf.for %parallel_loop3A_135 = %parallel_loop3A_43 to %parallel_loop3A_44 step %parallel_loop3A_45  : i32 {
      %parallel_loop3A_136 = arith.index_cast %parallel_loop3A_135 : i32 to index
      %parallel_loop3A_137 = tpu.vector_load %arg10[%parallel_loop3A_136] {strides = array<i32>} : memref<20000xi32, #tpu.memory_space<vmem>>, vector<16xi32>,
      %parallel_loop3A_138 = arith.constant 65535 : i32
      %parallel_loop3A_139 = vector.broadcast %parallel_loop3A_138 : i32 to vector<16xi32>
      %parallel_loop3A_140 = arith.andi %parallel_loop3A_137, %parallel_loop3A_139 : vector<16xi32>
      %parallel_loop3A_141 = arith.constant 16 : i32
      %parallel_loop3A_142 = vector.broadcast %parallel_loop3A_141 : i32 to vector<16xi32>
      %parallel_loop3A_143 = arith.shrui %parallel_loop3A_137, %parallel_loop3A_142 : vector<16xi32>
      %parallel_loop3A_144 = tpu.vector_load_idx %arg12[%parallel_loop3A_140] : memref<10240xf32, #tpu.memory_space<vmem>>[vector<16xi32>], vector<16xf32>,
      %parallel_loop3A_145 = arith.index_cast %parallel_loop3A_135 : i32 to index
      %parallel_loop3A_146 = tpu.vector_load %arg11[%parallel_loop3A_145] {strides = array<i32>} : memref<20000xf32, #tpu.memory_space<vmem>>, vector<16xf32>,
      %parallel_loop3A_147 = arith.mulf %parallel_loop3A_144, %parallel_loop3A_146 : vector<16xf32>
      tpu.vector_store_idx %arg13[%parallel_loop3A_143], %parallel_loop3A_147 {add = true} : memref<10240xf32, #tpu.memory_space<vmem>>[vector<16xi32>], vector<16xf32>,
    } {sc.loop_unroll_factor = 25 : i64, sc.parallel_access}
    %dma_start3A = arith.constant 0 : i32
    %dma_start3A_46 = tpu.memref_slice %arg23[%arg1, %dma_start3A] : memref<16x10240xf32, #tpu.memory_space<vmem_shared>> -> memref<1x10240xf32, #tpu.memory_space<vmem_shared>>
    %dma_start3A_47 = tpu.memref_squeeze %dma_start3A_46 : memref<1x10240xf32, #tpu.memory_space<vmem_shared>> -> memref<10240xf32, #tpu.memory_space<vmem_shared>>
    %dma_start3A_48 = arith.constant 0 : i32
    %dma_start3A_49 = tpu.memref_slice %arg23[%arg1, %dma_start3A_48] : memref<16x10240xf32, #tpu.memory_space<vmem_shared>> -> memref<1x10240xf32, #tpu.memory_space<vmem_shared>>
    %dma_start3A_50 = tpu.memref_squeeze %dma_start3A_49 : memref<1x10240xf32, #tpu.memory_space<vmem_shared>> -> memref<10240xf32, #tpu.memory_space<vmem_shared>>
    tpu.enqueue_dma source(%arg13 : memref<10240xf32, #tpu.memory_space<vmem>>) target(%dma_start3A_50 : memref<10240xf32, #tpu.memory_space<vmem_shared>>) target_semaphore(%arg22 : memref<!tpu.dma_semaphore, #tpu.memory_space<semaphore_mem>>)
    %dma_wait3A = arith.constant 0 : i32
    %dma_wait3A_51 = tpu.memref_slice %arg23[%arg1, %dma_wait3A] : memref<16x10240xf32, #tpu.memory_space<vmem_shared>> -> memref<1x10240xf32, #tpu.memory_space<vmem_shared>>
    %dma_wait3A_52 = tpu.memref_squeeze %dma_wait3A_51 : memref<1x10240xf32, #tpu.memory_space<vmem_shared>> -> memref<10240xf32, #tpu.memory_space<vmem_shared>>
    %dma_wait3A_53 = arith.constant 0 : i32
    %dma_wait3A_54 = tpu.memref_slice %arg23[%arg1, %dma_wait3A_53] : memref<16x10240xf32, #tpu.memory_space<vmem_shared>> -> memref<1x10240xf32, #tpu.memory_space<vmem_shared>>
    %dma_wait3A_55 = tpu.memref_squeeze %dma_wait3A_54 : memref<1x10240xf32, #tpu.memory_space<vmem_shared>> -> memref<10240xf32, #tpu.memory_space<vmem_shared>>
    tpu.wait_dma2 semaphore(%arg22 : memref<!tpu.dma_semaphore, #tpu.memory_space<semaphore_mem>>) src(%arg13 : memref<10240xf32, #tpu.memory_space<vmem>>) dst(%dma_wait3A_55 : memref<10240xf32, #tpu.memory_space<vmem_shared>>)
    %barrier3A = arith.constant 0 : index
    tpu.barrier barrier_id(%barrier3A)
    %dma_start3A_56 = arith.constant 0 : i32
    %dma_start3A_57 = arith.constant 0 : i32
    %dma_start3A_58 = tpu.memref_slice %arg15[%dma_start3A_56, %dma_start3A_57] : memref<16x640xf32, #tpu.memory_space<vmem>> -> memref<16x384xf32, #tpu.memory_space<vmem>>
    %dma_start3A_59 = arith.constant 0 : i32
    %dma_start3A_60 = tpu.memref_slice %arg23[%dma_start3A_59, %mul3A_2] : memref<16x10240xf32, #tpu.memory_space<vmem_shared>> -> memref<16x384xf32, #tpu.memory_space<vmem_shared>>
    %dma_start3A_61 = arith.constant 0 : i32
    %dma_start3A_62 = arith.constant 0 : i32
    %dma_start3A_63 = tpu.memref_slice %arg15[%dma_start3A_61, %dma_start3A_62] : memref<16x640xf32, #tpu.memory_space<vmem>> -> memref<16x384xf32, #tpu.memory_space<vmem>>
    %dma_start3A_64 = arith.constant 0 : i32
    %dma_start3A_65 = tpu.memref_slice %arg23[%dma_start3A_64, %mul3A_2] : memref<16x10240xf32, #tpu.memory_space<vmem_shared>> -> memref<16x384xf32, #tpu.memory_space<vmem_shared>>
    tpu.enqueue_dma source(%dma_start3A_65 : memref<16x384xf32, #tpu.memory_space<vmem_shared>>) target(%dma_start3A_63 : memref<16x384xf32, #tpu.memory_space<vmem>>) target_semaphore(%arg22 : memref<!tpu.dma_semaphore, #tpu.memory_space<semaphore_mem>>)
    %add3A = arith.constant 384 : i32
    %add3A_66 = arith.addi %mul3A_2, %add3A : i32
    %dma_start3A_67 = arith.constant 0 : i32
    %dma_start3A_68 = arith.constant 384 : i32
    %dma_start3A_69 = tpu.memref_slice %arg15[%dma_start3A_67, %dma_start3A_68] : memref<16x640xf32, #tpu.memory_space<vmem>> -> memref<16x256xf32, #tpu.memory_space<vmem>>
    %dma_start3A_70 = arith.constant 0 : i32
    %dma_start3A_71 = tpu.memref_slice %arg23[%dma_start3A_70, %add3A_66] : memref<16x10240xf32, #tpu.memory_space<vmem_shared>> -> memref<16x256xf32, #tpu.memory_space<vmem_shared>>
    %dma_start3A_72 = arith.constant 0 : i32
    %dma_start3A_73 = arith.constant 384 : i32
    %dma_start3A_74 = tpu.memref_slice %arg15[%dma_start3A_72, %dma_start3A_73] : memref<16x640xf32, #tpu.memory_space<vmem>> -> memref<16x256xf32, #tpu.memory_space<vmem>>
    %dma_start3A_75 = arith.constant 0 : i32
    %dma_start3A_76 = tpu.memref_slice %arg23[%dma_start3A_75, %add3A_66] : memref<16x10240xf32, #tpu.memory_space<vmem_shared>> -> memref<16x256xf32, #tpu.memory_space<vmem_shared>>
    tpu.enqueue_dma source(%dma_start3A_76 : memref<16x256xf32, #tpu.memory_space<vmem_shared>>) target(%dma_start3A_74 : memref<16x256xf32, #tpu.memory_space<vmem>>) target_semaphore(%arg22 : memref<!tpu.dma_semaphore, #tpu.memory_space<semaphore_mem>>)
    %get3A = arith.constant 32 : index
    %get3A_77 = tpu.vector_load %arg18[%get3A] {strides = array<i32>} : memref<64xi32, #tpu.memory_space<vmem>>, vector<16xi32>,
    %slice3A = vector.extract_strided_slice %get3A_77 {offsets = [0], sizes = [1], strides = [1]} : vector<16xi32> to vector<1xi32>
    %squeeze3A = vector.extract %slice3A[0] : i32 from vector<1xi32>
    %get3A_78 = arith.constant 32 : index
    %get3A_79 = tpu.vector_load %arg19[%get3A_78] {strides = array<i32>} : memref<64xi32, #tpu.memory_space<vmem>>, vector<16xi32>,
    %slice3A_80 = vector.extract_strided_slice %get3A_79 {offsets = [0], sizes = [1], strides = [1]} : vector<16xi32> to vector<1xi32>
    %squeeze3A_81 = vector.extract %slice3A_80[0] : i32 from vector<1xi32>
    %get3A_82 = arith.constant 32 : index
    %get3A_83 = tpu.vector_load %arg20[%get3A_82] {strides = array<i32>} : memref<64xf32, #tpu.memory_space<vmem>>, vector<16xf32>,
    %slice3A_84 = vector.extract_strided_slice %get3A_83 {offsets = [0], sizes = [1], strides = [1]} : vector<16xf32> to vector<1xf32>
    %squeeze3A_85 = vector.extract %slice3A_84[0] : f32 from vector<1xf32>
    %get3A_86 = arith.constant 32 : index
    %get3A_87 = tpu.vector_load %arg21[%get3A_86] {strides = array<i32>} : memref<64xf32, #tpu.memory_space<vmem>>, vector<16xf32>,
    %slice3A_88 = vector.extract_strided_slice %get3A_87 {offsets = [0], sizes = [1], strides = [1]} : vector<16xf32> to vector<1xf32>
    %squeeze3A_89 = vector.extract %slice3A_88[0] : f32 from vector<1xf32>
    %dma_wait3A_90 = arith.constant 0 : i32
    %dma_wait3A_91 = arith.constant 0 : i32
    %dma_wait3A_92 = tpu.memref_slice %arg15[%dma_wait3A_90, %dma_wait3A_91] : memref<16x640xf32, #tpu.memory_space<vmem>> -> memref<16x384xf32, #tpu.memory_space<vmem>>
    %dma_wait3A_93 = arith.constant 0 : i32
    %dma_wait3A_94 = tpu.memref_slice %arg23[%dma_wait3A_93, %mul3A_2] : memref<16x10240xf32, #tpu.memory_space<vmem_shared>> -> memref<16x384xf32, #tpu.memory_space<vmem_shared>>
    %dma_wait3A_95 = arith.constant 0 : i32
    %dma_wait3A_96 = arith.constant 0 : i32
    %dma_wait3A_97 = tpu.memref_slice %arg15[%dma_wait3A_95, %dma_wait3A_96] : memref<16x640xf32, #tpu.memory_space<vmem>> -> memref<16x384xf32, #tpu.memory_space<vmem>>
    %dma_wait3A_98 = arith.constant 0 : i32
    %dma_wait3A_99 = tpu.memref_slice %arg23[%dma_wait3A_98, %mul3A_2] : memref<16x10240xf32, #tpu.memory_space<vmem_shared>> -> memref<16x384xf32, #tpu.memory_space<vmem_shared>>
    tpu.wait_dma2 semaphore(%arg22 : memref<!tpu.dma_semaphore, #tpu.memory_space<semaphore_mem>>) src(%dma_wait3A_99 : memref<16x384xf32, #tpu.memory_space<vmem_shared>>) dst(%dma_wait3A_97 : memref<16x384xf32, #tpu.memory_space<vmem>>)
    %parallel_loop3A_100 = arith.constant 0 : i32
    %parallel_loop3A_101 = arith.constant 384 : i32
    %parallel_loop3A_102 = arith.constant 16 : i32
    scf.for %parallel_loop3A_135 = %parallel_loop3A_100 to %parallel_loop3A_101 step %parallel_loop3A_102  : i32 {
      %parallel_loop3A_136 = arith.constant 0 : i32
      %parallel_loop3A_137 = arith.index_cast %parallel_loop3A_136 : i32 to index
      %parallel_loop3A_138 = arith.index_cast %parallel_loop3A_135 : i32 to index
      %parallel_loop3A_139 = tpu.vector_load %arg15[%parallel_loop3A_137, %parallel_loop3A_138] {strides = array<i32>} : memref<16x640xf32, #tpu.memory_space<vmem>>, vector<16xf32>,
      %parallel_loop3A_140 = arith.constant 1 : i32
      %parallel_loop3A_141 = arith.index_cast %parallel_loop3A_140 : i32 to index
      %parallel_loop3A_142 = arith.index_cast %parallel_loop3A_135 : i32 to index
      %parallel_loop3A_143 = tpu.vector_load %arg15[%parallel_loop3A_141, %parallel_loop3A_142] {strides = array<i32>} : memref<16x640xf32, #tpu.memory_space<vmem>>, vector<16xf32>,
      %parallel_loop3A_144 = arith.constant 2 : i32
      %parallel_loop3A_145 = arith.index_cast %parallel_loop3A_144 : i32 to index
      %parallel_loop3A_146 = arith.index_cast %parallel_loop3A_135 : i32 to index
      %parallel_loop3A_147 = tpu.vector_load %arg15[%parallel_loop3A_145, %parallel_loop3A_146] {strides = array<i32>} : memref<16x640xf32, #tpu.memory_space<vmem>>, vector<16xf32>,
      %parallel_loop3A_148 = arith.constant 3 : i32
      %parallel_loop3A_149 = arith.index_cast %parallel_loop3A_148 : i32 to index
      %parallel_loop3A_150 = arith.index_cast %parallel_loop3A_135 : i32 to index
      %parallel_loop3A_151 = tpu.vector_load %arg15[%parallel_loop3A_149, %parallel_loop3A_150] {strides = array<i32>} : memref<16x640xf32, #tpu.memory_space<vmem>>, vector<16xf32>,
      %parallel_loop3A_152 = arith.constant 4 : i32
      %parallel_loop3A_153 = arith.index_cast %parallel_loop3A_152 : i32 to index
      %parallel_loop3A_154 = arith.index_cast %parallel_loop3A_135 : i32 to index
      %parallel_loop3A_155 = tpu.vector_load %arg15[%parallel_loop3A_153, %parallel_loop3A_154] {strides = array<i32>} : memref<16x640xf32, #tpu.memory_space<vmem>>, vector<16xf32>,
      %parallel_loop3A_156 = arith.constant 5 : i32
      %parallel_loop3A_157 = arith.index_cast %parallel_loop3A_156 : i32 to index
      %parallel_loop3A_158 = arith.index_cast %parallel_loop3A_135 : i32 to index
      %parallel_loop3A_159 = tpu.vector_load %arg15[%parallel_loop3A_157, %parallel_loop3A_158] {strides = array<i32>} : memref<16x640xf32, #tpu.memory_space<vmem>>, vector<16xf32>,
      %parallel_loop3A_160 = arith.constant 6 : i32
      %parallel_loop3A_161 = arith.index_cast %parallel_loop3A_160 : i32 to index
      %parallel_loop3A_162 = arith.index_cast %parallel_loop3A_135 : i32 to index
      %parallel_loop3A_163 = tpu.vector_load %arg15[%parallel_loop3A_161, %parallel_loop3A_162] {strides = array<i32>} : memref<16x640xf32, #tpu.memory_space<vmem>>, vector<16xf32>,
      %parallel_loop3A_164 = arith.constant 7 : i32
      %parallel_loop3A_165 = arith.index_cast %parallel_loop3A_164 : i32 to index
      %parallel_loop3A_166 = arith.index_cast %parallel_loop3A_135 : i32 to index
      %parallel_loop3A_167 = tpu.vector_load %arg15[%parallel_loop3A_165, %parallel_loop3A_166] {strides = array<i32>} : memref<16x640xf32, #tpu.memory_space<vmem>>, vector<16xf32>,
      %parallel_loop3A_168 = arith.constant 8 : i32
      %parallel_loop3A_169 = arith.index_cast %parallel_loop3A_168 : i32 to index
      %parallel_loop3A_170 = arith.index_cast %parallel_loop3A_135 : i32 to index
      %parallel_loop3A_171 = tpu.vector_load %arg15[%parallel_loop3A_169, %parallel_loop3A_170] {strides = array<i32>} : memref<16x640xf32, #tpu.memory_space<vmem>>, vector<16xf32>,
      %parallel_loop3A_172 = arith.constant 9 : i32
      %parallel_loop3A_173 = arith.index_cast %parallel_loop3A_172 : i32 to index
      %parallel_loop3A_174 = arith.index_cast %parallel_loop3A_135 : i32 to index
      %parallel_loop3A_175 = tpu.vector_load %arg15[%parallel_loop3A_173, %parallel_loop3A_174] {strides = array<i32>} : memref<16x640xf32, #tpu.memory_space<vmem>>, vector<16xf32>,
      %parallel_loop3A_176 = arith.constant 10 : i32
      %parallel_loop3A_177 = arith.index_cast %parallel_loop3A_176 : i32 to index
      %parallel_loop3A_178 = arith.index_cast %parallel_loop3A_135 : i32 to index
      %parallel_loop3A_179 = tpu.vector_load %arg15[%parallel_loop3A_177, %parallel_loop3A_178] {strides = array<i32>} : memref<16x640xf32, #tpu.memory_space<vmem>>, vector<16xf32>,
      %parallel_loop3A_180 = arith.constant 11 : i32
      %parallel_loop3A_181 = arith.index_cast %parallel_loop3A_180 : i32 to index
      %parallel_loop3A_182 = arith.index_cast %parallel_loop3A_135 : i32 to index
      %parallel_loop3A_183 = tpu.vector_load %arg15[%parallel_loop3A_181, %parallel_loop3A_182] {strides = array<i32>} : memref<16x640xf32, #tpu.memory_space<vmem>>, vector<16xf32>,
      %parallel_loop3A_184 = arith.constant 12 : i32
      %parallel_loop3A_185 = arith.index_cast %parallel_loop3A_184 : i32 to index
      %parallel_loop3A_186 = arith.index_cast %parallel_loop3A_135 : i32 to index
      %parallel_loop3A_187 = tpu.vector_load %arg15[%parallel_loop3A_185, %parallel_loop3A_186] {strides = array<i32>} : memref<16x640xf32, #tpu.memory_space<vmem>>, vector<16xf32>,
      %parallel_loop3A_188 = arith.constant 13 : i32
      %parallel_loop3A_189 = arith.index_cast %parallel_loop3A_188 : i32 to index
      %parallel_loop3A_190 = arith.index_cast %parallel_loop3A_135 : i32 to index
      %parallel_loop3A_191 = tpu.vector_load %arg15[%parallel_loop3A_189, %parallel_loop3A_190] {strides = array<i32>} : memref<16x640xf32, #tpu.memory_space<vmem>>, vector<16xf32>,
      %parallel_loop3A_192 = arith.constant 14 : i32
      %parallel_loop3A_193 = arith.index_cast %parallel_loop3A_192 : i32 to index
      %parallel_loop3A_194 = arith.index_cast %parallel_loop3A_135 : i32 to index
      %parallel_loop3A_195 = tpu.vector_load %arg15[%parallel_loop3A_193, %parallel_loop3A_194] {strides = array<i32>} : memref<16x640xf32, #tpu.memory_space<vmem>>, vector<16xf32>,
      %parallel_loop3A_196 = arith.constant 15 : i32
      %parallel_loop3A_197 = arith.index_cast %parallel_loop3A_196 : i32 to index
      %parallel_loop3A_198 = arith.index_cast %parallel_loop3A_135 : i32 to index
      %parallel_loop3A_199 = tpu.vector_load %arg15[%parallel_loop3A_197, %parallel_loop3A_198] {strides = array<i32>} : memref<16x640xf32, #tpu.memory_space<vmem>>, vector<16xf32>,
      %parallel_loop3A_200 = arith.addf %parallel_loop3A_139, %parallel_loop3A_143 : vector<16xf32>
      %parallel_loop3A_201 = arith.addf %parallel_loop3A_147, %parallel_loop3A_151 : vector<16xf32>
      %parallel_loop3A_202 = arith.addf %parallel_loop3A_155, %parallel_loop3A_159 : vector<16xf32>
      %parallel_loop3A_203 = arith.addf %parallel_loop3A_163, %parallel_loop3A_167 : vector<16xf32>
      %parallel_loop3A_204 = arith.addf %parallel_loop3A_171, %parallel_loop3A_175 : vector<16xf32>
      %parallel_loop3A_205 = arith.addf %parallel_loop3A_179, %parallel_loop3A_183 : vector<16xf32>
      %parallel_loop3A_206 = arith.addf %parallel_loop3A_187, %parallel_loop3A_191 : vector<16xf32>
      %parallel_loop3A_207 = arith.addf %parallel_loop3A_195, %parallel_loop3A_199 : vector<16xf32>
      %parallel_loop3A_208 = arith.addf %parallel_loop3A_200, %parallel_loop3A_201 : vector<16xf32>
      %parallel_loop3A_209 = arith.addf %parallel_loop3A_202, %parallel_loop3A_203 : vector<16xf32>
      %parallel_loop3A_210 = arith.addf %parallel_loop3A_204, %parallel_loop3A_205 : vector<16xf32>
      %parallel_loop3A_211 = arith.addf %parallel_loop3A_206, %parallel_loop3A_207 : vector<16xf32>
      %parallel_loop3A_212 = arith.addf %parallel_loop3A_208, %parallel_loop3A_209 : vector<16xf32>
      %parallel_loop3A_213 = arith.addf %parallel_loop3A_210, %parallel_loop3A_211 : vector<16xf32>
      %parallel_loop3A_214 = arith.addf %parallel_loop3A_212, %parallel_loop3A_213 : vector<16xf32>
      %parallel_loop3A_215 = arith.index_cast %parallel_loop3A_135 : i32 to index
      %parallel_loop3A_216 = tpu.vector_load %arg16[%parallel_loop3A_215] {strides = array<i32>} : memref<640xf32, #tpu.memory_space<vmem>>, vector<16xf32>,
      tpu.vector_store %arg16[%parallel_loop3A_215], %parallel_loop3A_214 {strides = array<i32>} : memref<640xf32, #tpu.memory_space<vmem>>, vector<16xf32>,
    } {sc.loop_unroll_factor = 2 : i64, sc.parallel_access}
    %dma_wait3A_103 = arith.constant 0 : i32
    %dma_wait3A_104 = arith.constant 384 : i32
    %dma_wait3A_105 = tpu.memref_slice %arg15[%dma_wait3A_103, %dma_wait3A_104] : memref<16x640xf32, #tpu.memory_space<vmem>> -> memref<16x256xf32, #tpu.memory_space<vmem>>
    %dma_wait3A_106 = arith.constant 0 : i32
    %dma_wait3A_107 = tpu.memref_slice %arg23[%dma_wait3A_106, %add3A_66] : memref<16x10240xf32, #tpu.memory_space<vmem_shared>> -> memref<16x256xf32, #tpu.memory_space<vmem_shared>>
    %dma_wait3A_108 = arith.constant 0 : i32
    %dma_wait3A_109 = arith.constant 384 : i32
    %dma_wait3A_110 = tpu.memref_slice %arg15[%dma_wait3A_108, %dma_wait3A_109] : memref<16x640xf32, #tpu.memory_space<vmem>> -> memref<16x256xf32, #tpu.memory_space<vmem>>
    %dma_wait3A_111 = arith.constant 0 : i32
    %dma_wait3A_112 = tpu.memref_slice %arg23[%dma_wait3A_111, %add3A_66] : memref<16x10240xf32, #tpu.memory_space<vmem_shared>> -> memref<16x256xf32, #tpu.memory_space<vmem_shared>>
    tpu.wait_dma2 semaphore(%arg22 : memref<!tpu.dma_semaphore, #tpu.memory_space<semaphore_mem>>) src(%dma_wait3A_112 : memref<16x256xf32, #tpu.memory_space<vmem_shared>>) dst(%dma_wait3A_110 : memref<16x256xf32, #tpu.memory_space<vmem>>)
    %parallel_loop3A_113 = arith.constant 384 : i32
    %parallel_loop3A_114 = arith.constant 640 : i32
    %parallel_loop3A_115 = arith.constant 16 : i32
    scf.for %parallel_loop3A_135 = %parallel_loop3A_113 to %parallel_loop3A_114 step %parallel_loop3A_115  : i32 {
      %parallel_loop3A_136 = arith.constant 0 : i32
      %parallel_loop3A_137 = arith.index_cast %parallel_loop3A_136 : i32 to index
      %parallel_loop3A_138 = arith.index_cast %parallel_loop3A_135 : i32 to index
      %parallel_loop3A_139 = tpu.vector_load %arg15[%parallel_loop3A_137, %parallel_loop3A_138] {strides = array<i32>} : memref<16x640xf32, #tpu.memory_space<vmem>>, vector<16xf32>,
      %parallel_loop3A_140 = arith.constant 1 : i32
      %parallel_loop3A_141 = arith.index_cast %parallel_loop3A_140 : i32 to index
      %parallel_loop3A_142 = arith.index_cast %parallel_loop3A_135 : i32 to index
      %parallel_loop3A_143 = tpu.vector_load %arg15[%parallel_loop3A_141, %parallel_loop3A_142] {strides = array<i32>} : memref<16x640xf32, #tpu.memory_space<vmem>>, vector<16xf32>,
      %parallel_loop3A_144 = arith.constant 2 : i32
      %parallel_loop3A_145 = arith.index_cast %parallel_loop3A_144 : i32 to index
      %parallel_loop3A_146 = arith.index_cast %parallel_loop3A_135 : i32 to index
      %parallel_loop3A_147 = tpu.vector_load %arg15[%parallel_loop3A_145, %parallel_loop3A_146] {strides = array<i32>} : memref<16x640xf32, #tpu.memory_space<vmem>>, vector<16xf32>,
      %parallel_loop3A_148 = arith.constant 3 : i32
      %parallel_loop3A_149 = arith.index_cast %parallel_loop3A_148 : i32 to index
      %parallel_loop3A_150 = arith.index_cast %parallel_loop3A_135 : i32 to index
      %parallel_loop3A_151 = tpu.vector_load %arg15[%parallel_loop3A_149, %parallel_loop3A_150] {strides = array<i32>} : memref<16x640xf32, #tpu.memory_space<vmem>>, vector<16xf32>,
      %parallel_loop3A_152 = arith.constant 4 : i32
      %parallel_loop3A_153 = arith.index_cast %parallel_loop3A_152 : i32 to index
      %parallel_loop3A_154 = arith.index_cast %parallel_loop3A_135 : i32 to index
      %parallel_loop3A_155 = tpu.vector_load %arg15[%parallel_loop3A_153, %parallel_loop3A_154] {strides = array<i32>} : memref<16x640xf32, #tpu.memory_space<vmem>>, vector<16xf32>,
      %parallel_loop3A_156 = arith.constant 5 : i32
      %parallel_loop3A_157 = arith.index_cast %parallel_loop3A_156 : i32 to index
      %parallel_loop3A_158 = arith.index_cast %parallel_loop3A_135 : i32 to index
      %parallel_loop3A_159 = tpu.vector_load %arg15[%parallel_loop3A_157, %parallel_loop3A_158] {strides = array<i32>} : memref<16x640xf32, #tpu.memory_space<vmem>>, vector<16xf32>,
      %parallel_loop3A_160 = arith.constant 6 : i32
      %parallel_loop3A_161 = arith.index_cast %parallel_loop3A_160 : i32 to index
      %parallel_loop3A_162 = arith.index_cast %parallel_loop3A_135 : i32 to index
      %parallel_loop3A_163 = tpu.vector_load %arg15[%parallel_loop3A_161, %parallel_loop3A_162] {strides = array<i32>} : memref<16x640xf32, #tpu.memory_space<vmem>>, vector<16xf32>,
      %parallel_loop3A_164 = arith.constant 7 : i32
      %parallel_loop3A_165 = arith.index_cast %parallel_loop3A_164 : i32 to index
      %parallel_loop3A_166 = arith.index_cast %parallel_loop3A_135 : i32 to index
      %parallel_loop3A_167 = tpu.vector_load %arg15[%parallel_loop3A_165, %parallel_loop3A_166] {strides = array<i32>} : memref<16x640xf32, #tpu.memory_space<vmem>>, vector<16xf32>,
      %parallel_loop3A_168 = arith.constant 8 : i32
      %parallel_loop3A_169 = arith.index_cast %parallel_loop3A_168 : i32 to index
      %parallel_loop3A_170 = arith.index_cast %parallel_loop3A_135 : i32 to index
      %parallel_loop3A_171 = tpu.vector_load %arg15[%parallel_loop3A_169, %parallel_loop3A_170] {strides = array<i32>} : memref<16x640xf32, #tpu.memory_space<vmem>>, vector<16xf32>,
      %parallel_loop3A_172 = arith.constant 9 : i32
      %parallel_loop3A_173 = arith.index_cast %parallel_loop3A_172 : i32 to index
      %parallel_loop3A_174 = arith.index_cast %parallel_loop3A_135 : i32 to index
      %parallel_loop3A_175 = tpu.vector_load %arg15[%parallel_loop3A_173, %parallel_loop3A_174] {strides = array<i32>} : memref<16x640xf32, #tpu.memory_space<vmem>>, vector<16xf32>,
      %parallel_loop3A_176 = arith.constant 10 : i32
      %parallel_loop3A_177 = arith.index_cast %parallel_loop3A_176 : i32 to index
      %parallel_loop3A_178 = arith.index_cast %parallel_loop3A_135 : i32 to index
      %parallel_loop3A_179 = tpu.vector_load %arg15[%parallel_loop3A_177, %parallel_loop3A_178] {strides = array<i32>} : memref<16x640xf32, #tpu.memory_space<vmem>>, vector<16xf32>,
      %parallel_loop3A_180 = arith.constant 11 : i32
      %parallel_loop3A_181 = arith.index_cast %parallel_loop3A_180 : i32 to index
      %parallel_loop3A_182 = arith.index_cast %parallel_loop3A_135 : i32 to index
      %parallel_loop3A_183 = tpu.vector_load %arg15[%parallel_loop3A_181, %parallel_loop3A_182] {strides = array<i32>} : memref<16x640xf32, #tpu.memory_space<vmem>>, vector<16xf32>,
      %parallel_loop3A_184 = arith.constant 12 : i32
      %parallel_loop3A_185 = arith.index_cast %parallel_loop3A_184 : i32 to index
      %parallel_loop3A_186 = arith.index_cast %parallel_loop3A_135 : i32 to index
      %parallel_loop3A_187 = tpu.vector_load %arg15[%parallel_loop3A_185, %parallel_loop3A_186] {strides = array<i32>} : memref<16x640xf32, #tpu.memory_space<vmem>>, vector<16xf32>,
      %parallel_loop3A_188 = arith.constant 13 : i32
      %parallel_loop3A_189 = arith.index_cast %parallel_loop3A_188 : i32 to index
      %parallel_loop3A_190 = arith.index_cast %parallel_loop3A_135 : i32 to index
      %parallel_loop3A_191 = tpu.vector_load %arg15[%parallel_loop3A_189, %parallel_loop3A_190] {strides = array<i32>} : memref<16x640xf32, #tpu.memory_space<vmem>>, vector<16xf32>,
      %parallel_loop3A_192 = arith.constant 14 : i32
      %parallel_loop3A_193 = arith.index_cast %parallel_loop3A_192 : i32 to index
      %parallel_loop3A_194 = arith.index_cast %parallel_loop3A_135 : i32 to index
      %parallel_loop3A_195 = tpu.vector_load %arg15[%parallel_loop3A_193, %parallel_loop3A_194] {strides = array<i32>} : memref<16x640xf32, #tpu.memory_space<vmem>>, vector<16xf32>,
      %parallel_loop3A_196 = arith.constant 15 : i32
      %parallel_loop3A_197 = arith.index_cast %parallel_loop3A_196 : i32 to index
      %parallel_loop3A_198 = arith.index_cast %parallel_loop3A_135 : i32 to index
      %parallel_loop3A_199 = tpu.vector_load %arg15[%parallel_loop3A_197, %parallel_loop3A_198] {strides = array<i32>} : memref<16x640xf32, #tpu.memory_space<vmem>>, vector<16xf32>,
      %parallel_loop3A_200 = arith.addf %parallel_loop3A_139, %parallel_loop3A_143 : vector<16xf32>
      %parallel_loop3A_201 = arith.addf %parallel_loop3A_147, %parallel_loop3A_151 : vector<16xf32>
      %parallel_loop3A_202 = arith.addf %parallel_loop3A_155, %parallel_loop3A_159 : vector<16xf32>
      %parallel_loop3A_203 = arith.addf %parallel_loop3A_163, %parallel_loop3A_167 : vector<16xf32>
      %parallel_loop3A_204 = arith.addf %parallel_loop3A_171, %parallel_loop3A_175 : vector<16xf32>
      %parallel_loop3A_205 = arith.addf %parallel_loop3A_179, %parallel_loop3A_183 : vector<16xf32>
      %parallel_loop3A_206 = arith.addf %parallel_loop3A_187, %parallel_loop3A_191 : vector<16xf32>
      %parallel_loop3A_207 = arith.addf %parallel_loop3A_195, %parallel_loop3A_199 : vector<16xf32>
      %parallel_loop3A_208 = arith.addf %parallel_loop3A_200, %parallel_loop3A_201 : vector<16xf32>
      %parallel_loop3A_209 = arith.addf %parallel_loop3A_202, %parallel_loop3A_203 : vector<16xf32>
      %parallel_loop3A_210 = arith.addf %parallel_loop3A_204, %parallel_loop3A_205 : vector<16xf32>
      %parallel_loop3A_211 = arith.addf %parallel_loop3A_206, %parallel_loop3A_207 : vector<16xf32>
      %parallel_loop3A_212 = arith.addf %parallel_loop3A_208, %parallel_loop3A_209 : vector<16xf32>
      %parallel_loop3A_213 = arith.addf %parallel_loop3A_210, %parallel_loop3A_211 : vector<16xf32>
      %parallel_loop3A_214 = arith.addf %parallel_loop3A_212, %parallel_loop3A_213 : vector<16xf32>
      %parallel_loop3A_215 = arith.index_cast %parallel_loop3A_135 : i32 to index
      %parallel_loop3A_216 = tpu.vector_load %arg16[%parallel_loop3A_215] {strides = array<i32>} : memref<640xf32, #tpu.memory_space<vmem>>, vector<16xf32>,
      tpu.vector_store %arg16[%parallel_loop3A_215], %parallel_loop3A_214 {strides = array<i32>} : memref<640xf32, #tpu.memory_space<vmem>>, vector<16xf32>,
    } {sc.loop_unroll_factor = 2 : i64, sc.parallel_access}
    "tpu.region"() ({
      %run_scoped3A_135 = tpu.sem_alloc : memref<!tpu.dma_semaphore, #tpu.memory_space<semaphore_mem>>
      %dma_start3A_136 = tpu.memref_slice %arg24[%mul3A_2] : memref<10240xf32, #tpu.memory_space<vmem_shared>> -> memref<640xf32, #tpu.memory_space<vmem_shared>>
      %dma_start3A_137 = tpu.memref_slice %arg24[%mul3A_2] : memref<10240xf32, #tpu.memory_space<vmem_shared>> -> memref<640xf32, #tpu.memory_space<vmem_shared>>
      tpu.enqueue_dma source(%arg16 : memref<640xf32, #tpu.memory_space<vmem>>) target(%dma_start3A_137 : memref<640xf32, #tpu.memory_space<vmem_shared>>) target_semaphore(%run_scoped3A_135 : memref<!tpu.dma_semaphore, #tpu.memory_space<semaphore_mem>>)
      %dma_wait3A_138 = tpu.memref_slice %arg24[%mul3A_2] : memref<10240xf32, #tpu.memory_space<vmem_shared>> -> memref<640xf32, #tpu.memory_space<vmem_shared>>
      %dma_wait3A_139 = tpu.memref_slice %arg24[%mul3A_2] : memref<10240xf32, #tpu.memory_space<vmem_shared>> -> memref<640xf32, #tpu.memory_space<vmem_shared>>
      tpu.wait_dma2 semaphore(%run_scoped3A_135 : memref<!tpu.dma_semaphore, #tpu.memory_space<semaphore_mem>>) src(%arg16 : memref<640xf32, #tpu.memory_space<vmem>>) dst(%dma_wait3A_139 : memref<640xf32, #tpu.memory_space<vmem_shared>>)
      tpu.yield
    }) : () -> ()
    %parallel_loop3A_116 = arith.constant 0 : i32
    %parallel_loop3A_117 = arith.constant 640 : i32
    %parallel_loop3A_118 = arith.constant 16 : i32
    scf.for %parallel_loop3A_135 = %parallel_loop3A_116 to %parallel_loop3A_117 step %parallel_loop3A_118  : i32 {
      %parallel_loop3A_136 = arith.index_cast %parallel_loop3A_135 : i32 to index
      %parallel_loop3A_137 = tpu.vector_load %arg16[%parallel_loop3A_136] {strides = array<i32>} : memref<640xf32, #tpu.memory_space<vmem>>, vector<16xf32>,
      %parallel_loop3A_138 = arith.addi %squeeze3A, %parallel_loop3A_135 : i32
      %parallel_loop3A_139 = arith.index_cast %parallel_loop3A_138 : i32 to index
      %parallel_loop3A_140 = tpu.vector_load %arg17[%parallel_loop3A_139] {strides = array<i32>} : memref<10240xf32, #tpu.memory_space<vmem>>, vector<16xf32>,
      %parallel_loop3A_141 = vector.broadcast %squeeze3A_85 : f32 to vector<16xf32>
      %parallel_loop3A_142 = arith.mulf %parallel_loop3A_141, %parallel_loop3A_137 : vector<16xf32>
      %parallel_loop3A_143 = arith.addf %parallel_loop3A_140, %parallel_loop3A_142 : vector<16xf32>
      %parallel_loop3A_144 = arith.addi %squeeze3A, %parallel_loop3A_135 : i32
      %parallel_loop3A_145 = arith.index_cast %parallel_loop3A_144 : i32 to index
      %parallel_loop3A_146 = tpu.vector_load %arg17[%parallel_loop3A_145] {strides = array<i32>} : memref<10240xf32, #tpu.memory_space<vmem>>, vector<16xf32>,
      tpu.vector_store %arg17[%parallel_loop3A_145], %parallel_loop3A_143 {strides = array<i32>} : memref<10240xf32, #tpu.memory_space<vmem>>, vector<16xf32>,
      %parallel_loop3A_147 = arith.addi %squeeze3A_81, %parallel_loop3A_135 : i32
      %parallel_loop3A_148 = arith.index_cast %parallel_loop3A_147 : i32 to index
      %parallel_loop3A_149 = tpu.vector_load %arg17[%parallel_loop3A_148] {strides = array<i32>} : memref<10240xf32, #tpu.memory_space<vmem>>, vector<16xf32>,
      %parallel_loop3A_150 = vector.broadcast %squeeze3A_89 : f32 to vector<16xf32>
      %parallel_loop3A_151 = arith.mulf %parallel_loop3A_150, %parallel_loop3A_137 : vector<16xf32>
      %parallel_loop3A_152 = arith.addf %parallel_loop3A_149, %parallel_loop3A_151 : vector<16xf32>
      %parallel_loop3A_153 = arith.addi %squeeze3A_81, %parallel_loop3A_135 : i32
      %parallel_loop3A_154 = arith.index_cast %parallel_loop3A_153 : i32 to index
      %parallel_loop3A_155 = tpu.vector_load %arg17[%parallel_loop3A_154] {strides = array<i32>} : memref<10240xf32, #tpu.memory_space<vmem>>, vector<16xf32>,
      tpu.vector_store %arg17[%parallel_loop3A_154], %parallel_loop3A_152 {strides = array<i32>} : memref<10240xf32, #tpu.memory_space<vmem>>, vector<16xf32>,
    } {sc.loop_unroll_factor = 4 : i64, sc.parallel_access}
    %barrier3A_119 = arith.constant 0 : index
    tpu.barrier barrier_id(%barrier3A_119)
    "tpu.region"() ({
      %run_scoped3A_135 = tpu.sem_alloc : memref<!tpu.dma_semaphore, #tpu.memory_space<semaphore_mem>>
      tpu.enqueue_dma source(%arg24 : memref<10240xf32, #tpu.memory_space<vmem_shared>>) target(%arg12 : memref<10240xf32, #tpu.memory_space<vmem>>) target_semaphore(%run_scoped3A_135 : memref<!tpu.dma_semaphore, #tpu.memory_space<semaphore_mem>>)
      tpu.wait_dma2 semaphore(%run_scoped3A_135 : memref<!tpu.dma_semaphore, #tpu.memory_space<semaphore_mem>>) src(%arg24 : memref<10240xf32, #tpu.memory_space<vmem_shared>>) dst(%arg12 : memref<10240xf32, #tpu.memory_space<vmem>>)
      tpu.yield
    }) : () -> ()
    %run_scoped3A = arith.constant 0 : i32
    "tpu.region"() ({
      %run_scoped3A_135 = tpu.sem_alloc : memref<!tpu.dma_semaphore, #tpu.memory_space<semaphore_mem>>
      %dma_start3A_136 = arith.constant 0 : i32
      %dma_start3A_137 = tpu.memref_slice %arg17[%dma_start3A_136] : memref<10240xf32, #tpu.memory_space<vmem>> -> memref<640xf32, #tpu.memory_space<vmem>>
      %dma_start3A_138 = tpu.memref_slice %arg9[%run_scoped3A, %mul3A_2] : memref<16x10240xf32, #tpu.memory_space<hbm>> -> memref<1x640xf32, #tpu.memory_space<hbm>>
      %dma_start3A_139 = tpu.memref_squeeze %dma_start3A_138 : memref<1x640xf32, #tpu.memory_space<hbm>> -> memref<640xf32, #tpu.memory_space<hbm>>
      %dma_start3A_140 = tpu.memref_slice %arg9[%run_scoped3A, %mul3A_2] : memref<16x10240xf32, #tpu.memory_space<hbm>> -> memref<1x640xf32, #tpu.memory_space<hbm>>
      %dma_start3A_141 = tpu.memref_squeeze %dma_start3A_140 : memref<1x640xf32, #tpu.memory_space<hbm>> -> memref<640xf32, #tpu.memory_space<hbm>>
      %dma_start3A_142 = arith.constant 0 : i32
      %dma_start3A_143 = tpu.memref_slice %arg17[%dma_start3A_142] : memref<10240xf32, #tpu.memory_space<vmem>> -> memref<640xf32, #tpu.memory_space<vmem>>
      tpu.enqueue_dma source(%dma_start3A_143 : memref<640xf32, #tpu.memory_space<vmem>>) target(%dma_start3A_141 : memref<640xf32, #tpu.memory_space<hbm>>) target_semaphore(%run_scoped3A_135 : memref<!tpu.dma_semaphore, #tpu.memory_space<semaphore_mem>>)
      %dma_wait3A_144 = arith.constant 0 : i32
      %dma_wait3A_145 = tpu.memref_slice %arg17[%dma_wait3A_144] : memref<10240xf32, #tpu.memory_space<vmem>> -> memref<640xf32, #tpu.memory_space<vmem>>
      %dma_wait3A_146 = tpu.memref_slice %arg9[%run_scoped3A, %mul3A_2] : memref<16x10240xf32, #tpu.memory_space<hbm>> -> memref<1x640xf32, #tpu.memory_space<hbm>>
      %dma_wait3A_147 = tpu.memref_squeeze %dma_wait3A_146 : memref<1x640xf32, #tpu.memory_space<hbm>> -> memref<640xf32, #tpu.memory_space<hbm>>
      %dma_wait3A_148 = tpu.memref_slice %arg9[%run_scoped3A, %mul3A_2] : memref<16x10240xf32, #tpu.memory_space<hbm>> -> memref<1x640xf32, #tpu.memory_space<hbm>>
      %dma_wait3A_149 = tpu.memref_squeeze %dma_wait3A_148 : memref<1x640xf32, #tpu.memory_space<hbm>> -> memref<640xf32, #tpu.memory_space<hbm>>
      %dma_wait3A_150 = arith.constant 0 : i32
      %dma_wait3A_151 = tpu.memref_slice %arg17[%dma_wait3A_150] : memref<10240xf32, #tpu.memory_space<vmem>> -> memref<640xf32, #tpu.memory_space<vmem>>
      tpu.wait_dma2 semaphore(%run_scoped3A_135 : memref<!tpu.dma_semaphore, #tpu.memory_space<semaphore_mem>>) src(%dma_wait3A_151 : memref<640xf32, #tpu.memory_space<vmem>>) dst(%dma_wait3A_149 : memref<640xf32, #tpu.memory_space<hbm>>)
      tpu.yield
    }) : () -> ()
    %run_scoped3A_120 = arith.constant 1 : i32
    "tpu.region"() ({
      %run_scoped3A_135 = tpu.sem_alloc : memref<!tpu.dma_semaphore, #tpu.memory_space<semaphore_mem>>
      %dma_start3A_136 = arith.constant 640 : i32
      %dma_start3A_137 = tpu.memref_slice %arg17[%dma_start3A_136] : memref<10240xf32, #tpu.memory_space<vmem>> -> memref<640xf32, #tpu.memory_space<vmem>>
      %dma_start3A_138 = tpu.memref_slice %arg9[%run_scoped3A_120, %mul3A_2] : memref<16x10240xf32, #tpu.memory_space<hbm>> -> memref<1x640xf32, #tpu.memory_space<hbm>>
      %dma_start3A_139 = tpu.memref_squeeze %dma_start3A_138 : memref<1x640xf32, #tpu.memory_space<hbm>> -> memref<640xf32, #tpu.memory_space<hbm>>
      %dma_start3A_140 = tpu.memref_slice %arg9[%run_scoped3A_120, %mul3A_2] : memref<16x10240xf32, #tpu.memory_space<hbm>> -> memref<1x640xf32, #tpu.memory_space<hbm>>
      %dma_start3A_141 = tpu.memref_squeeze %dma_start3A_140 : memref<1x640xf32, #tpu.memory_space<hbm>> -> memref<640xf32, #tpu.memory_space<hbm>>
      %dma_start3A_142 = arith.constant 640 : i32
      %dma_start3A_143 = tpu.memref_slice %arg17[%dma_start3A_142] : memref<10240xf32, #tpu.memory_space<vmem>> -> memref<640xf32, #tpu.memory_space<vmem>>
      tpu.enqueue_dma source(%dma_start3A_143 : memref<640xf32, #tpu.memory_space<vmem>>) target(%dma_start3A_141 : memref<640xf32, #tpu.memory_space<hbm>>) target_semaphore(%run_scoped3A_135 : memref<!tpu.dma_semaphore, #tpu.memory_space<semaphore_mem>>)
      %dma_wait3A_144 = arith.constant 640 : i32
      %dma_wait3A_145 = tpu.memref_slice %arg17[%dma_wait3A_144] : memref<10240xf32, #tpu.memory_space<vmem>> -> memref<640xf32, #tpu.memory_space<vmem>>
      %dma_wait3A_146 = tpu.memref_slice %arg9[%run_scoped3A_120, %mul3A_2] : memref<16x10240xf32, #tpu.memory_space<hbm>> -> memref<1x640xf32, #tpu.memory_space<hbm>>
      %dma_wait3A_147 = tpu.memref_squeeze %dma_wait3A_146 : memref<1x640xf32, #tpu.memory_space<hbm>> -> memref<640xf32, #tpu.memory_space<hbm>>
      %dma_wait3A_148 = tpu.memref_slice %arg9[%run_scoped3A_120, %mul3A_2] : memref<16x10240xf32, #tpu.memory_space<hbm>> -> memref<1x640xf32, #tpu.memory_space<hbm>>
      %dma_wait3A_149 = tpu.memref_squeeze %dma_wait3A_148 : memref<1x640xf32, #tpu.memory_space<hbm>> -> memref<640xf32, #tpu.memory_space<hbm>>
      %dma_wait3A_150 = arith.constant 640 : i32
      %dma_wait3A_151 = tpu.memref_slice %arg17[%dma_wait3A_150] : memref<10240xf32, #tpu.memory_space<vmem>> -> memref<640xf32, #tpu.memory_space<vmem>>
      tpu.wait_dma2 semaphore(%run_scoped3A_135 : memref<!tpu.dma_semaphore, #tpu.memory_space<semaphore_mem>>) src(%dma_wait3A_151 : memref<640xf32, #tpu.memory_space<vmem>>) dst(%dma_wait3A_149 : memref<640xf32, #tpu.memory_space<hbm>>)
      tpu.yield
    }) : () -> ()
    %run_scoped3A_121 = arith.constant 2 : i32
    "tpu.region"() ({
      %run_scoped3A_135 = tpu.sem_alloc : memref<!tpu.dma_semaphore, #tpu.memory_space<semaphore_mem>>
      %dma_start3A_136 = arith.constant 1280 : i32
      %dma_start3A_137 = tpu.memref_slice %arg17[%dma_start3A_136] : memref<10240xf32, #tpu.memory_space<vmem>> -> memref<640xf32, #tpu.memory_space<vmem>>
      %dma_start3A_138 = tpu.memref_slice %arg9[%run_scoped3A_121, %mul3A_2] : memref<16x10240xf32, #tpu.memory_space<hbm>> -> memref<1x640xf32, #tpu.memory_space<hbm>>
      %dma_start3A_139 = tpu.memref_squeeze %dma_start3A_138 : memref<1x640xf32, #tpu.memory_space<hbm>> -> memref<640xf32, #tpu.memory_space<hbm>>
      %dma_start3A_140 = tpu.memref_slice %arg9[%run_scoped3A_121, %mul3A_2] : memref<16x10240xf32, #tpu.memory_space<hbm>> -> memref<1x640xf32, #tpu.memory_space<hbm>>
      %dma_start3A_141 = tpu.memref_squeeze %dma_start3A_140 : memref<1x640xf32, #tpu.memory_space<hbm>> -> memref<640xf32, #tpu.memory_space<hbm>>
      %dma_start3A_142 = arith.constant 1280 : i32
      %dma_start3A_143 = tpu.memref_slice %arg17[%dma_start3A_142] : memref<10240xf32, #tpu.memory_space<vmem>> -> memref<640xf32, #tpu.memory_space<vmem>>
      tpu.enqueue_dma source(%dma_start3A_143 : memref<640xf32, #tpu.memory_space<vmem>>) target(%dma_start3A_141 : memref<640xf32, #tpu.memory_space<hbm>>) target_semaphore(%run_scoped3A_135 : memref<!tpu.dma_semaphore, #tpu.memory_space<semaphore_mem>>)
      %dma_wait3A_144 = arith.constant 1280 : i32
      %dma_wait3A_145 = tpu.memref_slice %arg17[%dma_wait3A_144] : memref<10240xf32, #tpu.memory_space<vmem>> -> memref<640xf32, #tpu.memory_space<vmem>>
      %dma_wait3A_146 = tpu.memref_slice %arg9[%run_scoped3A_121, %mul3A_2] : memref<16x10240xf32, #tpu.memory_space<hbm>> -> memref<1x640xf32, #tpu.memory_space<hbm>>
      %dma_wait3A_147 = tpu.memref_squeeze %dma_wait3A_146 : memref<1x640xf32, #tpu.memory_space<hbm>> -> memref<640xf32, #tpu.memory_space<hbm>>
      %dma_wait3A_148 = tpu.memref_slice %arg9[%run_scoped3A_121, %mul3A_2] : memref<16x10240xf32, #tpu.memory_space<hbm>> -> memref<1x640xf32, #tpu.memory_space<hbm>>
      %dma_wait3A_149 = tpu.memref_squeeze %dma_wait3A_148 : memref<1x640xf32, #tpu.memory_space<hbm>> -> memref<640xf32, #tpu.memory_space<hbm>>
      %dma_wait3A_150 = arith.constant 1280 : i32
      %dma_wait3A_151 = tpu.memref_slice %arg17[%dma_wait3A_150] : memref<10240xf32, #tpu.memory_space<vmem>> -> memref<640xf32, #tpu.memory_space<vmem>>
      tpu.wait_dma2 semaphore(%run_scoped3A_135 : memref<!tpu.dma_semaphore, #tpu.memory_space<semaphore_mem>>) src(%dma_wait3A_151 : memref<640xf32, #tpu.memory_space<vmem>>) dst(%dma_wait3A_149 : memref<640xf32, #tpu.memory_space<hbm>>)
      tpu.yield
    }) : () -> ()
    %run_scoped3A_122 = arith.constant 3 : i32
    "tpu.region"() ({
      %run_scoped3A_135 = tpu.sem_alloc : memref<!tpu.dma_semaphore, #tpu.memory_space<semaphore_mem>>
      %dma_start3A_136 = arith.constant 1920 : i32
      %dma_start3A_137 = tpu.memref_slice %arg17[%dma_start3A_136] : memref<10240xf32, #tpu.memory_space<vmem>> -> memref<640xf32, #tpu.memory_space<vmem>>
      %dma_start3A_138 = tpu.memref_slice %arg9[%run_scoped3A_122, %mul3A_2] : memref<16x10240xf32, #tpu.memory_space<hbm>> -> memref<1x640xf32, #tpu.memory_space<hbm>>
      %dma_start3A_139 = tpu.memref_squeeze %dma_start3A_138 : memref<1x640xf32, #tpu.memory_space<hbm>> -> memref<640xf32, #tpu.memory_space<hbm>>
      %dma_start3A_140 = tpu.memref_slice %arg9[%run_scoped3A_122, %mul3A_2] : memref<16x10240xf32, #tpu.memory_space<hbm>> -> memref<1x640xf32, #tpu.memory_space<hbm>>
      %dma_start3A_141 = tpu.memref_squeeze %dma_start3A_140 : memref<1x640xf32, #tpu.memory_space<hbm>> -> memref<640xf32, #tpu.memory_space<hbm>>
      %dma_start3A_142 = arith.constant 1920 : i32
      %dma_start3A_143 = tpu.memref_slice %arg17[%dma_start3A_142] : memref<10240xf32, #tpu.memory_space<vmem>> -> memref<640xf32, #tpu.memory_space<vmem>>
      tpu.enqueue_dma source(%dma_start3A_143 : memref<640xf32, #tpu.memory_space<vmem>>) target(%dma_start3A_141 : memref<640xf32, #tpu.memory_space<hbm>>) target_semaphore(%run_scoped3A_135 : memref<!tpu.dma_semaphore, #tpu.memory_space<semaphore_mem>>)
      %dma_wait3A_144 = arith.constant 1920 : i32
      %dma_wait3A_145 = tpu.memref_slice %arg17[%dma_wait3A_144] : memref<10240xf32, #tpu.memory_space<vmem>> -> memref<640xf32, #tpu.memory_space<vmem>>
      %dma_wait3A_146 = tpu.memref_slice %arg9[%run_scoped3A_122, %mul3A_2] : memref<16x10240xf32, #tpu.memory_space<hbm>> -> memref<1x640xf32, #tpu.memory_space<hbm>>
      %dma_wait3A_147 = tpu.memref_squeeze %dma_wait3A_146 : memref<1x640xf32, #tpu.memory_space<hbm>> -> memref<640xf32, #tpu.memory_space<hbm>>
      %dma_wait3A_148 = tpu.memref_slice %arg9[%run_scoped3A_122, %mul3A_2] : memref<16x10240xf32, #tpu.memory_space<hbm>> -> memref<1x640xf32, #tpu.memory_space<hbm>>
      %dma_wait3A_149 = tpu.memref_squeeze %dma_wait3A_148 : memref<1x640xf32, #tpu.memory_space<hbm>> -> memref<640xf32, #tpu.memory_space<hbm>>
      %dma_wait3A_150 = arith.constant 1920 : i32
      %dma_wait3A_151 = tpu.memref_slice %arg17[%dma_wait3A_150] : memref<10240xf32, #tpu.memory_space<vmem>> -> memref<640xf32, #tpu.memory_space<vmem>>
      tpu.wait_dma2 semaphore(%run_scoped3A_135 : memref<!tpu.dma_semaphore, #tpu.memory_space<semaphore_mem>>) src(%dma_wait3A_151 : memref<640xf32, #tpu.memory_space<vmem>>) dst(%dma_wait3A_149 : memref<640xf32, #tpu.memory_space<hbm>>)
      tpu.yield
    }) : () -> ()
    %run_scoped3A_123 = arith.constant 4 : i32
    "tpu.region"() ({
      %run_scoped3A_135 = tpu.sem_alloc : memref<!tpu.dma_semaphore, #tpu.memory_space<semaphore_mem>>
      %dma_start3A_136 = arith.constant 2560 : i32
      %dma_start3A_137 = tpu.memref_slice %arg17[%dma_start3A_136] : memref<10240xf32, #tpu.memory_space<vmem>> -> memref<640xf32, #tpu.memory_space<vmem>>
      %dma_start3A_138 = tpu.memref_slice %arg9[%run_scoped3A_123, %mul3A_2] : memref<16x10240xf32, #tpu.memory_space<hbm>> -> memref<1x640xf32, #tpu.memory_space<hbm>>
      %dma_start3A_139 = tpu.memref_squeeze %dma_start3A_138 : memref<1x640xf32, #tpu.memory_space<hbm>> -> memref<640xf32, #tpu.memory_space<hbm>>
      %dma_start3A_140 = tpu.memref_slice %arg9[%run_scoped3A_123, %mul3A_2] : memref<16x10240xf32, #tpu.memory_space<hbm>> -> memref<1x640xf32, #tpu.memory_space<hbm>>
      %dma_start3A_141 = tpu.memref_squeeze %dma_start3A_140 : memref<1x640xf32, #tpu.memory_space<hbm>> -> memref<640xf32, #tpu.memory_space<hbm>>
      %dma_start3A_142 = arith.constant 2560 : i32
      %dma_start3A_143 = tpu.memref_slice %arg17[%dma_start3A_142] : memref<10240xf32, #tpu.memory_space<vmem>> -> memref<640xf32, #tpu.memory_space<vmem>>
      tpu.enqueue_dma source(%dma_start3A_143 : memref<640xf32, #tpu.memory_space<vmem>>) target(%dma_start3A_141 : memref<640xf32, #tpu.memory_space<hbm>>) target_semaphore(%run_scoped3A_135 : memref<!tpu.dma_semaphore, #tpu.memory_space<semaphore_mem>>)
      %dma_wait3A_144 = arith.constant 2560 : i32
      %dma_wait3A_145 = tpu.memref_slice %arg17[%dma_wait3A_144] : memref<10240xf32, #tpu.memory_space<vmem>> -> memref<640xf32, #tpu.memory_space<vmem>>
      %dma_wait3A_146 = tpu.memref_slice %arg9[%run_scoped3A_123, %mul3A_2] : memref<16x10240xf32, #tpu.memory_space<hbm>> -> memref<1x640xf32, #tpu.memory_space<hbm>>
      %dma_wait3A_147 = tpu.memref_squeeze %dma_wait3A_146 : memref<1x640xf32, #tpu.memory_space<hbm>> -> memref<640xf32, #tpu.memory_space<hbm>>
      %dma_wait3A_148 = tpu.memref_slice %arg9[%run_scoped3A_123, %mul3A_2] : memref<16x10240xf32, #tpu.memory_space<hbm>> -> memref<1x640xf32, #tpu.memory_space<hbm>>
      %dma_wait3A_149 = tpu.memref_squeeze %dma_wait3A_148 : memref<1x640xf32, #tpu.memory_space<hbm>> -> memref<640xf32, #tpu.memory_space<hbm>>
      %dma_wait3A_150 = arith.constant 2560 : i32
      %dma_wait3A_151 = tpu.memref_slice %arg17[%dma_wait3A_150] : memref<10240xf32, #tpu.memory_space<vmem>> -> memref<640xf32, #tpu.memory_space<vmem>>
      tpu.wait_dma2 semaphore(%run_scoped3A_135 : memref<!tpu.dma_semaphore, #tpu.memory_space<semaphore_mem>>) src(%dma_wait3A_151 : memref<640xf32, #tpu.memory_space<vmem>>) dst(%dma_wait3A_149 : memref<640xf32, #tpu.memory_space<hbm>>)
      tpu.yield
    }) : () -> ()
    %run_scoped3A_124 = arith.constant 5 : i32
    "tpu.region"() ({
      %run_scoped3A_135 = tpu.sem_alloc : memref<!tpu.dma_semaphore, #tpu.memory_space<semaphore_mem>>
      %dma_start3A_136 = arith.constant 3200 : i32
      %dma_start3A_137 = tpu.memref_slice %arg17[%dma_start3A_136] : memref<10240xf32, #tpu.memory_space<vmem>> -> memref<640xf32, #tpu.memory_space<vmem>>
      %dma_start3A_138 = tpu.memref_slice %arg9[%run_scoped3A_124, %mul3A_2] : memref<16x10240xf32, #tpu.memory_space<hbm>> -> memref<1x640xf32, #tpu.memory_space<hbm>>
      %dma_start3A_139 = tpu.memref_squeeze %dma_start3A_138 : memref<1x640xf32, #tpu.memory_space<hbm>> -> memref<640xf32, #tpu.memory_space<hbm>>
      %dma_start3A_140 = tpu.memref_slice %arg9[%run_scoped3A_124, %mul3A_2] : memref<16x10240xf32, #tpu.memory_space<hbm>> -> memref<1x640xf32, #tpu.memory_space<hbm>>
      %dma_start3A_141 = tpu.memref_squeeze %dma_start3A_140 : memref<1x640xf32, #tpu.memory_space<hbm>> -> memref<640xf32, #tpu.memory_space<hbm>>
      %dma_start3A_142 = arith.constant 3200 : i32
      %dma_start3A_143 = tpu.memref_slice %arg17[%dma_start3A_142] : memref<10240xf32, #tpu.memory_space<vmem>> -> memref<640xf32, #tpu.memory_space<vmem>>
      tpu.enqueue_dma source(%dma_start3A_143 : memref<640xf32, #tpu.memory_space<vmem>>) target(%dma_start3A_141 : memref<640xf32, #tpu.memory_space<hbm>>) target_semaphore(%run_scoped3A_135 : memref<!tpu.dma_semaphore, #tpu.memory_space<semaphore_mem>>)
      %dma_wait3A_144 = arith.constant 3200 : i32
      %dma_wait3A_145 = tpu.memref_slice %arg17[%dma_wait3A_144] : memref<10240xf32, #tpu.memory_space<vmem>> -> memref<640xf32, #tpu.memory_space<vmem>>
      %dma_wait3A_146 = tpu.memref_slice %arg9[%run_scoped3A_124, %mul3A_2] : memref<16x10240xf32, #tpu.memory_space<hbm>> -> memref<1x640xf32, #tpu.memory_space<hbm>>
      %dma_wait3A_147 = tpu.memref_squeeze %dma_wait3A_146 : memref<1x640xf32, #tpu.memory_space<hbm>> -> memref<640xf32, #tpu.memory_space<hbm>>
      %dma_wait3A_148 = tpu.memref_slice %arg9[%run_scoped3A_124, %mul3A_2] : memref<16x10240xf32, #tpu.memory_space<hbm>> -> memref<1x640xf32, #tpu.memory_space<hbm>>
      %dma_wait3A_149 = tpu.memref_squeeze %dma_wait3A_148 : memref<1x640xf32, #tpu.memory_space<hbm>> -> memref<640xf32, #tpu.memory_space<hbm>>
      %dma_wait3A_150 = arith.constant 3200 : i32
      %dma_wait3A_151 = tpu.memref_slice %arg17[%dma_wait3A_150] : memref<10240xf32, #tpu.memory_space<vmem>> -> memref<640xf32, #tpu.memory_space<vmem>>
      tpu.wait_dma2 semaphore(%run_scoped3A_135 : memref<!tpu.dma_semaphore, #tpu.memory_space<semaphore_mem>>) src(%dma_wait3A_151 : memref<640xf32, #tpu.memory_space<vmem>>) dst(%dma_wait3A_149 : memref<640xf32, #tpu.memory_space<hbm>>)
      tpu.yield
    }) : () -> ()
    %run_scoped3A_125 = arith.constant 6 : i32
    "tpu.region"() ({
      %run_scoped3A_135 = tpu.sem_alloc : memref<!tpu.dma_semaphore, #tpu.memory_space<semaphore_mem>>
      %dma_start3A_136 = arith.constant 3840 : i32
      %dma_start3A_137 = tpu.memref_slice %arg17[%dma_start3A_136] : memref<10240xf32, #tpu.memory_space<vmem>> -> memref<640xf32, #tpu.memory_space<vmem>>
      %dma_start3A_138 = tpu.memref_slice %arg9[%run_scoped3A_125, %mul3A_2] : memref<16x10240xf32, #tpu.memory_space<hbm>> -> memref<1x640xf32, #tpu.memory_space<hbm>>
      %dma_start3A_139 = tpu.memref_squeeze %dma_start3A_138 : memref<1x640xf32, #tpu.memory_space<hbm>> -> memref<640xf32, #tpu.memory_space<hbm>>
      %dma_start3A_140 = tpu.memref_slice %arg9[%run_scoped3A_125, %mul3A_2] : memref<16x10240xf32, #tpu.memory_space<hbm>> -> memref<1x640xf32, #tpu.memory_space<hbm>>
      %dma_start3A_141 = tpu.memref_squeeze %dma_start3A_140 : memref<1x640xf32, #tpu.memory_space<hbm>> -> memref<640xf32, #tpu.memory_space<hbm>>
      %dma_start3A_142 = arith.constant 3840 : i32
      %dma_start3A_143 = tpu.memref_slice %arg17[%dma_start3A_142] : memref<10240xf32, #tpu.memory_space<vmem>> -> memref<640xf32, #tpu.memory_space<vmem>>
      tpu.enqueue_dma source(%dma_start3A_143 : memref<640xf32, #tpu.memory_space<vmem>>) target(%dma_start3A_141 : memref<640xf32, #tpu.memory_space<hbm>>) target_semaphore(%run_scoped3A_135 : memref<!tpu.dma_semaphore, #tpu.memory_space<semaphore_mem>>)
      %dma_wait3A_144 = arith.constant 3840 : i32
      %dma_wait3A_145 = tpu.memref_slice %arg17[%dma_wait3A_144] : memref<10240xf32, #tpu.memory_space<vmem>> -> memref<640xf32, #tpu.memory_space<vmem>>
      %dma_wait3A_146 = tpu.memref_slice %arg9[%run_scoped3A_125, %mul3A_2] : memref<16x10240xf32, #tpu.memory_space<hbm>> -> memref<1x640xf32, #tpu.memory_space<hbm>>
      %dma_wait3A_147 = tpu.memref_squeeze %dma_wait3A_146 : memref<1x640xf32, #tpu.memory_space<hbm>> -> memref<640xf32, #tpu.memory_space<hbm>>
      %dma_wait3A_148 = tpu.memref_slice %arg9[%run_scoped3A_125, %mul3A_2] : memref<16x10240xf32, #tpu.memory_space<hbm>> -> memref<1x640xf32, #tpu.memory_space<hbm>>
      %dma_wait3A_149 = tpu.memref_squeeze %dma_wait3A_148 : memref<1x640xf32, #tpu.memory_space<hbm>> -> memref<640xf32, #tpu.memory_space<hbm>>
      %dma_wait3A_150 = arith.constant 3840 : i32
      %dma_wait3A_151 = tpu.memref_slice %arg17[%dma_wait3A_150] : memref<10240xf32, #tpu.memory_space<vmem>> -> memref<640xf32, #tpu.memory_space<vmem>>
      tpu.wait_dma2 semaphore(%run_scoped3A_135 : memref<!tpu.dma_semaphore, #tpu.memory_space<semaphore_mem>>) src(%dma_wait3A_151 : memref<640xf32, #tpu.memory_space<vmem>>) dst(%dma_wait3A_149 : memref<640xf32, #tpu.memory_space<hbm>>)
      tpu.yield
    }) : () -> ()
    %run_scoped3A_126 = arith.constant 7 : i32
    "tpu.region"() ({
      %run_scoped3A_135 = tpu.sem_alloc : memref<!tpu.dma_semaphore, #tpu.memory_space<semaphore_mem>>
      %dma_start3A_136 = arith.constant 4480 : i32
      %dma_start3A_137 = tpu.memref_slice %arg17[%dma_start3A_136] : memref<10240xf32, #tpu.memory_space<vmem>> -> memref<640xf32, #tpu.memory_space<vmem>>
      %dma_start3A_138 = tpu.memref_slice %arg9[%run_scoped3A_126, %mul3A_2] : memref<16x10240xf32, #tpu.memory_space<hbm>> -> memref<1x640xf32, #tpu.memory_space<hbm>>
      %dma_start3A_139 = tpu.memref_squeeze %dma_start3A_138 : memref<1x640xf32, #tpu.memory_space<hbm>> -> memref<640xf32, #tpu.memory_space<hbm>>
      %dma_start3A_140 = tpu.memref_slice %arg9[%run_scoped3A_126, %mul3A_2] : memref<16x10240xf32, #tpu.memory_space<hbm>> -> memref<1x640xf32, #tpu.memory_space<hbm>>
      %dma_start3A_141 = tpu.memref_squeeze %dma_start3A_140 : memref<1x640xf32, #tpu.memory_space<hbm>> -> memref<640xf32, #tpu.memory_space<hbm>>
      %dma_start3A_142 = arith.constant 4480 : i32
      %dma_start3A_143 = tpu.memref_slice %arg17[%dma_start3A_142] : memref<10240xf32, #tpu.memory_space<vmem>> -> memref<640xf32, #tpu.memory_space<vmem>>
      tpu.enqueue_dma source(%dma_start3A_143 : memref<640xf32, #tpu.memory_space<vmem>>) target(%dma_start3A_141 : memref<640xf32, #tpu.memory_space<hbm>>) target_semaphore(%run_scoped3A_135 : memref<!tpu.dma_semaphore, #tpu.memory_space<semaphore_mem>>)
      %dma_wait3A_144 = arith.constant 4480 : i32
      %dma_wait3A_145 = tpu.memref_slice %arg17[%dma_wait3A_144] : memref<10240xf32, #tpu.memory_space<vmem>> -> memref<640xf32, #tpu.memory_space<vmem>>
      %dma_wait3A_146 = tpu.memref_slice %arg9[%run_scoped3A_126, %mul3A_2] : memref<16x10240xf32, #tpu.memory_space<hbm>> -> memref<1x640xf32, #tpu.memory_space<hbm>>
      %dma_wait3A_147 = tpu.memref_squeeze %dma_wait3A_146 : memref<1x640xf32, #tpu.memory_space<hbm>> -> memref<640xf32, #tpu.memory_space<hbm>>
      %dma_wait3A_148 = tpu.memref_slice %arg9[%run_scoped3A_126, %mul3A_2] : memref<16x10240xf32, #tpu.memory_space<hbm>> -> memref<1x640xf32, #tpu.memory_space<hbm>>
      %dma_wait3A_149 = tpu.memref_squeeze %dma_wait3A_148 : memref<1x640xf32, #tpu.memory_space<hbm>> -> memref<640xf32, #tpu.memory_space<hbm>>
      %dma_wait3A_150 = arith.constant 4480 : i32
      %dma_wait3A_151 = tpu.memref_slice %arg17[%dma_wait3A_150] : memref<10240xf32, #tpu.memory_space<vmem>> -> memref<640xf32, #tpu.memory_space<vmem>>
      tpu.wait_dma2 semaphore(%run_scoped3A_135 : memref<!tpu.dma_semaphore, #tpu.memory_space<semaphore_mem>>) src(%dma_wait3A_151 : memref<640xf32, #tpu.memory_space<vmem>>) dst(%dma_wait3A_149 : memref<640xf32, #tpu.memory_space<hbm>>)
      tpu.yield
    }) : () -> ()
    %run_scoped3A_127 = arith.constant 8 : i32
    "tpu.region"() ({
      %run_scoped3A_135 = tpu.sem_alloc : memref<!tpu.dma_semaphore, #tpu.memory_space<semaphore_mem>>
      %dma_start3A_136 = arith.constant 5120 : i32
      %dma_start3A_137 = tpu.memref_slice %arg17[%dma_start3A_136] : memref<10240xf32, #tpu.memory_space<vmem>> -> memref<640xf32, #tpu.memory_space<vmem>>
      %dma_start3A_138 = tpu.memref_slice %arg9[%run_scoped3A_127, %mul3A_2] : memref<16x10240xf32, #tpu.memory_space<hbm>> -> memref<1x640xf32, #tpu.memory_space<hbm>>
      %dma_start3A_139 = tpu.memref_squeeze %dma_start3A_138 : memref<1x640xf32, #tpu.memory_space<hbm>> -> memref<640xf32, #tpu.memory_space<hbm>>
      %dma_start3A_140 = tpu.memref_slice %arg9[%run_scoped3A_127, %mul3A_2] : memref<16x10240xf32, #tpu.memory_space<hbm>> -> memref<1x640xf32, #tpu.memory_space<hbm>>
      %dma_start3A_141 = tpu.memref_squeeze %dma_start3A_140 : memref<1x640xf32, #tpu.memory_space<hbm>> -> memref<640xf32, #tpu.memory_space<hbm>>
      %dma_start3A_142 = arith.constant 5120 : i32
      %dma_start3A_143 = tpu.memref_slice %arg17[%dma_start3A_142] : memref<10240xf32, #tpu.memory_space<vmem>> -> memref<640xf32, #tpu.memory_space<vmem>>
      tpu.enqueue_dma source(%dma_start3A_143 : memref<640xf32, #tpu.memory_space<vmem>>) target(%dma_start3A_141 : memref<640xf32, #tpu.memory_space<hbm>>) target_semaphore(%run_scoped3A_135 : memref<!tpu.dma_semaphore, #tpu.memory_space<semaphore_mem>>)
      %dma_wait3A_144 = arith.constant 5120 : i32
      %dma_wait3A_145 = tpu.memref_slice %arg17[%dma_wait3A_144] : memref<10240xf32, #tpu.memory_space<vmem>> -> memref<640xf32, #tpu.memory_space<vmem>>
      %dma_wait3A_146 = tpu.memref_slice %arg9[%run_scoped3A_127, %mul3A_2] : memref<16x10240xf32, #tpu.memory_space<hbm>> -> memref<1x640xf32, #tpu.memory_space<hbm>>
      %dma_wait3A_147 = tpu.memref_squeeze %dma_wait3A_146 : memref<1x640xf32, #tpu.memory_space<hbm>> -> memref<640xf32, #tpu.memory_space<hbm>>
      %dma_wait3A_148 = tpu.memref_slice %arg9[%run_scoped3A_127, %mul3A_2] : memref<16x10240xf32, #tpu.memory_space<hbm>> -> memref<1x640xf32, #tpu.memory_space<hbm>>
      %dma_wait3A_149 = tpu.memref_squeeze %dma_wait3A_148 : memref<1x640xf32, #tpu.memory_space<hbm>> -> memref<640xf32, #tpu.memory_space<hbm>>
      %dma_wait3A_150 = arith.constant 5120 : i32
      %dma_wait3A_151 = tpu.memref_slice %arg17[%dma_wait3A_150] : memref<10240xf32, #tpu.memory_space<vmem>> -> memref<640xf32, #tpu.memory_space<vmem>>
      tpu.wait_dma2 semaphore(%run_scoped3A_135 : memref<!tpu.dma_semaphore, #tpu.memory_space<semaphore_mem>>) src(%dma_wait3A_151 : memref<640xf32, #tpu.memory_space<vmem>>) dst(%dma_wait3A_149 : memref<640xf32, #tpu.memory_space<hbm>>)
      tpu.yield
    }) : () -> ()
    %run_scoped3A_128 = arith.constant 9 : i32
    "tpu.region"() ({
      %run_scoped3A_135 = tpu.sem_alloc : memref<!tpu.dma_semaphore, #tpu.memory_space<semaphore_mem>>
      %dma_start3A_136 = arith.constant 5760 : i32
      %dma_start3A_137 = tpu.memref_slice %arg17[%dma_start3A_136] : memref<10240xf32, #tpu.memory_space<vmem>> -> memref<640xf32, #tpu.memory_space<vmem>>
      %dma_start3A_138 = tpu.memref_slice %arg9[%run_scoped3A_128, %mul3A_2] : memref<16x10240xf32, #tpu.memory_space<hbm>> -> memref<1x640xf32, #tpu.memory_space<hbm>>
      %dma_start3A_139 = tpu.memref_squeeze %dma_start3A_138 : memref<1x640xf32, #tpu.memory_space<hbm>> -> memref<640xf32, #tpu.memory_space<hbm>>
      %dma_start3A_140 = tpu.memref_slice %arg9[%run_scoped3A_128, %mul3A_2] : memref<16x10240xf32, #tpu.memory_space<hbm>> -> memref<1x640xf32, #tpu.memory_space<hbm>>
      %dma_start3A_141 = tpu.memref_squeeze %dma_start3A_140 : memref<1x640xf32, #tpu.memory_space<hbm>> -> memref<640xf32, #tpu.memory_space<hbm>>
      %dma_start3A_142 = arith.constant 5760 : i32
      %dma_start3A_143 = tpu.memref_slice %arg17[%dma_start3A_142] : memref<10240xf32, #tpu.memory_space<vmem>> -> memref<640xf32, #tpu.memory_space<vmem>>
      tpu.enqueue_dma source(%dma_start3A_143 : memref<640xf32, #tpu.memory_space<vmem>>) target(%dma_start3A_141 : memref<640xf32, #tpu.memory_space<hbm>>) target_semaphore(%run_scoped3A_135 : memref<!tpu.dma_semaphore, #tpu.memory_space<semaphore_mem>>)
      %dma_wait3A_144 = arith.constant 5760 : i32
      %dma_wait3A_145 = tpu.memref_slice %arg17[%dma_wait3A_144] : memref<10240xf32, #tpu.memory_space<vmem>> -> memref<640xf32, #tpu.memory_space<vmem>>
      %dma_wait3A_146 = tpu.memref_slice %arg9[%run_scoped3A_128, %mul3A_2] : memref<16x10240xf32, #tpu.memory_space<hbm>> -> memref<1x640xf32, #tpu.memory_space<hbm>>
      %dma_wait3A_147 = tpu.memref_squeeze %dma_wait3A_146 : memref<1x640xf32, #tpu.memory_space<hbm>> -> memref<640xf32, #tpu.memory_space<hbm>>
      %dma_wait3A_148 = tpu.memref_slice %arg9[%run_scoped3A_128, %mul3A_2] : memref<16x10240xf32, #tpu.memory_space<hbm>> -> memref<1x640xf32, #tpu.memory_space<hbm>>
      %dma_wait3A_149 = tpu.memref_squeeze %dma_wait3A_148 : memref<1x640xf32, #tpu.memory_space<hbm>> -> memref<640xf32, #tpu.memory_space<hbm>>
      %dma_wait3A_150 = arith.constant 5760 : i32
      %dma_wait3A_151 = tpu.memref_slice %arg17[%dma_wait3A_150] : memref<10240xf32, #tpu.memory_space<vmem>> -> memref<640xf32, #tpu.memory_space<vmem>>
      tpu.wait_dma2 semaphore(%run_scoped3A_135 : memref<!tpu.dma_semaphore, #tpu.memory_space<semaphore_mem>>) src(%dma_wait3A_151 : memref<640xf32, #tpu.memory_space<vmem>>) dst(%dma_wait3A_149 : memref<640xf32, #tpu.memory_space<hbm>>)
      tpu.yield
    }) : () -> ()
    %run_scoped3A_129 = arith.constant 10 : i32
    "tpu.region"() ({
      %run_scoped3A_135 = tpu.sem_alloc : memref<!tpu.dma_semaphore, #tpu.memory_space<semaphore_mem>>
      %dma_start3A_136 = arith.constant 6400 : i32
      %dma_start3A_137 = tpu.memref_slice %arg17[%dma_start3A_136] : memref<10240xf32, #tpu.memory_space<vmem>> -> memref<640xf32, #tpu.memory_space<vmem>>
      %dma_start3A_138 = tpu.memref_slice %arg9[%run_scoped3A_129, %mul3A_2] : memref<16x10240xf32, #tpu.memory_space<hbm>> -> memref<1x640xf32, #tpu.memory_space<hbm>>
      %dma_start3A_139 = tpu.memref_squeeze %dma_start3A_138 : memref<1x640xf32, #tpu.memory_space<hbm>> -> memref<640xf32, #tpu.memory_space<hbm>>
      %dma_start3A_140 = tpu.memref_slice %arg9[%run_scoped3A_129, %mul3A_2] : memref<16x10240xf32, #tpu.memory_space<hbm>> -> memref<1x640xf32, #tpu.memory_space<hbm>>
      %dma_start3A_141 = tpu.memref_squeeze %dma_start3A_140 : memref<1x640xf32, #tpu.memory_space<hbm>> -> memref<640xf32, #tpu.memory_space<hbm>>
      %dma_start3A_142 = arith.constant 6400 : i32
      %dma_start3A_143 = tpu.memref_slice %arg17[%dma_start3A_142] : memref<10240xf32, #tpu.memory_space<vmem>> -> memref<640xf32, #tpu.memory_space<vmem>>
      tpu.enqueue_dma source(%dma_start3A_143 : memref<640xf32, #tpu.memory_space<vmem>>) target(%dma_start3A_141 : memref<640xf32, #tpu.memory_space<hbm>>) target_semaphore(%run_scoped3A_135 : memref<!tpu.dma_semaphore, #tpu.memory_space<semaphore_mem>>)
      %dma_wait3A_144 = arith.constant 6400 : i32
      %dma_wait3A_145 = tpu.memref_slice %arg17[%dma_wait3A_144] : memref<10240xf32, #tpu.memory_space<vmem>> -> memref<640xf32, #tpu.memory_space<vmem>>
      %dma_wait3A_146 = tpu.memref_slice %arg9[%run_scoped3A_129, %mul3A_2] : memref<16x10240xf32, #tpu.memory_space<hbm>> -> memref<1x640xf32, #tpu.memory_space<hbm>>
      %dma_wait3A_147 = tpu.memref_squeeze %dma_wait3A_146 : memref<1x640xf32, #tpu.memory_space<hbm>> -> memref<640xf32, #tpu.memory_space<hbm>>
      %dma_wait3A_148 = tpu.memref_slice %arg9[%run_scoped3A_129, %mul3A_2] : memref<16x10240xf32, #tpu.memory_space<hbm>> -> memref<1x640xf32, #tpu.memory_space<hbm>>
      %dma_wait3A_149 = tpu.memref_squeeze %dma_wait3A_148 : memref<1x640xf32, #tpu.memory_space<hbm>> -> memref<640xf32, #tpu.memory_space<hbm>>
      %dma_wait3A_150 = arith.constant 6400 : i32
      %dma_wait3A_151 = tpu.memref_slice %arg17[%dma_wait3A_150] : memref<10240xf32, #tpu.memory_space<vmem>> -> memref<640xf32, #tpu.memory_space<vmem>>
      tpu.wait_dma2 semaphore(%run_scoped3A_135 : memref<!tpu.dma_semaphore, #tpu.memory_space<semaphore_mem>>) src(%dma_wait3A_151 : memref<640xf32, #tpu.memory_space<vmem>>) dst(%dma_wait3A_149 : memref<640xf32, #tpu.memory_space<hbm>>)
      tpu.yield
    }) : () -> ()
    %run_scoped3A_130 = arith.constant 11 : i32
    "tpu.region"() ({
      %run_scoped3A_135 = tpu.sem_alloc : memref<!tpu.dma_semaphore, #tpu.memory_space<semaphore_mem>>
      %dma_start3A_136 = arith.constant 7040 : i32
      %dma_start3A_137 = tpu.memref_slice %arg17[%dma_start3A_136] : memref<10240xf32, #tpu.memory_space<vmem>> -> memref<640xf32, #tpu.memory_space<vmem>>
      %dma_start3A_138 = tpu.memref_slice %arg9[%run_scoped3A_130, %mul3A_2] : memref<16x10240xf32, #tpu.memory_space<hbm>> -> memref<1x640xf32, #tpu.memory_space<hbm>>
      %dma_start3A_139 = tpu.memref_squeeze %dma_start3A_138 : memref<1x640xf32, #tpu.memory_space<hbm>> -> memref<640xf32, #tpu.memory_space<hbm>>
      %dma_start3A_140 = tpu.memref_slice %arg9[%run_scoped3A_130, %mul3A_2] : memref<16x10240xf32, #tpu.memory_space<hbm>> -> memref<1x640xf32, #tpu.memory_space<hbm>>
      %dma_start3A_141 = tpu.memref_squeeze %dma_start3A_140 : memref<1x640xf32, #tpu.memory_space<hbm>> -> memref<640xf32, #tpu.memory_space<hbm>>
      %dma_start3A_142 = arith.constant 7040 : i32
      %dma_start3A_143 = tpu.memref_slice %arg17[%dma_start3A_142] : memref<10240xf32, #tpu.memory_space<vmem>> -> memref<640xf32, #tpu.memory_space<vmem>>
      tpu.enqueue_dma source(%dma_start3A_143 : memref<640xf32, #tpu.memory_space<vmem>>) target(%dma_start3A_141 : memref<640xf32, #tpu.memory_space<hbm>>) target_semaphore(%run_scoped3A_135 : memref<!tpu.dma_semaphore, #tpu.memory_space<semaphore_mem>>)
      %dma_wait3A_144 = arith.constant 7040 : i32
      %dma_wait3A_145 = tpu.memref_slice %arg17[%dma_wait3A_144] : memref<10240xf32, #tpu.memory_space<vmem>> -> memref<640xf32, #tpu.memory_space<vmem>>
      %dma_wait3A_146 = tpu.memref_slice %arg9[%run_scoped3A_130, %mul3A_2] : memref<16x10240xf32, #tpu.memory_space<hbm>> -> memref<1x640xf32, #tpu.memory_space<hbm>>
      %dma_wait3A_147 = tpu.memref_squeeze %dma_wait3A_146 : memref<1x640xf32, #tpu.memory_space<hbm>> -> memref<640xf32, #tpu.memory_space<hbm>>
      %dma_wait3A_148 = tpu.memref_slice %arg9[%run_scoped3A_130, %mul3A_2] : memref<16x10240xf32, #tpu.memory_space<hbm>> -> memref<1x640xf32, #tpu.memory_space<hbm>>
      %dma_wait3A_149 = tpu.memref_squeeze %dma_wait3A_148 : memref<1x640xf32, #tpu.memory_space<hbm>> -> memref<640xf32, #tpu.memory_space<hbm>>
      %dma_wait3A_150 = arith.constant 7040 : i32
      %dma_wait3A_151 = tpu.memref_slice %arg17[%dma_wait3A_150] : memref<10240xf32, #tpu.memory_space<vmem>> -> memref<640xf32, #tpu.memory_space<vmem>>
      tpu.wait_dma2 semaphore(%run_scoped3A_135 : memref<!tpu.dma_semaphore, #tpu.memory_space<semaphore_mem>>) src(%dma_wait3A_151 : memref<640xf32, #tpu.memory_space<vmem>>) dst(%dma_wait3A_149 : memref<640xf32, #tpu.memory_space<hbm>>)
      tpu.yield
    }) : () -> ()
    %run_scoped3A_131 = arith.constant 12 : i32
    "tpu.region"() ({
      %run_scoped3A_135 = tpu.sem_alloc : memref<!tpu.dma_semaphore, #tpu.memory_space<semaphore_mem>>
      %dma_start3A_136 = arith.constant 7680 : i32
      %dma_start3A_137 = tpu.memref_slice %arg17[%dma_start3A_136] : memref<10240xf32, #tpu.memory_space<vmem>> -> memref<640xf32, #tpu.memory_space<vmem>>
      %dma_start3A_138 = tpu.memref_slice %arg9[%run_scoped3A_131, %mul3A_2] : memref<16x10240xf32, #tpu.memory_space<hbm>> -> memref<1x640xf32, #tpu.memory_space<hbm>>
      %dma_start3A_139 = tpu.memref_squeeze %dma_start3A_138 : memref<1x640xf32, #tpu.memory_space<hbm>> -> memref<640xf32, #tpu.memory_space<hbm>>
      %dma_start3A_140 = tpu.memref_slice %arg9[%run_scoped3A_131, %mul3A_2] : memref<16x10240xf32, #tpu.memory_space<hbm>> -> memref<1x640xf32, #tpu.memory_space<hbm>>
      %dma_start3A_141 = tpu.memref_squeeze %dma_start3A_140 : memref<1x640xf32, #tpu.memory_space<hbm>> -> memref<640xf32, #tpu.memory_space<hbm>>
      %dma_start3A_142 = arith.constant 7680 : i32
      %dma_start3A_143 = tpu.memref_slice %arg17[%dma_start3A_142] : memref<10240xf32, #tpu.memory_space<vmem>> -> memref<640xf32, #tpu.memory_space<vmem>>
      tpu.enqueue_dma source(%dma_start3A_143 : memref<640xf32, #tpu.memory_space<vmem>>) target(%dma_start3A_141 : memref<640xf32, #tpu.memory_space<hbm>>) target_semaphore(%run_scoped3A_135 : memref<!tpu.dma_semaphore, #tpu.memory_space<semaphore_mem>>)
      %dma_wait3A_144 = arith.constant 7680 : i32
      %dma_wait3A_145 = tpu.memref_slice %arg17[%dma_wait3A_144] : memref<10240xf32, #tpu.memory_space<vmem>> -> memref<640xf32, #tpu.memory_space<vmem>>
      %dma_wait3A_146 = tpu.memref_slice %arg9[%run_scoped3A_131, %mul3A_2] : memref<16x10240xf32, #tpu.memory_space<hbm>> -> memref<1x640xf32, #tpu.memory_space<hbm>>
      %dma_wait3A_147 = tpu.memref_squeeze %dma_wait3A_146 : memref<1x640xf32, #tpu.memory_space<hbm>> -> memref<640xf32, #tpu.memory_space<hbm>>
      %dma_wait3A_148 = tpu.memref_slice %arg9[%run_scoped3A_131, %mul3A_2] : memref<16x10240xf32, #tpu.memory_space<hbm>> -> memref<1x640xf32, #tpu.memory_space<hbm>>
      %dma_wait3A_149 = tpu.memref_squeeze %dma_wait3A_148 : memref<1x640xf32, #tpu.memory_space<hbm>> -> memref<640xf32, #tpu.memory_space<hbm>>
      %dma_wait3A_150 = arith.constant 7680 : i32
      %dma_wait3A_151 = tpu.memref_slice %arg17[%dma_wait3A_150] : memref<10240xf32, #tpu.memory_space<vmem>> -> memref<640xf32, #tpu.memory_space<vmem>>
      tpu.wait_dma2 semaphore(%run_scoped3A_135 : memref<!tpu.dma_semaphore, #tpu.memory_space<semaphore_mem>>) src(%dma_wait3A_151 : memref<640xf32, #tpu.memory_space<vmem>>) dst(%dma_wait3A_149 : memref<640xf32, #tpu.memory_space<hbm>>)
      tpu.yield
    }) : () -> ()
    %run_scoped3A_132 = arith.constant 13 : i32
    "tpu.region"() ({
      %run_scoped3A_135 = tpu.sem_alloc : memref<!tpu.dma_semaphore, #tpu.memory_space<semaphore_mem>>
      %dma_start3A_136 = arith.constant 8320 : i32
      %dma_start3A_137 = tpu.memref_slice %arg17[%dma_start3A_136] : memref<10240xf32, #tpu.memory_space<vmem>> -> memref<640xf32, #tpu.memory_space<vmem>>
      %dma_start3A_138 = tpu.memref_slice %arg9[%run_scoped3A_132, %mul3A_2] : memref<16x10240xf32, #tpu.memory_space<hbm>> -> memref<1x640xf32, #tpu.memory_space<hbm>>
      %dma_start3A_139 = tpu.memref_squeeze %dma_start3A_138 : memref<1x640xf32, #tpu.memory_space<hbm>> -> memref<640xf32, #tpu.memory_space<hbm>>
      %dma_start3A_140 = tpu.memref_slice %arg9[%run_scoped3A_132, %mul3A_2] : memref<16x10240xf32, #tpu.memory_space<hbm>> -> memref<1x640xf32, #tpu.memory_space<hbm>>
      %dma_start3A_141 = tpu.memref_squeeze %dma_start3A_140 : memref<1x640xf32, #tpu.memory_space<hbm>> -> memref<640xf32, #tpu.memory_space<hbm>>
      %dma_start3A_142 = arith.constant 8320 : i32
      %dma_start3A_143 = tpu.memref_slice %arg17[%dma_start3A_142] : memref<10240xf32, #tpu.memory_space<vmem>> -> memref<640xf32, #tpu.memory_space<vmem>>
      tpu.enqueue_dma source(%dma_start3A_143 : memref<640xf32, #tpu.memory_space<vmem>>) target(%dma_start3A_141 : memref<640xf32, #tpu.memory_space<hbm>>) target_semaphore(%run_scoped3A_135 : memref<!tpu.dma_semaphore, #tpu.memory_space<semaphore_mem>>)
      %dma_wait3A_144 = arith.constant 8320 : i32
      %dma_wait3A_145 = tpu.memref_slice %arg17[%dma_wait3A_144] : memref<10240xf32, #tpu.memory_space<vmem>> -> memref<640xf32, #tpu.memory_space<vmem>>
      %dma_wait3A_146 = tpu.memref_slice %arg9[%run_scoped3A_132, %mul3A_2] : memref<16x10240xf32, #tpu.memory_space<hbm>> -> memref<1x640xf32, #tpu.memory_space<hbm>>
      %dma_wait3A_147 = tpu.memref_squeeze %dma_wait3A_146 : memref<1x640xf32, #tpu.memory_space<hbm>> -> memref<640xf32, #tpu.memory_space<hbm>>
      %dma_wait3A_148 = tpu.memref_slice %arg9[%run_scoped3A_132, %mul3A_2] : memref<16x10240xf32, #tpu.memory_space<hbm>> -> memref<1x640xf32, #tpu.memory_space<hbm>>
      %dma_wait3A_149 = tpu.memref_squeeze %dma_wait3A_148 : memref<1x640xf32, #tpu.memory_space<hbm>> -> memref<640xf32, #tpu.memory_space<hbm>>
      %dma_wait3A_150 = arith.constant 8320 : i32
      %dma_wait3A_151 = tpu.memref_slice %arg17[%dma_wait3A_150] : memref<10240xf32, #tpu.memory_space<vmem>> -> memref<640xf32, #tpu.memory_space<vmem>>
      tpu.wait_dma2 semaphore(%run_scoped3A_135 : memref<!tpu.dma_semaphore, #tpu.memory_space<semaphore_mem>>) src(%dma_wait3A_151 : memref<640xf32, #tpu.memory_space<vmem>>) dst(%dma_wait3A_149 : memref<640xf32, #tpu.memory_space<hbm>>)
      tpu.yield
    }) : () -> ()
    %run_scoped3A_133 = arith.constant 14 : i32
    "tpu.region"() ({
      %run_scoped3A_135 = tpu.sem_alloc : memref<!tpu.dma_semaphore, #tpu.memory_space<semaphore_mem>>
      %dma_start3A_136 = arith.constant 8960 : i32
      %dma_start3A_137 = tpu.memref_slice %arg17[%dma_start3A_136] : memref<10240xf32, #tpu.memory_space<vmem>> -> memref<640xf32, #tpu.memory_space<vmem>>
      %dma_start3A_138 = tpu.memref_slice %arg9[%run_scoped3A_133, %mul3A_2] : memref<16x10240xf32, #tpu.memory_space<hbm>> -> memref<1x640xf32, #tpu.memory_space<hbm>>
      %dma_start3A_139 = tpu.memref_squeeze %dma_start3A_138 : memref<1x640xf32, #tpu.memory_space<hbm>> -> memref<640xf32, #tpu.memory_space<hbm>>
      %dma_start3A_140 = tpu.memref_slice %arg9[%run_scoped3A_133, %mul3A_2] : memref<16x10240xf32, #tpu.memory_space<hbm>> -> memref<1x640xf32, #tpu.memory_space<hbm>>
      %dma_start3A_141 = tpu.memref_squeeze %dma_start3A_140 : memref<1x640xf32, #tpu.memory_space<hbm>> -> memref<640xf32, #tpu.memory_space<hbm>>
      %dma_start3A_142 = arith.constant 8960 : i32
      %dma_start3A_143 = tpu.memref_slice %arg17[%dma_start3A_142] : memref<10240xf32, #tpu.memory_space<vmem>> -> memref<640xf32, #tpu.memory_space<vmem>>
      tpu.enqueue_dma source(%dma_start3A_143 : memref<640xf32, #tpu.memory_space<vmem>>) target(%dma_start3A_141 : memref<640xf32, #tpu.memory_space<hbm>>) target_semaphore(%run_scoped3A_135 : memref<!tpu.dma_semaphore, #tpu.memory_space<semaphore_mem>>)
      %dma_wait3A_144 = arith.constant 8960 : i32
      %dma_wait3A_145 = tpu.memref_slice %arg17[%dma_wait3A_144] : memref<10240xf32, #tpu.memory_space<vmem>> -> memref<640xf32, #tpu.memory_space<vmem>>
      %dma_wait3A_146 = tpu.memref_slice %arg9[%run_scoped3A_133, %mul3A_2] : memref<16x10240xf32, #tpu.memory_space<hbm>> -> memref<1x640xf32, #tpu.memory_space<hbm>>
      %dma_wait3A_147 = tpu.memref_squeeze %dma_wait3A_146 : memref<1x640xf32, #tpu.memory_space<hbm>> -> memref<640xf32, #tpu.memory_space<hbm>>
      %dma_wait3A_148 = tpu.memref_slice %arg9[%run_scoped3A_133, %mul3A_2] : memref<16x10240xf32, #tpu.memory_space<hbm>> -> memref<1x640xf32, #tpu.memory_space<hbm>>
      %dma_wait3A_149 = tpu.memref_squeeze %dma_wait3A_148 : memref<1x640xf32, #tpu.memory_space<hbm>> -> memref<640xf32, #tpu.memory_space<hbm>>
      %dma_wait3A_150 = arith.constant 8960 : i32
      %dma_wait3A_151 = tpu.memref_slice %arg17[%dma_wait3A_150] : memref<10240xf32, #tpu.memory_space<vmem>> -> memref<640xf32, #tpu.memory_space<vmem>>
      tpu.wait_dma2 semaphore(%run_scoped3A_135 : memref<!tpu.dma_semaphore, #tpu.memory_space<semaphore_mem>>) src(%dma_wait3A_151 : memref<640xf32, #tpu.memory_space<vmem>>) dst(%dma_wait3A_149 : memref<640xf32, #tpu.memory_space<hbm>>)
      tpu.yield
    }) : () -> ()
    %run_scoped3A_134 = arith.constant 15 : i32
    "tpu.region"() ({
      %run_scoped3A_135 = tpu.sem_alloc : memref<!tpu.dma_semaphore, #tpu.memory_space<semaphore_mem>>
      %dma_start3A_136 = arith.constant 9600 : i32
      %dma_start3A_137 = tpu.memref_slice %arg17[%dma_start3A_136] : memref<10240xf32, #tpu.memory_space<vmem>> -> memref<640xf32, #tpu.memory_space<vmem>>
      %dma_start3A_138 = tpu.memref_slice %arg9[%run_scoped3A_134, %mul3A_2] : memref<16x10240xf32, #tpu.memory_space<hbm>> -> memref<1x640xf32, #tpu.memory_space<hbm>>
      %dma_start3A_139 = tpu.memref_squeeze %dma_start3A_138 : memref<1x640xf32, #tpu.memory_space<hbm>> -> memref<640xf32, #tpu.memory_space<hbm>>
      %dma_start3A_140 = tpu.memref_slice %arg9[%run_scoped3A_134, %mul3A_2] : memref<16x10240xf32, #tpu.memory_space<hbm>> -> memref<1x640xf32, #tpu.memory_space<hbm>>
      %dma_start3A_141 = tpu.memref_squeeze %dma_start3A_140 : memref<1x640xf32, #tpu.memory_space<hbm>> -> memref<640xf32, #tpu.memory_space<hbm>>
      %dma_start3A_142 = arith.constant 9600 : i32
      %dma_start3A_143 = tpu.memref_slice %arg17[%dma_start3A_142] : memref<10240xf32, #tpu.memory_space<vmem>> -> memref<640xf32, #tpu.memory_space<vmem>>
      tpu.enqueue_dma source(%dma_start3A_143 : memref<640xf32, #tpu.memory_space<vmem>>) target(%dma_start3A_141 : memref<640xf32, #tpu.memory_space<hbm>>) target_semaphore(%run_scoped3A_135 : memref<!tpu.dma_semaphore, #tpu.memory_space<semaphore_mem>>)
      %dma_wait3A_144 = arith.constant 9600 : i32
      %dma_wait3A_145 = tpu.memref_slice %arg17[%dma_wait3A_144] : memref<10240xf32, #tpu.memory_space<vmem>> -> memref<640xf32, #tpu.memory_space<vmem>>
      %dma_wait3A_146 = tpu.memref_slice %arg9[%run_scoped3A_134, %mul3A_2] : memref<16x10240xf32, #tpu.memory_space<hbm>> -> memref<1x640xf32, #tpu.memory_space<hbm>>
      %dma_wait3A_147 = tpu.memref_squeeze %dma_wait3A_146 : memref<1x640xf32, #tpu.memory_space<hbm>> -> memref<640xf32, #tpu.memory_space<hbm>>
      %dma_wait3A_148 = tpu.memref_slice %arg9[%run_scoped3A_134, %mul3A_2] : memref<16x10240xf32, #tpu.memory_space<hbm>> -> memref<1x640xf32, #tpu.memory_space<hbm>>
      %dma_wait3A_149 = tpu.memref_squeeze %dma_wait3A_148 : memref<1x640xf32, #tpu.memory_space<hbm>> -> memref<640xf32, #tpu.memory_space<hbm>>
      %dma_wait3A_150 = arith.constant 9600 : i32
      %dma_wait3A_151 = tpu.memref_slice %arg17[%dma_wait3A_150] : memref<10240xf32, #tpu.memory_space<vmem>> -> memref<640xf32, #tpu.memory_space<vmem>>
      tpu.wait_dma2 semaphore(%run_scoped3A_135 : memref<!tpu.dma_semaphore, #tpu.memory_space<semaphore_mem>>) src(%dma_wait3A_151 : memref<640xf32, #tpu.memory_space<vmem>>) dst(%dma_wait3A_149 : memref<640xf32, #tpu.memory_space<hbm>>)
      tpu.yield
    }) : () -> ()
    return
  }
}

module attributes {stable_mosaic.version = 14 : i64} {
  func.func @_prep_body(%arg0: memref<10000x128xf32, #tpu.memory_space<vmem>>, %arg1: memref<320000xi32, #tpu.memory_space<vmem>>, %arg2: memref<320000xi32, #tpu.memory_space<vmem>>, %arg3: memref<10000xf32, #tpu.memory_space<vmem>>, %arg4: memref<320000xi32, #tpu.memory_space<vmem>>) attributes {dimension_semantics = [], scalar_prefetch = 0 : i64, scratch_operands = 0 : i64, tpu.core_type = #tpu.core_type<tc>} {
    %get3A = arith.constant 0 : index
    %get3A_0 = arith.constant 0 : index
    %get3A_1 = vector.load %arg0[%get3A, %get3A_0] : memref<10000x128xf32, #tpu.memory_space<vmem>>, vector<10000x128xf32>
    %reduce_sum3A = arith.constant dense<0.000000e+00> : vector<10000xf32>
    %reduce_sum3A_2 = vector.multi_reduction <add>, %get3A_1, %reduce_sum3A [1] : vector<10000x128xf32> to vector<10000xf32>
    %swap3A = arith.constant 0 : index
    %swap3A_3 = vector.load %arg3[%swap3A] : memref<10000xf32, #tpu.memory_space<vmem>>, vector<10000xf32>
    tpu.vector_store %arg3[%swap3A], %reduce_sum3A_2 {strides = array<i32>} : memref<10000xf32, #tpu.memory_space<vmem>>, vector<10000xf32>,
    %get3A_4 = arith.constant 0 : index
    %get3A_5 = vector.load %arg2[%get3A_4] : memref<320000xi32, #tpu.memory_space<vmem>>, vector<320000xi32>
    %get3A_6 = arith.constant 0 : index
    %get3A_7 = vector.load %arg1[%get3A_6] : memref<320000xi32, #tpu.memory_space<vmem>>, vector<320000xi32>
    %shift_left3A = arith.constant 16 : i32
    %shift_left3A_8 = vector.broadcast %shift_left3A : i32 to vector<320000xi32>
    %shift_left3A_9 = arith.shli %get3A_7, %shift_left3A_8 : vector<320000xi32>
    %or3A = arith.ori %get3A_5, %shift_left3A_9 : vector<320000xi32>
    %swap3A_10 = arith.constant 0 : index
    %swap3A_11 = vector.load %arg4[%swap3A_10] : memref<320000xi32, #tpu.memory_space<vmem>>, vector<320000xi32>
    tpu.vector_store %arg4[%swap3A_10], %or3A {strides = array<i32>} : memref<320000xi32, #tpu.memory_space<vmem>>, vector<320000xi32>,
    return
  }
}

</mosaic_0001>

<sc_bundles>
// kernel: kernel.4.cloned.1.call-start
scs
__scs_entry_jumppad:
0x0: {  	(pc) =	sbr.rel $0x88, $3  }
0x1: {  	(tag) =	ssettag $0x0;
	lr =	simm.s32 $0x1  }
0x2: {  	[smem:$0x3F9C] =	sst lr;
	_ =	strace $0xD0000000  }
0x3: {  	_ = 	snop  }
0x4: {  	_ = 	snop  }
0x5: {  	_ = 	snop  }
0x6: {  	_ = 	snop  }
0x7: {  	_ = 	snop  }
__scs_overlays_trampoline_lowered:
0x8: {  	[smem:$0x3FAB] =	sst s0  }
0x9: {  	[smem:$0x3FAC] =	sst s1  }
0xa: {  	[smem:$0x3FAD] =	sst s2  }
0xb: {  	[smem:$0x3FAE] =	sst s3  }
0xc: {  	[smem:$0x3FAF] =	sst s4  }
0xd: {  	[smem:$0x3FB0] =	sst s5  }
0xe: {  	[smem:$0x3FB1] =	sst s6  }
0xf: {  	[smem:$0x3FB2] =	sst s7  }
0x10: {  	[smem:$0x3FB3] =	sst s8  }
0x11: {  	[smem:$0x3FB4] =	sst s9;
	s0 =	simm.s32 @!p0 $0x0  }
0x12: {  	s1 =	sld [smem:$0x3F9A];
	s0 =	simm.s32 @p0 $0x1  }
0x13: {  	[smem:$0x3FB5] =	sst s0;
	s0 =	simm.s32 @!p1 $0x0  }
0x14: {  	s2 =	sld [smem:$0x3F99];
	s0 =	simm.s32 @p1 $0x1  }
0x15: {  	[smem:$0x3FB6] =	sst s0;
	s0 =	simm.s32 @!p2 $0x0  }
0x16: {  	s3 =	sld [smem:$0x3FDB];
	s0 =	simm.s32 @p2 $0x1  }
0x17: {  	s4 =	simm.s32 $0x1BF5;
	[smem:$0x3FB8] =	sst s0  }
0x18: {  	s0 =	sld [smem:$0x3F9B];
	_ =	swait.ge [sflag:s4], $0x0  }
0x19: {  	s7 =	sld [smem:$0x3F9C]  }
0x1a: {  	s8 =	sadd.s32 $0xFFFFE003, lr  }
0x1b: {  	s9 =	sadd.s32 $0xFFFFFEF7, lr;
	s5 =	simm.s32 $0xFFFFFFFF;
	p2 =	slt.u32 s8, $0xFFFFF086  }
0x1c: {  	p1 =	slt.u32 s9, $0xF7A;
	s5 =	simm.s32 @!p2 $0x0  }
0x1d: {  	s5 =	simm.s32 @p1 $0x1;
	p0 =	seq.s32 s7, s2  }
0x1e: {  	s7 =	smul.u32 @!p0 $0xF7A, s2;
	p2 =	seq.s32 @!p0 s5, $0x0  }
0x1f: {  	s9 =	smul.u32 $0xF7A, s1;
	s8 =	simm.s32 @!p0 $0x1BF5;
	p2 =	por !p2, p0  }
0x20: {  	[sflag:s8] =	ssyncset.s32 @!p0 $0xFFFFF086;
	s6 =	sadd.s32 @!p0 s3, s7;
	s7 =	simm.s32 @!p0 $0x108  }
0x21: {  	s3 =	sadd.s32 s3, s9;
	s6 =	sadd.s32 @!p0 $0x88, s6;
	s7 =	simm.s32 @p2 $0x1082  }
0x22: {  	[simem:s7], [sflag:s8] =	dma.local @!p0 [hbm:s6], $0xF7A  }
0x23: {  	s9 =	sor.u32 $0xD0000000, s2;
	s6 =	simm.s32 $0x108;
	_ =	swait.ge @!p0 [sflag:s8], $0x0  }
0x24: {  	s3 =	sadd.s32 $0x88, s3;
	s6 =	simm.s32 @!p1 $0x1082;
	[sflag:s4] =	ssyncset.s32 $0xFFFFF086  }
0x25: {  	[simem:s6], [sflag:s4] =	dma.local [hbm:s3], $0xF7A  }
0x26: {  	[smem:$0x3F9C] =	sst s1;
	(tag) =	ssettag s2;
	_ =	strace s9  }
0x27: {  	s1 =	sld [smem:$0x3FAC]  }
0x28: {  	s2 =	sld [smem:$0x3FAD]  }
0x29: {  	s4 =	sld [smem:$0x3FAF]  }
0x2a: {  	p0 =	seq.s32 s5, $0x0;
	s5 =	sld [smem:$0x3FB0]  }
0x2b: {  	s6 =	sld [smem:$0x3FB1]  }
0x2c: {  	s7 =	sld [smem:$0x3FB2]  }
0x2d: {  	s3 =	simm.s32 $0x108;
	s8 =	sld [smem:$0x3FB3]  }
0x2e: {  	s3 =	simm.s32 @!p0 $0x1082;
	s9 =	sld [smem:$0x3FB4]  }
0x2f: {  	lr =	sadd.s32 s0, s3;
	s0 =	sld [smem:$0x3FAB]  }
0x30: {  	s3 =	sld [smem:$0x3FAE]  }
0x31: {  	[smem:$0x3FB7] =	sst s10  }
0x32: {  	s10 =	sld [smem:$0x3FB5];
	_ =	sdelay $0x3  }
0x33: {  	p0 =	seq.s32 s10, $0x1;
	s10 =	sld [smem:$0x3FB7];
	_ =	sdelay $0x3  }
0x34: {  	[smem:$0x3FB7] =	sst s10  }
0x35: {  	s10 =	sld [smem:$0x3FB6];
	_ =	sdelay $0x3  }
0x36: {  	p1 =	seq.s32 s10, $0x1;
	s10 =	sld [smem:$0x3FB7];
	_ =	sdelay $0x3  }
0x37: {  	[smem:$0x3FB7] =	sst s10  }
0x38: {  	s10 =	sld [smem:$0x3FB8]  }
0x39: {  	_ = 	snop;
	(pc) =	sbr.ind lr, $3  }
0x3a: {  	_ = 	snop  }
0x3b: {  	_ = 	snop  }
0x3c: {  	p2 =	seq.s32 s10, $0x1;
	s10 =	sld [smem:$0x3FB7]  }
0x3d: {  	_ =	shalt  }
0x3e: {  	_ =	shalt  }
0x3f: {  	_ =	shalt  }
0x40: {  	_ =	shalt  }
0x41: {  	_ =	shalt  }
0x42: {  	_ =	shalt  }
0x43: {  	_ =	shalt  }
0x44: {  	_ =	shalt  }
0x45: {  	_ =	shalt  }
0x46: {  	_ =	shalt  }
0x47: {  	_ =	shalt  }
0x48: {  	_ =	shalt  }
0x49: {  	_ =	shalt  }
0x4a: {  	_ =	shalt  }
0x4b: {  	_ =	shalt  }
0x4c: {  	_ =	shalt  }
0x4d: {  	_ =	shalt  }
0x4e: {  	_ =	shalt  }
0x4f: {  	_ =	shalt  }
0x50: {  	_ =	shalt  }
0x51: {  	_ =	shalt  }
0x52: {  	_ =	shalt  }
0x53: {  	_ =	shalt  }
0x54: {  	_ =	shalt  }
0x55: {  	_ =	shalt  }
0x56: {  	_ =	shalt  }
0x57: {  	_ =	shalt  }
0x58: {  	_ =	shalt  }
0x59: {  	_ =	shalt  }
0x5a: {  	_ =	shalt  }
0x5b: {  	_ =	shalt  }
0x5c: {  	_ =	shalt  }
0x5d: {  	_ =	shalt  }
0x5e: {  	_ =	shalt  }
0x5f: {  	_ =	shalt  }
0x60: {  	_ =	shalt  }
0x61: {  	_ =	shalt  }
0x62: {  	_ =	shalt  }
0x63: {  	_ =	shalt  }
0x64: {  	_ =	shalt  }
0x65: {  	_ =	shalt  }
0x66: {  	_ =	shalt  }
0x67: {  	_ =	shalt  }
0x68: {  	_ =	shalt  }
0x69: {  	_ =	shalt  }
0x6a: {  	_ =	shalt  }
0x6b: {  	_ =	shalt  }
0x6c: {  	_ =	shalt  }
0x6d: {  	_ =	shalt  }
0x6e: {  	_ =	shalt  }
0x6f: {  	_ =	shalt  }
0x70: {  	_ =	shalt  }
0x71: {  	_ =	shalt  }
0x72: {  	_ =	shalt  }
0x73: {  	_ =	shalt  }
0x74: {  	_ =	shalt  }
0x75: {  	_ =	shalt  }
0x76: {  	_ =	shalt  }
0x77: {  	_ =	shalt  }
0x78: {  	_ =	shalt  }
0x79: {  	_ =	shalt  }
0x7a: {  	_ =	shalt  }
0x7b: {  	_ =	shalt  }
0x7c: {  	_ =	shalt  }
0x7d: {  	_ =	shalt  }
0x7e: {  	_ =	shalt  }
0x7f: {  	_ =	shalt  }
0x80: {  	_ =	shalt  }
0x81: {  	_ =	shalt  }
0x82: {  	_ =	shalt  }
0x83: {  	_ =	shalt  }
0x84: {  	_ =	shalt  }
0x85: {  	_ =	shalt  }
0x86: {  	_ =	shalt  }
0x87: {  	_ =	shalt  }
.Lfunc_end0:
.L_simem_size_0:
called_computation_lowered:
.L_overlay_start_0:
0x88: {  	s0 =	sld [smem:$0x3FD9]  }
0x89: {  	s1 =	sld [smem:$0x3FFE];
	_ =	sdelay $0x3  }
0x8a: {  	s0 =	sadd.s32 s1, s0  }
0x8b: {  	[smem:$0x3FC3] =	sst s0  }
0x8c: {  	_ = 	snop  }
0x8d: {  	s0 =	sld [smem:$0x3FC6]  }
0x8e: {  	s16 =	sld [smem:$0x3FD0];
	(tm) =	ssettm $0x1  }
0x8f: {  	s2 =	sld [smem:$0x3FFB];
	_ =	sdelay $0x3  }
0x90: {  	_ =	strace s2  }
0x91: {  	s2 =	sld [smem:$0x3FFC];
	_ =	sdelay $0x3  }
0x92: {  	_ =	strace s2  }
0x93: {  	s2 =	sld [smem:$0x3FFD];
	_ =	sdelay $0x3  }
0x94: {  	_ =	strace s2  }
0x95: {  	_ =	strace $0x8FFFFFFF  }
0x96: {  	s17 =	sld [smem:$0x3FDB];
	_ =	sdelay $0x1  }
0x97: {  	s3 =	simm.s32 $_scs_section_size  }
0x98: {  	s4 =	simm.s32 $_size__tile_overlayer_lowered;
	s5 =	simm.s32 $_tile_overlayer_lowered  }
0x99: {  	s20 =	simm.s32 $0x1BFF;
	s19 =	sshll.u32 s5, $0x1;
	s2 =	sadd.s32 s3, s17  }
0x9a: {  	s6 =	simm.s32 $0x0;
	s18 =	sshll.u32 s4, $0x1;
	s4 =	sadd.s32 s19, s2  }
0x9b: {  	[timem:s6], [sflag:s20] =	dma.local [hbm:s4], s18  }
0x9c: {  	_ =	swait.ge [sflag:s20], s18  }
0x9d: {  	s3 =	ssub.s32 $0x0, s18;
	[sflag:s20] =	ssyncset.done $0x0  }
0x9e: {  	[sflag:s20] =	ssyncadd.s32 s3;
	_ =	sdelay $0x1  }
0x9f: {  	s21 =	simm.s32 $0x1B8B  }
0xa0: {  	_ =	swait.ge [sflag:s21], $0x1  }
0xa1: {  	[sflag:s21] =	ssyncset.done $0x0  }
0xa2: {  	s23 =	simm.s32 $0x1B8E;
	s22 =	sld [smem:$0x3FFE];
	[sflag:s21] =	ssyncadd.s32 $0xFFFFFFFF  }
0xa3: {  	s24 =	simm.s32 $execute0_lowered;
	[smem:$0x3FD2] =	sst s23  }
0xa4: {  	s4 =	sshll.u32 s24, $0x1;
	_ =	strace $0x80000046;
	[dreg:$0x1] =	wrdreg $0xFFFFFFFF  }
0xa5: {  	s25 =	simm.s32 $_size_execute0_lowered;
	s2 =	sadd.s32 s2, s4;
	[dreg:$0x0] =	wrdreg $0x0  }
0xa6: {  	s4 =	sshll.u32 s25, $0x1;
	[dreg:$0x2] =	wrdreg s2  }
0xa7: {  	[dreg:$0x3] =	wrdreg s4  }
0xa8: {  	[dreg:$0x4] =	wrdreg $0xC0  }
0xa9: {  	_ =	task [dreg:s6], $0x5FFFF  }
0xaa: {  	[dreg:$0x1] =	wrdreg $0xFFFFFFFF  }
0xab: {  	[dreg:$0x0] =	wrdreg $0x60  }
0xac: {  	[dreg:$0x2] =	wrdreg s16  }
0xad: {  	[dreg:$0x3] =	wrdreg s22  }
0xae: {  	[dreg:$0x4] =	wrdreg s0  }
0xaf: {  	[dreg:$0x5] =	wrdreg $0x169800  }
0xb0: {  	[dreg:$0x6] =	wrdreg $0x191800  }
0xb1: {  	[dreg:$0x7] =	wrdreg $0x9  }
0xb2: {  	_ =	task.clear_ibuf [dreg:s6], $0x8FFFF;
	_ =	strace $0x90000046  }
0xb3: {  	s26 =	simm.s32 $0x9;
	_ =	strace $0x80000048  }
0xb4: {  	_ =	swait.ge [sflag:s26], $0x1  }
0xb5: {  	[sflag:s26] =	ssyncadd.s32 $0xFFFFFFFF  }
0xb6: {  	_ =	strace $0x90000048  }
0xb7: {  	_ =	sfence  }
0xb8: {  	s28 =	sld [smem:$0x0];
	_ =	sdelay $0x1  }
0xb9: {  	s29 =	srdreg.scid  }
0xba: {  	s30 =	sshll.u32 s29, $0xD;
	s31 =	sshrl.u32 s29, $0x2  }
0xbb: {  	s1 =	sand.u32 $0x1, s29;
	s2 =	sand.u32 $0x4000, s30;
	s0 =	sadd.s32 s31, s28  }
0xbc: {  	s1 =	sor.u32 s2, s1;
	s0 =	sshll.u32 s0, $0x11  }
0xbd: {  	s0 =	sor.u32 s0, s1  }
0xbe: {  	s0 =	sadd.s32 $0x8F2B, s0  }
0xbf: {  	[sflag:s0] =	ssyncadd.remote.s32 $0x1  }
0xc0: {  	_ =	sfence.sel $0xFFFF  }
0xc1: {  	[dreg:$0x0] =	wrdreg $0xFFFFFFFF;
	(pc) =	sbr.abs _section_cstart, $3  }
0xc2: {  	[dreg:$0x1] =	wrdreg $0xFFFFFFFF  }
0xc3: {  	_ =	task.clear_ibuf [dreg:s6], $0x2FFFF;
	_ =	strace $0x9FFFFFFF  }
0xc4: {  	(tm) =	ssettm $0x7FFFFFFF  }
0xc5: {  	_ =	shalt  }
tec
execute0_lowered:
.L_overlay_start_1:
0x0: {  	(tag) =	ssettag $0x1  }
0x1: {  	s0 =	rddreg [dreg:$0x0]  }
0x2: {  	s1 =	rddreg [dreg:$0x1];
	s6 =	stileid.u32  }
0x3: {  	s2 =	rddreg [dreg:$0x2];
	s3 =	smul.u32 $0x9C4, s6  }
0x4: {  	s7 =	rddreg [dreg:$0x3];
	s4 =	simm.s32 $0x0  }
0x5: {  	[smem:$0x7FF] =	sst s4;
	s5 =	sadd.s32 s3, s1  }
0x6: {  	s20 =	simm.s32 $0x2;
	_ =	strace $0x80000047;
	s5 =	sadd.s32 $0x1A00, s5  }
0x7: {  	[tilespmem:s4], [sflag:$0x2] =	stream.linear.gather [hbm4b:s5+s4], $0x4E20, $0x38;
	[tilespmem:$0x19400] =	vst v63  }
0x8: {  	_ =	swait.ge [sflag:s20], $0x4E20  }
0x9: {  	[sflag:s20] =	ssyncset.done $0x0  }
0xa: {  	s21 =	simm.s32 $0x4E80;
	s2 =	sadd.s32 s2, s3;
	[sflag:s20] =	ssyncadd.s32 $0xFFFFB1E0  }
0xb: {  	[tilespmem:s21], [sflag:$0x2] =	stream.linear.gather [hbm4b:s2+s4], $0x4E20, $0x38;
	[tilespmem:$0x19400] =	vst v63  }
0xc: {  	_ =	swait.ge [sflag:s20], $0x4E20  }
0xd: {  	[sflag:s20] =	ssyncset.done $0x0  }
0xe: {  	s23 =	simm.s32 $0x16780;
	s22 =	sadd.s32 $0x1200, s1;
	[sflag:s20] =	ssyncadd.s32 $0xFFFFB1E0  }
0xf: {  	[tilespmem:s23], [sflag:$0x2] =	stream.linear.gather [hbm4b:s22+s4], $0x80, $0x38;
	[tilespmem:$0x19400] =	vst v63  }
0x10: {  	_ =	swait.ge [sflag:s20], $0x80  }
0x11: {  	[sflag:s20] =	ssyncset.done $0x0  }
0x12: {  	s25 =	simm.s32 $0x16800;
	s24 =	sadd.s32 $0x1400, s1;
	[sflag:s20] =	ssyncadd.s32 $0xFFFFFF80  }
0x13: {  	[tilespmem:s25], [sflag:$0x2] =	stream.linear.gather [hbm4b:s24+s4], $0x80, $0x38;
	[tilespmem:$0x19400] =	vst v63  }
0x14: {  	_ =	swait.ge [sflag:s20], $0x80  }
0x15: {  	[sflag:s20] =	ssyncset.done $0x0  }
0x16: {  	s28 =	simm.s32 $0x16880;
	s26 =	sadd.s32 $0x1600, s1;
	[sflag:s20] =	ssyncadd.s32 $0xFFFFFF80  }
0x17: {  	[tilespmem:s28], [sflag:$0x2] =	stream.linear.gather [hbm4b:s26+s4], $0x80, $0x38;
	[tilespmem:$0x19400] =	vst v63  }
0x18: {  	_ =	swait.ge [sflag:s20], $0x80  }
0x19: {  	[sflag:s20] =	ssyncset.done $0x0  }
0x1a: {  	s30 =	simm.s32 $0x16900;
	s29 =	sadd.s32 $0x1800, s1;
	[sflag:s20] =	ssyncadd.s32 $0xFFFFFF80  }
0x1b: {  	[tilespmem:s30], [sflag:$0x2] =	stream.linear.gather [hbm4b:s29+s4], $0x80, $0x38;
	[tilespmem:$0x19400] =	vst v63  }
0x1c: {  	_ =	swait.ge [sflag:s20], $0x80  }
0x1d: {  	[sflag:s20] =	ssyncset.done $0x0  }
0x1e: {  	s31 =	simm.s32 $0x9D00;
	[sflag:s20] =	ssyncadd.s32 $0xFFFFFF80  }
0x1f: {  	[tilespmem:s31], [sflag:$0x2] =	stream.linear.gather [hbm4b:s0+s4], $0x2710, $0x38;
	[tilespmem:$0x19400] =	vst v63  }
0x20: {  	_ =	swait.ge [sflag:s20], $0x2710  }
0x21: {  	[sflag:s20] =	ssyncset.done $0x0  }
0x22: {  	v0 =	vimm.f32 $0.0e+00;
	[sflag:s20] =	ssyncadd.s32 $0xFFFFD8F0  }
0x23: {  	[tilespmem:$0xC410] =	vst v0  }
0x24: {  	[tilespmem:$0xC420] =	vst v0  }
0x25: {  	[tilespmem:$0xC430] =	vst v0  }
0x26: {  	[tilespmem:$0xC440] =	vst v0  }
0x27: {  	[tilespmem:$0xC450] =	vst v0  }
0x28: {  	[tilespmem:$0xC460] =	vst v0  }
0x29: {  	[tilespmem:$0xC470] =	vst v0  }
0x2a: {  	[tilespmem:$0xC480] =	vst v0  }
0x2b: {  	[tilespmem:$0xC490] =	vst v0  }
0x2c: {  	[tilespmem:$0xC4A0] =	vst v0  }
0x2d: {  	[tilespmem:$0xC4B0] =	vst v0  }
0x2e: {  	[tilespmem:$0xC4C0] =	vst v0  }
0x2f: {  	[tilespmem:$0xC4D0] =	vst v0  }
0x30: {  	[tilespmem:$0xC4E0] =	vst v0  }
0x31: {  	s0 =	simm.s32 $0x13FC0;
	[tilespmem:$0xC4F0] =	vst v0  }
0x32: {  	[tilespmem:s0+$0xFFFFFFC0] =	vst v0  }
0x33: {  	[tilespmem:s0+$0x30] =	vst v0  }
0x34: {  	[tilespmem:s0+$0x20] =	vst v0  }
0x35: {  	[tilespmem:s0+$0x10] =	vst v0  }
0x36: {  	[tilespmem:s0+$0x0] =	vst v0  }
0x37: {  	s1 =	sadd.s32 $0xB800, s1;
	[tilespmem:s0+$0xFFFFFFF0] =	vst v0  }
0x38: {  	[dreg:$0x6] =	wrdreg s1  }
0x39: {  	s1 =	simm.s32 $0x0;
	[tilespmem:s0+$0xFFFFFFE0] =	vst v0  }
.LBB2_1:
0x3a: {  	s1 =	sadd.s32 $0x80, s1;
	[tilespmem:s0+$0xFFFFFFD0] =	vst v0;
	s0 =	sadd.s32 $0x80, s0  }
0x3b: {  	[tilespmem:s0+$0xFFFFFFC0] =	vst v0;
	p0 =	slt.u32 s1, $0x2780  }
0x3c: {  	[tilespmem:s0+$0x30] =	vst v0  }
.Ltmp0:
0x3d: {  	[tilespmem:s0+$0x20] =	vst v0;
	(pc) =	sbr.rel @p0 .LBB2_1-.Ltmp0, $4  }
0x3e: {  	[tilespmem:s0+$0x10] =	vst v0  }
0x3f: {  	[tilespmem:s0+$0x0] =	vst v0  }
0x40: {  	[tilespmem:s0+$0xFFFFFFF0] =	vst v0  }
0x41: {  	[tilespmem:s0+$0xFFFFFFE0] =	vst v0  }
0x42: {  	[tilespmem:s0+$0xFFFFFFD0] =	vst v0;
	s0 =	simm.s32 $0xC540;
	v0 =	vimm.f32 $0.0e+00  }
0x43: {  	[tilespmem:s0+$0xFFFFFFC0] =	vst v0  }
0x44: {  	[tilespmem:s0+$0x30] =	vst v0  }
0x45: {  	[tilespmem:s0+$0x20] =	vst v0  }
0x46: {  	[tilespmem:s0+$0x10] =	vst v0  }
0x47: {  	[tilespmem:s0+$0x0] =	vst v0  }
0x48: {  	[tilespmem:s0+$0xFFFFFFF0] =	vst v0  }
0x49: {  	s1 =	simm.s32 $0x0;
	[tilespmem:s0+$0xFFFFFFE0] =	vst v0  }
.LBB2_3:
0x4a: {  	s1 =	sadd.s32 $0x80, s1;
	[tilespmem:s0+$0xFFFFFFD0] =	vst v0;
	s0 =	sadd.s32 $0x80, s0  }
0x4b: {  	[tilespmem:s0+$0xFFFFFFC0] =	vst v0;
	p0 =	slt.u32 s1, $0x2780  }
0x4c: {  	[tilespmem:s0+$0x30] =	vst v0  }
.Ltmp1:
0x4d: {  	[tilespmem:s0+$0x20] =	vst v0;
	(pc) =	sbr.rel @p0 .LBB2_3-.Ltmp1, $4  }
0x4e: {  	[tilespmem:s0+$0x10] =	vst v0  }
0x4f: {  	[tilespmem:s0+$0x0] =	vst v0  }
0x50: {  	[tilespmem:s0+$0xFFFFFFF0] =	vst v0  }
0x51: {  	[tilespmem:s0+$0xFFFFFFE0] =	vst v0  }
0x52: {  	s1 =	sshrl.u32 s6, $0x3;
	s2 =	smul.u32 $0x5000, s6  }
0x53: {  	s3 =	sshll.u32 s6, $0x7;
	s4 =	smul.u32 $0xA00, s6;
	s31 =	rddreg [dreg:$0x4]  }
0x54: {  	s11 =	simm.s32 $0x0;
	s12 =	simm.s32 $0x9D00;
	s13 =	simm.s32 $0xC500  }
0x55: {  	s16 =	simm.s32 $0x1;
	s22 =	simm.s32 $0x2;
	s1 =	smul.u32 $0x50000, s1  }
0x56: {  	s23 =	simm.s32 $0xED00;
	s3 =	sand.u32 $0x380, s3;
	s2 =	sshrl.u32 s2, $0x2  }
0x57: {  	s30 =	sshrl.u32 s4, $0x2;
	s1 =	sshrl.u32 s1, $0x2;
	s9 =	sadd.s32 s2, s7  }
0x58: {  	s4 =	sadd.s32 s30, s31;
	s1 =	sadd.s32 s1, s7;
	s6 =	sadd.s32 $0xC00, s9  }
0x59: {  	[tilespmem:s0+$0xFFFFFFD0] =	vst v0;
	v0 =	vimm.f32 $0.0e+00;
	s10 =	sadd.s32 $0x14000, s9;
	s7 =	sadd.s32 $0x14C00, s9;
	s8 =	sadd.s32 s3, s1  }
.LBB2_5:
0x5a: {  	s30 =	simm.s32 $0xC0  }
0x5b: {  	v9 =	vld [tilespmem:s30+$0xFFFFFF60]  }
0x5c: {  	v10 =	vld [tilespmem:s30+$0xFFFFFF70]  }
0x5d: {  	v11 =	vld [tilespmem:s30+$0xFFFFFF80]  }
0x5e: {  	v13 =	vld [tilespmem:s30+$0xFFFFFF90]  }
0x5f: {  	v14 =	vld [tilespmem:s30+$0xFFFFFFA0]  }
0x60: {  	v15 =	vld [tilespmem:s30+$0xFFFFFFB0]  }
0x61: {  	s31 =	simm.s32 $0x4F40;
	v16 =	vld [tilespmem:s30+$0xFFFFFFD0]  }
0x62: {  	v17 =	vld [tilespmem:s31+$0xB0]  }
0x63: {  	v18 =	vld [tilespmem:s30+$0xFFFFFFE0]  }
0x64: {  	v19 =	vld [tilespmem:s30+$0xFFFFFFF0]  }
0x65: {  	v20 =	vld [tilespmem:s30+$0x0]  }
0x66: {  	v21 =	vld [tilespmem:s30+$0x10]  }
0x67: {  	v22 =	vld [tilespmem:s30+$0x20]  }
0x68: {  	v23 =	vld [tilespmem:s30+$0x60]  }
0x69: {  	v25 =	vld [tilespmem:s30+$0x70]  }
0x6a: {  	v27 =	vld [tilespmem:s30+$0x80]  }
0x6b: {  	v29 =	vld [tilespmem:s30+$0x90]  }
0x6c: {  	v31 =	vld [tilespmem:s30+$0xA0]  }
0x6d: {  	v48 =	vld [tilespmem:s31+$0xFFFFFF40]  }
0x6e: {  	v49 =	vld [tilespmem:s31+$0xFFFFFF50]  }
0x6f: {  	v50 =	vld [tilespmem:s31+$0xFFFFFF60]  }
0x70: {  	v51 =	vld [tilespmem:s31+$0xFFFFFF70]  }
0x71: {  	v52 =	vld [tilespmem:s31+$0xFFFFFF80]  }
0x72: {  	v53 =	vld [tilespmem:s31+$0xFFFFFF90]  }
0x73: {  	s0 =	simm.s32 $0x0;
	v54 =	vld [tilespmem:s31+$0xFFFFFFA0]  }
0x74: {  	s0 =	sand.u32 $0x7FF0, s0;
	v55 =	vld [tilespmem:s31+$0xFFFFFFB0]  }
0x75: {  	v1 =	vld [tilespmem:s0+$0x180]  }
0x76: {  	v56 =	vld [tilespmem:s31+$0xFFFFFFD0]  }
0x77: {  	v57 =	vld [tilespmem:s31+$0xFFFFFFE0]  }
0x78: {  	v58 =	vld [tilespmem:s31+$0x0]  }
0x79: {  	v59 =	vld [tilespmem:s31+$0x30]  }
0x7a: {  	v60 =	vld [tilespmem:s31+$0x60];
	v2 =	vand.u32 $0xFFFF, v1  }
0x7b: {  	v61 =	vld [tilespmem:s31+$0x70]  }
0x7c: {  	v62 =	vld [tilespmem:s31+$0x90]  }
0x7d: {  	v63 =	vld [tilespmem:s31+$0xA0]  }
0x7e: {  	v7 =	vld [tilespmem:s0+$0x5000]  }
0x7f: {  	v2 =	vld.idx.msk [tilespmem:v2+s12+$0x0], $0xffff  }
0x80: {  	v3 =	vld [tilespmem:s0+$0x80];
	v26 =	vand.u32 $0xFFFF, v9  }
0x81: {  	v4 =	vld [tilespmem:s0+$0x100];
	v8 =	vshrl.u32 v1, $0x10  }
0x82: {  	s1 =	simm.s32 $0x190;
	v5 =	vld [tilespmem:s0+$0x4F00]  }
0x83: {  	s25 =	sand.u32 $0x7FF0, s1;
	v6 =	vld [tilespmem:s0+$0x4F80];
	v28 =	vand.u32 $0xFFFF, v10  }
0x84: {  	v30 =	vand.u32 $0xFFFF, v11;
	v1 =	vld [tilespmem:s25+$0x180];
	v2 =	vmul.f32 v7, v2  }
0x85: {  	v32 =	vand.u32 $0xFFFF, v13;
	v26 =	vld.idx.msk [tilespmem:v26+s12+$0x0], $0xffff  }
0x86: {  	v33 =	vand.u32 $0xFFFF, v14;
	[tilespmem:v8+s13+$0x0] =	vst.idx.add.f32.msk $0xffff, v2  }
0x87: {  	v34 =	vand.u32 $0xFFFF, v15;
	v2 =	vld [tilespmem:s30+$0xB0]  }
0x88: {  	v35 =	vand.u32 $0xFFFF, v16;
	v28 =	vld.idx.msk [tilespmem:v28+s12+$0x0], $0xffff  }
0x89: {  	v36 =	vand.u32 $0xFFFF, v18;
	v30 =	vld.idx.msk [tilespmem:v30+s12+$0x0], $0xffff  }
0x8a: {  	v37 =	vand.u32 $0xFFFF, v19;
	v32 =	vld.idx.msk [tilespmem:v32+s12+$0x0], $0xffff  }
0x8b: {  	v38 =	vand.u32 $0xFFFF, v20;
	v33 =	vld.idx.msk [tilespmem:v33+s12+$0x0], $0xffff  }
0x8c: {  	v34 =	vld.idx.msk [tilespmem:v34+s12+$0x0], $0xffff;
	v12 =	vand.u32 $0xFFFF, v2  }
0x8d: {  	v39 =	vand.u32 $0xFFFF, v21;
	v35 =	vld.idx.msk [tilespmem:v35+s12+$0x0], $0xffff  }
0x8e: {  	v40 =	vand.u32 $0xFFFF, v22;
	v36 =	vld.idx.msk [tilespmem:v36+s12+$0x0], $0xffff  }
0x8f: {  	v37 =	vld.idx.msk [tilespmem:v37+s12+$0x0], $0xffff  }
0x90: {  	v43 =	vand.u32 $0xFFFF, v23;
	v38 =	vld.idx.msk [tilespmem:v38+s12+$0x0], $0xffff  }
0x91: {  	v12 =	vld.idx.msk [tilespmem:v12+s12+$0x0], $0xffff  }
0x92: {  	v39 =	vld.idx.msk [tilespmem:v39+s12+$0x0], $0xffff  }
0x93: {  	v40 =	vld.idx.msk [tilespmem:v40+s12+$0x0], $0xffff;
	v2 =	vshrl.u32 v2, $0x10  }
0x94: {  	v7 =	vld [tilespmem:s30+$0xFFFFFF40]  }
0x95: {  	v44 =	vand.u32 $0xFFFF, v25;
	v43 =	vld.idx.msk [tilespmem:v43+s12+$0x0], $0xffff  }
0x96: {  	v45 =	vand.u32 $0xFFFF, v27;
	v8 =	vld [tilespmem:s30+$0xFFFFFF50];
	v12 =	vmul.f32 v17, v12  }
0x97: {  	v46 =	vand.u32 $0xFFFF, v29;
	v17 =	vld [tilespmem:s30+$0x30]  }
0x98: {  	v47 =	vand.u32 $0xFFFF, v31;
	[tilespmem:v2+s13+$0x0] =	vst.idx.add.f32.msk $0xffff, v12  }
0x99: {  	v2 =	vld [tilespmem:s30+$0x50];
	v12 =	vand.u32 $0xFFFF, v7  }
0x9a: {  	v11 =	vshrl.u32 v11, $0x10;
	v44 =	vld.idx.msk [tilespmem:v44+s12+$0x0], $0xffff  }
0x9b: {  	v45 =	vld.idx.msk [tilespmem:v45+s12+$0x0], $0xffff;
	v24 =	vand.u32 $0xFFFF, v8  }
0x9c: {  	v16 =	vshrl.u32 v16, $0x10;
	v46 =	vld.idx.msk [tilespmem:v46+s12+$0x0], $0xffff  }
0x9d: {  	v47 =	vld.idx.msk [tilespmem:v47+s12+$0x0], $0xffff;
	v30 =	vmul.f32 v52, v30;
	v41 =	vand.u32 $0xFFFF, v17  }
0x9e: {  	v12 =	vld.idx.msk [tilespmem:v12+s12+$0x0], $0xffff;
	v42 =	vand.u32 $0xFFFF, v2  }
0x9f: {  	[tilespmem:v11+s13+$0x0] =	vst.idx.add.f32.msk $0xffff, v30;
	v11 =	vshrl.u32 v19, $0x10;
	v19 =	vmul.f32 v56, v35  }
0xa0: {  	v24 =	vld.idx.msk [tilespmem:v24+s12+$0x0], $0xffff;
	v7 =	vshrl.u32 v7, $0x10  }
0xa1: {  	[tilespmem:v16+s13+$0x0] =	vst.idx.add.f32.msk $0xffff, v19  }
0xa2: {  	v8 =	vshrl.u32 v8, $0x10;
	v41 =	vld.idx.msk [tilespmem:v41+s12+$0x0], $0xffff  }
0xa3: {  	v42 =	vld.idx.msk [tilespmem:v42+s12+$0x0], $0xffff;
	v12 =	vmul.f32 v48, v12  }
0xa4: {  	v9 =	vshrl.u32 v9, $0x10;
	v48 =	vld [tilespmem:s31+$0xFFFFFFF0]  }
0xa5: {  	[tilespmem:v7+s13+$0x0] =	vst.idx.add.f32.msk $0xffff, v12;
	v12 =	vmul.f32 v49, v24  }
0xa6: {  	v10 =	vshrl.u32 v10, $0x10;
	v7 =	vld [tilespmem:s31+$0x10]  }
0xa7: {  	[tilespmem:v8+s13+$0x0] =	vst.idx.add.f32.msk $0xffff, v12;
	v12 =	vmul.f32 v50, v26  }
0xa8: {  	v15 =	vshrl.u32 v15, $0x10;
	v8 =	vld [tilespmem:s31+$0x50]  }
0xa9: {  	[tilespmem:v9+s13+$0x0] =	vst.idx.add.f32.msk $0xffff, v12;
	v9 =	vshrl.u32 v13, $0x10;
	v13 =	vshrl.u32 v14, $0x10;
	v14 =	vmul.f32 v51, v28  }
0xaa: {  	v24 =	vld [tilespmem:s31+$0x20]  }
0xab: {  	v2 =	vshrl.u32 v2, $0x10;
	[tilespmem:v10+s13+$0x0] =	vst.idx.add.f32.msk $0xffff, v14;
	v10 =	vshrl.u32 v18, $0x10;
	v18 =	vmul.f32 v55, v34  }
0xac: {  	v32 =	vmul.f32 v53, v32;
	v12 =	vld [tilespmem:s31+$0x80]  }
0xad: {  	v14 =	vmul.f32 v54, v33;
	[tilespmem:v15+s13+$0x0] =	vst.idx.add.f32.msk $0xffff, v18  }
0xae: {  	v8 =	vmul.f32 v8, v42;
	[tilespmem:v9+s13+$0x0] =	vst.idx.add.f32.msk $0xffff, v32  }
0xaf: {  	[tilespmem:v13+s13+$0x0] =	vst.idx.add.f32.msk $0xffff, v14  }
0xb0: {  	v15 =	vshrl.u32 v22, $0x10;
	v18 =	vmul.f32 v48, v37;
	[tilespmem:v2+s13+$0x0] =	vst.idx.add.f32.msk $0xffff, v8  }
0xb1: {  	v9 =	vshrl.u32 v20, $0x10;
	v14 =	vmul.f32 v57, v36;
	v2 =	vmul.f32 v12, v45;
	v12 =	vld [tilespmem:s25+$0x5000]  }
0xb2: {  	v13 =	vshrl.u32 v21, $0x10;
	[tilespmem:v11+s13+$0x0] =	vst.idx.add.f32.msk $0xffff, v18  }
0xb3: {  	s26 =	simm.s32 $0x50D0;
	v16 =	vshrl.u32 v17, $0x10;
	v11 =	vmul.f32 v24, v40;
	[tilespmem:v10+s13+$0x0] =	vst.idx.add.f32.msk $0xffff, v14  }
0xb4: {  	v17 =	vmul.f32 v58, v38;
	v10 =	vshrl.u32 v23, $0x10;
	v23 =	vld [tilespmem:s26+$0xB0]  }
0xb5: {  	v7 =	vmul.f32 v7, v39;
	[tilespmem:v15+s13+$0x0] =	vst.idx.add.f32.msk $0xffff, v11  }
0xb6: {  	v14 =	vmul.f32 v59, v41;
	v11 =	vshrl.u32 v29, $0x10;
	[tilespmem:v9+s13+$0x0] =	vst.idx.add.f32.msk $0xffff, v17  }
0xb7: {  	v9 =	vshrl.u32 v25, $0x10;
	[tilespmem:v13+s13+$0x0] =	vst.idx.add.f32.msk $0xffff, v7;
	v13 =	vmul.f32 v60, v43  }
0xb8: {  	[tilespmem:v16+s13+$0x0] =	vst.idx.add.f32.msk $0xffff, v14;
	v7 =	vshrl.u32 v27, $0x10  }
0xb9: {  	v8 =	vmul.f32 v62, v46;
	[tilespmem:v10+s13+$0x0] =	vst.idx.add.f32.msk $0xffff, v13  }
0xba: {  	v15 =	vmul.f32 v61, v44;
	v10 =	vand.u32 $0xFFFF, v1;
	v13 =	vshrl.u32 v1, $0x10;
	v1 =	vld [tilespmem:s25+$0x4F80]  }
0xbb: {  	v14 =	vshrl.u32 v31, $0x10;
	[tilespmem:v11+s13+$0x0] =	vst.idx.add.f32.msk $0xffff, v8  }
0xbc: {  	s24 =	simm.s32 $0x320;
	[tilespmem:v9+s13+$0x0] =	vst.idx.add.f32.msk $0xffff, v15  }
0xbd: {  	s28 =	sand.u32 $0x7FF0, s24;
	[tilespmem:v7+s13+$0x0] =	vst.idx.add.f32.msk $0xffff, v2  }
0xbe: {  	v9 =	vmul.f32 v63, v47;
	v15 =	vld [tilespmem:s28+$0x180]  }
0xbf: {  	v2 =	vand.u32 $0xFFFF, v3;
	v63 =	vld [tilespmem:s26+$0xFFFFFF40]  }
0xc0: {  	v7 =	vand.u32 $0xFFFF, v4;
	[tilespmem:v14+s13+$0x0] =	vst.idx.add.f32.msk $0xffff, v9  }
0xc1: {  	v9 =	vld [tilespmem:s25+$0x80]  }
0xc2: {  	v8 =	vld.idx.msk [tilespmem:v10+s12+$0x0], $0xffff  }
0xc3: {  	v10 =	vld [tilespmem:s25+$0x100]  }
0xc4: {  	v11 =	vld.idx.msk [tilespmem:v2+s12+$0x0], $0xffff  }
0xc5: {  	v14 =	vld.idx.msk [tilespmem:v7+s12+$0x0], $0xffff  }
0xc6: {  	v2 =	vld [tilespmem:s25+$0x4F00];
	s25 =	simm.s32 $0x250  }
0xc7: {  	v16 =	vld [tilespmem:s25+$0xFFFFFF70]  }
0xc8: {  	v17 =	vld [tilespmem:s25+$0xFFFFFF80]  }
0xc9: {  	v19 =	vld [tilespmem:s25+$0xFFFFFF90]  }
0xca: {  	v20 =	vld [tilespmem:s25+$0xFFFFFFA0]  }
0xcb: {  	v21 =	vld [tilespmem:s25+$0xFFFFFFB0]  }
0xcc: {  	v22 =	vld [tilespmem:s25+$0xFFFFFFD0]  }
0xcd: {  	v24 =	vld [tilespmem:s25+$0xFFFFFFE0]  }
0xce: {  	v25 =	vld [tilespmem:s25+$0xFFFFFFF0]  }
0xcf: {  	v26 =	vld [tilespmem:s25+$0x0]  }
0xd0: {  	v27 =	vld [tilespmem:s25+$0x10]  }
0xd1: {  	v28 =	vld [tilespmem:s25+$0x20]  }
0xd2: {  	v29 =	vld [tilespmem:s25+$0x60]  }
0xd3: {  	v31 =	vld [tilespmem:s25+$0x70]  }
0xd4: {  	v33 =	vld [tilespmem:s25+$0x80]  }
0xd5: {  	v35 =	vld [tilespmem:s25+$0x90]  }
0xd6: {  	v37 =	vld [tilespmem:s25+$0xA0]  }
0xd7: {  	v7 =	vmul.f32 v12, v8;
	v8 =	vld [tilespmem:s25+$0xFFFFFF40];
	v45 =	vand.u32 $0xFFFF, v16  }
0xd8: {  	v12 =	vld [tilespmem:s25+$0xFFFFFF50];
	v46 =	vand.u32 $0xFFFF, v17  }
0xd9: {  	[tilespmem:v13+s13+$0x0] =	vst.idx.add.f32.msk $0xffff, v7;
	v47 =	vand.u32 $0xFFFF, v19  }
0xda: {  	v7 =	vld [tilespmem:s25+$0xB0];
	v48 =	vand.u32 $0xFFFF, v20  }
0xdb: {  	v13 =	vld [tilespmem:s25+$0xFFFFFF60];
	v49 =	vand.u32 $0xFFFF, v21  }
0xdc: {  	v50 =	vand.u32 $0xFFFF, v22;
	v34 =	vld.idx.msk [tilespmem:v45+s12+$0x0], $0xffff  }
0xdd: {  	v51 =	vand.u32 $0xFFFF, v24;
	v36 =	vld.idx.msk [tilespmem:v46+s12+$0x0], $0xffff  }
0xde: {  	v54 =	vand.u32 $0xFFFF, v27;
	v38 =	vld.idx.msk [tilespmem:v47+s12+$0x0], $0xffff  }
0xdf: {  	v55 =	vand.u32 $0xFFFF, v28;
	v39 =	vld.idx.msk [tilespmem:v48+s12+$0x0], $0xffff  }
0xe0: {  	v58 =	vand.u32 $0xFFFF, v29;
	v40 =	vld.idx.msk [tilespmem:v49+s12+$0x0], $0xffff  }
0xe1: {  	v59 =	vand.u32 $0xFFFF, v31;
	v41 =	vld.idx.msk [tilespmem:v50+s12+$0x0], $0xffff  }
0xe2: {  	v18 =	vand.u32 $0xFFFF, v7;
	v42 =	vld.idx.msk [tilespmem:v51+s12+$0x0], $0xffff  }
0xe3: {  	v60 =	vand.u32 $0xFFFF, v33;
	v45 =	vld.idx.msk [tilespmem:v54+s12+$0x0], $0xffff  }
0xe4: {  	v46 =	vld.idx.msk [tilespmem:v55+s12+$0x0], $0xffff  }
0xe5: {  	v49 =	vld.idx.msk [tilespmem:v58+s12+$0x0], $0xffff  }
0xe6: {  	v43 =	vand.u32 $0xFFFF, v12;
	v50 =	vld.idx.msk [tilespmem:v59+s12+$0x0], $0xffff  }
0xe7: {  	v52 =	vand.u32 $0xFFFF, v25;
	v18 =	vld.idx.msk [tilespmem:v18+s12+$0x0], $0xffff  }
0xe8: {  	v51 =	vld.idx.msk [tilespmem:v60+s12+$0x0], $0xffff  }
0xe9: {  	v7 =	vshrl.u32 v7, $0x10;
	v55 =	vld [tilespmem:s26+$0xFFFFFF50]  }
0xea: {  	v60 =	vld [tilespmem:s26+$0xFFFFFF60]  }
0xeb: {  	v61 =	vand.u32 $0xFFFF, v35;
	v30 =	vld.idx.msk [tilespmem:v43+s12+$0x0], $0xffff  }
0xec: {  	v43 =	vld.idx.msk [tilespmem:v52+s12+$0x0], $0xffff;
	v18 =	vmul.f32 v23, v18  }
0xed: {  	v44 =	vand.u32 $0xFFFF, v13;
	v23 =	vld [tilespmem:s25+$0x30]  }
0xee: {  	v53 =	vand.u32 $0xFFFF, v26;
	[tilespmem:v7+s13+$0x0] =	vst.idx.add.f32.msk $0xffff, v18  }
0xef: {  	v62 =	vand.u32 $0xFFFF, v37;
	v7 =	vld [tilespmem:s25+$0x50]  }
0xf0: {  	v52 =	vld.idx.msk [tilespmem:v61+s12+$0x0], $0xffff;
	v18 =	vand.u32 $0xFFFF, v8  }
0xf1: {  	v61 =	vld [tilespmem:s26+$0xFFFFFF70]  }
0xf2: {  	v32 =	vld.idx.msk [tilespmem:v44+s12+$0x0], $0xffff;
	v56 =	vand.u32 $0xFFFF, v23  }
0xf3: {  	v44 =	vld.idx.msk [tilespmem:v53+s12+$0x0], $0xffff  }
0xf4: {  	v53 =	vld.idx.msk [tilespmem:v62+s12+$0x0], $0xffff;
	v57 =	vand.u32 $0xFFFF, v7  }
0xf5: {  	v18 =	vld.idx.msk [tilespmem:v18+s12+$0x0], $0xffff  }
0xf6: {  	v62 =	vld [tilespmem:s26+$0xFFFFFF80]  }
0xf7: {  	v8 =	vshrl.u32 v8, $0x10;
	v47 =	vld.idx.msk [tilespmem:v56+s12+$0x0], $0xffff  }
0xf8: {  	v56 =	vld [tilespmem:s26+$0x0]  }
0xf9: {  	v48 =	vld.idx.msk [tilespmem:v57+s12+$0x0], $0xffff  }
0xfa: {  	v18 =	vmul.f32 v63, v18;
	v63 =	vld [tilespmem:s26+$0xFFFFFF90]  }
0xfb: {  	v12 =	vshrl.u32 v12, $0x10;
	v57 =	vld [tilespmem:s26+$0x30]  }
0xfc: {  	[tilespmem:v8+s13+$0x0] =	vst.idx.add.f32.msk $0xffff, v18  }
0xfd: {  	v8 =	vld [tilespmem:s26+$0xFFFFFFA0]  }
0xfe: {  	v18 =	vmul.f32 v55, v30;
	v30 =	vld [tilespmem:s26+$0xFFFFFFB0]  }
0xff: {  	v13 =	vshrl.u32 v13, $0x10;
	v55 =	vld [tilespmem:s26+$0xFFFFFFD0]  }
0x100: {  	[tilespmem:v12+s13+$0x0] =	vst.idx.add.f32.msk $0xffff, v18  }
0x101: {  	v12 =	vld [tilespmem:s26+$0xFFFFFFE0]  }
0x102: {  	v18 =	vmul.f32 v60, v32;
	v32 =	vld [tilespmem:s26+$0xFFFFFFF0]  }
0x103: {  	v16 =	vshrl.u32 v16, $0x10;
	v60 =	vld [tilespmem:s26+$0x60]  }
0x104: {  	[tilespmem:v13+s13+$0x0] =	vst.idx.add.f32.msk $0xffff, v18  }
0x105: {  	v13 =	vld [tilespmem:s26+$0x10]  }
0x106: {  	v20 =	vshrl.u32 v20, $0x10;
	v18 =	vmul.f32 v61, v34;
	v34 =	vld [tilespmem:s26+$0x20]  }
0x107: {  	v17 =	vshrl.u32 v17, $0x10;
	v61 =	vld [tilespmem:s26+$0x70]  }
0x108: {  	[tilespmem:v16+s13+$0x0] =	vst.idx.add.f32.msk $0xffff, v18  }
0x109: {  	v8 =	vmul.f32 v8, v39;
	v16 =	vld [tilespmem:s26+$0x50]  }
0x10a: {  	v24 =	vshrl.u32 v24, $0x10;
	v18 =	vmul.f32 v62, v36;
	v62 =	vld [tilespmem:s26+$0x90]  }
0x10b: {  	v25 =	vshrl.u32 v25, $0x10;
	[tilespmem:v20+s13+$0x0] =	vst.idx.add.f32.msk $0xffff, v8  }
0x10c: {  	v19 =	vshrl.u32 v19, $0x10;
	[tilespmem:v17+s13+$0x0] =	vst.idx.add.f32.msk $0xffff, v18  }
0x10d: {  	v8 =	vshrl.u32 v27, $0x10;
	v12 =	vmul.f32 v12, v42;
	v20 =	vmul.f32 v32, v43;
	v18 =	vld [tilespmem:s26+$0x80]  }
0x10e: {  	v17 =	vshrl.u32 v21, $0x10;
	v21 =	vshrl.u32 v22, $0x10;
	v22 =	vmul.f32 v63, v38;
	v63 =	vld [tilespmem:s26+$0xA0]  }
0x10f: {  	[tilespmem:v24+s13+$0x0] =	vst.idx.add.f32.msk $0xffff, v12  }
0x110: {  	v7 =	vshrl.u32 v7, $0x10;
	v12 =	vmul.f32 v13, v45;
	[tilespmem:v25+s13+$0x0] =	vst.idx.add.f32.msk $0xffff, v20  }
0x111: {  	v30 =	vmul.f32 v30, v40;
	[tilespmem:v19+s13+$0x0] =	vst.idx.add.f32.msk $0xffff, v22;
	v19 =	vshrl.u32 v26, $0x10  }
0x112: {  	v22 =	vmul.f32 v55, v41;
	[tilespmem:v8+s13+$0x0] =	vst.idx.add.f32.msk $0xffff, v12;
	v8 =	vshrl.u32 v33, $0x10  }
0x113: {  	v12 =	vmul.f32 v16, v48;
	[tilespmem:v17+s13+$0x0] =	vst.idx.add.f32.msk $0xffff, v30;
	v17 =	vshrl.u32 v28, $0x10  }
0x114: {  	v16 =	vshrl.u32 v35, $0x10;
	[tilespmem:v21+s13+$0x0] =	vst.idx.add.f32.msk $0xffff, v22;
	v22 =	vmul.f32 v56, v44  }
0x115: {  	v21 =	vshrl.u32 v23, $0x10;
	[tilespmem:v7+s13+$0x0] =	vst.idx.add.f32.msk $0xffff, v12;
	v7 =	vmul.f32 v18, v51  }
0x116: {  	v13 =	vshrl.u32 v29, $0x10;
	v20 =	vmul.f32 v34, v46;
	[tilespmem:v19+s13+$0x0] =	vst.idx.add.f32.msk $0xffff, v22  }
0x117: {  	v12 =	vmul.f32 v62, v52;
	v19 =	vshrl.u32 v31, $0x10;
	[tilespmem:v8+s13+$0x0] =	vst.idx.add.f32.msk $0xffff, v7  }
0x118: {  	v22 =	vmul.f32 v57, v47;
	[tilespmem:v17+s13+$0x0] =	vst.idx.add.f32.msk $0xffff, v20;
	v20 =	vshrl.u32 v37, $0x10  }
0x119: {  	[tilespmem:v16+s13+$0x0] =	vst.idx.add.f32.msk $0xffff, v12;
	v17 =	vmul.f32 v60, v49  }
0x11a: {  	[tilespmem:v21+s13+$0x0] =	vst.idx.add.f32.msk $0xffff, v22;
	v21 =	vmul.f32 v61, v50  }
0x11b: {  	[tilespmem:v13+s13+$0x0] =	vst.idx.add.f32.msk $0xffff, v17;
	v17 =	vmul.f32 v63, v53  }
0x11c: {  	[tilespmem:v19+s13+$0x0] =	vst.idx.add.f32.msk $0xffff, v21;
	v13 =	vand.u32 $0xFFFF, v9  }
0x11d: {  	v7 =	vand.u32 $0xFFFF, v15;
	[tilespmem:v20+s13+$0x0] =	vst.idx.add.f32.msk $0xffff, v17  }
0x11e: {  	v16 =	vand.u32 $0xFFFF, v10;
	v17 =	vld [tilespmem:s28+$0x80]  }
0x11f: {  	v20 =	vld [tilespmem:s28+$0x100]  }
0x120: {  	v19 =	vld [tilespmem:s28+$0x5000]  }
0x121: {  	v8 =	vshrl.u32 v3, $0x10;
	v3 =	vshrl.u32 v9, $0x10;
	v12 =	vld.idx.msk [tilespmem:v13+s12+$0x0], $0xffff  }
0x122: {  	v9 =	vmul.f32 v5, v11;
	v18 =	vld.idx.msk [tilespmem:v7+s12+$0x0], $0xffff;
	v7 =	vshrl.u32 v4, $0x10;
	v4 =	vshrl.u32 v10, $0x10  }
0x123: {  	v10 =	vmul.f32 v6, v14;
	v13 =	vld.idx.msk [tilespmem:v16+s12+$0x0], $0xffff;
	v16 =	vshrl.u32 v17, $0x10;
	v6 =	vand.u32 $0xFFFF, v17  }
0x124: {  	v14 =	vld [tilespmem:s28+$0x4F00];
	v17 =	vshrl.u32 v20, $0x10;
	v5 =	vand.u32 $0xFFFF, v20;
	v20 =	vshrl.u32 v15, $0x10  }
0x125: {  	v15 =	vld [tilespmem:s28+$0x4F80]  }
.LBB2_6:
0x126: {  	s24 =	sadd.s32 $0x190, s24;
	[tilespmem:v8+s13+$0x0] =	vst.idx.add.f32.msk $0xffff, v9;
	v9 =	vmul.f32 v2, v12;
	v8 =	vmov v3;
	v3 =	vmov v16  }
0x127: {  	s28 =	sand.u32 $0x7FF0, s24;
	v12 =	vmul.f32 v19, v18;
	[tilespmem:v7+s13+$0x0] =	vst.idx.add.f32.msk $0xffff, v10;
	v7 =	vmov v4;
	v4 =	vmov v17  }
0x128: {  	p0 =	slt.u32 s24, $0x4C90;
	v11 =	vld [tilespmem:s28+$0x180]  }
0x129: {  	s25 =	sadd.s32 $0x190, s25;
	v10 =	vmul.f32 v1, v13;
	[tilespmem:v20+s13+$0x0] =	vst.idx.add.f32.msk $0xffff, v12;
	v2 =	vmov v14  }
0x12a: {  	v20 =	vld [tilespmem:s25+$0xB0];
	v1 =	vmov v15  }
0x12b: {  	v13 =	vld [tilespmem:s25+$0xFFFFFF40]  }
0x12c: {  	v14 =	vld [tilespmem:s25+$0xFFFFFF50]  }
0x12d: {  	v15 =	vld [tilespmem:s25+$0xFFFFFF60]  }
0x12e: {  	v16 =	vld [tilespmem:s25+$0xFFFFFF70]  }
0x12f: {  	v17 =	vld [tilespmem:s25+$0xFFFFFF80];
	v18 =	vand.u32 $0xFFFF, v20  }
0x130: {  	v12 =	vshrl.u32 v13, $0x10;
	v28 =	vand.u32 $0xFFFF, v13;
	v19 =	vld [tilespmem:s25+$0xFFFFFF90]  }
0x131: {  	v13 =	vshrl.u32 v14, $0x10;
	v29 =	vand.u32 $0xFFFF, v14;
	v21 =	vld [tilespmem:s25+$0xFFFFFFA0]  }
0x132: {  	v14 =	vshrl.u32 v15, $0x10;
	v30 =	vand.u32 $0xFFFF, v15;
	v22 =	vld [tilespmem:s25+$0xFFFFFFB0]  }
0x133: {  	v15 =	vshrl.u32 v16, $0x10;
	v31 =	vand.u32 $0xFFFF, v16;
	v23 =	vld [tilespmem:s25+$0xFFFFFFD0]  }
0x134: {  	s26 =	sadd.s32 $0x190, s26;
	v16 =	vshrl.u32 v17, $0x10;
	v32 =	vand.u32 $0xFFFF, v17;
	v24 =	vld.idx.msk [tilespmem:v18+s12+$0x0], $0xffff  }
0x135: {  	v17 =	vshrl.u32 v19, $0x10;
	v33 =	vand.u32 $0xFFFF, v19;
	v25 =	vld [tilespmem:s26+$0xB0]  }
0x136: {  	v18 =	vshrl.u32 v21, $0x10;
	v34 =	vand.u32 $0xFFFF, v21;
	v26 =	vld [tilespmem:s25+$0xFFFFFFE0]  }
0x137: {  	v36 =	vshrl.u32 v20, $0x10;
	v19 =	vshrl.u32 v22, $0x10;
	v35 =	vand.u32 $0xFFFF, v22;
	v27 =	vld [tilespmem:s25+$0xFFFFFFF0]  }
0x138: {  	v20 =	vshrl.u32 v23, $0x10;
	v37 =	vand.u32 $0xFFFF, v23;
	v38 =	vld [tilespmem:s25+$0x0]  }
0x139: {  	v39 =	vld [tilespmem:s25+$0x10]  }
0x13a: {  	v40 =	vld [tilespmem:s25+$0x20];
	v23 =	vmul.f32 v25, v24  }
0x13b: {  	v21 =	vshrl.u32 v26, $0x10;
	v41 =	vand.u32 $0xFFFF, v26;
	v42 =	vld [tilespmem:s25+$0x30]  }
0x13c: {  	v22 =	vshrl.u32 v27, $0x10;
	v43 =	vand.u32 $0xFFFF, v27;
	[tilespmem:v36+s13+$0x0] =	vst.idx.add.f32.msk $0xffff, v23  }
0x13d: {  	v23 =	vshrl.u32 v38, $0x10;
	v36 =	vand.u32 $0xFFFF, v38;
	v38 =	vld [tilespmem:s25+$0x50]  }
0x13e: {  	v24 =	vshrl.u32 v39, $0x10;
	v39 =	vand.u32 $0xFFFF, v39;
	v44 =	vld [tilespmem:s25+$0x60]  }
0x13f: {  	v25 =	vshrl.u32 v40, $0x10;
	v40 =	vand.u32 $0xFFFF, v40;
	v45 =	vld [tilespmem:s25+$0x70]  }
0x140: {  	v26 =	vshrl.u32 v42, $0x10;
	v42 =	vand.u32 $0xFFFF, v42;
	v46 =	vld [tilespmem:s25+$0x80]  }
0x141: {  	v47 =	vld [tilespmem:s25+$0x90]  }
0x142: {  	v27 =	vshrl.u32 v38, $0x10;
	v38 =	vand.u32 $0xFFFF, v38;
	v48 =	vld [tilespmem:s25+$0xA0]  }
0x143: {  	v49 =	vld.idx.msk [tilespmem:v28+s12+$0x0], $0xffff;
	v28 =	vshrl.u32 v44, $0x10;
	v44 =	vand.u32 $0xFFFF, v44  }
0x144: {  	v50 =	vld.idx.msk [tilespmem:v29+s12+$0x0], $0xffff;
	v29 =	vshrl.u32 v45, $0x10;
	v45 =	vand.u32 $0xFFFF, v45  }
0x145: {  	v51 =	vld.idx.msk [tilespmem:v30+s12+$0x0], $0xffff;
	v30 =	vshrl.u32 v46, $0x10;
	v46 =	vand.u32 $0xFFFF, v46  }
0x146: {  	v52 =	vld.idx.msk [tilespmem:v31+s12+$0x0], $0xffff;
	v31 =	vshrl.u32 v47, $0x10;
	v47 =	vand.u32 $0xFFFF, v47  }
0x147: {  	v53 =	vld.idx.msk [tilespmem:v32+s12+$0x0], $0xffff;
	v32 =	vshrl.u32 v48, $0x10;
	v48 =	vand.u32 $0xFFFF, v48  }
0x148: {  	v33 =	vld.idx.msk [tilespmem:v33+s12+$0x0], $0xffff  }
0x149: {  	v34 =	vld.idx.msk [tilespmem:v34+s12+$0x0], $0xffff  }
0x14a: {  	v35 =	vld.idx.msk [tilespmem:v35+s12+$0x0], $0xffff  }
0x14b: {  	v37 =	vld.idx.msk [tilespmem:v37+s12+$0x0], $0xffff  }
0x14c: {  	v41 =	vld.idx.msk [tilespmem:v41+s12+$0x0], $0xffff  }
0x14d: {  	v43 =	vld.idx.msk [tilespmem:v43+s12+$0x0], $0xffff  }
0x14e: {  	v36 =	vld.idx.msk [tilespmem:v36+s12+$0x0], $0xffff  }
0x14f: {  	v39 =	vld.idx.msk [tilespmem:v39+s12+$0x0], $0xffff  }
0x150: {  	v40 =	vld.idx.msk [tilespmem:v40+s12+$0x0], $0xffff  }
0x151: {  	v42 =	vld.idx.msk [tilespmem:v42+s12+$0x0], $0xffff  }
0x152: {  	v38 =	vld.idx.msk [tilespmem:v38+s12+$0x0], $0xffff  }
0x153: {  	v44 =	vld.idx.msk [tilespmem:v44+s12+$0x0], $0xffff  }
0x154: {  	v45 =	vld.idx.msk [tilespmem:v45+s12+$0x0], $0xffff  }
0x155: {  	v46 =	vld.idx.msk [tilespmem:v46+s12+$0x0], $0xffff  }
0x156: {  	v47 =	vld.idx.msk [tilespmem:v47+s12+$0x0], $0xffff  }
0x157: {  	v48 =	vld.idx.msk [tilespmem:v48+s12+$0x0], $0xffff  }
0x158: {  	v54 =	vld [tilespmem:s26+$0xFFFFFF40]  }
0x159: {  	v55 =	vld [tilespmem:s26+$0xFFFFFF50]  }
0x15a: {  	v56 =	vld [tilespmem:s26+$0xFFFFFF60]  }
0x15b: {  	v57 =	vld [tilespmem:s26+$0xFFFFFF70]  }
0x15c: {  	v58 =	vld [tilespmem:s26+$0xFFFFFF80]  }
0x15d: {  	v49 =	vmul.f32 v54, v49;
	v54 =	vld [tilespmem:s26+$0xFFFFFF90]  }
0x15e: {  	v50 =	vmul.f32 v55, v50;
	v55 =	vld [tilespmem:s26+$0xFFFFFFA0]  }
0x15f: {  	v51 =	vmul.f32 v56, v51;
	v56 =	vld [tilespmem:s26+$0xFFFFFFB0]  }
0x160: {  	v52 =	vmul.f32 v57, v52;
	v57 =	vld [tilespmem:s26+$0xFFFFFFD0]  }
0x161: {  	v53 =	vmul.f32 v58, v53;
	v58 =	vld [tilespmem:s26+$0xFFFFFFE0]  }
0x162: {  	v33 =	vmul.f32 v54, v33;
	v54 =	vld [tilespmem:s26+$0xFFFFFFF0]  }
0x163: {  	v34 =	vmul.f32 v55, v34;
	v55 =	vld [tilespmem:s26+$0x0]  }
0x164: {  	v35 =	vmul.f32 v56, v35;
	v56 =	vld [tilespmem:s26+$0x10]  }
0x165: {  	v37 =	vmul.f32 v57, v37;
	v57 =	vld [tilespmem:s26+$0x20]  }
0x166: {  	v41 =	vmul.f32 v58, v41;
	v58 =	vld [tilespmem:s26+$0x30]  }
0x167: {  	v43 =	vmul.f32 v54, v43;
	v54 =	vld [tilespmem:s26+$0x50]  }
0x168: {  	v36 =	vmul.f32 v55, v36;
	v55 =	vld [tilespmem:s26+$0x60]  }
0x169: {  	v39 =	vmul.f32 v56, v39;
	v56 =	vld [tilespmem:s26+$0x70]  }
0x16a: {  	v40 =	vmul.f32 v57, v40;
	v57 =	vld [tilespmem:s26+$0x80]  }
0x16b: {  	v42 =	vmul.f32 v58, v42;
	v58 =	vld [tilespmem:s26+$0x90]  }
0x16c: {  	v38 =	vmul.f32 v54, v38;
	v54 =	vld [tilespmem:s26+$0xA0]  }
0x16d: {  	[tilespmem:v12+s13+$0x0] =	vst.idx.add.f32.msk $0xffff, v49;
	v12 =	vmul.f32 v55, v44  }
0x16e: {  	[tilespmem:v13+s13+$0x0] =	vst.idx.add.f32.msk $0xffff, v50;
	v13 =	vmul.f32 v56, v45  }
0x16f: {  	[tilespmem:v14+s13+$0x0] =	vst.idx.add.f32.msk $0xffff, v51;
	v14 =	vmul.f32 v57, v46  }
0x170: {  	[tilespmem:v15+s13+$0x0] =	vst.idx.add.f32.msk $0xffff, v52;
	v15 =	vmul.f32 v58, v47  }
0x171: {  	[tilespmem:v16+s13+$0x0] =	vst.idx.add.f32.msk $0xffff, v53;
	v16 =	vmul.f32 v54, v48  }
0x172: {  	[tilespmem:v17+s13+$0x0] =	vst.idx.add.f32.msk $0xffff, v33  }
0x173: {  	[tilespmem:v18+s13+$0x0] =	vst.idx.add.f32.msk $0xffff, v34  }
0x174: {  	[tilespmem:v19+s13+$0x0] =	vst.idx.add.f32.msk $0xffff, v35  }
0x175: {  	[tilespmem:v20+s13+$0x0] =	vst.idx.add.f32.msk $0xffff, v37  }
0x176: {  	[tilespmem:v21+s13+$0x0] =	vst.idx.add.f32.msk $0xffff, v41  }
0x177: {  	[tilespmem:v22+s13+$0x0] =	vst.idx.add.f32.msk $0xffff, v43  }
0x178: {  	[tilespmem:v23+s13+$0x0] =	vst.idx.add.f32.msk $0xffff, v36  }
0x179: {  	[tilespmem:v24+s13+$0x0] =	vst.idx.add.f32.msk $0xffff, v39  }
0x17a: {  	[tilespmem:v25+s13+$0x0] =	vst.idx.add.f32.msk $0xffff, v40  }
0x17b: {  	[tilespmem:v26+s13+$0x0] =	vst.idx.add.f32.msk $0xffff, v42  }
0x17c: {  	[tilespmem:v27+s13+$0x0] =	vst.idx.add.f32.msk $0xffff, v38  }
0x17d: {  	[tilespmem:v28+s13+$0x0] =	vst.idx.add.f32.msk $0xffff, v12  }
0x17e: {  	[tilespmem:v29+s13+$0x0] =	vst.idx.add.f32.msk $0xffff, v13  }
0x17f: {  	[tilespmem:v30+s13+$0x0] =	vst.idx.add.f32.msk $0xffff, v14  }
0x180: {  	v13 =	vand.u32 $0xFFFF, v11;
	[tilespmem:v31+s13+$0x0] =	vst.idx.add.f32.msk $0xffff, v15  }
0x181: {  	[tilespmem:v32+s13+$0x0] =	vst.idx.add.f32.msk $0xffff, v16  }
0x182: {  	v14 =	vld [tilespmem:s28+$0x80]  }
0x183: {  	v15 =	vld [tilespmem:s28+$0x100]  }
0x184: {  	v12 =	vld.idx.msk [tilespmem:v6+s12+$0x0], $0xffff  }
.Ltmp2:
0x185: {  	v18 =	vld.idx.msk [tilespmem:v13+s12+$0x0], $0xffff;
	(pc) =	sbr.rel @p0 .LBB2_6-.Ltmp2, $4  }
0x186: {  	v19 =	vld [tilespmem:s28+$0x5000]  }
0x187: {  	v16 =	vshrl.u32 v14, $0x10;
	v6 =	vand.u32 $0xFFFF, v14;
	v13 =	vld.idx.msk [tilespmem:v5+s12+$0x0], $0xffff  }
0x188: {  	v20 =	vshrl.u32 v11, $0x10;
	v14 =	vld [tilespmem:s28+$0x4F00];
	v17 =	vshrl.u32 v15, $0x10;
	v5 =	vand.u32 $0xFFFF, v15  }
0x189: {  	v15 =	vld [tilespmem:s28+$0x4F80]  }
0x18a: {  	_ =	sdelay $0x3  }
0x18b: {  	[tilespmem:v8+s13+$0x0] =	vst.idx.add.f32.msk $0xffff, v9  }
0x18c: {  	[tilespmem:v7+s13+$0x0] =	vst.idx.add.f32.msk $0xffff, v10  }
0x18d: {  	v6 =	vld.idx.msk [tilespmem:v6+s12+$0x0], $0xffff  }
0x18e: {  	s0 =	sadd.s32 $0x190, s25;
	v5 =	vld.idx.msk [tilespmem:v5+s12+$0x0], $0xffff  }
0x18f: {  	v58 =	vld [tilespmem:s0+$0xB0]  }
0x190: {  	v59 =	vld [tilespmem:s0+$0xFFFFFF40]  }
0x191: {  	v60 =	vld [tilespmem:s0+$0xFFFFFF50]  }
0x192: {  	v10 =	vld [tilespmem:s0+$0xFFFFFF60]  }
0x193: {  	v11 =	vld [tilespmem:s0+$0xFFFFFF70]  }
0x194: {  	v57 =	vmul.f32 v19, v18;
	v18 =	vld [tilespmem:s0+$0xFFFFFF80]  }
0x195: {  	v21 =	vld [tilespmem:s0+$0xFFFFFFA0]  }
0x196: {  	v22 =	vld [tilespmem:s0+$0xFFFFFFB0]  }
0x197: {  	s1 =	sadd.s32 $0x190, s26;
	v23 =	vld [tilespmem:s0+$0xFFFFFFD0]  }
0x198: {  	v24 =	vld [tilespmem:s1+$0xB0]  }
0x199: {  	v25 =	vld [tilespmem:s0+$0xFFFFFFE0]  }
0x19a: {  	v26 =	vld [tilespmem:s0+$0xFFFFFFF0]  }
0x19b: {  	v27 =	vld [tilespmem:s0+$0x0]  }
0x19c: {  	v28 =	vld [tilespmem:s0+$0x10]  }
0x19d: {  	v29 =	vld [tilespmem:s0+$0x20]  }
0x19e: {  	v30 =	vld [tilespmem:s0+$0x60]  }
0x19f: {  	v32 =	vld [tilespmem:s0+$0x70]  }
0x1a0: {  	v34 =	vld [tilespmem:s0+$0x80]  }
0x1a1: {  	v36 =	vld [tilespmem:s0+$0x90]  }
0x1a2: {  	v38 =	vld [tilespmem:s0+$0xA0]  }
0x1a3: {  	v55 =	vld [tilespmem:s1+$0xFFFFFF40]  }
0x1a4: {  	v2 =	vmul.f32 v2, v12;
	v56 =	vld [tilespmem:s1+$0xFFFFFF50]  }
0x1a5: {  	v63 =	vld [tilespmem:s1+$0xFFFFFF80]  }
0x1a6: {  	[tilespmem:v3+s13+$0x0] =	vst.idx.add.f32.msk $0xffff, v2  }
0x1a7: {  	[tilespmem:v20+s13+$0x0] =	vst.idx.add.f32.msk $0xffff, v57  }
0x1a8: {  	v1 =	vmul.f32 v1, v13;
	v20 =	vld [tilespmem:s0+$0xFFFFFF90]  }
0x1a9: {  	v57 =	vld [tilespmem:s1+$0xFFFFFF60]  }
0x1aa: {  	[tilespmem:v4+s13+$0x0] =	vst.idx.add.f32.msk $0xffff, v1;
	v6 =	vmul.f32 v14, v6;
	v61 =	vand.u32 $0xFFFF, v58  }
0x1ab: {  	v1 =	vmul.f32 v15, v5;
	v7 =	vshrl.u32 v58, $0x10;
	v31 =	vand.u32 $0xFFFF, v60;
	v58 =	vld [tilespmem:s1+$0xFFFFFF70]  }
0x1ac: {  	v62 =	vand.u32 $0xFFFF, v59;
	v33 =	vand.u32 $0xFFFF, v10;
	v8 =	vshrl.u32 v59, $0x10;
	v59 =	vld [tilespmem:s1+$0x70]  }
0x1ad: {  	v35 =	vand.u32 $0xFFFF, v11;
	[tilespmem:v16+s13+$0x0] =	vst.idx.add.f32.msk $0xffff, v6  }
0x1ae: {  	v37 =	vand.u32 $0xFFFF, v18;
	[tilespmem:v17+s13+$0x0] =	vst.idx.add.f32.msk $0xffff, v1  }
0x1af: {  	v40 =	vand.u32 $0xFFFF, v21;
	v19 =	vld.idx.msk [tilespmem:v61+s12+$0x0], $0xffff  }
0x1b0: {  	v41 =	vand.u32 $0xFFFF, v22;
	v31 =	vld.idx.msk [tilespmem:v31+s12+$0x0], $0xffff  }
0x1b1: {  	v42 =	vand.u32 $0xFFFF, v23;
	v33 =	vld.idx.msk [tilespmem:v33+s12+$0x0], $0xffff  }
0x1b2: {  	v43 =	vand.u32 $0xFFFF, v25;
	v35 =	vld.idx.msk [tilespmem:v35+s12+$0x0], $0xffff  }
0x1b3: {  	v44 =	vand.u32 $0xFFFF, v26;
	v37 =	vld.idx.msk [tilespmem:v37+s12+$0x0], $0xffff  }
0x1b4: {  	v45 =	vand.u32 $0xFFFF, v27;
	v40 =	vld.idx.msk [tilespmem:v40+s12+$0x0], $0xffff  }
0x1b5: {  	v46 =	vand.u32 $0xFFFF, v28;
	v41 =	vld.idx.msk [tilespmem:v41+s12+$0x0], $0xffff  }
0x1b6: {  	v47 =	vand.u32 $0xFFFF, v29;
	v42 =	vld.idx.msk [tilespmem:v42+s12+$0x0], $0xffff  }
0x1b7: {  	v50 =	vand.u32 $0xFFFF, v30;
	v43 =	vld.idx.msk [tilespmem:v43+s12+$0x0], $0xffff  }
0x1b8: {  	v51 =	vand.u32 $0xFFFF, v32;
	v44 =	vld.idx.msk [tilespmem:v44+s12+$0x0], $0xffff  }
0x1b9: {  	v52 =	vand.u32 $0xFFFF, v34;
	v45 =	vld.idx.msk [tilespmem:v45+s12+$0x0], $0xffff  }
0x1ba: {  	v53 =	vand.u32 $0xFFFF, v36;
	v46 =	vld.idx.msk [tilespmem:v46+s12+$0x0], $0xffff  }
0x1bb: {  	v54 =	vand.u32 $0xFFFF, v38;
	v47 =	vld.idx.msk [tilespmem:v47+s12+$0x0], $0xffff  }
0x1bc: {  	v39 =	vand.u32 $0xFFFF, v20;
	v50 =	vld.idx.msk [tilespmem:v50+s12+$0x0], $0xffff  }
0x1bd: {  	v51 =	vld.idx.msk [tilespmem:v51+s12+$0x0], $0xffff  }
0x1be: {  	v52 =	vld.idx.msk [tilespmem:v52+s12+$0x0], $0xffff  }
0x1bf: {  	v53 =	vld.idx.msk [tilespmem:v53+s12+$0x0], $0xffff  }
0x1c0: {  	v54 =	vld.idx.msk [tilespmem:v54+s12+$0x0], $0xffff  }
0x1c1: {  	v39 =	vld.idx.msk [tilespmem:v39+s12+$0x0], $0xffff  }
0x1c2: {  	v19 =	vmul.f32 v24, v19;
	v24 =	vld [tilespmem:s0+$0x30]  }
0x1c3: {  	v9 =	vshrl.u32 v60, $0x10;
	v60 =	vmul.f32 v56, v31;
	v31 =	vld [tilespmem:s1+$0xFFFFFFA0]  }
0x1c4: {  	v56 =	vld [tilespmem:s1+$0xFFFFFFB0]  }
0x1c5: {  	v61 =	vmul.f32 v57, v33;
	v33 =	vld [tilespmem:s1+$0xFFFFFFE0]  }
0x1c6: {  	v57 =	vld [tilespmem:s1+$0xFFFFFFF0]  }
0x1c7: {  	v63 =	vmul.f32 v63, v37;
	v37 =	vld [tilespmem:s1+$0x50]  }
0x1c8: {  	v10 =	vshrl.u32 v10, $0x10;
	[tilespmem:v7+s13+$0x0] =	vst.idx.add.f32.msk $0xffff, v19  }
0x1c9: {  	v7 =	vld [tilespmem:s0+$0x50]  }
0x1ca: {  	v19 =	vld.idx.msk [tilespmem:v62+s12+$0x0], $0xffff  }
0x1cb: {  	[tilespmem:v9+s13+$0x0] =	vst.idx.add.f32.msk $0xffff, v60  }
0x1cc: {  	v18 =	vshrl.u32 v18, $0x10;
	v9 =	vld [tilespmem:s1+$0xFFFFFFD0]  }
0x1cd: {  	[tilespmem:v10+s13+$0x0] =	vst.idx.add.f32.msk $0xffff, v61  }
0x1ce: {  	v11 =	vshrl.u32 v11, $0x10;
	v10 =	vld [tilespmem:s1+$0x0]  }
0x1cf: {  	v62 =	vmul.f32 v58, v35;
	v35 =	vld [tilespmem:s1+$0x10]  }
0x1d0: {  	v58 =	vld [tilespmem:s1+$0x20]  }
0x1d1: {  	[tilespmem:v18+s13+$0x0] =	vst.idx.add.f32.msk $0xffff, v63  }
0x1d2: {  	v61 =	vld [tilespmem:s1+$0x80]  }
0x1d3: {  	v18 =	vshrl.u32 v21, $0x10;
	[tilespmem:v11+s13+$0x0] =	vst.idx.add.f32.msk $0xffff, v62  }
0x1d4: {  	v60 =	vshrl.u32 v22, $0x10;
	v11 =	vld [tilespmem:s1+$0x30]  }
0x1d5: {  	v25 =	vshrl.u32 v25, $0x10;
	v62 =	vld [tilespmem:s1+$0x90]  }
0x1d6: {  	v31 =	vmul.f32 v31, v40;
	v40 =	vld [tilespmem:s1+$0xA0]  }
0x1d7: {  	v41 =	vmul.f32 v56, v41;
	v19 =	vmul.f32 v55, v19;
	v55 =	vld [tilespmem:s1+$0x60]  }
0x1d8: {  	v23 =	vshrl.u32 v23, $0x10;
	v33 =	vmul.f32 v33, v43;
	[tilespmem:v18+s13+$0x0] =	vst.idx.add.f32.msk $0xffff, v31  }
0x1d9: {  	v26 =	vshrl.u32 v26, $0x10;
	[tilespmem:v60+s13+$0x0] =	vst.idx.add.f32.msk $0xffff, v41  }
0x1da: {  	v63 =	vshrl.u32 v27, $0x10;
	[tilespmem:v25+s13+$0x0] =	vst.idx.add.f32.msk $0xffff, v33  }
0x1db: {  	v48 =	vand.u32 $0xFFFF, v24;
	v9 =	vmul.f32 v9, v42;
	[tilespmem:v8+s13+$0x0] =	vst.idx.add.f32.msk $0xffff, v19  }
0x1dc: {  	v49 =	vand.u32 $0xFFFF, v7;
	v42 =	vmul.f32 v57, v44;
	v8 =	vld [tilespmem:s1+$0xFFFFFF90]  }
0x1dd: {  	v31 =	vshrl.u32 v28, $0x10;
	v10 =	vmul.f32 v10, v45;
	[tilespmem:v23+s13+$0x0] =	vst.idx.add.f32.msk $0xffff, v9  }
0x1de: {  	v41 =	vshrl.u32 v29, $0x10;
	[tilespmem:v26+s13+$0x0] =	vst.idx.add.f32.msk $0xffff, v42  }
0x1df: {  	v44 =	vmul.f32 v35, v46;
	v46 =	vmul.f32 v58, v47;
	v47 =	vshrl.u32 v32, $0x10;
	[tilespmem:v63+s13+$0x0] =	vst.idx.add.f32.msk $0xffff, v10  }
0x1e0: {  	v57 =	vshrl.u32 v34, $0x10;
	v48 =	vld.idx.msk [tilespmem:v48+s12+$0x0], $0xffff  }
0x1e1: {  	v58 =	vmul.f32 v59, v51;
	v59 =	vshrl.u32 v36, $0x10;
	v49 =	vld.idx.msk [tilespmem:v49+s12+$0x0], $0xffff  }
0x1e2: {  	v60 =	vshrl.u32 v38, $0x10;
	[tilespmem:v31+s13+$0x0] =	vst.idx.add.f32.msk $0xffff, v44  }
0x1e3: {  	v45 =	vshrl.u32 v30, $0x10;
	v61 =	vmul.f32 v61, v52;
	[tilespmem:v41+s13+$0x0] =	vst.idx.add.f32.msk $0xffff, v46  }
0x1e4: {  	v20 =	vshrl.u32 v20, $0x10;
	v62 =	vmul.f32 v62, v53;
	[tilespmem:v47+s13+$0x0] =	vst.idx.add.f32.msk $0xffff, v58  }
0x1e5: {  	v43 =	vshrl.u32 v24, $0x10;
	v63 =	vmul.f32 v40, v54;
	[tilespmem:v57+s13+$0x0] =	vst.idx.add.f32.msk $0xffff, v61  }
0x1e6: {  	v7 =	vshrl.u32 v7, $0x10;
	v56 =	vmul.f32 v55, v50;
	[tilespmem:v59+s13+$0x0] =	vst.idx.add.f32.msk $0xffff, v62  }
0x1e7: {  	[tilespmem:v60+s13+$0x0] =	vst.idx.add.f32.msk $0xffff, v63;
	v8 =	vmul.f32 v8, v39  }
0x1e8: {  	[tilespmem:v45+s13+$0x0] =	vst.idx.add.f32.msk $0xffff, v56;
	v48 =	vmul.f32 v11, v48  }
0x1e9: {  	[tilespmem:v20+s13+$0x0] =	vst.idx.add.f32.msk $0xffff, v8;
	v49 =	vmul.f32 v37, v49  }
0x1ea: {  	[tilespmem:v43+s13+$0x0] =	vst.idx.add.f32.msk $0xffff, v48  }
0x1eb: {  	s30 =	simm.s32 $0x80;
	s31 =	simm.s32 $0x400;
	s0 =	simm.s32 $0xED40;
	[tilespmem:v7+s13+$0x0] =	vst.idx.add.f32.msk $0xffff, v49  }
0x1ec: {  	[spmem:s8] =	stream.strided.scatter [tilespmem:s13], [sflag:$0x1], $0x2800, s31, s30, $0x38;
	[tilespmem:$0x19400] =	vst v63  }
0x1ed: {  	[tilespmem:s0+$0xFFFFFFC0] =	vst v0  }
0x1ee: {  	[tilespmem:s0+$0x30] =	vst v0  }
0x1ef: {  	[tilespmem:s0+$0x20] =	vst v0  }
0x1f0: {  	[tilespmem:s0+$0x10] =	vst v0  }
0x1f1: {  	[tilespmem:s0+$0x0] =	vst v0  }
0x1f2: {  	[tilespmem:s0+$0xFFFFFFF0] =	vst v0  }
0x1f3: {  	s1 =	simm.s32 $0x0;
	[tilespmem:s0+$0xFFFFFFE0] =	vst v0  }
.LBB2_8:
0x1f4: {  	s1 =	sadd.s32 $0x80, s1;
	[tilespmem:s0+$0xFFFFFFD0] =	vst v0;
	s0 =	sadd.s32 $0x80, s0  }
0x1f5: {  	[tilespmem:s0+$0xFFFFFFC0] =	vst v0;
	p0 =	slt.u32 s1, $0x2780  }
0x1f6: {  	[tilespmem:s0+$0x30] =	vst v0  }
.Ltmp3:
0x1f7: {  	[tilespmem:s0+$0x20] =	vst v0;
	(pc) =	sbr.rel @p0 .LBB2_8-.Ltmp3, $4  }
0x1f8: {  	[tilespmem:s0+$0x10] =	vst v0  }
0x1f9: {  	[tilespmem:s0+$0x0] =	vst v0  }
0x1fa: {  	[tilespmem:s0+$0xFFFFFFF0] =	vst v0  }
0x1fb: {  	[tilespmem:s0+$0xFFFFFFE0] =	vst v0  }
0x1fc: {  	[tilespmem:s0+$0xFFFFFFD0] =	vst v0  }
0x1fd: {  	_ =	swait.ge [sflag:s16], $0x2800  }
0x1fe: {  	[sflag:s16] =	ssyncset.done $0x0  }
0x1ff: {  	[sflag:s16] =	ssyncadd.s32 $0xFFFFD800  }
0x200: {  	s15 =	simm.s32 $0x11500;
	[bflag:$0x0] =	sbarrier.arrive $0xFFFF  }
0x201: {  	[tilespmem:s15], [sflag:$0x1] =	stream.linear.gather [spmem:s9], $0xC00, $0x38;
	[tilespmem:$0x19400] =	vst v63  }
0x202: {  	s17 =	simm.s32 $0x12900  }
0x203: {  	[tilespmem:s17], [sflag:$0x1] =	stream.linear.gather [spmem:s10], $0xC00, $0x38;
	[tilespmem:$0x19400] =	vst v63  }
0x204: {  	s18 =	simm.s32 $0x12100  }
0x205: {  	[tilespmem:s18], [sflag:$0x1] =	stream.linear.gather [spmem:s6], $0x800, $0x38;
	[tilespmem:$0x19400] =	vst v63  }
0x206: {  	s19 =	simm.s32 $0x13500;
	s24 =	sshll.u32 s11, $0x1  }
0x207: {  	[tilespmem:s19], [sflag:$0x1] =	stream.linear.gather [spmem:s7], $0x800, $0x38;
	[tilespmem:$0x19400] =	vst v63  }
0x208: {  	v4 =	vld [tilespmem:s24+$0x16780]  }
0x209: {  	v3 =	vld [tilespmem:s24+$0x16800]  }
0x20a: {  	s1 =	simm.s32 $0x0;
	s28 =	simm.s32 $0x0;
	v2 =	vld [tilespmem:s24+$0x16880]  }
0x20b: {  	s0 =	sand.u32 $0x60, s28;
	s1 =	sand.u32 $0xC00, s1;
	v1 =	vld [tilespmem:s24+$0x16900];
	_ =	swait.ge [sflag:s16], $0x1800  }
0x20c: {  	s2 =	sadd.s32 $0x11500, s1;
	s29 =	sor.u32 $0x10, s0;
	[sflag:s16] =	ssyncset.done $0x0  }
0x20d: {  	s3 =	sor.u32 s29, s2;
	[sflag:s16] =	ssyncadd.s32 $0xFFFFE800  }
0x20e: {  	v5 =	vld [tilespmem:s3+$0x0]  }
0x20f: {  	v6 =	vld [tilespmem:s3+$0x80]  }
0x210: {  	v7 =	vld [tilespmem:s3+$0x100]  }
0x211: {  	v8 =	vld [tilespmem:s3+$0x180]  }
0x212: {  	v9 =	vld [tilespmem:s3+$0x200]  }
0x213: {  	v10 =	vld [tilespmem:s3+$0x280]  }
0x214: {  	s5 =	sadd.s32 $0x12900, s1;
	v11 =	vld [tilespmem:s3+$0x300]  }
0x215: {  	s14 =	sadd.s32 $0x12980, s1;
	s20 =	sor.u32 s29, s5;
	v12 =	vld [tilespmem:s3+$0x380]  }
0x216: {  	s21 =	sor.u32 s29, s14;
	s15 =	sadd.s32 $0x12A00, s1;
	v13 =	vld [tilespmem:s20+$0x0]  }
0x217: {  	s25 =	sor.u32 s29, s15;
	s17 =	sadd.s32 $0x12A80, s1;
	v14 =	vld [tilespmem:s21+$0x0]  }
0x218: {  	s26 =	sor.u32 s29, s17;
	s18 =	sadd.s32 $0x12B00, s1;
	v15 =	vld [tilespmem:s25+$0x0]  }
0x219: {  	s19 =	sor.u32 s29, s18;
	v16 =	vld [tilespmem:s26+$0x0]  }
0x21a: {  	s2 =	sor.u32 s0, s2;
	v17 =	vld [tilespmem:s19+$0x0]  }
0x21b: {  	v21 =	vld [tilespmem:s2+$0x0]  }
0x21c: {  	v22 =	vld [tilespmem:s2+$0x80]  }
0x21d: {  	v23 =	vld [tilespmem:s2+$0x100]  }
0x21e: {  	v24 =	vld [tilespmem:s2+$0x180]  }
0x21f: {  	v25 =	vld [tilespmem:s2+$0x200]  }
0x220: {  	v26 =	vld [tilespmem:s2+$0x280]  }
0x221: {  	s30 =	sadd.s32 $0x12C00, s1;
	v27 =	vld [tilespmem:s2+$0x300]  }
0x222: {  	s21 =	sor.u32 s29, s30;
	v28 =	vld [tilespmem:s2+$0x380]  }
0x223: {  	s19 =	sor.u32 s0, s5;
	v19 =	vld [tilespmem:s21+$0x0]  }
0x224: {  	s25 =	sadd.s32 $0x12B80, s1;
	s5 =	sor.u32 s0, s18;
	v29 =	vld [tilespmem:s19+$0x0]  }
0x225: {  	s1 =	sadd.s32 $0x12C80, s1;
	s20 =	sor.u32 s29, s25;
	v33 =	vld [tilespmem:s5+$0x0]  }
0x226: {  	s26 =	sor.u32 s29, s1;
	v18 =	vld [tilespmem:s20+$0x0]  }
0x227: {  	s21 =	sor.u32 s0, s15;
	v20 =	vld [tilespmem:s26+$0x0]  }
0x228: {  	s20 =	sor.u32 s0, s14;
	v31 =	vld [tilespmem:s21+$0x0]  }
0x229: {  	s26 =	sor.u32 s0, s17;
	v30 =	vld [tilespmem:s20+$0x0]  }
0x22a: {  	s14 =	sor.u32 s0, s25;
	s25 =	simm.s32 $0x20;
	v32 =	vld [tilespmem:s26+$0x0];
	s26 =	simm.s32 $0x100  }
0x22b: {  	s17 =	sor.u32 s0, s30;
	s30 =	sand.u32 $0x60, s25;
	v34 =	vld [tilespmem:s14+$0x0];
	s15 =	sand.u32 $0xC00, s26  }
0x22c: {  	s0 =	sor.u32 s0, s1;
	v35 =	vld [tilespmem:s17+$0x0];
	s1 =	sor.u32 $0x10, s30;
	s5 =	sadd.s32 $0x11500, s15  }
0x22d: {  	v36 =	vld [tilespmem:s0+$0x0];
	s18 =	sor.u32 s1, s5  }
0x22e: {  	v37 =	vld [tilespmem:s18+$0x0]  }
0x22f: {  	v38 =	vld [tilespmem:s18+$0x80]  }
0x230: {  	v5 =	vadd.f32 v6, v5;
	v6 =	vadd.f32 v8, v7;
	v7 =	vld [tilespmem:s18+$0x100]  }
0x231: {  	v8 =	vadd.f32 v10, v9;
	v9 =	vadd.f32 v12, v11;
	v10 =	vld [tilespmem:s18+$0x180]  }
0x232: {  	v11 =	vadd.f32 v14, v13;
	v12 =	vadd.f32 v16, v15;
	v13 =	vld [tilespmem:s18+$0x200]  }
0x233: {  	v44 =	vadd.f32 v26, v25;
	v45 =	vadd.f32 v28, v27;
	v42 =	vld [tilespmem:s18+$0x280]  }
0x234: {  	s3 =	sadd.s32 $0x12900, s15;
	v5 =	vadd.f32 v6, v5;
	v6 =	vadd.f32 v9, v8;
	v8 =	vld [tilespmem:s18+$0x300]  }
0x235: {  	s0 =	sadd.s32 $0x12980, s15;
	s19 =	sor.u32 s1, s3;
	v14 =	vadd.f32 v18, v17;
	v9 =	vadd.f32 v12, v11;
	v12 =	vld [tilespmem:s18+$0x380]  }
0x236: {  	s2 =	sadd.s32 $0x12A00, s15;
	s20 =	sor.u32 s1, s0;
	v15 =	vadd.f32 v20, v19;
	v43 =	vld [tilespmem:s19+$0x0];
	v47 =	vadd.f32 v30, v29  }
0x237: {  	s14 =	sadd.s32 $0x12A80, s15;
	s21 =	sor.u32 s1, s2;
	v46 =	vld [tilespmem:s20+$0x0];
	v48 =	vadd.f32 v32, v31;
	v50 =	vadd.f32 v34, v33  }
0x238: {  	s31 =	sadd.s32 $0x12B80, s15;
	v49 =	vld [tilespmem:s21+$0x0];
	s19 =	sor.u32 s1, s14;
	v51 =	vadd.f32 v36, v35;
	v11 =	vadd.f32 v15, v14  }
0x239: {  	s18 =	sadd.s32 $0x12B00, s15;
	s21 =	sor.u32 s1, s31;
	v52 =	vld [tilespmem:s19+$0x0];
	v14 =	vadd.f32 v22, v21;
	v15 =	vadd.f32 v24, v23  }
0x23a: {  	s20 =	sor.u32 s1, s18;
	s19 =	sadd.s32 $0x12C00, s15;
	v56 =	vld [tilespmem:s21+$0x0];
	v5 =	vadd.f32 v6, v5;
	v54 =	vadd.f32 v48, v47  }
0x23b: {  	s15 =	sadd.s32 $0x12C80, s15;
	v53 =	vld [tilespmem:s20+$0x0];
	s20 =	sor.u32 s1, s19;
	v14 =	vadd.f32 v15, v14;
	v15 =	vadd.f32 v45, v44  }
0x23c: {  	s21 =	sor.u32 s1, s15;
	v55 =	vadd.f32 v51, v50;
	v6 =	vadd.f32 v11, v9;
	v9 =	vld [tilespmem:s20+$0x0]  }
0x23d: {  	s5 =	sor.u32 s30, s5;
	v11 =	vld [tilespmem:s21+$0x0];
	v8 =	vadd.f32 v12, v8;
	v14 =	vadd.f32 v15, v14  }
0x23e: {  	v57 =	vld [tilespmem:s5+$0x0];
	v15 =	vadd.f32 v55, v54;
	v58 =	vadd.f32 v6, v5  }
0x23f: {  	v60 =	vld [tilespmem:s5+$0x200];
	v5 =	vadd.f32 v38, v37;
	v6 =	vadd.f32 v10, v7  }
0x240: {  	v12 =	vld [tilespmem:s5+$0x180];
	v7 =	vadd.f32 v42, v13;
	v13 =	vadd.f32 v46, v43  }
0x241: {  	v10 =	vld [tilespmem:s5+$0x100];
	v59 =	vadd.f32 v52, v49;
	v18 =	vadd.f32 v56, v53  }
0x242: {  	v14 =	vadd.f32 v15, v14;
	v15 =	vld [tilespmem:s5+$0x80];
	v9 =	vadd.f32 v11, v9  }
0x243: {  	v61 =	vadd.f32 v6, v5;
	v8 =	vadd.f32 v8, v7;
	v5 =	vld [tilespmem:s5+$0x300]  }
0x244: {  	v13 =	vadd.f32 v59, v13;
	v11 =	vld [tilespmem:s5+$0x280];
	v9 =	vadd.f32 v9, v18  }
0x245: {  	s3 =	sor.u32 s30, s3;
	v7 =	vld [tilespmem:s5+$0x380]  }
0x246: {  	s17 =	sand.u32 $0x180, s28;
	s28 =	simm.s32 $0x13D00;
	s0 =	sor.u32 s30, s0;
	v6 =	vld [tilespmem:s3+$0x0];
	v62 =	vadd.f32 v8, v61;
	v13 =	vadd.f32 v9, v13  }
0x247: {  	s31 =	sor.u32 s30, s31;
	s21 =	sor.u32 s30, s14;
	s5 =	sor.u32 s29, s17;
	v8 =	vld [tilespmem:s0+$0x0];
	v63 =	vadd.f32 v12, v10;
	v15 =	vadd.f32 v15, v57  }
0x248: {  	s20 =	sor.u32 s30, s2;
	s3 =	sor.u32 s30, s18;
	s29 =	sand.u32 $0x180, s25;
	[tilespmem:s5+$0x13D00] =	vst v58;
	v12 =	vld [tilespmem:s21+$0x0];
	v13 =	vadd.f32 v13, v62  }
0x249: {  	s5 =	sor.u32 s30, s19;
	s30 =	sor.u32 s30, s15;
	s0 =	sor.u32 s1, s29;
	[tilespmem:s28+$0x0] =	vst v14;
	v9 =	vld [tilespmem:s20+$0x0];
	v10 =	vadd.f32 v11, v60;
	v11 =	vadd.f32 v63, v15  }
.LBB2_10:
0x24a: {  	s25 =	sadd.s32 $0x20, s25;
	v14 =	vld [tilespmem:s3+$0x0];
	v5 =	vadd.f32 v7, v5;
	[tilespmem:s0+$0x13D00] =	vst v13;
	s26 =	sadd.s32 $0x100, s26  }
0x24b: {  	s0 =	sand.u32 $0x60, s25;
	s15 =	sand.u32 $0xC00, s26;
	p0 =	slt.u32 s25, $0x160;
	v7 =	vld [tilespmem:s31+$0x0]  }
0x24c: {  	s2 =	sadd.s32 $0x11500, s15;
	s29 =	sor.u32 $0x10, s0;
	v13 =	vld [tilespmem:s5+$0x0];
	v6 =	vadd.f32 v8, v6;
	v5 =	vadd.f32 v5, v10  }
0x24d: {  	s1 =	sor.u32 s0, s2;
	s3 =	sor.u32 s29, s2;
	v8 =	vld [tilespmem:s30+$0x0]  }
0x24e: {  	v10 =	vld [tilespmem:s3+$0x0];
	v9 =	vadd.f32 v12, v9;
	v5 =	vadd.f32 v5, v11  }
0x24f: {  	v11 =	vld [tilespmem:s3+$0x80]  }
0x250: {  	v12 =	vld [tilespmem:s3+$0x100];
	v7 =	vadd.f32 v7, v14;
	v6 =	vadd.f32 v9, v6  }
0x251: {  	v9 =	vld [tilespmem:s3+$0x180]  }
0x252: {  	v14 =	vld [tilespmem:s3+$0x200];
	v8 =	vadd.f32 v8, v13  }
0x253: {  	v13 =	vld [tilespmem:s3+$0x280]  }
0x254: {  	s28 =	sadd.s32 $0x20, s28;
	s5 =	sadd.s32 $0x12900, s15;
	v15 =	vld [tilespmem:s3+$0x300];
	v7 =	vadd.f32 v8, v7  }
0x255: {  	s17 =	sadd.s32 $0x12980, s15;
	s2 =	sor.u32 s0, s5;
	v8 =	vld [tilespmem:s3+$0x380];
	s3 =	sor.u32 s29, s5  }
0x256: {  	s14 =	sor.u32 s0, s17;
	s5 =	sadd.s32 $0x12A00, s15;
	v16 =	vld [tilespmem:s3+$0x0];
	s3 =	sor.u32 s29, s17;
	v6 =	vadd.f32 v7, v6  }
0x257: {  	s19 =	sadd.s32 $0x12A80, s15;
	s17 =	sor.u32 s0, s5;
	v7 =	vld [tilespmem:s3+$0x0];
	s3 =	sor.u32 s29, s5  }
0x258: {  	s18 =	sor.u32 s0, s19;
	s19 =	sor.u32 s29, s19;
	s5 =	sadd.s32 $0x12B00, s15;
	v17 =	vld [tilespmem:s3+$0x0];
	v5 =	vadd.f32 v6, v5  }
0x259: {  	s30 =	sadd.s32 $0x12B80, s15;
	s3 =	sor.u32 s0, s5;
	s5 =	sor.u32 s29, s5;
	v6 =	vld [tilespmem:s19+$0x0]  }
0x25a: {  	s31 =	sor.u32 s0, s30;
	s30 =	sor.u32 s29, s30;
	s19 =	sadd.s32 $0x12C00, s15;
	v18 =	vld [tilespmem:s5+$0x0];
	[tilespmem:s28+$0x0] =	vst v5  }
0x25b: {  	s15 =	sadd.s32 $0x12C80, s15;
	s5 =	sor.u32 s0, s19;
	s19 =	sor.u32 s29, s19;
	v5 =	vld [tilespmem:s30+$0x0]  }
0x25c: {  	s30 =	sor.u32 s0, s15;
	s0 =	sor.u32 s29, s15;
	v19 =	vld [tilespmem:s19+$0x0]  }
0x25d: {  	v20 =	vld [tilespmem:s0+$0x0]  }
0x25e: {  	v21 =	vld [tilespmem:s1+$0x0]  }
0x25f: {  	v10 =	vadd.f32 v11, v10;
	v9 =	vadd.f32 v9, v12;
	v22 =	vld [tilespmem:s1+$0x80]  }
0x260: {  	v12 =	vadd.f32 v13, v14;
	v8 =	vadd.f32 v8, v15;
	v11 =	vld [tilespmem:s1+$0x100]  }
0x261: {  	v7 =	vadd.f32 v7, v16;
	v6 =	vadd.f32 v6, v17;
	v13 =	vld [tilespmem:s1+$0x180]  }
0x262: {  	v15 =	vadd.f32 v5, v18;
	v14 =	vld [tilespmem:s1+$0x200];
	v16 =	vadd.f32 v20, v19  }
0x263: {  	v9 =	vadd.f32 v9, v10;
	v8 =	vadd.f32 v8, v12;
	v17 =	vld [tilespmem:s1+$0x280]  }
0x264: {  	v10 =	vadd.f32 v6, v7;
	v5 =	vld [tilespmem:s1+$0x300];
	v12 =	vadd.f32 v16, v15  }
.Ltmp4:
0x265: {  	v15 =	vadd.f32 v22, v21;
	v7 =	vld [tilespmem:s1+$0x380];
	(pc) =	sbr.rel @p0 .LBB2_10-.Ltmp4, $4  }
0x266: {  	v16 =	vadd.f32 v8, v9;
	v6 =	vld [tilespmem:s2+$0x0];
	v12 =	vadd.f32 v12, v10  }
0x267: {  	v11 =	vadd.f32 v13, v11;
	v8 =	vld [tilespmem:s14+$0x0]  }
0x268: {  	s0 =	sand.u32 $0x180, s25;
	v9 =	vld [tilespmem:s17+$0x0];
	v10 =	vadd.f32 v17, v14;
	v13 =	vadd.f32 v12, v16  }
0x269: {  	s0 =	sor.u32 s29, s0;
	v11 =	vadd.f32 v11, v15;
	v12 =	vld [tilespmem:s18+$0x0]  }
0x26a: {  	v14 =	vld [tilespmem:s3+$0x0]  }
0x26b: {  	v15 =	vld [tilespmem:s31+$0x0]  }
0x26c: {  	v16 =	vld [tilespmem:s5+$0x0]  }
0x26d: {  	v17 =	vld [tilespmem:s30+$0x0];
	_ =	sdelay $0x2  }
0x26e: {  	v5 =	vadd.f32 v7, v5  }
0x26f: {  	v6 =	vadd.f32 v8, v6;
	v7 =	vadd.f32 v12, v9  }
0x270: {  	v8 =	vadd.f32 v15, v14;
	v9 =	vadd.f32 v17, v16  }
0x271: {  	v5 =	vadd.f32 v5, v10  }
0x272: {  	v6 =	vadd.f32 v7, v6;
	v7 =	vadd.f32 v9, v8;
	_ =	sdelay $0x1  }
0x273: {  	v5 =	vadd.f32 v5, v11;
	v6 =	vadd.f32 v7, v6;
	_ =	sdelay $0x1  }
0x274: {  	v5 =	vadd.f32 v6, v5  }
0x275: {  	[tilespmem:s0+$0x13D00] =	vst v13;
	s18 =	sadd.s32 $0x20, s28  }
0x276: {  	s1 =	simm.s32 $0xC00;
	s29 =	simm.s32 $0x180;
	[tilespmem:s18+$0x0] =	vst v5  }
0x277: {  	s0 =	sand.u32 $0x60, s29;
	s1 =	sand.u32 $0x1C00, s1;
	_ =	swait.ge [sflag:s16], $0x1000  }
0x278: {  	s2 =	sadd.s32 $0x11500, s1;
	s30 =	sor.u32 $0x10, s0;
	[sflag:s16] =	ssyncset.done $0x0  }
0x279: {  	s19 =	sor.u32 s30, s2;
	[sflag:s16] =	ssyncadd.s32 $0xFFFFF000  }
0x27a: {  	v5 =	vld [tilespmem:s19+$0x0]  }
0x27b: {  	v6 =	vld [tilespmem:s19+$0x80]  }
0x27c: {  	v7 =	vld [tilespmem:s19+$0x100]  }
0x27d: {  	v8 =	vld [tilespmem:s19+$0x180]  }
0x27e: {  	v9 =	vld [tilespmem:s19+$0x200]  }
0x27f: {  	v10 =	vld [tilespmem:s19+$0x280]  }
0x280: {  	s5 =	sadd.s32 $0x12900, s1;
	v11 =	vld [tilespmem:s19+$0x300]  }
0x281: {  	s14 =	sadd.s32 $0x12980, s1;
	s20 =	sor.u32 s30, s5;
	v12 =	vld [tilespmem:s19+$0x380]  }
0x282: {  	s15 =	sadd.s32 $0x12A00, s1;
	s21 =	sor.u32 s30, s14;
	v13 =	vld [tilespmem:s20+$0x0]  }
0x283: {  	s17 =	sadd.s32 $0x12A80, s1;
	s25 =	sor.u32 s30, s15;
	v14 =	vld [tilespmem:s21+$0x0]  }
0x284: {  	s26 =	sor.u32 s30, s17;
	v15 =	vld [tilespmem:s25+$0x0]  }
0x285: {  	s2 =	sor.u32 s0, s2;
	v40 =	vld [tilespmem:s26+$0x0]  }
0x286: {  	v21 =	vld [tilespmem:s2+$0x0]  }
0x287: {  	v22 =	vld [tilespmem:s2+$0x80]  }
0x288: {  	v23 =	vld [tilespmem:s2+$0x100]  }
0x289: {  	v24 =	vld [tilespmem:s2+$0x180]  }
0x28a: {  	v25 =	vld [tilespmem:s2+$0x200]  }
0x28b: {  	v26 =	vld [tilespmem:s2+$0x280]  }
0x28c: {  	v27 =	vld [tilespmem:s2+$0x300]  }
0x28d: {  	s5 =	sor.u32 s0, s5;
	v28 =	vld [tilespmem:s2+$0x380]  }
0x28e: {  	s14 =	sor.u32 s0, s14;
	v29 =	vld [tilespmem:s5+$0x0]  }
0x28f: {  	s15 =	sor.u32 s0, s15;
	v30 =	vld [tilespmem:s14+$0x0]  }
0x290: {  	s17 =	sor.u32 s0, s17;
	s18 =	sadd.s32 $0x12B00, s1;
	v31 =	vld [tilespmem:s15+$0x0]  }
0x291: {  	s28 =	sadd.s32 $0x12C00, s1;
	s20 =	sor.u32 s30, s18;
	v32 =	vld [tilespmem:s17+$0x0]  }
0x292: {  	s25 =	sor.u32 s30, s28;
	v41 =	vld [tilespmem:s20+$0x0]  }
0x293: {  	s19 =	sadd.s32 $0x12B80, s1;
	s18 =	sor.u32 s0, s18;
	v19 =	vld [tilespmem:s25+$0x0]  }
0x294: {  	s1 =	sadd.s32 $0x12C80, s1;
	s21 =	sor.u32 s30, s19;
	v33 =	vld [tilespmem:s18+$0x0]  }
0x295: {  	s26 =	sor.u32 s30, s1;
	v18 =	vld [tilespmem:s21+$0x0]  }
0x296: {  	s20 =	sor.u32 s0, s19;
	s25 =	simm.s32 $0x1A0;
	v20 =	vld [tilespmem:s26+$0x0];
	s26 =	simm.s32 $0xD00  }
0x297: {  	s21 =	sor.u32 s0, s28;
	s31 =	sand.u32 $0x60, s25;
	v34 =	vld [tilespmem:s20+$0x0];
	s5 =	sand.u32 $0x1C00, s26  }
0x298: {  	s0 =	sor.u32 s0, s1;
	s1 =	sor.u32 $0x10, s31;
	v35 =	vld [tilespmem:s21+$0x0];
	s14 =	sadd.s32 $0x11500, s5  }
0x299: {  	v36 =	vld [tilespmem:s0+$0x0];
	s15 =	sor.u32 s1, s14  }
0x29a: {  	v37 =	vld [tilespmem:s15+$0x0]  }
0x29b: {  	v38 =	vld [tilespmem:s15+$0x80]  }
0x29c: {  	v5 =	vadd.f32 v6, v5;
	v6 =	vadd.f32 v8, v7;
	v7 =	vld [tilespmem:s15+$0x100]  }
0x29d: {  	v8 =	vadd.f32 v10, v9;
	v9 =	vadd.f32 v12, v11;
	v10 =	vld [tilespmem:s15+$0x180]  }
0x29e: {  	s3 =	sadd.s32 $0x12900, s5;
	v11 =	vadd.f32 v14, v13;
	v12 =	vadd.f32 v40, v15;
	v13 =	vld [tilespmem:s15+$0x200]  }
0x29f: {  	s0 =	sadd.s32 $0x12980, s5;
	s17 =	sor.u32 s1, s3;
	v44 =	vadd.f32 v26, v25;
	v45 =	vadd.f32 v28, v27;
	v42 =	vld [tilespmem:s15+$0x280]  }
0x2a0: {  	s2 =	sadd.s32 $0x12A00, s5;
	s18 =	sor.u32 s1, s0;
	v47 =	vadd.f32 v30, v29;
	v48 =	vadd.f32 v32, v31;
	v43 =	vld [tilespmem:s17+$0x0]  }
0x2a1: {  	s19 =	sor.u32 s1, s2;
	v46 =	vld [tilespmem:s18+$0x0];
	v14 =	vadd.f32 v18, v41;
	v15 =	vadd.f32 v20, v19  }
0x2a2: {  	v49 =	vld [tilespmem:s19+$0x0];
	v5 =	vadd.f32 v6, v5;
	v6 =	vadd.f32 v9, v8  }
0x2a3: {  	s17 =	sadd.s32 $0x12A80, s5;
	v8 =	vld [tilespmem:s15+$0x300];
	v9 =	vadd.f32 v12, v11;
	v50 =	vadd.f32 v34, v33  }
0x2a4: {  	s18 =	sadd.s32 $0x12B00, s5;
	v12 =	vld [tilespmem:s15+$0x380];
	s20 =	sor.u32 s1, s17;
	v54 =	vadd.f32 v48, v47;
	v11 =	vadd.f32 v15, v14  }
0x2a5: {  	s19 =	sadd.s32 $0x12B80, s5;
	s21 =	sor.u32 s1, s18;
	v52 =	vld [tilespmem:s20+$0x0];
	v14 =	vadd.f32 v22, v21;
	v15 =	vadd.f32 v24, v23  }
0x2a6: {  	s15 =	sor.u32 s1, s19;
	v51 =	vadd.f32 v36, v35;
	s20 =	sadd.s32 $0x12C00, s5;
	v53 =	vld [tilespmem:s21+$0x0];
	v5 =	vadd.f32 v6, v5  }
0x2a7: {  	s21 =	sadd.s32 $0x12C80, s5;
	v56 =	vld [tilespmem:s15+$0x0];
	s15 =	sor.u32 s1, s20;
	v14 =	vadd.f32 v15, v14;
	v15 =	vadd.f32 v45, v44  }
0x2a8: {  	v55 =	vadd.f32 v51, v50;
	v6 =	vadd.f32 v11, v9;
	v9 =	vld [tilespmem:s15+$0x0];
	s15 =	sor.u32 s1, s21  }
0x2a9: {  	s14 =	sor.u32 s31, s14;
	v7 =	vadd.f32 v10, v7;
	v11 =	vadd.f32 v15, v14;
	v15 =	vld [tilespmem:s15+$0x0]  }
0x2aa: {  	v57 =	vld [tilespmem:s14+$0x0];
	v13 =	vadd.f32 v42, v13;
	v8 =	vadd.f32 v12, v8  }
0x2ab: {  	v60 =	vld [tilespmem:s14+$0x200];
	v14 =	vadd.f32 v55, v54;
	v58 =	vadd.f32 v6, v5  }
0x2ac: {  	v10 =	vld [tilespmem:s14+$0x100];
	v5 =	vadd.f32 v38, v37;
	v59 =	vadd.f32 v52, v49  }
0x2ad: {  	v6 =	vld [tilespmem:s14+$0x80];
	v18 =	vadd.f32 v56, v53;
	v11 =	vadd.f32 v14, v11  }
0x2ae: {  	v12 =	vld [tilespmem:s14+$0x180];
	v14 =	vadd.f32 v46, v43;
	v9 =	vadd.f32 v15, v9  }
0x2af: {  	v8 =	vadd.f32 v8, v13;
	v61 =	vadd.f32 v7, v5;
	v5 =	vld [tilespmem:s14+$0x300]  }
0x2b0: {  	v13 =	vadd.f32 v59, v14;
	v15 =	vld [tilespmem:s14+$0x280];
	v9 =	vadd.f32 v9, v18  }
0x2b1: {  	s3 =	sor.u32 s31, s3;
	v7 =	vld [tilespmem:s14+$0x380];
	v62 =	vadd.f32 v8, v61  }
0x2b2: {  	s28 =	simm.s32 $0x13E80;
	s0 =	sor.u32 s31, s0;
	s2 =	sor.u32 s31, s2;
	v14 =	vadd.f32 v6, v57;
	v6 =	vld [tilespmem:s3+$0x0];
	v13 =	vadd.f32 v9, v13  }
0x2b3: {  	s17 =	sor.u32 s31, s17;
	s5 =	sor.u32 s31, s20;
	v63 =	vadd.f32 v12, v10;
	s14 =	sand.u32 $0x380, s29;
	v9 =	vld [tilespmem:s0+$0x0]  }
0x2b4: {  	v8 =	vld [tilespmem:s2+$0x0];
	[tilespmem:s28+$0x0] =	vst v11;
	s3 =	sor.u32 s31, s18;
	s29 =	sand.u32 $0x380, s25;
	s15 =	sor.u32 s30, s14;
	v13 =	vadd.f32 v13, v62  }
0x2b5: {  	v12 =	vld [tilespmem:s17+$0x0];
	s30 =	sor.u32 s31, s19;
	s31 =	sor.u32 s31, s21;
	[tilespmem:s15+$0x13D00] =	vst v58;
	v11 =	vadd.f32 v63, v14;
	s0 =	sor.u32 s1, s29;
	v10 =	vadd.f32 v15, v60  }
.LBB2_12:
0x2b6: {  	s25 =	sadd.s32 $0x20, s25;
	v14 =	vld [tilespmem:s3+$0x0];
	v5 =	vadd.f32 v7, v5;
	[tilespmem:s0+$0x13D00] =	vst v13;
	s26 =	sadd.s32 $0x100, s26  }
0x2b7: {  	s0 =	sand.u32 $0x60, s25;
	s15 =	sand.u32 $0x1C00, s26;
	p0 =	slt.u32 s25, $0x260;
	v7 =	vld [tilespmem:s30+$0x0]  }
0x2b8: {  	s2 =	sadd.s32 $0x11500, s15;
	s29 =	sor.u32 $0x10, s0;
	v13 =	vld [tilespmem:s5+$0x0];
	v6 =	vadd.f32 v9, v6;
	v5 =	vadd.f32 v5, v10  }
0x2b9: {  	s1 =	sor.u32 s0, s2;
	s3 =	sor.u32 s29, s2;
	v9 =	vld [tilespmem:s31+$0x0]  }
0x2ba: {  	v10 =	vld [tilespmem:s3+$0x0];
	v8 =	vadd.f32 v12, v8;
	v5 =	vadd.f32 v5, v11  }
0x2bb: {  	v11 =	vld [tilespmem:s3+$0x80]  }
0x2bc: {  	v12 =	vld [tilespmem:s3+$0x100];
	v7 =	vadd.f32 v7, v14;
	v6 =	vadd.f32 v8, v6  }
0x2bd: {  	v8 =	vld [tilespmem:s3+$0x180]  }
0x2be: {  	v14 =	vld [tilespmem:s3+$0x200];
	v9 =	vadd.f32 v9, v13  }
0x2bf: {  	v13 =	vld [tilespmem:s3+$0x280]  }
0x2c0: {  	s28 =	sadd.s32 $0x20, s28;
	s5 =	sadd.s32 $0x12900, s15;
	v15 =	vld [tilespmem:s3+$0x300];
	v7 =	vadd.f32 v9, v7  }
0x2c1: {  	s17 =	sadd.s32 $0x12980, s15;
	s2 =	sor.u32 s0, s5;
	v9 =	vld [tilespmem:s3+$0x380];
	s3 =	sor.u32 s29, s5  }
0x2c2: {  	s14 =	sor.u32 s0, s17;
	s5 =	sadd.s32 $0x12A00, s15;
	v16 =	vld [tilespmem:s3+$0x0];
	s3 =	sor.u32 s29, s17;
	v6 =	vadd.f32 v7, v6  }
0x2c3: {  	s19 =	sadd.s32 $0x12A80, s15;
	s17 =	sor.u32 s0, s5;
	v7 =	vld [tilespmem:s3+$0x0];
	s3 =	sor.u32 s29, s5  }
0x2c4: {  	s18 =	sor.u32 s0, s19;
	s19 =	sor.u32 s29, s19;
	s5 =	sadd.s32 $0x12B00, s15;
	v17 =	vld [tilespmem:s3+$0x0];
	v5 =	vadd.f32 v6, v5  }
0x2c5: {  	s20 =	sadd.s32 $0x12B80, s15;
	s3 =	sor.u32 s0, s5;
	s5 =	sor.u32 s29, s5;
	v6 =	vld [tilespmem:s19+$0x0]  }
0x2c6: {  	s30 =	sor.u32 s0, s20;
	s20 =	sor.u32 s29, s20;
	s19 =	sadd.s32 $0x12C00, s15;
	v18 =	vld [tilespmem:s5+$0x0];
	[tilespmem:s28+$0x0] =	vst v5  }
0x2c7: {  	s15 =	sadd.s32 $0x12C80, s15;
	s5 =	sor.u32 s0, s19;
	s19 =	sor.u32 s29, s19;
	v5 =	vld [tilespmem:s20+$0x0]  }
0x2c8: {  	s31 =	sor.u32 s0, s15;
	s0 =	sor.u32 s29, s15;
	v19 =	vld [tilespmem:s19+$0x0]  }
0x2c9: {  	v20 =	vld [tilespmem:s0+$0x0]  }
0x2ca: {  	v21 =	vld [tilespmem:s1+$0x0]  }
0x2cb: {  	v10 =	vadd.f32 v11, v10;
	v8 =	vadd.f32 v8, v12;
	v22 =	vld [tilespmem:s1+$0x80]  }
0x2cc: {  	v12 =	vadd.f32 v13, v14;
	v9 =	vadd.f32 v9, v15;
	v11 =	vld [tilespmem:s1+$0x100]  }
0x2cd: {  	v7 =	vadd.f32 v7, v16;
	v6 =	vadd.f32 v6, v17;
	v13 =	vld [tilespmem:s1+$0x180]  }
0x2ce: {  	v15 =	vadd.f32 v5, v18;
	v14 =	vld [tilespmem:s1+$0x200];
	v16 =	vadd.f32 v20, v19  }
0x2cf: {  	v8 =	vadd.f32 v8, v10;
	v9 =	vadd.f32 v9, v12;
	v17 =	vld [tilespmem:s1+$0x280]  }
0x2d0: {  	v10 =	vadd.f32 v6, v7;
	v5 =	vld [tilespmem:s1+$0x300];
	v12 =	vadd.f32 v16, v15  }
.Ltmp5:
0x2d1: {  	v15 =	vadd.f32 v22, v21;
	v7 =	vld [tilespmem:s1+$0x380];
	(pc) =	sbr.rel @p0 .LBB2_12-.Ltmp5, $4  }
0x2d2: {  	v16 =	vadd.f32 v9, v8;
	v6 =	vld [tilespmem:s2+$0x0];
	v12 =	vadd.f32 v12, v10  }
0x2d3: {  	v11 =	vadd.f32 v13, v11;
	v9 =	vld [tilespmem:s14+$0x0]  }
0x2d4: {  	s0 =	sand.u32 $0x380, s25;
	v8 =	vld [tilespmem:s17+$0x0];
	v10 =	vadd.f32 v17, v14;
	v13 =	vadd.f32 v12, v16  }
0x2d5: {  	s0 =	sor.u32 s29, s0;
	v11 =	vadd.f32 v11, v15;
	v12 =	vld [tilespmem:s18+$0x0]  }
0x2d6: {  	v14 =	vld [tilespmem:s3+$0x0]  }
0x2d7: {  	(v2sf) =	vpush v4, $0x0;
	v4 =	vld [tilespmem:s30+$0x0]  }
0x2d8: {  	v15 =	vld [tilespmem:s31+$0x0]  }
0x2d9: {  	(v2sf) =	vpush v3, $0x0;
	v3 =	vld [tilespmem:s5+$0x0];
	_ =	sdelay $0x2  }
0x2da: {  	v5 =	vadd.f32 v7, v5  }
0x2db: {  	v6 =	vadd.f32 v9, v6;
	v7 =	vadd.f32 v12, v8  }
0x2dc: {  	v4 =	vadd.f32 v4, v14;
	v3 =	vadd.f32 v15, v3  }
0x2dd: {  	v5 =	vadd.f32 v5, v10  }
0x2de: {  	v6 =	vadd.f32 v7, v6;
	v3 =	vadd.f32 v3, v4;
	_ =	sdelay $0x1  }
0x2df: {  	v4 =	vadd.f32 v5, v11;
	v3 =	vadd.f32 v3, v6;
	_ =	sdelay $0x1  }
0x2e0: {  	v3 =	vadd.f32 v3, v4  }
0x2e1: {  	[tilespmem:s0+$0x13D00] =	vst v13;
	s26 =	sadd.s32 $0x20, s28  }
0x2e2: {  	s2 =	simm.s32 $0x13D00;
	[tilespmem:s26+$0x0] =	vst v3;
	s1 =	spop (v2sf)  }
0x2e3: {  	[spmem:s4] =	stream.linear.scatter [tilespmem:s2], [sflag:$0x2], $0x280, $0x38;
	[tilespmem:$0x19400] =	vst v63  }
0x2e4: {  	s28 =	spop (v2sf)  }
0x2e5: {  	_ =	swait.ge [sflag:s22], $0x280  }
0x2e6: {  	s1 =	sshll.u32 s1, $0x2;
	[sflag:s22] =	ssyncset.done $0x0  }
0x2e7: {  	s29 =	simm.s32 $0x13D20;
	s1 =	sshra.s32 s1, $0x2;
	[sflag:s22] =	ssyncadd.s32 $0xFFFFFD80  }
0x2e8: {  	s30 =	sadd.s32 $0x13FA0, s1;
	v5 =	vld [tilespmem:s29+$0x10]  }
0x2e9: {  	v3 =	vld [tilespmem:s30+$0x10]  }
0x2ea: {  	v4 =	vld [tilespmem:s29+$0xFFFFFFF0]  }
0x2eb: {  	v7 =	vld [tilespmem:s29+$0x0]  }
0x2ec: {  	v8 =	vld [tilespmem:s29+$0xFFFFFFE0]  }
0x2ed: {  	v2 =	vbroadcast v2, $0x0;
	v9 =	vld [tilespmem:s30+$0xFFFFFFE0]  }
0x2ee: {  	v10 =	vld [tilespmem:s30+$0xFFFFFFF0]  }
0x2ef: {  	s31 =	simm.s32 $0x13D60;
	v11 =	vld [tilespmem:s30+$0x0];
	v6 =	vmul.f32 v5, v2  }
0x2f0: {  	v13 =	vld [tilespmem:s31+$0xFFFFFFF0]  }
0x2f1: {  	s1 =	sadd.s32 $0x40, s30;
	v3 =	vadd.f32 v6, v3;
	v6 =	vld [tilespmem:s31+$0x10]  }
0x2f2: {  	s0 =	sshll.u32 s28, $0x2;
	v14 =	vld [tilespmem:s1+$0x10]  }
0x2f3: {  	s0 =	sshra.s32 s0, $0x2;
	v16 =	vld [tilespmem:s31+$0x0]  }
0x2f4: {  	s25 =	sadd.s32 $0x13FA0, s0;
	v18 =	vld [tilespmem:s31+$0xFFFFFFE0];
	v15 =	vmul.f32 v8, v2;
	[tilespmem:s30+$0x10] =	vst v3  }
0x2f5: {  	v17 =	vmul.f32 v4, v2;
	v3 =	vbroadcast v1, $0x0;
	v12 =	vld [tilespmem:s25+$0x10]  }
0x2f6: {  	v19 =	vld [tilespmem:s1+$0xFFFFFFE0];
	v9 =	vadd.f32 v15, v9;
	v15 =	vmul.f32 v6, v2  }
0x2f7: {  	v21 =	vld [tilespmem:s1+$0xFFFFFFF0];
	v20 =	vmul.f32 v7, v2;
	v10 =	vadd.f32 v17, v10;
	v1 =	vmul.f32 v4, v3  }
0x2f8: {  	[tilespmem:s30+$0xFFFFFFE0] =	vst v9;
	v9 =	vld [tilespmem:s1+$0x0];
	v4 =	vmul.f32 v7, v3;
	v7 =	vmul.f32 v5, v3;
	v14 =	vadd.f32 v15, v14  }
0x2f9: {  	v17 =	vmul.f32 v18, v2;
	[tilespmem:s30+$0xFFFFFFF0] =	vst v10;
	v10 =	vld [tilespmem:s25+$0xFFFFFFE0];
	v5 =	vmul.f32 v8, v3;
	v8 =	vadd.f32 v20, v11  }
0x2fa: {  	s26 =	sadd.s32 $0x40, s25;
	v63 =	vmul.f32 v13, v2;
	v11 =	vld [tilespmem:s25+$0xFFFFFFF0];
	v12 =	vadd.f32 v12, v7;
	[tilespmem:s1+$0x10] =	vst v14  }
0x2fb: {  	v17 =	vadd.f32 v17, v19;
	[tilespmem:s30+$0x0] =	vst v8;
	v15 =	vmul.f32 v16, v2;
	v7 =	vmul.f32 v13, v3;
	v13 =	vld [tilespmem:s26+$0x10]  }
0x2fc: {  	s2 =	simm.s32 $0x13DA0;
	s0 =	simm.s32 $0x40;
	s3 =	smov.u32 s1;
	v8 =	vmul.f32 v16, v3;
	v16 =	vadd.f32 v63, v21;
	v14 =	vld [tilespmem:s25+$0x0];
	[tilespmem:s25+$0x10] =	vst v12;
	v12 =	vmul.f32 v18, v3  }
.LBB2_14:
0x2fd: {  	v18 =	vld [tilespmem:s2+$0x10];
	s0 =	sadd.s32 $0x40, s0;
	v9 =	vadd.f32 v15, v9  }
0x2fe: {  	v6 =	vmul.f32 v6, v3;
	s3 =	sadd.s32 $0x40, s3;
	v15 =	vld [tilespmem:s2+$0xFFFFFFF0];
	p0 =	slt.u32 s0, $0x240;
	[tilespmem:s1+$0xFFFFFFE0] =	vst v17;
	v10 =	vadd.f32 v10, v5;
	v5 =	vmov v12  }
0x2ff: {  	v12 =	vld [tilespmem:s3+$0x10];
	[tilespmem:s1+$0xFFFFFFF0] =	vst v16;
	v11 =	vadd.f32 v11, v1;
	v1 =	vmov v7  }
0x300: {  	v16 =	vld [tilespmem:s2+$0x0];
	[tilespmem:s1+$0x0] =	vst v9;
	v7 =	vadd.f32 v13, v6;
	s1 =	smov.u32 s3  }
0x301: {  	v13 =	vld [tilespmem:s2+$0xFFFFFFE0];
	[tilespmem:s25+$0xFFFFFFE0] =	vst v10;
	v10 =	vadd.f32 v14, v4;
	v4 =	vmov v8  }
0x302: {  	v14 =	vld [tilespmem:s3+$0xFFFFFFE0];
	v8 =	vmul.f32 v18, v2;
	[tilespmem:s26+$0x10] =	vst v7;
	v6 =	vmov v18  }
0x303: {  	v18 =	vld [tilespmem:s3+$0xFFFFFFF0];
	v19 =	vmul.f32 v15, v2;
	v7 =	vmul.f32 v15, v3;
	[tilespmem:s25+$0xFFFFFFF0] =	vst v11  }
.Ltmp6:
0x304: {  	v9 =	vld [tilespmem:s3+$0x0];
	v11 =	vadd.f32 v8, v12;
	[tilespmem:s25+$0x0] =	vst v10;
	s25 =	smov.u32 s26;
	(pc) =	sbr.rel @p0 .LBB2_14-.Ltmp6, $4  }
0x305: {  	v15 =	vmul.f32 v16, v2;
	v8 =	vmul.f32 v16, v3;
	v10 =	vld [tilespmem:s26+$0xFFFFFFE0]  }
0x306: {  	s26 =	sadd.s32 $0x40, s26;
	v16 =	vmul.f32 v13, v2;
	v12 =	vmul.f32 v13, v3;
	[tilespmem:s3+$0x10] =	vst v11;
	v11 =	vld [tilespmem:s25+$0xFFFFFFF0]  }
0x307: {  	v13 =	vld [tilespmem:s26+$0x10]  }
0x308: {  	s2 =	sadd.s32 $0x40, s2;
	v17 =	vadd.f32 v16, v14;
	v16 =	vadd.f32 v19, v18;
	v14 =	vld [tilespmem:s25+$0x0]  }
0x309: {  	_ = 	snop  }
0x30a: {  	v2 =	vadd.f32 v15, v9;
	[tilespmem:s1+$0xFFFFFFE0] =	vst v17  }
0x30b: {  	v3 =	vmul.f32 v6, v3;
	[tilespmem:s1+$0xFFFFFFF0] =	vst v16;
	v6 =	vld [tilespmem:s26+$0xFFFFFFE0]  }
0x30c: {  	v5 =	vadd.f32 v10, v5;
	[tilespmem:s1+$0x0] =	vst v2;
	v2 =	vld [tilespmem:s26+$0xFFFFFFF0]  }
0x30d: {  	v1 =	vadd.f32 v11, v1;
	v9 =	vld [tilespmem:s26+$0x0]  }
0x30e: {  	v3 =	vadd.f32 v13, v3;
	[tilespmem:s25+$0xFFFFFFE0] =	vst v5  }
0x30f: {  	v4 =	vadd.f32 v14, v4;
	[tilespmem:s25+$0xFFFFFFF0] =	vst v1  }
0x310: {  	[tilespmem:s26+$0x10] =	vst v3;
	v1 =	vadd.f32 v6, v12  }
0x311: {  	[tilespmem:s25+$0x0] =	vst v4;
	v2 =	vadd.f32 v2, v7  }
0x312: {  	[tilespmem:s26+$0xFFFFFFE0] =	vst v1;
	v1 =	vadd.f32 v9, v8  }
0x313: {  	[tilespmem:s26+$0xFFFFFFF0] =	vst v2  }
0x314: {  	[tilespmem:s26+$0x0] =	vst v1  }
0x315: {  	[bflag:$0x0] =	sbarrier.arrive $0xFFFF  }
0x316: {  	s0 =	rddreg [dreg:$0x4]  }
0x317: {  	[tilespmem:s12], [sflag:$0x2] =	stream.linear.gather [spmem:s0], $0x2800, $0x38;
	[tilespmem:$0x19400] =	vst v63  }
0x318: {  	_ =	swait.ge [sflag:s22], $0x2800  }
0x319: {  	s25 =	simm.s32 $0x0;
	[sflag:s22] =	ssyncset.done $0x0  }
0x31a: {  	s0 =	sand.u32 $0x7FF0, s25;
	[sflag:s22] =	ssyncadd.s32 $0xFFFFD800  }
0x31b: {  	v1 =	vld [tilespmem:s0+$0x180]  }
0x31c: {  	v7 =	vld [tilespmem:s0+$0x5000]  }
0x31d: {  	v3 =	vld [tilespmem:s0+$0x80]  }
0x31e: {  	v4 =	vld [tilespmem:s0+$0x100]  }
0x31f: {  	v5 =	vld [tilespmem:s0+$0x4F00]  }
0x320: {  	s30 =	simm.s32 $0xC0;
	v6 =	vld [tilespmem:s0+$0x4F80]  }
0x321: {  	v9 =	vld [tilespmem:s30+$0xFFFFFF60]  }
0x322: {  	v10 =	vld [tilespmem:s30+$0xFFFFFF70]  }
0x323: {  	v11 =	vld [tilespmem:s30+$0xFFFFFF80]  }
0x324: {  	v13 =	vld [tilespmem:s30+$0xFFFFFF90]  }
0x325: {  	v14 =	vld [tilespmem:s30+$0xFFFFFFA0]  }
0x326: {  	v15 =	vld [tilespmem:s30+$0xFFFFFFB0]  }
0x327: {  	s31 =	simm.s32 $0x4F40;
	v16 =	vld [tilespmem:s30+$0xFFFFFFD0]  }
0x328: {  	v17 =	vld [tilespmem:s31+$0xB0]  }
0x329: {  	v18 =	vld [tilespmem:s30+$0xFFFFFFE0]  }
0x32a: {  	v19 =	vld [tilespmem:s30+$0xFFFFFFF0]  }
0x32b: {  	v20 =	vld [tilespmem:s30+$0x0]  }
0x32c: {  	v21 =	vld [tilespmem:s30+$0x10]  }
0x32d: {  	v22 =	vld [tilespmem:s30+$0x20]  }
0x32e: {  	v23 =	vld [tilespmem:s30+$0x60]  }
0x32f: {  	v25 =	vld [tilespmem:s30+$0x70]  }
0x330: {  	v27 =	vld [tilespmem:s30+$0x80]  }
0x331: {  	v29 =	vld [tilespmem:s30+$0x90]  }
0x332: {  	v31 =	vld [tilespmem:s30+$0xA0]  }
0x333: {  	v48 =	vld [tilespmem:s31+$0xFFFFFF40]  }
0x334: {  	v49 =	vld [tilespmem:s31+$0xFFFFFF50]  }
0x335: {  	v50 =	vld [tilespmem:s31+$0xFFFFFF60]  }
0x336: {  	v51 =	vld [tilespmem:s31+$0xFFFFFF70]  }
0x337: {  	v52 =	vld [tilespmem:s31+$0xFFFFFF80]  }
0x338: {  	v53 =	vld [tilespmem:s31+$0xFFFFFF90]  }
0x339: {  	v54 =	vld [tilespmem:s31+$0xFFFFFFA0]  }
0x33a: {  	v55 =	vld [tilespmem:s31+$0xFFFFFFB0]  }
0x33b: {  	v56 =	vld [tilespmem:s31+$0xFFFFFFD0]  }
0x33c: {  	v57 =	vld [tilespmem:s31+$0xFFFFFFE0];
	v2 =	vand.u32 $0xFFFF, v1  }
0x33d: {  	v58 =	vld [tilespmem:s31+$0x0]  }
0x33e: {  	v59 =	vld [tilespmem:s31+$0x30]  }
0x33f: {  	v60 =	vld [tilespmem:s31+$0x60]  }
0x340: {  	v61 =	vld [tilespmem:s31+$0x70];
	v26 =	vand.u32 $0xFFFF, v9  }
0x341: {  	v28 =	vand.u32 $0xFFFF, v10;
	v2 =	vld.idx.msk [tilespmem:v2+s12+$0x0], $0xffff  }
0x342: {  	s26 =	simm.s32 $0x190;
	v62 =	vld [tilespmem:s31+$0x90];
	v30 =	vand.u32 $0xFFFF, v11  }
0x343: {  	s29 =	sand.u32 $0x7FF0, s26;
	v63 =	vld [tilespmem:s31+$0xA0];
	v8 =	vshrl.u32 v1, $0x10  }
0x344: {  	v1 =	vld [tilespmem:s29+$0x180]  }
0x345: {  	v32 =	vand.u32 $0xFFFF, v13;
	v26 =	vld.idx.msk [tilespmem:v26+s12+$0x0], $0xffff  }
0x346: {  	v33 =	vand.u32 $0xFFFF, v14;
	v28 =	vld.idx.msk [tilespmem:v28+s12+$0x0], $0xffff;
	v2 =	vmul.f32 v7, v2  }
0x347: {  	v34 =	vand.u32 $0xFFFF, v15;
	v30 =	vld.idx.msk [tilespmem:v30+s12+$0x0], $0xffff  }
0x348: {  	v35 =	vand.u32 $0xFFFF, v16;
	[tilespmem:v8+s23+$0x0] =	vst.idx.add.f32.msk $0xffff, v2  }
0x349: {  	v36 =	vand.u32 $0xFFFF, v18;
	v2 =	vld [tilespmem:s30+$0xB0]  }
0x34a: {  	v37 =	vand.u32 $0xFFFF, v19;
	v32 =	vld.idx.msk [tilespmem:v32+s12+$0x0], $0xffff  }
0x34b: {  	v38 =	vand.u32 $0xFFFF, v20;
	v33 =	vld.idx.msk [tilespmem:v33+s12+$0x0], $0xffff  }
0x34c: {  	v39 =	vand.u32 $0xFFFF, v21;
	v34 =	vld.idx.msk [tilespmem:v34+s12+$0x0], $0xffff  }
0x34d: {  	v40 =	vand.u32 $0xFFFF, v22;
	v35 =	vld.idx.msk [tilespmem:v35+s12+$0x0], $0xffff  }
0x34e: {  	v36 =	vld.idx.msk [tilespmem:v36+s12+$0x0], $0xffff;
	v12 =	vand.u32 $0xFFFF, v2  }
0x34f: {  	v43 =	vand.u32 $0xFFFF, v23;
	v37 =	vld.idx.msk [tilespmem:v37+s12+$0x0], $0xffff  }
0x350: {  	v44 =	vand.u32 $0xFFFF, v25;
	v38 =	vld.idx.msk [tilespmem:v38+s12+$0x0], $0xffff  }
0x351: {  	v39 =	vld.idx.msk [tilespmem:v39+s12+$0x0], $0xffff  }
0x352: {  	v45 =	vand.u32 $0xFFFF, v27;
	v40 =	vld.idx.msk [tilespmem:v40+s12+$0x0], $0xffff  }
0x353: {  	v12 =	vld.idx.msk [tilespmem:v12+s12+$0x0], $0xffff  }
0x354: {  	v43 =	vld.idx.msk [tilespmem:v43+s12+$0x0], $0xffff  }
0x355: {  	v44 =	vld.idx.msk [tilespmem:v44+s12+$0x0], $0xffff;
	v2 =	vshrl.u32 v2, $0x10  }
0x356: {  	v7 =	vld [tilespmem:s30+$0xFFFFFF40]  }
0x357: {  	v46 =	vand.u32 $0xFFFF, v29;
	v45 =	vld.idx.msk [tilespmem:v45+s12+$0x0], $0xffff  }
0x358: {  	v47 =	vand.u32 $0xFFFF, v31;
	v8 =	vld [tilespmem:s30+$0xFFFFFF50];
	v12 =	vmul.f32 v17, v12  }
0x359: {  	v11 =	vshrl.u32 v11, $0x10;
	v17 =	vld [tilespmem:s30+$0x30]  }
0x35a: {  	[tilespmem:v2+s23+$0x0] =	vst.idx.add.f32.msk $0xffff, v12  }
0x35b: {  	v2 =	vld [tilespmem:s30+$0x50];
	v12 =	vand.u32 $0xFFFF, v7  }
0x35c: {  	v16 =	vshrl.u32 v16, $0x10;
	v46 =	vld.idx.msk [tilespmem:v46+s12+$0x0], $0xffff;
	v30 =	vmul.f32 v52, v30  }
0x35d: {  	v47 =	vld.idx.msk [tilespmem:v47+s12+$0x0], $0xffff  }
0x35e: {  	s26 =	simm.s32 $0x250;
	[tilespmem:v11+s23+$0x0] =	vst.idx.add.f32.msk $0xffff, v30;
	v24 =	vand.u32 $0xFFFF, v8  }
0x35f: {  	v11 =	vshrl.u32 v19, $0x10;
	v19 =	vmul.f32 v56, v35;
	v35 =	vld [tilespmem:s26+$0x90];
	v41 =	vand.u32 $0xFFFF, v17  }
0x360: {  	v12 =	vld.idx.msk [tilespmem:v12+s12+$0x0], $0xffff;
	v42 =	vand.u32 $0xFFFF, v2  }
0x361: {  	[tilespmem:v16+s23+$0x0] =	vst.idx.add.f32.msk $0xffff, v19  }
0x362: {  	v19 =	vld [tilespmem:s26+$0xFFFFFF90];
	v7 =	vshrl.u32 v7, $0x10  }
0x363: {  	v24 =	vld.idx.msk [tilespmem:v24+s12+$0x0], $0xffff  }
0x364: {  	v41 =	vld.idx.msk [tilespmem:v41+s12+$0x0], $0xffff  }
0x365: {  	v8 =	vshrl.u32 v8, $0x10;
	v42 =	vld.idx.msk [tilespmem:v42+s12+$0x0], $0xffff;
	v12 =	vmul.f32 v48, v12  }
0x366: {  	v48 =	vld [tilespmem:s31+$0xFFFFFFF0]  }
0x367: {  	[tilespmem:v7+s23+$0x0] =	vst.idx.add.f32.msk $0xffff, v12  }
0x368: {  	v9 =	vshrl.u32 v9, $0x10;
	v7 =	vld [tilespmem:s31+$0x10];
	v12 =	vmul.f32 v49, v24  }
0x369: {  	v24 =	vld [tilespmem:s31+$0x20]  }
0x36a: {  	[tilespmem:v8+s23+$0x0] =	vst.idx.add.f32.msk $0xffff, v12  }
0x36b: {  	v10 =	vshrl.u32 v10, $0x10;
	v8 =	vld [tilespmem:s31+$0x50];
	v12 =	vmul.f32 v50, v26  }
0x36c: {  	v26 =	vld [tilespmem:s26+$0x0]  }
0x36d: {  	v15 =	vshrl.u32 v15, $0x10;
	[tilespmem:v9+s23+$0x0] =	vst.idx.add.f32.msk $0xffff, v12  }
0x36e: {  	v9 =	vshrl.u32 v13, $0x10;
	v12 =	vld [tilespmem:s31+$0x80];
	v13 =	vshrl.u32 v14, $0x10;
	v14 =	vmul.f32 v51, v28  }
0x36f: {  	v28 =	vld [tilespmem:s26+$0x20]  }
0x370: {  	[tilespmem:v10+s23+$0x0] =	vst.idx.add.f32.msk $0xffff, v14;
	v10 =	vshrl.u32 v18, $0x10;
	v18 =	vmul.f32 v55, v34  }
0x371: {  	v14 =	vmul.f32 v54, v33;
	v33 =	vld [tilespmem:s26+$0x80]  }
0x372: {  	v2 =	vshrl.u32 v2, $0x10;
	[tilespmem:v15+s23+$0x0] =	vst.idx.add.f32.msk $0xffff, v18  }
0x373: {  	v32 =	vmul.f32 v53, v32;
	v15 =	vshrl.u32 v22, $0x10;
	v22 =	vld [tilespmem:s26+$0xFFFFFFD0]  }
0x374: {  	v18 =	vmul.f32 v48, v37;
	v37 =	vld [tilespmem:s26+$0xA0]  }
0x375: {  	v8 =	vmul.f32 v8, v42;
	[tilespmem:v9+s23+$0x0] =	vst.idx.add.f32.msk $0xffff, v32  }
0x376: {  	[tilespmem:v13+s23+$0x0] =	vst.idx.add.f32.msk $0xffff, v14  }
0x377: {  	[tilespmem:v2+s23+$0x0] =	vst.idx.add.f32.msk $0xffff, v8  }
0x378: {  	v2 =	vmul.f32 v12, v45;
	v12 =	vld [tilespmem:s29+$0x5000]  }
0x379: {  	v9 =	vshrl.u32 v20, $0x10;
	v20 =	vld [tilespmem:s26+$0xFFFFFFA0]  }
0x37a: {  	v13 =	vshrl.u32 v21, $0x10;
	v21 =	vld [tilespmem:s26+$0xFFFFFFB0]  }
0x37b: {  	v16 =	vshrl.u32 v17, $0x10;
	v14 =	vmul.f32 v57, v36;
	[tilespmem:v11+s23+$0x0] =	vst.idx.add.f32.msk $0xffff, v18  }
0x37c: {  	v11 =	vmul.f32 v24, v40;
	v24 =	vld [tilespmem:s26+$0xFFFFFFE0]  }
0x37d: {  	s28 =	simm.s32 $0x50D0;
	[tilespmem:v10+s23+$0x0] =	vst.idx.add.f32.msk $0xffff, v14  }
0x37e: {  	v10 =	vshrl.u32 v23, $0x10;
	v14 =	vmul.f32 v59, v41;
	v23 =	vld [tilespmem:s28+$0xB0]  }
0x37f: {  	[tilespmem:v15+s23+$0x0] =	vst.idx.add.f32.msk $0xffff, v11  }
0x380: {  	[tilespmem:v16+s23+$0x0] =	vst.idx.add.f32.msk $0xffff, v14  }
0x381: {  	v16 =	vld [tilespmem:s26+$0xFFFFFF70]  }
0x382: {  	v17 =	vmul.f32 v58, v38;
	v11 =	vshrl.u32 v29, $0x10;
	v29 =	vld [tilespmem:s26+$0x60]  }
0x383: {  	v7 =	vmul.f32 v7, v39;
	v14 =	vshrl.u32 v31, $0x10;
	v31 =	vld [tilespmem:s26+$0x70]  }
0x384: {  	[tilespmem:v9+s23+$0x0] =	vst.idx.add.f32.msk $0xffff, v17  }
0x385: {  	[tilespmem:v13+s23+$0x0] =	vst.idx.add.f32.msk $0xffff, v7  }
0x386: {  	v17 =	vld [tilespmem:s26+$0xFFFFFF80]  }
0x387: {  	v50 =	vand.u32 $0xFFFF, v22;
	v9 =	vshrl.u32 v25, $0x10;
	v13 =	vmul.f32 v60, v43;
	v25 =	vld [tilespmem:s26+$0xFFFFFFF0]  }
0x388: {  	v7 =	vshrl.u32 v27, $0x10;
	v27 =	vld [tilespmem:s26+$0x10]  }
0x389: {  	v8 =	vmul.f32 v62, v46;
	[tilespmem:v10+s23+$0x0] =	vst.idx.add.f32.msk $0xffff, v13  }
0x38a: {  	v48 =	vand.u32 $0xFFFF, v20;
	v10 =	vand.u32 $0xFFFF, v1;
	v13 =	vshrl.u32 v1, $0x10;
	v1 =	vld [tilespmem:s29+$0x4F80]  }
0x38b: {  	v15 =	vmul.f32 v61, v44;
	v49 =	vand.u32 $0xFFFF, v21;
	[tilespmem:v11+s23+$0x0] =	vst.idx.add.f32.msk $0xffff, v8  }
0x38c: {  	v41 =	vld.idx.msk [tilespmem:v50+s12+$0x0], $0xffff  }
0x38d: {  	v51 =	vand.u32 $0xFFFF, v24;
	[tilespmem:v9+s23+$0x0] =	vst.idx.add.f32.msk $0xffff, v15  }
0x38e: {  	v60 =	vand.u32 $0xFFFF, v33;
	[tilespmem:v7+s23+$0x0] =	vst.idx.add.f32.msk $0xffff, v2  }
0x38f: {  	v39 =	vld.idx.msk [tilespmem:v48+s12+$0x0], $0xffff  }
0x390: {  	v40 =	vld.idx.msk [tilespmem:v49+s12+$0x0], $0xffff  }
0x391: {  	v9 =	vmul.f32 v63, v47;
	v63 =	vld [tilespmem:s28+$0xFFFFFF40]  }
0x392: {  	v42 =	vld.idx.msk [tilespmem:v51+s12+$0x0], $0xffff  }
0x393: {  	v51 =	vld.idx.msk [tilespmem:v60+s12+$0x0], $0xffff  }
0x394: {  	v45 =	vand.u32 $0xFFFF, v16;
	v60 =	vld [tilespmem:s28+$0xFFFFFF60]  }
0x395: {  	v7 =	vand.u32 $0xFFFF, v4;
	v8 =	vld.idx.msk [tilespmem:v10+s12+$0x0], $0xffff  }
0x396: {  	v58 =	vand.u32 $0xFFFF, v29;
	[tilespmem:v14+s23+$0x0] =	vst.idx.add.f32.msk $0xffff, v9  }
0x397: {  	v9 =	vld [tilespmem:s29+$0x80]  }
0x398: {  	v10 =	vld [tilespmem:s29+$0x100]  }
0x399: {  	v59 =	vand.u32 $0xFFFF, v31;
	v34 =	vld.idx.msk [tilespmem:v45+s12+$0x0], $0xffff  }
0x39a: {  	v2 =	vand.u32 $0xFFFF, v3;
	v14 =	vld.idx.msk [tilespmem:v7+s12+$0x0], $0xffff;
	v7 =	vmul.f32 v12, v8  }
0x39b: {  	v49 =	vld.idx.msk [tilespmem:v58+s12+$0x0], $0xffff  }
0x39c: {  	[tilespmem:v13+s23+$0x0] =	vst.idx.add.f32.msk $0xffff, v7  }
0x39d: {  	v46 =	vand.u32 $0xFFFF, v17;
	v7 =	vld [tilespmem:s26+$0xB0]  }
0x39e: {  	v47 =	vand.u32 $0xFFFF, v19;
	v50 =	vld.idx.msk [tilespmem:v59+s12+$0x0], $0xffff  }
0x39f: {  	v54 =	vand.u32 $0xFFFF, v27;
	v11 =	vld.idx.msk [tilespmem:v2+s12+$0x0], $0xffff  }
0x3a0: {  	v55 =	vand.u32 $0xFFFF, v28;
	v2 =	vld [tilespmem:s29+$0x4F00]  }
0x3a1: {  	v12 =	vld [tilespmem:s26+$0xFFFFFF50]  }
0x3a2: {  	v36 =	vld.idx.msk [tilespmem:v46+s12+$0x0], $0xffff;
	v18 =	vand.u32 $0xFFFF, v7  }
0x3a3: {  	v38 =	vld.idx.msk [tilespmem:v47+s12+$0x0], $0xffff  }
0x3a4: {  	v45 =	vld.idx.msk [tilespmem:v54+s12+$0x0], $0xffff  }
0x3a5: {  	v46 =	vld.idx.msk [tilespmem:v55+s12+$0x0], $0xffff  }
0x3a6: {  	v55 =	vld [tilespmem:s28+$0xFFFFFF50];
	v43 =	vand.u32 $0xFFFF, v12  }
0x3a7: {  	s25 =	simm.s32 $0x320;
	v52 =	vand.u32 $0xFFFF, v25;
	v18 =	vld.idx.msk [tilespmem:v18+s12+$0x0], $0xffff  }
0x3a8: {  	s29 =	sand.u32 $0x7FF0, s25;
	v13 =	vld [tilespmem:s26+$0xFFFFFF60]  }
0x3a9: {  	v15 =	vld [tilespmem:s29+$0x180];
	v7 =	vshrl.u32 v7, $0x10  }
0x3aa: {  	v8 =	vld [tilespmem:s26+$0xFFFFFF40]  }
0x3ab: {  	v61 =	vand.u32 $0xFFFF, v35;
	v30 =	vld.idx.msk [tilespmem:v43+s12+$0x0], $0xffff  }
0x3ac: {  	v43 =	vld.idx.msk [tilespmem:v52+s12+$0x0], $0xffff;
	v18 =	vmul.f32 v23, v18  }
0x3ad: {  	v44 =	vand.u32 $0xFFFF, v13;
	v23 =	vld [tilespmem:s26+$0x30]  }
0x3ae: {  	v53 =	vand.u32 $0xFFFF, v26;
	[tilespmem:v7+s23+$0x0] =	vst.idx.add.f32.msk $0xffff, v18  }
0x3af: {  	v62 =	vand.u32 $0xFFFF, v37;
	v7 =	vld [tilespmem:s26+$0x50]  }
0x3b0: {  	v52 =	vld.idx.msk [tilespmem:v61+s12+$0x0], $0xffff;
	v18 =	vand.u32 $0xFFFF, v8  }
0x3b1: {  	v61 =	vld [tilespmem:s28+$0xFFFFFF70]  }
0x3b2: {  	v32 =	vld.idx.msk [tilespmem:v44+s12+$0x0], $0xffff;
	v56 =	vand.u32 $0xFFFF, v23  }
0x3b3: {  	v44 =	vld.idx.msk [tilespmem:v53+s12+$0x0], $0xffff  }
0x3b4: {  	v53 =	vld.idx.msk [tilespmem:v62+s12+$0x0], $0xffff;
	v57 =	vand.u32 $0xFFFF, v7  }
0x3b5: {  	v18 =	vld.idx.msk [tilespmem:v18+s12+$0x0], $0xffff  }
0x3b6: {  	v62 =	vld [tilespmem:s28+$0xFFFFFF80]  }
0x3b7: {  	v8 =	vshrl.u32 v8, $0x10;
	v47 =	vld.idx.msk [tilespmem:v56+s12+$0x0], $0xffff  }
0x3b8: {  	v56 =	vld [tilespmem:s28+$0x0]  }
0x3b9: {  	v48 =	vld.idx.msk [tilespmem:v57+s12+$0x0], $0xffff  }
0x3ba: {  	v18 =	vmul.f32 v63, v18;
	v63 =	vld [tilespmem:s28+$0xFFFFFF90]  }
0x3bb: {  	v12 =	vshrl.u32 v12, $0x10;
	v57 =	vld [tilespmem:s28+$0x30]  }
0x3bc: {  	[tilespmem:v8+s23+$0x0] =	vst.idx.add.f32.msk $0xffff, v18  }
0x3bd: {  	v8 =	vld [tilespmem:s28+$0xFFFFFFA0]  }
0x3be: {  	v18 =	vmul.f32 v55, v30;
	v30 =	vld [tilespmem:s28+$0xFFFFFFB0]  }
0x3bf: {  	v13 =	vshrl.u32 v13, $0x10;
	v55 =	vld [tilespmem:s28+$0xFFFFFFD0]  }
0x3c0: {  	[tilespmem:v12+s23+$0x0] =	vst.idx.add.f32.msk $0xffff, v18  }
0x3c1: {  	v12 =	vld [tilespmem:s28+$0xFFFFFFE0]  }
0x3c2: {  	v18 =	vmul.f32 v60, v32;
	v32 =	vld [tilespmem:s28+$0xFFFFFFF0]  }
0x3c3: {  	v16 =	vshrl.u32 v16, $0x10;
	v60 =	vld [tilespmem:s28+$0x60]  }
0x3c4: {  	[tilespmem:v13+s23+$0x0] =	vst.idx.add.f32.msk $0xffff, v18  }
0x3c5: {  	v13 =	vld [tilespmem:s28+$0x10]  }
0x3c6: {  	v20 =	vshrl.u32 v20, $0x10;
	v18 =	vmul.f32 v61, v34;
	v34 =	vld [tilespmem:s28+$0x20]  }
0x3c7: {  	v17 =	vshrl.u32 v17, $0x10;
	v61 =	vld [tilespmem:s28+$0x70]  }
0x3c8: {  	[tilespmem:v16+s23+$0x0] =	vst.idx.add.f32.msk $0xffff, v18  }
0x3c9: {  	v8 =	vmul.f32 v8, v39;
	v16 =	vld [tilespmem:s28+$0x50]  }
0x3ca: {  	v24 =	vshrl.u32 v24, $0x10;
	v18 =	vmul.f32 v62, v36;
	v62 =	vld [tilespmem:s28+$0x90]  }
0x3cb: {  	v25 =	vshrl.u32 v25, $0x10;
	[tilespmem:v20+s23+$0x0] =	vst.idx.add.f32.msk $0xffff, v8  }
0x3cc: {  	v19 =	vshrl.u32 v19, $0x10;
	[tilespmem:v17+s23+$0x0] =	vst.idx.add.f32.msk $0xffff, v18  }
0x3cd: {  	v8 =	vshrl.u32 v27, $0x10;
	v12 =	vmul.f32 v12, v42;
	v20 =	vmul.f32 v32, v43;
	v18 =	vld [tilespmem:s28+$0x80]  }
0x3ce: {  	v17 =	vshrl.u32 v21, $0x10;
	v21 =	vshrl.u32 v22, $0x10;
	v22 =	vmul.f32 v63, v38;
	v63 =	vld [tilespmem:s28+$0xA0]  }
0x3cf: {  	[tilespmem:v24+s23+$0x0] =	vst.idx.add.f32.msk $0xffff, v12  }
0x3d0: {  	v7 =	vshrl.u32 v7, $0x10;
	v12 =	vmul.f32 v13, v45;
	[tilespmem:v25+s23+$0x0] =	vst.idx.add.f32.msk $0xffff, v20  }
0x3d1: {  	v30 =	vmul.f32 v30, v40;
	[tilespmem:v19+s23+$0x0] =	vst.idx.add.f32.msk $0xffff, v22;
	v19 =	vshrl.u32 v26, $0x10  }
0x3d2: {  	v22 =	vmul.f32 v55, v41;
	[tilespmem:v8+s23+$0x0] =	vst.idx.add.f32.msk $0xffff, v12;
	v8 =	vshrl.u32 v33, $0x10  }
0x3d3: {  	v12 =	vmul.f32 v16, v48;
	[tilespmem:v17+s23+$0x0] =	vst.idx.add.f32.msk $0xffff, v30;
	v17 =	vshrl.u32 v28, $0x10  }
0x3d4: {  	v16 =	vshrl.u32 v35, $0x10;
	[tilespmem:v21+s23+$0x0] =	vst.idx.add.f32.msk $0xffff, v22;
	v22 =	vmul.f32 v56, v44  }
0x3d5: {  	v21 =	vshrl.u32 v23, $0x10;
	[tilespmem:v7+s23+$0x0] =	vst.idx.add.f32.msk $0xffff, v12;
	v7 =	vmul.f32 v18, v51  }
0x3d6: {  	v13 =	vshrl.u32 v29, $0x10;
	v20 =	vmul.f32 v34, v46;
	[tilespmem:v19+s23+$0x0] =	vst.idx.add.f32.msk $0xffff, v22  }
0x3d7: {  	v12 =	vmul.f32 v62, v52;
	v19 =	vshrl.u32 v31, $0x10;
	[tilespmem:v8+s23+$0x0] =	vst.idx.add.f32.msk $0xffff, v7  }
0x3d8: {  	v22 =	vmul.f32 v57, v47;
	[tilespmem:v17+s23+$0x0] =	vst.idx.add.f32.msk $0xffff, v20;
	v20 =	vshrl.u32 v37, $0x10  }
0x3d9: {  	[tilespmem:v16+s23+$0x0] =	vst.idx.add.f32.msk $0xffff, v12;
	v17 =	vmul.f32 v60, v49  }
0x3da: {  	[tilespmem:v21+s23+$0x0] =	vst.idx.add.f32.msk $0xffff, v22;
	v21 =	vmul.f32 v61, v50  }
0x3db: {  	[tilespmem:v13+s23+$0x0] =	vst.idx.add.f32.msk $0xffff, v17;
	v17 =	vmul.f32 v63, v53  }
0x3dc: {  	[tilespmem:v19+s23+$0x0] =	vst.idx.add.f32.msk $0xffff, v21;
	v13 =	vand.u32 $0xFFFF, v9  }
0x3dd: {  	v7 =	vand.u32 $0xFFFF, v15;
	[tilespmem:v20+s23+$0x0] =	vst.idx.add.f32.msk $0xffff, v17  }
0x3de: {  	v16 =	vand.u32 $0xFFFF, v10;
	v17 =	vld [tilespmem:s29+$0x80]  }
0x3df: {  	v20 =	vld [tilespmem:s29+$0x100]  }
0x3e0: {  	v19 =	vld [tilespmem:s29+$0x5000]  }
0x3e1: {  	v8 =	vshrl.u32 v3, $0x10;
	v3 =	vshrl.u32 v9, $0x10;
	v12 =	vld.idx.msk [tilespmem:v13+s12+$0x0], $0xffff  }
0x3e2: {  	v9 =	vmul.f32 v5, v11;
	v18 =	vld.idx.msk [tilespmem:v7+s12+$0x0], $0xffff;
	v7 =	vshrl.u32 v4, $0x10;
	v4 =	vshrl.u32 v10, $0x10  }
0x3e3: {  	v10 =	vmul.f32 v6, v14;
	v13 =	vld.idx.msk [tilespmem:v16+s12+$0x0], $0xffff;
	v16 =	vshrl.u32 v17, $0x10;
	v6 =	vand.u32 $0xFFFF, v17  }
0x3e4: {  	v14 =	vld [tilespmem:s29+$0x4F00];
	v17 =	vshrl.u32 v20, $0x10;
	v5 =	vand.u32 $0xFFFF, v20;
	v20 =	vshrl.u32 v15, $0x10  }
0x3e5: {  	v15 =	vld [tilespmem:s29+$0x4F80]  }
.LBB2_16:
0x3e6: {  	s25 =	sadd.s32 $0x190, s25;
	[tilespmem:v8+s23+$0x0] =	vst.idx.add.f32.msk $0xffff, v9;
	v9 =	vmul.f32 v2, v12;
	v8 =	vmov v3;
	v3 =	vmov v16  }
0x3e7: {  	s29 =	sand.u32 $0x7FF0, s25;
	v12 =	vmul.f32 v19, v18;
	[tilespmem:v7+s23+$0x0] =	vst.idx.add.f32.msk $0xffff, v10;
	v7 =	vmov v4;
	v4 =	vmov v17  }
0x3e8: {  	p0 =	slt.u32 s25, $0x4C90;
	v11 =	vld [tilespmem:s29+$0x180]  }
0x3e9: {  	s26 =	sadd.s32 $0x190, s26;
	v10 =	vmul.f32 v1, v13;
	[tilespmem:v20+s23+$0x0] =	vst.idx.add.f32.msk $0xffff, v12;
	v2 =	vmov v14  }
0x3ea: {  	v20 =	vld [tilespmem:s26+$0xB0];
	v1 =	vmov v15  }
0x3eb: {  	v13 =	vld [tilespmem:s26+$0xFFFFFF40]  }
0x3ec: {  	v14 =	vld [tilespmem:s26+$0xFFFFFF50]  }
0x3ed: {  	v15 =	vld [tilespmem:s26+$0xFFFFFF60]  }
0x3ee: {  	v16 =	vld [tilespmem:s26+$0xFFFFFF70]  }
0x3ef: {  	v17 =	vld [tilespmem:s26+$0xFFFFFF80];
	v18 =	vand.u32 $0xFFFF, v20  }
0x3f0: {  	v12 =	vshrl.u32 v13, $0x10;
	v28 =	vand.u32 $0xFFFF, v13;
	v19 =	vld [tilespmem:s26+$0xFFFFFF90]  }
0x3f1: {  	v13 =	vshrl.u32 v14, $0x10;
	v29 =	vand.u32 $0xFFFF, v14;
	v21 =	vld [tilespmem:s26+$0xFFFFFFA0]  }
0x3f2: {  	v14 =	vshrl.u32 v15, $0x10;
	v30 =	vand.u32 $0xFFFF, v15;
	v22 =	vld [tilespmem:s26+$0xFFFFFFB0]  }
0x3f3: {  	v15 =	vshrl.u32 v16, $0x10;
	v31 =	vand.u32 $0xFFFF, v16;
	v23 =	vld [tilespmem:s26+$0xFFFFFFD0]  }
0x3f4: {  	s28 =	sadd.s32 $0x190, s28;
	v16 =	vshrl.u32 v17, $0x10;
	v32 =	vand.u32 $0xFFFF, v17;
	v24 =	vld.idx.msk [tilespmem:v18+s12+$0x0], $0xffff  }
0x3f5: {  	v17 =	vshrl.u32 v19, $0x10;
	v33 =	vand.u32 $0xFFFF, v19;
	v25 =	vld [tilespmem:s28+$0xB0]  }
0x3f6: {  	v18 =	vshrl.u32 v21, $0x10;
	v34 =	vand.u32 $0xFFFF, v21;
	v26 =	vld [tilespmem:s26+$0xFFFFFFE0]  }
0x3f7: {  	v36 =	vshrl.u32 v20, $0x10;
	v19 =	vshrl.u32 v22, $0x10;
	v35 =	vand.u32 $0xFFFF, v22;
	v27 =	vld [tilespmem:s26+$0xFFFFFFF0]  }
0x3f8: {  	v20 =	vshrl.u32 v23, $0x10;
	v37 =	vand.u32 $0xFFFF, v23;
	v38 =	vld [tilespmem:s26+$0x0]  }
0x3f9: {  	v39 =	vld [tilespmem:s26+$0x10]  }
0x3fa: {  	v40 =	vld [tilespmem:s26+$0x20];
	v23 =	vmul.f32 v25, v24  }
0x3fb: {  	v21 =	vshrl.u32 v26, $0x10;
	v41 =	vand.u32 $0xFFFF, v26;
	v42 =	vld [tilespmem:s26+$0x30]  }
0x3fc: {  	v22 =	vshrl.u32 v27, $0x10;
	v43 =	vand.u32 $0xFFFF, v27;
	[tilespmem:v36+s23+$0x0] =	vst.idx.add.f32.msk $0xffff, v23  }
0x3fd: {  	v23 =	vshrl.u32 v38, $0x10;
	v36 =	vand.u32 $0xFFFF, v38;
	v38 =	vld [tilespmem:s26+$0x50]  }
0x3fe: {  	v24 =	vshrl.u32 v39, $0x10;
	v39 =	vand.u32 $0xFFFF, v39;
	v44 =	vld [tilespmem:s26+$0x60]  }
0x3ff: {  	v25 =	vshrl.u32 v40, $0x10;
	v40 =	vand.u32 $0xFFFF, v40;
	v45 =	vld [tilespmem:s26+$0x70]  }
0x400: {  	v26 =	vshrl.u32 v42, $0x10;
	v42 =	vand.u32 $0xFFFF, v42;
	v46 =	vld [tilespmem:s26+$0x80]  }
0x401: {  	v47 =	vld [tilespmem:s26+$0x90]  }
0x402: {  	v27 =	vshrl.u32 v38, $0x10;
	v38 =	vand.u32 $0xFFFF, v38;
	v48 =	vld [tilespmem:s26+$0xA0]  }
0x403: {  	v49 =	vld.idx.msk [tilespmem:v28+s12+$0x0], $0xffff;
	v28 =	vshrl.u32 v44, $0x10;
	v44 =	vand.u32 $0xFFFF, v44  }
0x404: {  	v50 =	vld.idx.msk [tilespmem:v29+s12+$0x0], $0xffff;
	v29 =	vshrl.u32 v45, $0x10;
	v45 =	vand.u32 $0xFFFF, v45  }
0x405: {  	v51 =	vld.idx.msk [tilespmem:v30+s12+$0x0], $0xffff;
	v30 =	vshrl.u32 v46, $0x10;
	v46 =	vand.u32 $0xFFFF, v46  }
0x406: {  	v52 =	vld.idx.msk [tilespmem:v31+s12+$0x0], $0xffff;
	v31 =	vshrl.u32 v47, $0x10;
	v47 =	vand.u32 $0xFFFF, v47  }
0x407: {  	v53 =	vld.idx.msk [tilespmem:v32+s12+$0x0], $0xffff;
	v32 =	vshrl.u32 v48, $0x10;
	v48 =	vand.u32 $0xFFFF, v48  }
0x408: {  	v33 =	vld.idx.msk [tilespmem:v33+s12+$0x0], $0xffff  }
0x409: {  	v34 =	vld.idx.msk [tilespmem:v34+s12+$0x0], $0xffff  }
0x40a: {  	v35 =	vld.idx.msk [tilespmem:v35+s12+$0x0], $0xffff  }
0x40b: {  	v37 =	vld.idx.msk [tilespmem:v37+s12+$0x0], $0xffff  }
0x40c: {  	v41 =	vld.idx.msk [tilespmem:v41+s12+$0x0], $0xffff  }
0x40d: {  	v43 =	vld.idx.msk [tilespmem:v43+s12+$0x0], $0xffff  }
0x40e: {  	v36 =	vld.idx.msk [tilespmem:v36+s12+$0x0], $0xffff  }
0x40f: {  	v39 =	vld.idx.msk [tilespmem:v39+s12+$0x0], $0xffff  }
0x410: {  	v40 =	vld.idx.msk [tilespmem:v40+s12+$0x0], $0xffff  }
0x411: {  	v42 =	vld.idx.msk [tilespmem:v42+s12+$0x0], $0xffff  }
0x412: {  	v38 =	vld.idx.msk [tilespmem:v38+s12+$0x0], $0xffff  }
0x413: {  	v44 =	vld.idx.msk [tilespmem:v44+s12+$0x0], $0xffff  }
0x414: {  	v45 =	vld.idx.msk [tilespmem:v45+s12+$0x0], $0xffff  }
0x415: {  	v46 =	vld.idx.msk [tilespmem:v46+s12+$0x0], $0xffff  }
0x416: {  	v47 =	vld.idx.msk [tilespmem:v47+s12+$0x0], $0xffff  }
0x417: {  	v48 =	vld.idx.msk [tilespmem:v48+s12+$0x0], $0xffff  }
0x418: {  	v54 =	vld [tilespmem:s28+$0xFFFFFF40]  }
0x419: {  	v55 =	vld [tilespmem:s28+$0xFFFFFF50]  }
0x41a: {  	v56 =	vld [tilespmem:s28+$0xFFFFFF60]  }
0x41b: {  	v57 =	vld [tilespmem:s28+$0xFFFFFF70]  }
0x41c: {  	v58 =	vld [tilespmem:s28+$0xFFFFFF80]  }
0x41d: {  	v49 =	vmul.f32 v54, v49;
	v54 =	vld [tilespmem:s28+$0xFFFFFF90]  }
0x41e: {  	v50 =	vmul.f32 v55, v50;
	v55 =	vld [tilespmem:s28+$0xFFFFFFA0]  }
0x41f: {  	v51 =	vmul.f32 v56, v51;
	v56 =	vld [tilespmem:s28+$0xFFFFFFB0]  }
0x420: {  	v52 =	vmul.f32 v57, v52;
	v57 =	vld [tilespmem:s28+$0xFFFFFFD0]  }
0x421: {  	v53 =	vmul.f32 v58, v53;
	v58 =	vld [tilespmem:s28+$0xFFFFFFE0]  }
0x422: {  	v33 =	vmul.f32 v54, v33;
	v54 =	vld [tilespmem:s28+$0xFFFFFFF0]  }
0x423: {  	v34 =	vmul.f32 v55, v34;
	v55 =	vld [tilespmem:s28+$0x0]  }
0x424: {  	v35 =	vmul.f32 v56, v35;
	v56 =	vld [tilespmem:s28+$0x10]  }
0x425: {  	v37 =	vmul.f32 v57, v37;
	v57 =	vld [tilespmem:s28+$0x20]  }
0x426: {  	v41 =	vmul.f32 v58, v41;
	v58 =	vld [tilespmem:s28+$0x30]  }
0x427: {  	v43 =	vmul.f32 v54, v43;
	v54 =	vld [tilespmem:s28+$0x50]  }
0x428: {  	v36 =	vmul.f32 v55, v36;
	v55 =	vld [tilespmem:s28+$0x60]  }
0x429: {  	v39 =	vmul.f32 v56, v39;
	v56 =	vld [tilespmem:s28+$0x70]  }
0x42a: {  	v40 =	vmul.f32 v57, v40;
	v57 =	vld [tilespmem:s28+$0x80]  }
0x42b: {  	v42 =	vmul.f32 v58, v42;
	v58 =	vld [tilespmem:s28+$0x90]  }
0x42c: {  	v38 =	vmul.f32 v54, v38;
	v54 =	vld [tilespmem:s28+$0xA0]  }
0x42d: {  	[tilespmem:v12+s23+$0x0] =	vst.idx.add.f32.msk $0xffff, v49;
	v12 =	vmul.f32 v55, v44  }
0x42e: {  	[tilespmem:v13+s23+$0x0] =	vst.idx.add.f32.msk $0xffff, v50;
	v13 =	vmul.f32 v56, v45  }
0x42f: {  	[tilespmem:v14+s23+$0x0] =	vst.idx.add.f32.msk $0xffff, v51;
	v14 =	vmul.f32 v57, v46  }
0x430: {  	[tilespmem:v15+s23+$0x0] =	vst.idx.add.f32.msk $0xffff, v52;
	v15 =	vmul.f32 v58, v47  }
0x431: {  	[tilespmem:v16+s23+$0x0] =	vst.idx.add.f32.msk $0xffff, v53;
	v16 =	vmul.f32 v54, v48  }
0x432: {  	[tilespmem:v17+s23+$0x0] =	vst.idx.add.f32.msk $0xffff, v33  }
0x433: {  	[tilespmem:v18+s23+$0x0] =	vst.idx.add.f32.msk $0xffff, v34  }
0x434: {  	[tilespmem:v19+s23+$0x0] =	vst.idx.add.f32.msk $0xffff, v35  }
0x435: {  	[tilespmem:v20+s23+$0x0] =	vst.idx.add.f32.msk $0xffff, v37  }
0x436: {  	[tilespmem:v21+s23+$0x0] =	vst.idx.add.f32.msk $0xffff, v41  }
0x437: {  	[tilespmem:v22+s23+$0x0] =	vst.idx.add.f32.msk $0xffff, v43  }
0x438: {  	[tilespmem:v23+s23+$0x0] =	vst.idx.add.f32.msk $0xffff, v36  }
0x439: {  	[tilespmem:v24+s23+$0x0] =	vst.idx.add.f32.msk $0xffff, v39  }
0x43a: {  	[tilespmem:v25+s23+$0x0] =	vst.idx.add.f32.msk $0xffff, v40  }
0x43b: {  	[tilespmem:v26+s23+$0x0] =	vst.idx.add.f32.msk $0xffff, v42  }
0x43c: {  	[tilespmem:v27+s23+$0x0] =	vst.idx.add.f32.msk $0xffff, v38  }
0x43d: {  	[tilespmem:v28+s23+$0x0] =	vst.idx.add.f32.msk $0xffff, v12  }
0x43e: {  	[tilespmem:v29+s23+$0x0] =	vst.idx.add.f32.msk $0xffff, v13  }
0x43f: {  	[tilespmem:v30+s23+$0x0] =	vst.idx.add.f32.msk $0xffff, v14  }
0x440: {  	v13 =	vand.u32 $0xFFFF, v11;
	[tilespmem:v31+s23+$0x0] =	vst.idx.add.f32.msk $0xffff, v15  }
0x441: {  	[tilespmem:v32+s23+$0x0] =	vst.idx.add.f32.msk $0xffff, v16  }
0x442: {  	v14 =	vld [tilespmem:s29+$0x80]  }
0x443: {  	v15 =	vld [tilespmem:s29+$0x100]  }
0x444: {  	v12 =	vld.idx.msk [tilespmem:v6+s12+$0x0], $0xffff  }
.Ltmp7:
0x445: {  	v18 =	vld.idx.msk [tilespmem:v13+s12+$0x0], $0xffff;
	(pc) =	sbr.rel @p0 .LBB2_16-.Ltmp7, $4  }
0x446: {  	v19 =	vld [tilespmem:s29+$0x5000]  }
0x447: {  	v16 =	vshrl.u32 v14, $0x10;
	v6 =	vand.u32 $0xFFFF, v14;
	v13 =	vld.idx.msk [tilespmem:v5+s12+$0x0], $0xffff  }
0x448: {  	v20 =	vshrl.u32 v11, $0x10;
	v14 =	vld [tilespmem:s29+$0x4F00];
	v17 =	vshrl.u32 v15, $0x10;
	v5 =	vand.u32 $0xFFFF, v15  }
0x449: {  	v15 =	vld [tilespmem:s29+$0x4F80]  }
0x44a: {  	_ =	sdelay $0x3  }
0x44b: {  	[tilespmem:v8+s23+$0x0] =	vst.idx.add.f32.msk $0xffff, v9  }
0x44c: {  	[tilespmem:v7+s23+$0x0] =	vst.idx.add.f32.msk $0xffff, v10  }
0x44d: {  	v6 =	vld.idx.msk [tilespmem:v6+s12+$0x0], $0xffff  }
0x44e: {  	s0 =	sadd.s32 $0x190, s26;
	v5 =	vld.idx.msk [tilespmem:v5+s12+$0x0], $0xffff  }
0x44f: {  	v58 =	vld [tilespmem:s0+$0xB0]  }
0x450: {  	v59 =	vld [tilespmem:s0+$0xFFFFFF40]  }
0x451: {  	v60 =	vld [tilespmem:s0+$0xFFFFFF50]  }
0x452: {  	v10 =	vld [tilespmem:s0+$0xFFFFFF60]  }
0x453: {  	v11 =	vld [tilespmem:s0+$0xFFFFFF70]  }
0x454: {  	v57 =	vmul.f32 v19, v18;
	v18 =	vld [tilespmem:s0+$0xFFFFFF80]  }
0x455: {  	v21 =	vld [tilespmem:s0+$0xFFFFFFA0]  }
0x456: {  	v22 =	vld [tilespmem:s0+$0xFFFFFFB0]  }
0x457: {  	s1 =	sadd.s32 $0x190, s28;
	v23 =	vld [tilespmem:s0+$0xFFFFFFD0]  }
0x458: {  	v24 =	vld [tilespmem:s1+$0xB0]  }
0x459: {  	v25 =	vld [tilespmem:s0+$0xFFFFFFE0]  }
0x45a: {  	v26 =	vld [tilespmem:s0+$0xFFFFFFF0]  }
0x45b: {  	v27 =	vld [tilespmem:s0+$0x0]  }
0x45c: {  	v28 =	vld [tilespmem:s0+$0x10]  }
0x45d: {  	v29 =	vld [tilespmem:s0+$0x20]  }
0x45e: {  	v30 =	vld [tilespmem:s0+$0x60]  }
0x45f: {  	v32 =	vld [tilespmem:s0+$0x70]  }
0x460: {  	v34 =	vld [tilespmem:s0+$0x80]  }
0x461: {  	v36 =	vld [tilespmem:s0+$0x90]  }
0x462: {  	v38 =	vld [tilespmem:s0+$0xA0]  }
0x463: {  	v55 =	vld [tilespmem:s1+$0xFFFFFF40]  }
0x464: {  	v2 =	vmul.f32 v2, v12;
	v56 =	vld [tilespmem:s1+$0xFFFFFF50]  }
0x465: {  	v63 =	vld [tilespmem:s1+$0xFFFFFF80]  }
0x466: {  	[tilespmem:v3+s23+$0x0] =	vst.idx.add.f32.msk $0xffff, v2  }
0x467: {  	[tilespmem:v20+s23+$0x0] =	vst.idx.add.f32.msk $0xffff, v57  }
0x468: {  	v1 =	vmul.f32 v1, v13;
	v20 =	vld [tilespmem:s0+$0xFFFFFF90]  }
0x469: {  	v57 =	vld [tilespmem:s1+$0xFFFFFF60]  }
0x46a: {  	[tilespmem:v4+s23+$0x0] =	vst.idx.add.f32.msk $0xffff, v1;
	v6 =	vmul.f32 v14, v6;
	v61 =	vand.u32 $0xFFFF, v58  }
0x46b: {  	v1 =	vmul.f32 v15, v5;
	v7 =	vshrl.u32 v58, $0x10;
	v31 =	vand.u32 $0xFFFF, v60;
	v58 =	vld [tilespmem:s1+$0xFFFFFF70]  }
0x46c: {  	v62 =	vand.u32 $0xFFFF, v59;
	v33 =	vand.u32 $0xFFFF, v10;
	v8 =	vshrl.u32 v59, $0x10;
	v59 =	vld [tilespmem:s1+$0x70]  }
0x46d: {  	v35 =	vand.u32 $0xFFFF, v11;
	[tilespmem:v16+s23+$0x0] =	vst.idx.add.f32.msk $0xffff, v6  }
0x46e: {  	v37 =	vand.u32 $0xFFFF, v18;
	[tilespmem:v17+s23+$0x0] =	vst.idx.add.f32.msk $0xffff, v1  }
0x46f: {  	v40 =	vand.u32 $0xFFFF, v21;
	v19 =	vld.idx.msk [tilespmem:v61+s12+$0x0], $0xffff  }
0x470: {  	v41 =	vand.u32 $0xFFFF, v22;
	v31 =	vld.idx.msk [tilespmem:v31+s12+$0x0], $0xffff  }
0x471: {  	v42 =	vand.u32 $0xFFFF, v23;
	v33 =	vld.idx.msk [tilespmem:v33+s12+$0x0], $0xffff  }
0x472: {  	v43 =	vand.u32 $0xFFFF, v25;
	v35 =	vld.idx.msk [tilespmem:v35+s12+$0x0], $0xffff  }
0x473: {  	v44 =	vand.u32 $0xFFFF, v26;
	v37 =	vld.idx.msk [tilespmem:v37+s12+$0x0], $0xffff  }
0x474: {  	v45 =	vand.u32 $0xFFFF, v27;
	v40 =	vld.idx.msk [tilespmem:v40+s12+$0x0], $0xffff  }
0x475: {  	v46 =	vand.u32 $0xFFFF, v28;
	v41 =	vld.idx.msk [tilespmem:v41+s12+$0x0], $0xffff  }
0x476: {  	v47 =	vand.u32 $0xFFFF, v29;
	v42 =	vld.idx.msk [tilespmem:v42+s12+$0x0], $0xffff  }
0x477: {  	v50 =	vand.u32 $0xFFFF, v30;
	v43 =	vld.idx.msk [tilespmem:v43+s12+$0x0], $0xffff  }
0x478: {  	v51 =	vand.u32 $0xFFFF, v32;
	v44 =	vld.idx.msk [tilespmem:v44+s12+$0x0], $0xffff  }
0x479: {  	v52 =	vand.u32 $0xFFFF, v34;
	v45 =	vld.idx.msk [tilespmem:v45+s12+$0x0], $0xffff  }
0x47a: {  	v53 =	vand.u32 $0xFFFF, v36;
	v46 =	vld.idx.msk [tilespmem:v46+s12+$0x0], $0xffff  }
0x47b: {  	v54 =	vand.u32 $0xFFFF, v38;
	v47 =	vld.idx.msk [tilespmem:v47+s12+$0x0], $0xffff  }
0x47c: {  	v39 =	vand.u32 $0xFFFF, v20;
	v50 =	vld.idx.msk [tilespmem:v50+s12+$0x0], $0xffff  }
0x47d: {  	v51 =	vld.idx.msk [tilespmem:v51+s12+$0x0], $0xffff  }
0x47e: {  	v52 =	vld.idx.msk [tilespmem:v52+s12+$0x0], $0xffff  }
0x47f: {  	v53 =	vld.idx.msk [tilespmem:v53+s12+$0x0], $0xffff  }
0x480: {  	v54 =	vld.idx.msk [tilespmem:v54+s12+$0x0], $0xffff  }
0x481: {  	v39 =	vld.idx.msk [tilespmem:v39+s12+$0x0], $0xffff  }
0x482: {  	v19 =	vmul.f32 v24, v19;
	v24 =	vld [tilespmem:s0+$0x30]  }
0x483: {  	v9 =	vshrl.u32 v60, $0x10;
	v60 =	vmul.f32 v56, v31;
	v31 =	vld [tilespmem:s1+$0xFFFFFFA0]  }
0x484: {  	v56 =	vld [tilespmem:s1+$0xFFFFFFB0]  }
0x485: {  	v61 =	vmul.f32 v57, v33;
	v33 =	vld [tilespmem:s1+$0xFFFFFFE0]  }
0x486: {  	v57 =	vld [tilespmem:s1+$0xFFFFFFF0]  }
0x487: {  	v63 =	vmul.f32 v63, v37;
	v37 =	vld [tilespmem:s1+$0x50]  }
0x488: {  	v10 =	vshrl.u32 v10, $0x10;
	[tilespmem:v7+s23+$0x0] =	vst.idx.add.f32.msk $0xffff, v19  }
0x489: {  	v7 =	vld [tilespmem:s0+$0x50]  }
0x48a: {  	v19 =	vld.idx.msk [tilespmem:v62+s12+$0x0], $0xffff  }
0x48b: {  	[tilespmem:v9+s23+$0x0] =	vst.idx.add.f32.msk $0xffff, v60  }
0x48c: {  	v18 =	vshrl.u32 v18, $0x10;
	v9 =	vld [tilespmem:s1+$0xFFFFFFD0]  }
0x48d: {  	[tilespmem:v10+s23+$0x0] =	vst.idx.add.f32.msk $0xffff, v61  }
0x48e: {  	v11 =	vshrl.u32 v11, $0x10;
	v10 =	vld [tilespmem:s1+$0x0]  }
0x48f: {  	v62 =	vmul.f32 v58, v35;
	v35 =	vld [tilespmem:s1+$0x10]  }
0x490: {  	v58 =	vld [tilespmem:s1+$0x20]  }
0x491: {  	[tilespmem:v18+s23+$0x0] =	vst.idx.add.f32.msk $0xffff, v63  }
0x492: {  	v61 =	vld [tilespmem:s1+$0x80]  }
0x493: {  	v18 =	vshrl.u32 v21, $0x10;
	[tilespmem:v11+s23+$0x0] =	vst.idx.add.f32.msk $0xffff, v62  }
0x494: {  	v60 =	vshrl.u32 v22, $0x10;
	v11 =	vld [tilespmem:s1+$0x30]  }
0x495: {  	v25 =	vshrl.u32 v25, $0x10;
	v62 =	vld [tilespmem:s1+$0x90]  }
0x496: {  	v31 =	vmul.f32 v31, v40;
	v40 =	vld [tilespmem:s1+$0xA0]  }
0x497: {  	v41 =	vmul.f32 v56, v41;
	v19 =	vmul.f32 v55, v19;
	v55 =	vld [tilespmem:s1+$0x60]  }
0x498: {  	v23 =	vshrl.u32 v23, $0x10;
	v33 =	vmul.f32 v33, v43;
	[tilespmem:v18+s23+$0x0] =	vst.idx.add.f32.msk $0xffff, v31  }
0x499: {  	v26 =	vshrl.u32 v26, $0x10;
	[tilespmem:v60+s23+$0x0] =	vst.idx.add.f32.msk $0xffff, v41  }
0x49a: {  	v63 =	vshrl.u32 v27, $0x10;
	[tilespmem:v25+s23+$0x0] =	vst.idx.add.f32.msk $0xffff, v33  }
0x49b: {  	v48 =	vand.u32 $0xFFFF, v24;
	v9 =	vmul.f32 v9, v42;
	[tilespmem:v8+s23+$0x0] =	vst.idx.add.f32.msk $0xffff, v19  }
0x49c: {  	v49 =	vand.u32 $0xFFFF, v7;
	v42 =	vmul.f32 v57, v44;
	v8 =	vld [tilespmem:s1+$0xFFFFFF90]  }
0x49d: {  	v31 =	vshrl.u32 v28, $0x10;
	v10 =	vmul.f32 v10, v45;
	[tilespmem:v23+s23+$0x0] =	vst.idx.add.f32.msk $0xffff, v9  }
0x49e: {  	v41 =	vshrl.u32 v29, $0x10;
	[tilespmem:v26+s23+$0x0] =	vst.idx.add.f32.msk $0xffff, v42  }
0x49f: {  	v44 =	vmul.f32 v35, v46;
	v46 =	vmul.f32 v58, v47;
	v47 =	vshrl.u32 v32, $0x10;
	[tilespmem:v63+s23+$0x0] =	vst.idx.add.f32.msk $0xffff, v10  }
0x4a0: {  	v57 =	vshrl.u32 v34, $0x10;
	v48 =	vld.idx.msk [tilespmem:v48+s12+$0x0], $0xffff  }
0x4a1: {  	v58 =	vmul.f32 v59, v51;
	v59 =	vshrl.u32 v36, $0x10;
	v49 =	vld.idx.msk [tilespmem:v49+s12+$0x0], $0xffff  }
0x4a2: {  	v60 =	vshrl.u32 v38, $0x10;
	[tilespmem:v31+s23+$0x0] =	vst.idx.add.f32.msk $0xffff, v44  }
0x4a3: {  	v45 =	vshrl.u32 v30, $0x10;
	v61 =	vmul.f32 v61, v52;
	[tilespmem:v41+s23+$0x0] =	vst.idx.add.f32.msk $0xffff, v46  }
0x4a4: {  	v20 =	vshrl.u32 v20, $0x10;
	v62 =	vmul.f32 v62, v53;
	[tilespmem:v47+s23+$0x0] =	vst.idx.add.f32.msk $0xffff, v58  }
0x4a5: {  	v43 =	vshrl.u32 v24, $0x10;
	v63 =	vmul.f32 v40, v54;
	[tilespmem:v57+s23+$0x0] =	vst.idx.add.f32.msk $0xffff, v61  }
0x4a6: {  	v7 =	vshrl.u32 v7, $0x10;
	v56 =	vmul.f32 v55, v50;
	[tilespmem:v59+s23+$0x0] =	vst.idx.add.f32.msk $0xffff, v62  }
0x4a7: {  	[tilespmem:v60+s23+$0x0] =	vst.idx.add.f32.msk $0xffff, v63;
	v8 =	vmul.f32 v8, v39  }
0x4a8: {  	[tilespmem:v45+s23+$0x0] =	vst.idx.add.f32.msk $0xffff, v56;
	v48 =	vmul.f32 v11, v48  }
0x4a9: {  	[tilespmem:v20+s23+$0x0] =	vst.idx.add.f32.msk $0xffff, v8;
	v49 =	vmul.f32 v37, v49  }
0x4aa: {  	[tilespmem:v43+s23+$0x0] =	vst.idx.add.f32.msk $0xffff, v48  }
0x4ab: {  	s30 =	simm.s32 $0x80;
	s31 =	simm.s32 $0x400;
	s0 =	simm.s32 $0xC540;
	[tilespmem:v7+s23+$0x0] =	vst.idx.add.f32.msk $0xffff, v49  }
0x4ac: {  	[spmem:s8] =	stream.strided.scatter [tilespmem:s23], [sflag:$0x1], $0x2800, s31, s30, $0x38;
	[tilespmem:$0x19400] =	vst v63  }
0x4ad: {  	[tilespmem:s0+$0xFFFFFFC0] =	vst v0  }
0x4ae: {  	[tilespmem:s0+$0x30] =	vst v0  }
0x4af: {  	[tilespmem:s0+$0x20] =	vst v0  }
0x4b0: {  	[tilespmem:s0+$0x10] =	vst v0  }
0x4b1: {  	[tilespmem:s0+$0x0] =	vst v0  }
0x4b2: {  	[tilespmem:s0+$0xFFFFFFF0] =	vst v0  }
0x4b3: {  	s1 =	simm.s32 $0x0;
	[tilespmem:s0+$0xFFFFFFE0] =	vst v0  }
.LBB2_18:
0x4b4: {  	s1 =	sadd.s32 $0x80, s1;
	[tilespmem:s0+$0xFFFFFFD0] =	vst v0;
	s0 =	sadd.s32 $0x80, s0  }
0x4b5: {  	[tilespmem:s0+$0xFFFFFFC0] =	vst v0;
	p0 =	slt.u32 s1, $0x2780  }
0x4b6: {  	[tilespmem:s0+$0x30] =	vst v0  }
.Ltmp8:
0x4b7: {  	[tilespmem:s0+$0x20] =	vst v0;
	(pc) =	sbr.rel @p0 .LBB2_18-.Ltmp8, $4  }
0x4b8: {  	[tilespmem:s0+$0x10] =	vst v0  }
0x4b9: {  	[tilespmem:s0+$0x0] =	vst v0  }
0x4ba: {  	[tilespmem:s0+$0xFFFFFFF0] =	vst v0  }
0x4bb: {  	[tilespmem:s0+$0xFFFFFFE0] =	vst v0  }
0x4bc: {  	[tilespmem:s0+$0xFFFFFFD0] =	vst v0  }
0x4bd: {  	_ =	swait.ge [sflag:s16], $0x2800  }
0x4be: {  	[sflag:s16] =	ssyncset.done $0x0  }
0x4bf: {  	[sflag:s16] =	ssyncadd.s32 $0xFFFFD800  }
0x4c0: {  	s5 =	simm.s32 $0x11500;
	[bflag:$0x0] =	sbarrier.arrive $0xFFFF  }
0x4c1: {  	[tilespmem:s5], [sflag:$0x1] =	stream.linear.gather [spmem:s9], $0xC00, $0x38;
	[tilespmem:$0x19400] =	vst v63  }
0x4c2: {  	s14 =	simm.s32 $0x12900  }
0x4c3: {  	[tilespmem:s14], [sflag:$0x1] =	stream.linear.gather [spmem:s10], $0xC00, $0x38;
	[tilespmem:$0x19400] =	vst v63  }
0x4c4: {  	s15 =	simm.s32 $0x12100  }
0x4c5: {  	[tilespmem:s15], [sflag:$0x1] =	stream.linear.gather [spmem:s6], $0x800, $0x38;
	[tilespmem:$0x19400] =	vst v63  }
0x4c6: {  	s17 =	simm.s32 $0x13500  }
0x4c7: {  	[tilespmem:s17], [sflag:$0x1] =	stream.linear.gather [spmem:s7], $0x800, $0x38;
	[tilespmem:$0x19400] =	vst v63  }
0x4c8: {  	v4 =	vld [tilespmem:s24+$0x16781]  }
0x4c9: {  	v3 =	vld [tilespmem:s24+$0x16801]  }
0x4ca: {  	s1 =	simm.s32 $0x0;
	s28 =	simm.s32 $0x0;
	v2 =	vld [tilespmem:s24+$0x16881]  }
0x4cb: {  	s0 =	sand.u32 $0x60, s28;
	s1 =	sand.u32 $0xC00, s1;
	v1 =	vld [tilespmem:s24+$0x16901];
	_ =	swait.ge [sflag:s16], $0x1800  }
0x4cc: {  	s2 =	sadd.s32 $0x11500, s1;
	s29 =	sor.u32 $0x10, s0;
	[sflag:s16] =	ssyncset.done $0x0  }
0x4cd: {  	s3 =	sor.u32 s29, s2;
	[sflag:s16] =	ssyncadd.s32 $0xFFFFE800  }
0x4ce: {  	v5 =	vld [tilespmem:s3+$0x0]  }
0x4cf: {  	v6 =	vld [tilespmem:s3+$0x80]  }
0x4d0: {  	v7 =	vld [tilespmem:s3+$0x100]  }
0x4d1: {  	v8 =	vld [tilespmem:s3+$0x180]  }
0x4d2: {  	v9 =	vld [tilespmem:s3+$0x200]  }
0x4d3: {  	v10 =	vld [tilespmem:s3+$0x280]  }
0x4d4: {  	s5 =	sadd.s32 $0x12900, s1;
	v11 =	vld [tilespmem:s3+$0x300]  }
0x4d5: {  	s18 =	sor.u32 s29, s5;
	s14 =	sadd.s32 $0x12980, s1;
	v12 =	vld [tilespmem:s3+$0x380]  }
0x4d6: {  	s19 =	sor.u32 s29, s14;
	s15 =	sadd.s32 $0x12A00, s1;
	v13 =	vld [tilespmem:s18+$0x0]  }
0x4d7: {  	s20 =	sor.u32 s29, s15;
	s17 =	sadd.s32 $0x12A80, s1;
	v14 =	vld [tilespmem:s19+$0x0]  }
0x4d8: {  	s21 =	sor.u32 s29, s17;
	v15 =	vld [tilespmem:s20+$0x0]  }
0x4d9: {  	s2 =	sor.u32 s0, s2;
	v16 =	vld [tilespmem:s21+$0x0]  }
0x4da: {  	v21 =	vld [tilespmem:s2+$0x0]  }
0x4db: {  	v22 =	vld [tilespmem:s2+$0x80]  }
0x4dc: {  	v23 =	vld [tilespmem:s2+$0x100]  }
0x4dd: {  	v24 =	vld [tilespmem:s2+$0x180]  }
0x4de: {  	v25 =	vld [tilespmem:s2+$0x200]  }
0x4df: {  	v26 =	vld [tilespmem:s2+$0x280]  }
0x4e0: {  	v27 =	vld [tilespmem:s2+$0x300]  }
0x4e1: {  	s5 =	sor.u32 s0, s5;
	v28 =	vld [tilespmem:s2+$0x380]  }
0x4e2: {  	s14 =	sor.u32 s0, s14;
	v29 =	vld [tilespmem:s5+$0x0]  }
0x4e3: {  	s15 =	sor.u32 s0, s15;
	v30 =	vld [tilespmem:s14+$0x0]  }
0x4e4: {  	s17 =	sor.u32 s0, s17;
	s18 =	sadd.s32 $0x12B00, s1;
	v31 =	vld [tilespmem:s15+$0x0]  }
0x4e5: {  	s19 =	sadd.s32 $0x12B80, s1;
	v32 =	vld [tilespmem:s17+$0x0];
	s24 =	sor.u32 s29, s18  }
0x4e6: {  	s20 =	sadd.s32 $0x12C00, s1;
	s25 =	sor.u32 s29, s19;
	v17 =	vld [tilespmem:s24+$0x0]  }
0x4e7: {  	s1 =	sadd.s32 $0x12C80, s1;
	s26 =	sor.u32 s29, s20;
	v18 =	vld [tilespmem:s25+$0x0]  }
0x4e8: {  	s30 =	sor.u32 s29, s1;
	v19 =	vld [tilespmem:s26+$0x0]  }
0x4e9: {  	s18 =	sor.u32 s0, s18;
	v20 =	vld [tilespmem:s30+$0x0]  }
0x4ea: {  	s21 =	sor.u32 s0, s19;
	s24 =	simm.s32 $0x20;
	v33 =	vld [tilespmem:s18+$0x0];
	s25 =	simm.s32 $0x100  }
0x4eb: {  	s26 =	sor.u32 s0, s20;
	v34 =	vld [tilespmem:s21+$0x0];
	s30 =	sand.u32 $0x60, s24;
	s5 =	sand.u32 $0xC00, s25  }
0x4ec: {  	s0 =	sor.u32 s0, s1;
	v35 =	vld [tilespmem:s26+$0x0];
	s14 =	sadd.s32 $0x11500, s5;
	s1 =	sor.u32 $0x10, s30  }
0x4ed: {  	v36 =	vld [tilespmem:s0+$0x0];
	s15 =	sor.u32 s1, s14  }
0x4ee: {  	v37 =	vld [tilespmem:s15+$0x0]  }
0x4ef: {  	v38 =	vld [tilespmem:s15+$0x80]  }
0x4f0: {  	v5 =	vadd.f32 v6, v5;
	v6 =	vadd.f32 v8, v7;
	v7 =	vld [tilespmem:s15+$0x100]  }
0x4f1: {  	v8 =	vadd.f32 v10, v9;
	v9 =	vadd.f32 v12, v11;
	v10 =	vld [tilespmem:s15+$0x180]  }
0x4f2: {  	s3 =	sadd.s32 $0x12900, s5;
	v11 =	vadd.f32 v14, v13;
	v12 =	vadd.f32 v16, v15;
	v13 =	vld [tilespmem:s15+$0x200]  }
0x4f3: {  	s0 =	sadd.s32 $0x12980, s5;
	s17 =	sor.u32 s1, s3;
	v44 =	vadd.f32 v26, v25;
	v45 =	vadd.f32 v28, v27;
	v42 =	vld [tilespmem:s15+$0x280]  }
0x4f4: {  	s2 =	sadd.s32 $0x12A00, s5;
	s18 =	sor.u32 s1, s0;
	v47 =	vadd.f32 v30, v29;
	v48 =	vadd.f32 v32, v31;
	v43 =	vld [tilespmem:s17+$0x0]  }
0x4f5: {  	s19 =	sor.u32 s1, s2;
	v46 =	vld [tilespmem:s18+$0x0];
	v14 =	vadd.f32 v18, v17;
	v15 =	vadd.f32 v20, v19  }
0x4f6: {  	v49 =	vld [tilespmem:s19+$0x0];
	v5 =	vadd.f32 v6, v5;
	v6 =	vadd.f32 v9, v8  }
0x4f7: {  	s17 =	sadd.s32 $0x12A80, s5;
	v8 =	vld [tilespmem:s15+$0x300];
	v9 =	vadd.f32 v12, v11;
	v50 =	vadd.f32 v34, v33  }
0x4f8: {  	s18 =	sadd.s32 $0x12B00, s5;
	v12 =	vld [tilespmem:s15+$0x380];
	s20 =	sor.u32 s1, s17;
	v54 =	vadd.f32 v48, v47;
	v11 =	vadd.f32 v15, v14  }
0x4f9: {  	s19 =	sadd.s32 $0x12B80, s5;
	s21 =	sor.u32 s1, s18;
	v52 =	vld [tilespmem:s20+$0x0];
	v14 =	vadd.f32 v22, v21;
	v15 =	vadd.f32 v24, v23  }
0x4fa: {  	s26 =	sor.u32 s1, s19;
	v51 =	vadd.f32 v36, v35;
	s20 =	sadd.s32 $0x12C00, s5;
	v53 =	vld [tilespmem:s21+$0x0];
	v5 =	vadd.f32 v6, v5  }
0x4fb: {  	s5 =	sadd.s32 $0x12C80, s5;
	v56 =	vld [tilespmem:s26+$0x0];
	s21 =	sor.u32 s1, s20;
	v14 =	vadd.f32 v15, v14;
	v15 =	vadd.f32 v45, v44  }
0x4fc: {  	s26 =	sor.u32 s1, s5;
	v55 =	vadd.f32 v51, v50;
	v6 =	vadd.f32 v11, v9;
	v9 =	vld [tilespmem:s21+$0x0]  }
0x4fd: {  	s14 =	sor.u32 s30, s14;
	v7 =	vadd.f32 v10, v7;
	v11 =	vadd.f32 v15, v14;
	v15 =	vld [tilespmem:s26+$0x0]  }
0x4fe: {  	v57 =	vld [tilespmem:s14+$0x0];
	v13 =	vadd.f32 v42, v13;
	v8 =	vadd.f32 v12, v8  }
0x4ff: {  	v60 =	vld [tilespmem:s14+$0x200];
	v14 =	vadd.f32 v55, v54;
	v58 =	vadd.f32 v6, v5  }
0x500: {  	v10 =	vld [tilespmem:s14+$0x100];
	v5 =	vadd.f32 v38, v37;
	v59 =	vadd.f32 v52, v49  }
0x501: {  	v6 =	vld [tilespmem:s14+$0x80];
	v18 =	vadd.f32 v56, v53;
	v11 =	vadd.f32 v14, v11  }
0x502: {  	v12 =	vld [tilespmem:s14+$0x180];
	v14 =	vadd.f32 v46, v43;
	v9 =	vadd.f32 v15, v9  }
0x503: {  	v8 =	vadd.f32 v8, v13;
	v61 =	vadd.f32 v7, v5;
	v5 =	vld [tilespmem:s14+$0x300]  }
0x504: {  	v13 =	vadd.f32 v59, v14;
	v15 =	vld [tilespmem:s14+$0x280];
	v9 =	vadd.f32 v9, v18  }
0x505: {  	s3 =	sor.u32 s30, s3;
	v7 =	vld [tilespmem:s14+$0x380];
	v62 =	vadd.f32 v8, v61  }
0x506: {  	s28 =	sand.u32 $0x180, s28;
	s0 =	sor.u32 s30, s0;
	s2 =	sor.u32 s30, s2;
	v14 =	vadd.f32 v6, v57;
	v6 =	vld [tilespmem:s3+$0x0];
	v13 =	vadd.f32 v9, v13  }
0x507: {  	s15 =	sor.u32 s29, s28;
	s29 =	sor.u32 s30, s19;
	s28 =	sand.u32 $0x180, s24;
	v63 =	vadd.f32 v12, v10;
	v9 =	vld [tilespmem:s0+$0x0]  }
0x508: {  	s31 =	sor.u32 s30, s20;
	s21 =	sor.u32 s30, s17;
	s26 =	simm.s32 $0x13D00;
	[tilespmem:s15+$0x13D00] =	vst v58;
	v8 =	vld [tilespmem:s2+$0x0];
	v13 =	vadd.f32 v13, v62  }
0x509: {  	s5 =	sor.u32 s30, s5;
	[tilespmem:s26+$0x0] =	vst v11;
	v12 =	vld [tilespmem:s21+$0x0];
	s3 =	sor.u32 s30, s18;
	v11 =	vadd.f32 v63, v14;
	s0 =	sor.u32 s1, s28;
	v10 =	vadd.f32 v15, v60  }
.LBB2_20:
0x50a: {  	s24 =	sadd.s32 $0x20, s24;
	v14 =	vld [tilespmem:s3+$0x0];
	v5 =	vadd.f32 v7, v5;
	[tilespmem:s0+$0x13D00] =	vst v13;
	s25 =	sadd.s32 $0x100, s25  }
0x50b: {  	s0 =	sand.u32 $0x60, s24;
	s15 =	sand.u32 $0xC00, s25;
	p0 =	slt.u32 s24, $0x160;
	v7 =	vld [tilespmem:s29+$0x0]  }
0x50c: {  	s2 =	sadd.s32 $0x11500, s15;
	s28 =	sor.u32 $0x10, s0;
	v13 =	vld [tilespmem:s31+$0x0];
	v6 =	vadd.f32 v9, v6;
	v5 =	vadd.f32 v5, v10  }
0x50d: {  	s1 =	sor.u32 s0, s2;
	s3 =	sor.u32 s28, s2;
	v9 =	vld [tilespmem:s5+$0x0]  }
0x50e: {  	v10 =	vld [tilespmem:s3+$0x0];
	v8 =	vadd.f32 v12, v8;
	v5 =	vadd.f32 v5, v11  }
0x50f: {  	v11 =	vld [tilespmem:s3+$0x80]  }
0x510: {  	v12 =	vld [tilespmem:s3+$0x100];
	v7 =	vadd.f32 v7, v14;
	v6 =	vadd.f32 v8, v6  }
0x511: {  	v8 =	vld [tilespmem:s3+$0x180]  }
0x512: {  	v14 =	vld [tilespmem:s3+$0x200];
	v9 =	vadd.f32 v9, v13  }
0x513: {  	v13 =	vld [tilespmem:s3+$0x280]  }
0x514: {  	s26 =	sadd.s32 $0x20, s26;
	s5 =	sadd.s32 $0x12900, s15;
	v15 =	vld [tilespmem:s3+$0x300];
	v7 =	vadd.f32 v9, v7  }
0x515: {  	s17 =	sadd.s32 $0x12980, s15;
	s2 =	sor.u32 s0, s5;
	v9 =	vld [tilespmem:s3+$0x380];
	s3 =	sor.u32 s28, s5  }
0x516: {  	s14 =	sor.u32 s0, s17;
	s5 =	sadd.s32 $0x12A00, s15;
	v16 =	vld [tilespmem:s3+$0x0];
	s3 =	sor.u32 s28, s17;
	v6 =	vadd.f32 v7, v6  }
0x517: {  	s19 =	sadd.s32 $0x12A80, s15;
	s17 =	sor.u32 s0, s5;
	v7 =	vld [tilespmem:s3+$0x0];
	s3 =	sor.u32 s28, s5  }
0x518: {  	s18 =	sor.u32 s0, s19;
	s19 =	sor.u32 s28, s19;
	s5 =	sadd.s32 $0x12B00, s15;
	v17 =	vld [tilespmem:s3+$0x0];
	v5 =	vadd.f32 v6, v5  }
0x519: {  	s20 =	sadd.s32 $0x12B80, s15;
	s3 =	sor.u32 s0, s5;
	s5 =	sor.u32 s28, s5;
	v6 =	vld [tilespmem:s19+$0x0]  }
0x51a: {  	s29 =	sor.u32 s0, s20;
	s19 =	sadd.s32 $0x12C00, s15;
	v18 =	vld [tilespmem:s5+$0x0];
	s5 =	sor.u32 s28, s20;
	[tilespmem:s26+$0x0] =	vst v5  }
0x51b: {  	s15 =	sadd.s32 $0x12C80, s15;
	s31 =	sor.u32 s0, s19;
	s19 =	sor.u32 s28, s19;
	v5 =	vld [tilespmem:s5+$0x0]  }
0x51c: {  	s5 =	sor.u32 s0, s15;
	s0 =	sor.u32 s28, s15;
	v19 =	vld [tilespmem:s19+$0x0]  }
0x51d: {  	v20 =	vld [tilespmem:s0+$0x0]  }
0x51e: {  	v21 =	vld [tilespmem:s1+$0x0]  }
0x51f: {  	v10 =	vadd.f32 v11, v10;
	v8 =	vadd.f32 v8, v12;
	v22 =	vld [tilespmem:s1+$0x80]  }
0x520: {  	v12 =	vadd.f32 v13, v14;
	v9 =	vadd.f32 v9, v15;
	v11 =	vld [tilespmem:s1+$0x100]  }
0x521: {  	v7 =	vadd.f32 v7, v16;
	v6 =	vadd.f32 v6, v17;
	v13 =	vld [tilespmem:s1+$0x180]  }
0x522: {  	v15 =	vadd.f32 v5, v18;
	v14 =	vld [tilespmem:s1+$0x200];
	v16 =	vadd.f32 v20, v19  }
0x523: {  	v8 =	vadd.f32 v8, v10;
	v9 =	vadd.f32 v9, v12;
	v17 =	vld [tilespmem:s1+$0x280]  }
0x524: {  	v10 =	vadd.f32 v6, v7;
	v5 =	vld [tilespmem:s1+$0x300];
	v12 =	vadd.f32 v16, v15  }
.Ltmp9:
0x525: {  	v15 =	vadd.f32 v22, v21;
	v7 =	vld [tilespmem:s1+$0x380];
	(pc) =	sbr.rel @p0 .LBB2_20-.Ltmp9, $4  }
0x526: {  	v16 =	vadd.f32 v9, v8;
	v6 =	vld [tilespmem:s2+$0x0];
	v12 =	vadd.f32 v12, v10  }
0x527: {  	v11 =	vadd.f32 v13, v11;
	v9 =	vld [tilespmem:s14+$0x0]  }
0x528: {  	s0 =	sand.u32 $0x180, s24;
	v8 =	vld [tilespmem:s17+$0x0];
	v10 =	vadd.f32 v17, v14;
	v13 =	vadd.f32 v12, v16  }
0x529: {  	s0 =	sor.u32 s28, s0;
	v11 =	vadd.f32 v11, v15;
	v12 =	vld [tilespmem:s18+$0x0]  }
0x52a: {  	v14 =	vld [tilespmem:s3+$0x0]  }
0x52b: {  	v15 =	vld [tilespmem:s29+$0x0]  }
0x52c: {  	v16 =	vld [tilespmem:s31+$0x0]  }
0x52d: {  	v17 =	vld [tilespmem:s5+$0x0];
	_ =	sdelay $0x2  }
0x52e: {  	v5 =	vadd.f32 v7, v5  }
0x52f: {  	v6 =	vadd.f32 v9, v6;
	v7 =	vadd.f32 v12, v8  }
0x530: {  	v8 =	vadd.f32 v15, v14;
	v9 =	vadd.f32 v17, v16  }
0x531: {  	v5 =	vadd.f32 v5, v10  }
0x532: {  	v6 =	vadd.f32 v7, v6;
	v7 =	vadd.f32 v9, v8;
	_ =	sdelay $0x1  }
0x533: {  	v5 =	vadd.f32 v5, v11;
	v6 =	vadd.f32 v7, v6;
	_ =	sdelay $0x1  }
0x534: {  	v5 =	vadd.f32 v6, v5  }
0x535: {  	[tilespmem:s0+$0x13D00] =	vst v13;
	s17 =	sadd.s32 $0x20, s26  }
0x536: {  	s1 =	simm.s32 $0xC00;
	s28 =	simm.s32 $0x180;
	[tilespmem:s17+$0x0] =	vst v5  }
0x537: {  	s0 =	sand.u32 $0x60, s28;
	s1 =	sand.u32 $0x1C00, s1;
	_ =	swait.ge [sflag:s16], $0x1000  }
0x538: {  	s2 =	sadd.s32 $0x11500, s1;
	s29 =	sor.u32 $0x10, s0;
	[sflag:s16] =	ssyncset.done $0x0  }
0x539: {  	s18 =	sor.u32 s29, s2;
	[sflag:s16] =	ssyncadd.s32 $0xFFFFF000  }
0x53a: {  	v5 =	vld [tilespmem:s18+$0x0]  }
0x53b: {  	v6 =	vld [tilespmem:s18+$0x80]  }
0x53c: {  	v7 =	vld [tilespmem:s18+$0x100]  }
0x53d: {  	v8 =	vld [tilespmem:s18+$0x180]  }
0x53e: {  	v9 =	vld [tilespmem:s18+$0x200]  }
0x53f: {  	v10 =	vld [tilespmem:s18+$0x280]  }
0x540: {  	s5 =	sadd.s32 $0x12900, s1;
	v11 =	vld [tilespmem:s18+$0x300]  }
0x541: {  	s14 =	sadd.s32 $0x12980, s1;
	s19 =	sor.u32 s29, s5;
	v12 =	vld [tilespmem:s18+$0x380]  }
0x542: {  	s15 =	sadd.s32 $0x12A00, s1;
	s20 =	sor.u32 s29, s14;
	v13 =	vld [tilespmem:s19+$0x0]  }
0x543: {  	s21 =	sor.u32 s29, s15;
	s17 =	sadd.s32 $0x12A80, s1;
	v14 =	vld [tilespmem:s20+$0x0]  }
0x544: {  	s24 =	sor.u32 s29, s17;
	v15 =	vld [tilespmem:s21+$0x0]  }
0x545: {  	s2 =	sor.u32 s0, s2;
	v40 =	vld [tilespmem:s24+$0x0]  }
0x546: {  	v21 =	vld [tilespmem:s2+$0x0]  }
0x547: {  	v22 =	vld [tilespmem:s2+$0x80]  }
0x548: {  	v23 =	vld [tilespmem:s2+$0x100]  }
0x549: {  	v24 =	vld [tilespmem:s2+$0x180]  }
0x54a: {  	v25 =	vld [tilespmem:s2+$0x200]  }
0x54b: {  	v26 =	vld [tilespmem:s2+$0x280]  }
0x54c: {  	v27 =	vld [tilespmem:s2+$0x300]  }
0x54d: {  	s18 =	sadd.s32 $0x12B00, s1;
	s24 =	sor.u32 s0, s5;
	v28 =	vld [tilespmem:s2+$0x380]  }
0x54e: {  	s19 =	sadd.s32 $0x12B80, s1;
	s25 =	sor.u32 s29, s18;
	v29 =	vld [tilespmem:s24+$0x0]  }
0x54f: {  	s20 =	sadd.s32 $0x12C00, s1;
	s26 =	sor.u32 s29, s19;
	v41 =	vld [tilespmem:s25+$0x0]  }
0x550: {  	s1 =	sadd.s32 $0x12C80, s1;
	s31 =	sor.u32 s29, s20;
	v18 =	vld [tilespmem:s26+$0x0]  }
0x551: {  	s21 =	sor.u32 s29, s1;
	v19 =	vld [tilespmem:s31+$0x0]  }
0x552: {  	s5 =	sor.u32 s0, s18;
	v20 =	vld [tilespmem:s21+$0x0]  }
0x553: {  	s25 =	sor.u32 s0, s14;
	v33 =	vld [tilespmem:s5+$0x0]  }
0x554: {  	s26 =	sor.u32 s0, s15;
	v30 =	vld [tilespmem:s25+$0x0]  }
0x555: {  	s31 =	sor.u32 s0, s17;
	v31 =	vld [tilespmem:s26+$0x0]  }
0x556: {  	s24 =	simm.s32 $0x1A0;
	s14 =	sor.u32 s0, s19;
	v32 =	vld [tilespmem:s31+$0x0];
	s25 =	simm.s32 $0xD00  }
0x557: {  	s15 =	sor.u32 s0, s20;
	s30 =	sand.u32 $0x60, s24;
	v34 =	vld [tilespmem:s14+$0x0];
	s5 =	sand.u32 $0x1C00, s25  }
0x558: {  	s0 =	sor.u32 s0, s1;
	s1 =	sor.u32 $0x10, s30;
	v35 =	vld [tilespmem:s15+$0x0];
	s14 =	sadd.s32 $0x11500, s5  }
0x559: {  	v36 =	vld [tilespmem:s0+$0x0];
	s17 =	sor.u32 s1, s14  }
0x55a: {  	v37 =	vld [tilespmem:s17+$0x0]  }
0x55b: {  	v38 =	vld [tilespmem:s17+$0x80]  }
0x55c: {  	v5 =	vadd.f32 v6, v5;
	v6 =	vadd.f32 v8, v7;
	v7 =	vld [tilespmem:s17+$0x100]  }
0x55d: {  	v8 =	vadd.f32 v10, v9;
	v9 =	vadd.f32 v12, v11;
	v10 =	vld [tilespmem:s17+$0x180]  }
0x55e: {  	v11 =	vadd.f32 v14, v13;
	v12 =	vadd.f32 v40, v15;
	v13 =	vld [tilespmem:s17+$0x200]  }
0x55f: {  	v44 =	vadd.f32 v26, v25;
	v45 =	vadd.f32 v28, v27;
	v42 =	vld [tilespmem:s17+$0x280]  }
0x560: {  	s3 =	sadd.s32 $0x12900, s5;
	v5 =	vadd.f32 v6, v5;
	v6 =	vadd.f32 v9, v8;
	v8 =	vld [tilespmem:s17+$0x300]  }
0x561: {  	s0 =	sadd.s32 $0x12980, s5;
	s18 =	sor.u32 s1, s3;
	v14 =	vadd.f32 v18, v41;
	v9 =	vadd.f32 v12, v11;
	v12 =	vld [tilespmem:s17+$0x380]  }
0x562: {  	s2 =	sadd.s32 $0x12A00, s5;
	s19 =	sor.u32 s1, s0;
	v15 =	vadd.f32 v20, v19;
	v43 =	vld [tilespmem:s18+$0x0];
	v47 =	vadd.f32 v30, v29  }
0x563: {  	s20 =	sor.u32 s1, s2;
	s17 =	sadd.s32 $0x12A80, s5;
	v46 =	vld [tilespmem:s19+$0x0];
	v48 =	vadd.f32 v32, v31;
	v50 =	vadd.f32 v34, v33  }
0x564: {  	s18 =	sadd.s32 $0x12B00, s5;
	v49 =	vld [tilespmem:s20+$0x0];
	s21 =	sor.u32 s1, s17;
	v51 =	vadd.f32 v36, v35;
	v11 =	vadd.f32 v15, v14  }
0x565: {  	s19 =	sadd.s32 $0x12B80, s5;
	s26 =	sor.u32 s1, s18;
	v14 =	vadd.f32 v22, v21;
	v15 =	vadd.f32 v24, v23;
	v52 =	vld [tilespmem:s21+$0x0]  }
0x566: {  	s20 =	sadd.s32 $0x12C00, s5;
	s31 =	sor.u32 s1, s19;
	v53 =	vld [tilespmem:s26+$0x0];
	v5 =	vadd.f32 v6, v5;
	v54 =	vadd.f32 v48, v47  }
0x567: {  	s21 =	sadd.s32 $0x12C80, s5;
	v56 =	vld [tilespmem:s31+$0x0];
	s26 =	sor.u32 s1, s20;
	v14 =	vadd.f32 v15, v14;
	v15 =	vadd.f32 v45, v44  }
0x568: {  	v55 =	vadd.f32 v51, v50;
	s31 =	sor.u32 s1, s21;
	v6 =	vadd.f32 v11, v9;
	v9 =	vld [tilespmem:s26+$0x0]  }
0x569: {  	s14 =	sor.u32 s30, s14;
	v7 =	vadd.f32 v10, v7;
	v11 =	vadd.f32 v15, v14;
	v15 =	vld [tilespmem:s31+$0x0]  }
0x56a: {  	v57 =	vld [tilespmem:s14+$0x0];
	v13 =	vadd.f32 v42, v13;
	v8 =	vadd.f32 v12, v8  }
0x56b: {  	v60 =	vld [tilespmem:s14+$0x200];
	v14 =	vadd.f32 v55, v54;
	v58 =	vadd.f32 v6, v5  }
0x56c: {  	v10 =	vld [tilespmem:s14+$0x100];
	v5 =	vadd.f32 v38, v37;
	v59 =	vadd.f32 v52, v49  }
0x56d: {  	v6 =	vld [tilespmem:s14+$0x80];
	v18 =	vadd.f32 v56, v53;
	v11 =	vadd.f32 v14, v11  }
0x56e: {  	v12 =	vld [tilespmem:s14+$0x180];
	v14 =	vadd.f32 v46, v43;
	v9 =	vadd.f32 v15, v9  }
0x56f: {  	v8 =	vadd.f32 v8, v13;
	v61 =	vadd.f32 v7, v5;
	v5 =	vld [tilespmem:s14+$0x300]  }
0x570: {  	v13 =	vadd.f32 v59, v14;
	v15 =	vld [tilespmem:s14+$0x280];
	v9 =	vadd.f32 v9, v18  }
0x571: {  	s3 =	sor.u32 s30, s3;
	v7 =	vld [tilespmem:s14+$0x380];
	v62 =	vadd.f32 v8, v61  }
0x572: {  	s0 =	sor.u32 s30, s0;
	s2 =	sor.u32 s30, s2;
	s5 =	sor.u32 s30, s20;
	v14 =	vadd.f32 v6, v57;
	v6 =	vld [tilespmem:s3+$0x0];
	v13 =	vadd.f32 v9, v13  }
0x573: {  	s26 =	simm.s32 $0x13E80;
	s31 =	sand.u32 $0x380, s24;
	v63 =	vadd.f32 v12, v10;
	s14 =	sand.u32 $0x380, s28;
	v9 =	vld [tilespmem:s0+$0x0]  }
0x574: {  	v8 =	vld [tilespmem:s2+$0x0];
	[tilespmem:s26+$0x0] =	vst v11;
	s28 =	sor.u32 s30, s17;
	s3 =	sor.u32 s30, s18;
	s15 =	sor.u32 s29, s14;
	v13 =	vadd.f32 v13, v62  }
0x575: {  	s29 =	sor.u32 s30, s19;
	s30 =	sor.u32 s30, s21;
	v12 =	vld [tilespmem:s28+$0x0];
	[tilespmem:s15+$0x13D00] =	vst v58;
	v11 =	vadd.f32 v63, v14;
	s0 =	sor.u32 s1, s31;
	v10 =	vadd.f32 v15, v60  }
.LBB2_22:
0x576: {  	s24 =	sadd.s32 $0x20, s24;
	v14 =	vld [tilespmem:s3+$0x0];
	v5 =	vadd.f32 v7, v5;
	[tilespmem:s0+$0x13D00] =	vst v13;
	s25 =	sadd.s32 $0x100, s25  }
0x577: {  	s0 =	sand.u32 $0x60, s24;
	s15 =	sand.u32 $0x1C00, s25;
	p0 =	slt.u32 s24, $0x260;
	v7 =	vld [tilespmem:s29+$0x0]  }
0x578: {  	s2 =	sadd.s32 $0x11500, s15;
	s28 =	sor.u32 $0x10, s0;
	v13 =	vld [tilespmem:s5+$0x0];
	v6 =	vadd.f32 v9, v6;
	v5 =	vadd.f32 v5, v10  }
0x579: {  	s1 =	sor.u32 s0, s2;
	s3 =	sor.u32 s28, s2;
	v9 =	vld [tilespmem:s30+$0x0]  }
0x57a: {  	v10 =	vld [tilespmem:s3+$0x0];
	v8 =	vadd.f32 v12, v8;
	v5 =	vadd.f32 v5, v11  }
0x57b: {  	v11 =	vld [tilespmem:s3+$0x80]  }
0x57c: {  	v12 =	vld [tilespmem:s3+$0x100];
	v7 =	vadd.f32 v7, v14;
	v6 =	vadd.f32 v8, v6  }
0x57d: {  	v8 =	vld [tilespmem:s3+$0x180]  }
0x57e: {  	v14 =	vld [tilespmem:s3+$0x200];
	v9 =	vadd.f32 v9, v13  }
0x57f: {  	v13 =	vld [tilespmem:s3+$0x280]  }
0x580: {  	s26 =	sadd.s32 $0x20, s26;
	s5 =	sadd.s32 $0x12900, s15;
	v15 =	vld [tilespmem:s3+$0x300];
	v7 =	vadd.f32 v9, v7  }
0x581: {  	s17 =	sadd.s32 $0x12980, s15;
	s2 =	sor.u32 s0, s5;
	v9 =	vld [tilespmem:s3+$0x380];
	s3 =	sor.u32 s28, s5  }
0x582: {  	s14 =	sor.u32 s0, s17;
	s5 =	sadd.s32 $0x12A00, s15;
	v16 =	vld [tilespmem:s3+$0x0];
	s3 =	sor.u32 s28, s17;
	v6 =	vadd.f32 v7, v6  }
0x583: {  	s19 =	sadd.s32 $0x12A80, s15;
	s17 =	sor.u32 s0, s5;
	v7 =	vld [tilespmem:s3+$0x0];
	s3 =	sor.u32 s28, s5  }
0x584: {  	s18 =	sor.u32 s0, s19;
	s19 =	sor.u32 s28, s19;
	s5 =	sadd.s32 $0x12B00, s15;
	v17 =	vld [tilespmem:s3+$0x0];
	v5 =	vadd.f32 v6, v5  }
0x585: {  	s20 =	sadd.s32 $0x12B80, s15;
	s3 =	sor.u32 s0, s5;
	s5 =	sor.u32 s28, s5;
	v6 =	vld [tilespmem:s19+$0x0]  }
0x586: {  	s29 =	sor.u32 s0, s20;
	s20 =	sor.u32 s28, s20;
	s19 =	sadd.s32 $0x12C00, s15;
	v18 =	vld [tilespmem:s5+$0x0];
	[tilespmem:s26+$0x0] =	vst v5  }
0x587: {  	s15 =	sadd.s32 $0x12C80, s15;
	s5 =	sor.u32 s0, s19;
	s19 =	sor.u32 s28, s19;
	v5 =	vld [tilespmem:s20+$0x0]  }
0x588: {  	s30 =	sor.u32 s0, s15;
	s0 =	sor.u32 s28, s15;
	v19 =	vld [tilespmem:s19+$0x0]  }
0x589: {  	v20 =	vld [tilespmem:s0+$0x0]  }
0x58a: {  	v21 =	vld [tilespmem:s1+$0x0]  }
0x58b: {  	v10 =	vadd.f32 v11, v10;
	v8 =	vadd.f32 v8, v12;
	v22 =	vld [tilespmem:s1+$0x80]  }
0x58c: {  	v12 =	vadd.f32 v13, v14;
	v9 =	vadd.f32 v9, v15;
	v11 =	vld [tilespmem:s1+$0x100]  }
0x58d: {  	v7 =	vadd.f32 v7, v16;
	v6 =	vadd.f32 v6, v17;
	v13 =	vld [tilespmem:s1+$0x180]  }
0x58e: {  	v15 =	vadd.f32 v5, v18;
	v14 =	vld [tilespmem:s1+$0x200];
	v16 =	vadd.f32 v20, v19  }
0x58f: {  	v8 =	vadd.f32 v8, v10;
	v9 =	vadd.f32 v9, v12;
	v17 =	vld [tilespmem:s1+$0x280]  }
0x590: {  	v10 =	vadd.f32 v6, v7;
	v5 =	vld [tilespmem:s1+$0x300];
	v12 =	vadd.f32 v16, v15  }
.Ltmp10:
0x591: {  	v15 =	vadd.f32 v22, v21;
	v7 =	vld [tilespmem:s1+$0x380];
	(pc) =	sbr.rel @p0 .LBB2_22-.Ltmp10, $4  }
0x592: {  	v16 =	vadd.f32 v9, v8;
	v6 =	vld [tilespmem:s2+$0x0];
	v12 =	vadd.f32 v12, v10  }
0x593: {  	v11 =	vadd.f32 v13, v11;
	v9 =	vld [tilespmem:s14+$0x0]  }
0x594: {  	s0 =	sand.u32 $0x380, s24;
	v8 =	vld [tilespmem:s17+$0x0];
	v10 =	vadd.f32 v17, v14;
	v13 =	vadd.f32 v12, v16  }
0x595: {  	s0 =	sor.u32 s28, s0;
	v11 =	vadd.f32 v11, v15;
	v12 =	vld [tilespmem:s18+$0x0]  }
0x596: {  	v14 =	vld [tilespmem:s3+$0x0]  }
0x597: {  	(v2sf) =	vpush v4, $0x0;
	v4 =	vld [tilespmem:s29+$0x0]  }
0x598: {  	v15 =	vld [tilespmem:s30+$0x0]  }
0x599: {  	(v2sf) =	vpush v3, $0x0;
	v3 =	vld [tilespmem:s5+$0x0];
	_ =	sdelay $0x2  }
0x59a: {  	v5 =	vadd.f32 v7, v5  }
0x59b: {  	v6 =	vadd.f32 v9, v6;
	v7 =	vadd.f32 v12, v8  }
0x59c: {  	v4 =	vadd.f32 v4, v14;
	v3 =	vadd.f32 v15, v3  }
0x59d: {  	v5 =	vadd.f32 v5, v10  }
0x59e: {  	v6 =	vadd.f32 v7, v6;
	v3 =	vadd.f32 v3, v4;
	_ =	sdelay $0x1  }
0x59f: {  	v4 =	vadd.f32 v5, v11;
	v3 =	vadd.f32 v3, v6;
	_ =	sdelay $0x1  }
0x5a0: {  	v3 =	vadd.f32 v3, v4  }
0x5a1: {  	[tilespmem:s0+$0x13D00] =	vst v13;
	s26 =	sadd.s32 $0x20, s26  }
0x5a2: {  	s2 =	simm.s32 $0x13D00;
	[tilespmem:s26+$0x0] =	vst v3;
	s1 =	spop (v2sf)  }
0x5a3: {  	[spmem:s4] =	stream.linear.scatter [tilespmem:s2], [sflag:$0x2], $0x280, $0x38;
	[tilespmem:$0x19400] =	vst v63  }
0x5a4: {  	s28 =	spop (v2sf)  }
0x5a5: {  	_ =	swait.ge [sflag:s22], $0x280  }
0x5a6: {  	s1 =	sshll.u32 s1, $0x2;
	[sflag:s22] =	ssyncset.done $0x0  }
0x5a7: {  	s29 =	simm.s32 $0x13D20;
	s1 =	sshra.s32 s1, $0x2;
	[sflag:s22] =	ssyncadd.s32 $0xFFFFFD80  }
0x5a8: {  	s30 =	sadd.s32 $0x13FA0, s1;
	v5 =	vld [tilespmem:s29+$0x10]  }
0x5a9: {  	v3 =	vld [tilespmem:s30+$0x10]  }
0x5aa: {  	v4 =	vld [tilespmem:s29+$0xFFFFFFF0]  }
0x5ab: {  	v7 =	vld [tilespmem:s29+$0x0]  }
0x5ac: {  	v8 =	vld [tilespmem:s29+$0xFFFFFFE0]  }
0x5ad: {  	v2 =	vbroadcast v2, $0x0;
	v9 =	vld [tilespmem:s30+$0xFFFFFFE0]  }
0x5ae: {  	v10 =	vld [tilespmem:s30+$0xFFFFFFF0]  }
0x5af: {  	s31 =	simm.s32 $0x13D60;
	v11 =	vld [tilespmem:s30+$0x0];
	v6 =	vmul.f32 v5, v2  }
0x5b0: {  	v13 =	vld [tilespmem:s31+$0xFFFFFFF0]  }
0x5b1: {  	s1 =	sadd.s32 $0x40, s30;
	v3 =	vadd.f32 v6, v3;
	v6 =	vld [tilespmem:s31+$0x10]  }
0x5b2: {  	s0 =	sshll.u32 s28, $0x2;
	v14 =	vld [tilespmem:s1+$0x10]  }
0x5b3: {  	s0 =	sshra.s32 s0, $0x2;
	v16 =	vld [tilespmem:s31+$0x0]  }
0x5b4: {  	s24 =	sadd.s32 $0x13FA0, s0;
	v18 =	vld [tilespmem:s31+$0xFFFFFFE0];
	v15 =	vmul.f32 v8, v2;
	[tilespmem:s30+$0x10] =	vst v3  }
0x5b5: {  	v17 =	vmul.f32 v4, v2;
	v3 =	vbroadcast v1, $0x0;
	v12 =	vld [tilespmem:s24+$0x10]  }
0x5b6: {  	v19 =	vld [tilespmem:s1+$0xFFFFFFE0];
	v9 =	vadd.f32 v15, v9;
	v15 =	vmul.f32 v6, v2  }
0x5b7: {  	v21 =	vld [tilespmem:s1+$0xFFFFFFF0];
	v20 =	vmul.f32 v7, v2;
	v10 =	vadd.f32 v17, v10;
	v1 =	vmul.f32 v4, v3  }
0x5b8: {  	[tilespmem:s30+$0xFFFFFFE0] =	vst v9;
	v9 =	vld [tilespmem:s1+$0x0];
	v4 =	vmul.f32 v7, v3;
	v7 =	vmul.f32 v5, v3;
	v14 =	vadd.f32 v15, v14  }
0x5b9: {  	v17 =	vmul.f32 v18, v2;
	[tilespmem:s30+$0xFFFFFFF0] =	vst v10;
	v10 =	vld [tilespmem:s24+$0xFFFFFFE0];
	v5 =	vmul.f32 v8, v3;
	v8 =	vadd.f32 v20, v11  }
0x5ba: {  	s25 =	sadd.s32 $0x40, s24;
	v63 =	vmul.f32 v13, v2;
	v11 =	vld [tilespmem:s24+$0xFFFFFFF0];
	v12 =	vadd.f32 v12, v7;
	[tilespmem:s1+$0x10] =	vst v14  }
0x5bb: {  	v17 =	vadd.f32 v17, v19;
	[tilespmem:s30+$0x0] =	vst v8;
	v15 =	vmul.f32 v16, v2;
	v7 =	vmul.f32 v13, v3;
	v13 =	vld [tilespmem:s25+$0x10]  }
0x5bc: {  	s2 =	simm.s32 $0x13DA0;
	s0 =	simm.s32 $0x40;
	s3 =	smov.u32 s1;
	v8 =	vmul.f32 v16, v3;
	v16 =	vadd.f32 v63, v21;
	v14 =	vld [tilespmem:s24+$0x0];
	[tilespmem:s24+$0x10] =	vst v12;
	v12 =	vmul.f32 v18, v3  }
.LBB2_24:
0x5bd: {  	v18 =	vld [tilespmem:s2+$0x10];
	s0 =	sadd.s32 $0x40, s0;
	v9 =	vadd.f32 v15, v9  }
0x5be: {  	v6 =	vmul.f32 v6, v3;
	s3 =	sadd.s32 $0x40, s3;
	v15 =	vld [tilespmem:s2+$0xFFFFFFF0];
	p0 =	slt.u32 s0, $0x240;
	[tilespmem:s1+$0xFFFFFFE0] =	vst v17;
	v10 =	vadd.f32 v10, v5;
	v5 =	vmov v12  }
0x5bf: {  	v12 =	vld [tilespmem:s3+$0x10];
	[tilespmem:s1+$0xFFFFFFF0] =	vst v16;
	v11 =	vadd.f32 v11, v1;
	v1 =	vmov v7  }
0x5c0: {  	v16 =	vld [tilespmem:s2+$0x0];
	[tilespmem:s1+$0x0] =	vst v9;
	v7 =	vadd.f32 v13, v6;
	s1 =	smov.u32 s3  }
0x5c1: {  	v13 =	vld [tilespmem:s2+$0xFFFFFFE0];
	[tilespmem:s24+$0xFFFFFFE0] =	vst v10;
	v10 =	vadd.f32 v14, v4;
	v4 =	vmov v8  }
0x5c2: {  	v14 =	vld [tilespmem:s3+$0xFFFFFFE0];
	v8 =	vmul.f32 v18, v2;
	[tilespmem:s25+$0x10] =	vst v7;
	v6 =	vmov v18  }
0x5c3: {  	v18 =	vld [tilespmem:s3+$0xFFFFFFF0];
	v19 =	vmul.f32 v15, v2;
	v7 =	vmul.f32 v15, v3;
	[tilespmem:s24+$0xFFFFFFF0] =	vst v11  }
.Ltmp11:
0x5c4: {  	v9 =	vld [tilespmem:s3+$0x0];
	v11 =	vadd.f32 v8, v12;
	[tilespmem:s24+$0x0] =	vst v10;
	s24 =	smov.u32 s25;
	(pc) =	sbr.rel @p0 .LBB2_24-.Ltmp11, $4  }
0x5c5: {  	v15 =	vmul.f32 v16, v2;
	v8 =	vmul.f32 v16, v3;
	v10 =	vld [tilespmem:s25+$0xFFFFFFE0]  }
0x5c6: {  	s25 =	sadd.s32 $0x40, s25;
	v16 =	vmul.f32 v13, v2;
	v12 =	vmul.f32 v13, v3;
	[tilespmem:s3+$0x10] =	vst v11;
	v11 =	vld [tilespmem:s24+$0xFFFFFFF0]  }
0x5c7: {  	v13 =	vld [tilespmem:s25+$0x10]  }
0x5c8: {  	s2 =	sadd.s32 $0x40, s2;
	v17 =	vadd.f32 v16, v14;
	v16 =	vadd.f32 v19, v18;
	v14 =	vld [tilespmem:s24+$0x0]  }
0x5c9: {  	_ = 	snop  }
0x5ca: {  	v2 =	vadd.f32 v15, v9;
	[tilespmem:s1+$0xFFFFFFE0] =	vst v17  }
0x5cb: {  	[tilespmem:s1+$0xFFFFFFF0] =	vst v16;
	v62 =	vld [tilespmem:s25+$0xFFFFFFE0]  }
0x5cc: {  	v3 =	vmul.f32 v6, v3;
	v5 =	vadd.f32 v10, v5;
	[tilespmem:s1+$0x0] =	vst v2;
	v2 =	vld [tilespmem:s25+$0xFFFFFFF0]  }
0x5cd: {  	v1 =	vadd.f32 v11, v1;
	v63 =	vld [tilespmem:s25+$0x0]  }
0x5ce: {  	v3 =	vadd.f32 v13, v3;
	[tilespmem:s24+$0xFFFFFFE0] =	vst v5  }
0x5cf: {  	v4 =	vadd.f32 v14, v4;
	[tilespmem:s24+$0xFFFFFFF0] =	vst v1  }
0x5d0: {  	[tilespmem:s25+$0x10] =	vst v3;
	v1 =	vadd.f32 v62, v12  }
0x5d1: {  	[tilespmem:s24+$0x0] =	vst v4;
	v2 =	vadd.f32 v2, v7  }
0x5d2: {  	[tilespmem:s25+$0xFFFFFFE0] =	vst v1;
	v1 =	vadd.f32 v63, v8  }
0x5d3: {  	[tilespmem:s25+$0xFFFFFFF0] =	vst v2  }
0x5d4: {  	s11 =	sadd.s32 $0x1, s11;
	[tilespmem:s25+$0x0] =	vst v1  }
0x5d5: {  	p0 =	sne.s32 s11, $0x10;
	[bflag:$0x0] =	sbarrier.arrive $0xFFFF  }
.Ltmp12:
0x5d6: {  	s0 =	rddreg [dreg:$0x4];
	(pc) =	sbr.rel @p0 .LBB2_5-.Ltmp12, $4  }
0x5d7: {  	[tilespmem:s12], [sflag:$0x2] =	stream.linear.gather [spmem:s0], $0x2800, $0x38;
	[tilespmem:$0x19400] =	vst v63  }
0x5d8: {  	_ =	swait.ge [sflag:s22], $0x2800  }
0x5d9: {  	[sflag:s22] =	ssyncset.done $0x0  }
0x5da: {  	[sflag:s22] =	ssyncadd.s32 $0xFFFFD800  }
0x5db: {  	s30 =	simm.s32 $0xC0  }
0x5dc: {  	v8 =	vld [tilespmem:s30+$0xFFFFFF60]  }
0x5dd: {  	v9 =	vld [tilespmem:s30+$0xFFFFFF70]  }
0x5de: {  	v10 =	vld [tilespmem:s30+$0xFFFFFF80]  }
0x5df: {  	v12 =	vld [tilespmem:s30+$0xFFFFFF90]  }
0x5e0: {  	v13 =	vld [tilespmem:s30+$0xFFFFFFA0]  }
0x5e1: {  	v14 =	vld [tilespmem:s30+$0xFFFFFFB0]  }
0x5e2: {  	s31 =	simm.s32 $0x4F40;
	v15 =	vld [tilespmem:s30+$0xFFFFFFD0]  }
0x5e3: {  	v16 =	vld [tilespmem:s31+$0xB0]  }
0x5e4: {  	v17 =	vld [tilespmem:s30+$0xFFFFFFE0]  }
0x5e5: {  	v18 =	vld [tilespmem:s30+$0xFFFFFFF0]  }
0x5e6: {  	v19 =	vld [tilespmem:s30+$0x0]  }
0x5e7: {  	v20 =	vld [tilespmem:s30+$0x10]  }
0x5e8: {  	v21 =	vld [tilespmem:s30+$0x20]  }
0x5e9: {  	v22 =	vld [tilespmem:s30+$0x60]  }
0x5ea: {  	v24 =	vld [tilespmem:s30+$0x70]  }
0x5eb: {  	v26 =	vld [tilespmem:s30+$0x80]  }
0x5ec: {  	v28 =	vld [tilespmem:s30+$0x90]  }
0x5ed: {  	v30 =	vld [tilespmem:s30+$0xA0]  }
0x5ee: {  	v47 =	vld [tilespmem:s31+$0xFFFFFF40]  }
0x5ef: {  	v48 =	vld [tilespmem:s31+$0xFFFFFF50]  }
0x5f0: {  	v49 =	vld [tilespmem:s31+$0xFFFFFF60]  }
0x5f1: {  	v50 =	vld [tilespmem:s31+$0xFFFFFF70]  }
0x5f2: {  	v51 =	vld [tilespmem:s31+$0xFFFFFF80]  }
0x5f3: {  	v52 =	vld [tilespmem:s31+$0xFFFFFF90]  }
0x5f4: {  	v53 =	vld [tilespmem:s31+$0xFFFFFFA0]  }
0x5f5: {  	s0 =	simm.s32 $0x0;
	v54 =	vld [tilespmem:s31+$0xFFFFFFB0]  }
0x5f6: {  	s0 =	sand.u32 $0x7FF0, s0;
	v55 =	vld [tilespmem:s31+$0xFFFFFFD0]  }
0x5f7: {  	v0 =	vld [tilespmem:s0+$0x180]  }
0x5f8: {  	v56 =	vld [tilespmem:s31+$0xFFFFFFE0]  }
0x5f9: {  	v57 =	vld [tilespmem:s31+$0x0]  }
0x5fa: {  	v58 =	vld [tilespmem:s31+$0x20]  }
0x5fb: {  	v59 =	vld [tilespmem:s31+$0x30]  }
0x5fc: {  	v60 =	vld [tilespmem:s31+$0x60];
	v1 =	vand.u32 $0xFFFF, v0  }
0x5fd: {  	v61 =	vld [tilespmem:s31+$0x70]  }
0x5fe: {  	v62 =	vld [tilespmem:s31+$0x90]  }
0x5ff: {  	v63 =	vld [tilespmem:s31+$0xA0]  }
0x600: {  	s10 =	simm.s32 $0x9D00;
	v6 =	vld [tilespmem:s0+$0x5000]  }
0x601: {  	v1 =	vld.idx.msk [tilespmem:v1+s10+$0x0], $0xffff  }
0x602: {  	v2 =	vld [tilespmem:s0+$0x80];
	v25 =	vand.u32 $0xFFFF, v8  }
0x603: {  	v3 =	vld [tilespmem:s0+$0x100];
	v7 =	vshrl.u32 v0, $0x10  }
0x604: {  	s1 =	simm.s32 $0x190;
	v4 =	vld [tilespmem:s0+$0x4F00]  }
0x605: {  	s12 =	sand.u32 $0x7FF0, s1;
	v5 =	vld [tilespmem:s0+$0x4F80];
	v27 =	vand.u32 $0xFFFF, v9  }
0x606: {  	v29 =	vand.u32 $0xFFFF, v10;
	v0 =	vld [tilespmem:s12+$0x180];
	v1 =	vmul.f32 v6, v1  }
0x607: {  	s9 =	simm.s32 $0xC500;
	v31 =	vand.u32 $0xFFFF, v12;
	v25 =	vld.idx.msk [tilespmem:v25+s10+$0x0], $0xffff  }
0x608: {  	v32 =	vand.u32 $0xFFFF, v13;
	[tilespmem:v7+s9+$0x0] =	vst.idx.add.f32.msk $0xffff, v1  }
0x609: {  	v33 =	vand.u32 $0xFFFF, v14;
	v1 =	vld [tilespmem:s30+$0xB0]  }
0x60a: {  	v34 =	vand.u32 $0xFFFF, v15;
	v27 =	vld.idx.msk [tilespmem:v27+s10+$0x0], $0xffff  }
0x60b: {  	v35 =	vand.u32 $0xFFFF, v17;
	v29 =	vld.idx.msk [tilespmem:v29+s10+$0x0], $0xffff  }
0x60c: {  	v36 =	vand.u32 $0xFFFF, v18;
	v31 =	vld.idx.msk [tilespmem:v31+s10+$0x0], $0xffff  }
0x60d: {  	v37 =	vand.u32 $0xFFFF, v19;
	v32 =	vld.idx.msk [tilespmem:v32+s10+$0x0], $0xffff  }
0x60e: {  	v33 =	vld.idx.msk [tilespmem:v33+s10+$0x0], $0xffff;
	v11 =	vand.u32 $0xFFFF, v1  }
0x60f: {  	v38 =	vand.u32 $0xFFFF, v20;
	v34 =	vld.idx.msk [tilespmem:v34+s10+$0x0], $0xffff  }
0x610: {  	v35 =	vld.idx.msk [tilespmem:v35+s10+$0x0], $0xffff  }
0x611: {  	v39 =	vand.u32 $0xFFFF, v21;
	v36 =	vld.idx.msk [tilespmem:v36+s10+$0x0], $0xffff  }
0x612: {  	v37 =	vld.idx.msk [tilespmem:v37+s10+$0x0], $0xffff  }
0x613: {  	v42 =	vand.u32 $0xFFFF, v22;
	v11 =	vld.idx.msk [tilespmem:v11+s10+$0x0], $0xffff  }
0x614: {  	v38 =	vld.idx.msk [tilespmem:v38+s10+$0x0], $0xffff  }
0x615: {  	v6 =	vld [tilespmem:s30+$0xFFFFFF40];
	v1 =	vshrl.u32 v1, $0x10  }
0x616: {  	v39 =	vld.idx.msk [tilespmem:v39+s10+$0x0], $0xffff  }
0x617: {  	v43 =	vand.u32 $0xFFFF, v24;
	v7 =	vld [tilespmem:s30+$0xFFFFFF50]  }
0x618: {  	v44 =	vand.u32 $0xFFFF, v26;
	v42 =	vld.idx.msk [tilespmem:v42+s10+$0x0], $0xffff;
	v11 =	vmul.f32 v16, v11  }
0x619: {  	v45 =	vand.u32 $0xFFFF, v28;
	v16 =	vld [tilespmem:s30+$0x30]  }
0x61a: {  	[tilespmem:v1+s9+$0x0] =	vst.idx.add.f32.msk $0xffff, v11;
	v11 =	vand.u32 $0xFFFF, v6  }
0x61b: {  	v10 =	vshrl.u32 v10, $0x10;
	v1 =	vld [tilespmem:s30+$0x50]  }
0x61c: {  	v43 =	vld.idx.msk [tilespmem:v43+s10+$0x0], $0xffff;
	v23 =	vand.u32 $0xFFFF, v7  }
0x61d: {  	v46 =	vand.u32 $0xFFFF, v30;
	v44 =	vld.idx.msk [tilespmem:v44+s10+$0x0], $0xffff  }
0x61e: {  	v15 =	vshrl.u32 v15, $0x10;
	v45 =	vld.idx.msk [tilespmem:v45+s10+$0x0], $0xffff;
	v29 =	vmul.f32 v51, v29  }
0x61f: {  	v40 =	vand.u32 $0xFFFF, v16;
	v11 =	vld.idx.msk [tilespmem:v11+s10+$0x0], $0xffff  }
0x620: {  	[tilespmem:v10+s9+$0x0] =	vst.idx.add.f32.msk $0xffff, v29;
	v41 =	vand.u32 $0xFFFF, v1  }
0x621: {  	v10 =	vshrl.u32 v18, $0x10;
	v18 =	vmul.f32 v55, v34;
	v23 =	vld.idx.msk [tilespmem:v23+s10+$0x0], $0xffff;
	v6 =	vshrl.u32 v6, $0x10  }
0x622: {  	v46 =	vld.idx.msk [tilespmem:v46+s10+$0x0], $0xffff  }
0x623: {  	[tilespmem:v15+s9+$0x0] =	vst.idx.add.f32.msk $0xffff, v18;
	v7 =	vshrl.u32 v7, $0x10  }
0x624: {  	v40 =	vld.idx.msk [tilespmem:v40+s10+$0x0], $0xffff;
	v11 =	vmul.f32 v47, v11  }
0x625: {  	v8 =	vshrl.u32 v8, $0x10;
	v41 =	vld.idx.msk [tilespmem:v41+s10+$0x0], $0xffff  }
0x626: {  	[tilespmem:v6+s9+$0x0] =	vst.idx.add.f32.msk $0xffff, v11;
	v11 =	vmul.f32 v48, v23  }
0x627: {  	v9 =	vshrl.u32 v9, $0x10;
	v47 =	vld [tilespmem:s31+$0xFFFFFFF0]  }
0x628: {  	[tilespmem:v7+s9+$0x0] =	vst.idx.add.f32.msk $0xffff, v11;
	v11 =	vmul.f32 v49, v25  }
0x629: {  	v14 =	vshrl.u32 v14, $0x10;
	v6 =	vld [tilespmem:s31+$0x10]  }
0x62a: {  	[tilespmem:v8+s9+$0x0] =	vst.idx.add.f32.msk $0xffff, v11;
	v8 =	vshrl.u32 v12, $0x10;
	v12 =	vshrl.u32 v13, $0x10;
	v13 =	vmul.f32 v50, v27  }
0x62b: {  	v7 =	vld [tilespmem:s31+$0x50]  }
0x62c: {  	[tilespmem:v9+s9+$0x0] =	vst.idx.add.f32.msk $0xffff, v13;
	v9 =	vshrl.u32 v17, $0x10;
	v17 =	vmul.f32 v54, v33  }
0x62d: {  	v1 =	vshrl.u32 v1, $0x10;
	v11 =	vld [tilespmem:s31+$0x80]  }
0x62e: {  	s13 =	simm.s32 $0x50D0;
	v31 =	vmul.f32 v52, v31;
	[tilespmem:v14+s9+$0x0] =	vst.idx.add.f32.msk $0xffff, v17  }
0x62f: {  	v13 =	vmul.f32 v53, v32;
	v17 =	vmul.f32 v47, v36;
	v47 =	vld [tilespmem:s13+$0xB0]  }
0x630: {  	v7 =	vmul.f32 v7, v41;
	[tilespmem:v8+s9+$0x0] =	vst.idx.add.f32.msk $0xffff, v31  }
0x631: {  	v14 =	vshrl.u32 v21, $0x10;
	[tilespmem:v12+s9+$0x0] =	vst.idx.add.f32.msk $0xffff, v13  }
0x632: {  	v8 =	vshrl.u32 v19, $0x10;
	[tilespmem:v1+s9+$0x0] =	vst.idx.add.f32.msk $0xffff, v7  }
0x633: {  	v12 =	vshrl.u32 v20, $0x10;
	v13 =	vmul.f32 v56, v35;
	v1 =	vmul.f32 v11, v44;
	v11 =	vld [tilespmem:s12+$0x5000]  }
0x634: {  	v15 =	vshrl.u32 v16, $0x10;
	[tilespmem:v10+s9+$0x0] =	vst.idx.add.f32.msk $0xffff, v17;
	v10 =	vmul.f32 v58, v39  }
0x635: {  	v16 =	vmul.f32 v57, v37;
	[tilespmem:v9+s9+$0x0] =	vst.idx.add.f32.msk $0xffff, v13;
	v9 =	vshrl.u32 v22, $0x10  }
0x636: {  	v6 =	vmul.f32 v6, v38;
	[tilespmem:v14+s9+$0x0] =	vst.idx.add.f32.msk $0xffff, v10  }
0x637: {  	v13 =	vmul.f32 v59, v40;
	v10 =	vshrl.u32 v28, $0x10;
	[tilespmem:v8+s9+$0x0] =	vst.idx.add.f32.msk $0xffff, v16  }
0x638: {  	v8 =	vshrl.u32 v24, $0x10;
	[tilespmem:v12+s9+$0x0] =	vst.idx.add.f32.msk $0xffff, v6;
	v12 =	vmul.f32 v60, v42  }
0x639: {  	[tilespmem:v15+s9+$0x0] =	vst.idx.add.f32.msk $0xffff, v13;
	v6 =	vshrl.u32 v26, $0x10  }
0x63a: {  	v7 =	vmul.f32 v62, v45;
	v13 =	vshrl.u32 v30, $0x10;
	[tilespmem:v9+s9+$0x0] =	vst.idx.add.f32.msk $0xffff, v12  }
0x63b: {  	v14 =	vmul.f32 v61, v43;
	v9 =	vand.u32 $0xFFFF, v0;
	v12 =	vshrl.u32 v0, $0x10;
	v0 =	vld [tilespmem:s12+$0x4F80]  }
0x63c: {  	[tilespmem:v10+s9+$0x0] =	vst.idx.add.f32.msk $0xffff, v7  }
0x63d: {  	s11 =	simm.s32 $0x320;
	[tilespmem:v8+s9+$0x0] =	vst.idx.add.f32.msk $0xffff, v14  }
0x63e: {  	s14 =	sand.u32 $0x7FF0, s11;
	v8 =	vmul.f32 v63, v46;
	[tilespmem:v6+s9+$0x0] =	vst.idx.add.f32.msk $0xffff, v1  }
0x63f: {  	v1 =	vand.u32 $0xFFFF, v2;
	v14 =	vld [tilespmem:s14+$0x180]  }
0x640: {  	v6 =	vand.u32 $0xFFFF, v3;
	[tilespmem:v13+s9+$0x0] =	vst.idx.add.f32.msk $0xffff, v8  }
0x641: {  	v8 =	vld [tilespmem:s12+$0x80]  }
0x642: {  	v7 =	vld.idx.msk [tilespmem:v9+s10+$0x0], $0xffff  }
0x643: {  	v9 =	vld [tilespmem:s12+$0x100]  }
0x644: {  	v10 =	vld.idx.msk [tilespmem:v1+s10+$0x0], $0xffff  }
0x645: {  	v13 =	vld.idx.msk [tilespmem:v6+s10+$0x0], $0xffff  }
0x646: {  	v1 =	vld [tilespmem:s12+$0x4F00];
	s12 =	simm.s32 $0x250  }
0x647: {  	v15 =	vld [tilespmem:s12+$0xFFFFFF70]  }
0x648: {  	v16 =	vld [tilespmem:s12+$0xFFFFFF80]  }
0x649: {  	v18 =	vld [tilespmem:s12+$0xFFFFFF90]  }
0x64a: {  	v19 =	vld [tilespmem:s12+$0xFFFFFFA0]  }
0x64b: {  	v20 =	vld [tilespmem:s12+$0xFFFFFFB0]  }
0x64c: {  	v21 =	vld [tilespmem:s12+$0xFFFFFFD0]  }
0x64d: {  	v23 =	vld [tilespmem:s12+$0xFFFFFFE0]  }
0x64e: {  	v24 =	vld [tilespmem:s12+$0xFFFFFFF0]  }
0x64f: {  	v25 =	vld [tilespmem:s12+$0x0]  }
0x650: {  	v26 =	vld [tilespmem:s12+$0x10]  }
0x651: {  	v27 =	vld [tilespmem:s12+$0x20]  }
0x652: {  	v22 =	vld [tilespmem:s12+$0x30]  }
0x653: {  	v28 =	vld [tilespmem:s12+$0x60]  }
0x654: {  	v30 =	vld [tilespmem:s12+$0x70]  }
0x655: {  	v32 =	vld [tilespmem:s12+$0x80]  }
0x656: {  	v34 =	vld [tilespmem:s12+$0x90]  }
0x657: {  	v36 =	vld [tilespmem:s12+$0xA0]  }
0x658: {  	v6 =	vmul.f32 v11, v7;
	v7 =	vld [tilespmem:s12+$0xFFFFFF40];
	v50 =	vand.u32 $0xFFFF, v15  }
0x659: {  	v11 =	vld [tilespmem:s12+$0xFFFFFF50];
	v51 =	vand.u32 $0xFFFF, v16  }
0x65a: {  	[tilespmem:v12+s9+$0x0] =	vst.idx.add.f32.msk $0xffff, v6;
	v52 =	vand.u32 $0xFFFF, v18  }
0x65b: {  	v6 =	vld [tilespmem:s12+$0xB0];
	v53 =	vand.u32 $0xFFFF, v19  }
0x65c: {  	v12 =	vld [tilespmem:s12+$0xFFFFFF60];
	v54 =	vand.u32 $0xFFFF, v20  }
0x65d: {  	v55 =	vand.u32 $0xFFFF, v21;
	v33 =	vld.idx.msk [tilespmem:v50+s10+$0x0], $0xffff  }
0x65e: {  	v56 =	vand.u32 $0xFFFF, v23;
	v35 =	vld.idx.msk [tilespmem:v51+s10+$0x0], $0xffff  }
0x65f: {  	v57 =	vand.u32 $0xFFFF, v24;
	v37 =	vld.idx.msk [tilespmem:v52+s10+$0x0], $0xffff  }
0x660: {  	v58 =	vand.u32 $0xFFFF, v25;
	v38 =	vld.idx.msk [tilespmem:v53+s10+$0x0], $0xffff  }
0x661: {  	v59 =	vand.u32 $0xFFFF, v26;
	v39 =	vld.idx.msk [tilespmem:v54+s10+$0x0], $0xffff  }
0x662: {  	v17 =	vand.u32 $0xFFFF, v6;
	v40 =	vld.idx.msk [tilespmem:v55+s10+$0x0], $0xffff  }
0x663: {  	v60 =	vand.u32 $0xFFFF, v27;
	v41 =	vld.idx.msk [tilespmem:v56+s10+$0x0], $0xffff  }
0x664: {  	v61 =	vand.u32 $0xFFFF, v22;
	v42 =	vld.idx.msk [tilespmem:v57+s10+$0x0], $0xffff  }
0x665: {  	v43 =	vld.idx.msk [tilespmem:v58+s10+$0x0], $0xffff  }
0x666: {  	v44 =	vld.idx.msk [tilespmem:v59+s10+$0x0], $0xffff  }
0x667: {  	v48 =	vand.u32 $0xFFFF, v11;
	v17 =	vld.idx.msk [tilespmem:v17+s10+$0x0], $0xffff  }
0x668: {  	v63 =	vand.u32 $0xFFFF, v28;
	v45 =	vld.idx.msk [tilespmem:v60+s10+$0x0], $0xffff  }
0x669: {  	v6 =	vshrl.u32 v6, $0x10;
	v46 =	vld.idx.msk [tilespmem:v61+s10+$0x0], $0xffff  }
0x66a: {  	v60 =	vld [tilespmem:s13+$0xFFFFFF40]  }
0x66b: {  	v61 =	vld [tilespmem:s13+$0xFFFFFF50]  }
0x66c: {  	v49 =	vand.u32 $0xFFFF, v12;
	v29 =	vld.idx.msk [tilespmem:v48+s10+$0x0], $0xffff;
	v17 =	vmul.f32 v47, v17  }
0x66d: {  	v56 =	vand.u32 $0xFFFF, v30;
	v48 =	vld.idx.msk [tilespmem:v63+s10+$0x0], $0xffff  }
0x66e: {  	v57 =	vand.u32 $0xFFFF, v32;
	[tilespmem:v6+s9+$0x0] =	vst.idx.add.f32.msk $0xffff, v17  }
0x66f: {  	v58 =	vand.u32 $0xFFFF, v34;
	v6 =	vld [tilespmem:s12+$0x50]  }
0x670: {  	v63 =	vld [tilespmem:s13+$0xFFFFFF70];
	v17 =	vand.u32 $0xFFFF, v7  }
0x671: {  	v59 =	vand.u32 $0xFFFF, v36;
	v31 =	vld.idx.msk [tilespmem:v49+s10+$0x0], $0xffff  }
0x672: {  	v49 =	vld.idx.msk [tilespmem:v56+s10+$0x0], $0xffff  }
0x673: {  	v50 =	vld.idx.msk [tilespmem:v57+s10+$0x0], $0xffff  }
0x674: {  	v51 =	vld.idx.msk [tilespmem:v58+s10+$0x0], $0xffff;
	v62 =	vand.u32 $0xFFFF, v6  }
0x675: {  	v17 =	vld.idx.msk [tilespmem:v17+s10+$0x0], $0xffff  }
0x676: {  	v52 =	vld.idx.msk [tilespmem:v59+s10+$0x0], $0xffff  }
0x677: {  	v57 =	vld [tilespmem:s13+$0xFFFFFF80];
	v7 =	vshrl.u32 v7, $0x10  }
0x678: {  	v59 =	vld [tilespmem:s13+$0x90]  }
0x679: {  	v47 =	vld.idx.msk [tilespmem:v62+s10+$0x0], $0xffff  }
0x67a: {  	v62 =	vld [tilespmem:s13+$0xFFFFFF60];
	v17 =	vmul.f32 v60, v17  }
0x67b: {  	v11 =	vshrl.u32 v11, $0x10;
	v60 =	vld [tilespmem:s13+$0xFFFFFF90]  }
0x67c: {  	[tilespmem:v7+s9+$0x0] =	vst.idx.add.f32.msk $0xffff, v17  }
0x67d: {  	v7 =	vld [tilespmem:s13+$0xFFFFFFA0]  }
0x67e: {  	v17 =	vmul.f32 v61, v29;
	v29 =	vld [tilespmem:s13+$0xFFFFFFB0]  }
0x67f: {  	v61 =	vld [tilespmem:s13+$0xFFFFFFD0]  }
0x680: {  	v12 =	vshrl.u32 v12, $0x10;
	[tilespmem:v11+s9+$0x0] =	vst.idx.add.f32.msk $0xffff, v17  }
0x681: {  	v11 =	vld [tilespmem:s13+$0xFFFFFFE0]  }
0x682: {  	v17 =	vmul.f32 v62, v31;
	v31 =	vld [tilespmem:s13+$0xFFFFFFF0]  }
0x683: {  	v62 =	vld [tilespmem:s13+$0x0]  }
0x684: {  	v18 =	vshrl.u32 v18, $0x10;
	v58 =	vmul.f32 v60, v37;
	v60 =	vld [tilespmem:s13+$0xA0]  }
0x685: {  	v15 =	vshrl.u32 v15, $0x10;
	[tilespmem:v12+s9+$0x0] =	vst.idx.add.f32.msk $0xffff, v17  }
0x686: {  	v12 =	vld [tilespmem:s13+$0x10]  }
0x687: {  	v17 =	vmul.f32 v63, v33;
	v33 =	vld [tilespmem:s13+$0x20]  }
0x688: {  	v63 =	vld [tilespmem:s13+$0x30]  }
0x689: {  	v19 =	vshrl.u32 v19, $0x10;
	[tilespmem:v18+s9+$0x0] =	vst.idx.add.f32.msk $0xffff, v58  }
0x68a: {  	v16 =	vshrl.u32 v16, $0x10;
	[tilespmem:v15+s9+$0x0] =	vst.idx.add.f32.msk $0xffff, v17  }
0x68b: {  	v15 =	vld [tilespmem:s13+$0x50]  }
0x68c: {  	v23 =	vshrl.u32 v23, $0x10;
	v7 =	vmul.f32 v7, v38;
	v17 =	vmul.f32 v57, v35;
	v35 =	vld [tilespmem:s13+$0x60]  }
0x68d: {  	v24 =	vshrl.u32 v24, $0x10;
	v57 =	vld [tilespmem:s13+$0x70]  }
0x68e: {  	[tilespmem:v19+s9+$0x0] =	vst.idx.add.f32.msk $0xffff, v7;
	v7 =	vshrl.u32 v26, $0x10  }
0x68f: {  	v11 =	vmul.f32 v11, v41;
	[tilespmem:v16+s9+$0x0] =	vst.idx.add.f32.msk $0xffff, v17;
	v16 =	vshrl.u32 v20, $0x10  }
0x690: {  	v19 =	vmul.f32 v31, v42;
	v17 =	vld [tilespmem:s13+$0x80];
	v20 =	vshrl.u32 v21, $0x10  }
0x691: {  	v6 =	vshrl.u32 v6, $0x10;
	[tilespmem:v23+s9+$0x0] =	vst.idx.add.f32.msk $0xffff, v11;
	v11 =	vmul.f32 v12, v44  }
0x692: {  	v29 =	vmul.f32 v29, v39;
	v18 =	vshrl.u32 v25, $0x10;
	[tilespmem:v24+s9+$0x0] =	vst.idx.add.f32.msk $0xffff, v19  }
0x693: {  	v61 =	vmul.f32 v61, v40;
	[tilespmem:v7+s9+$0x0] =	vst.idx.add.f32.msk $0xffff, v11;
	v7 =	vshrl.u32 v32, $0x10  }
0x694: {  	v11 =	vmul.f32 v15, v47;
	[tilespmem:v16+s9+$0x0] =	vst.idx.add.f32.msk $0xffff, v29;
	v16 =	vshrl.u32 v27, $0x10  }
0x695: {  	v62 =	vmul.f32 v62, v43;
	v15 =	vshrl.u32 v34, $0x10;
	[tilespmem:v20+s9+$0x0] =	vst.idx.add.f32.msk $0xffff, v61  }
0x696: {  	v20 =	vshrl.u32 v22, $0x10;
	[tilespmem:v6+s9+$0x0] =	vst.idx.add.f32.msk $0xffff, v11;
	v6 =	vmul.f32 v17, v50  }
0x697: {  	v12 =	vshrl.u32 v28, $0x10;
	v19 =	vmul.f32 v33, v45;
	[tilespmem:v18+s9+$0x0] =	vst.idx.add.f32.msk $0xffff, v62  }
0x698: {  	v18 =	vshrl.u32 v30, $0x10;
	v11 =	vmul.f32 v59, v51;
	[tilespmem:v7+s9+$0x0] =	vst.idx.add.f32.msk $0xffff, v6  }
0x699: {  	v63 =	vmul.f32 v63, v46;
	[tilespmem:v16+s9+$0x0] =	vst.idx.add.f32.msk $0xffff, v19;
	v19 =	vshrl.u32 v36, $0x10  }
0x69a: {  	[tilespmem:v15+s9+$0x0] =	vst.idx.add.f32.msk $0xffff, v11;
	v16 =	vmul.f32 v35, v48  }
0x69b: {  	[tilespmem:v20+s9+$0x0] =	vst.idx.add.f32.msk $0xffff, v63;
	v20 =	vmul.f32 v57, v49  }
0x69c: {  	[tilespmem:v12+s9+$0x0] =	vst.idx.add.f32.msk $0xffff, v16;
	v16 =	vmul.f32 v60, v52  }
0x69d: {  	[tilespmem:v18+s9+$0x0] =	vst.idx.add.f32.msk $0xffff, v20;
	v12 =	vand.u32 $0xFFFF, v8  }
0x69e: {  	v6 =	vand.u32 $0xFFFF, v14;
	[tilespmem:v19+s9+$0x0] =	vst.idx.add.f32.msk $0xffff, v16  }
0x69f: {  	v15 =	vand.u32 $0xFFFF, v9;
	v16 =	vld [tilespmem:s14+$0x80]  }
0x6a0: {  	v19 =	vld [tilespmem:s14+$0x100]  }
0x6a1: {  	v18 =	vld [tilespmem:s14+$0x5000]  }
0x6a2: {  	v7 =	vshrl.u32 v2, $0x10;
	v2 =	vshrl.u32 v8, $0x10;
	v11 =	vld.idx.msk [tilespmem:v12+s10+$0x0], $0xffff  }
0x6a3: {  	v8 =	vmul.f32 v4, v10;
	v17 =	vld.idx.msk [tilespmem:v6+s10+$0x0], $0xffff;
	v6 =	vshrl.u32 v3, $0x10;
	v3 =	vshrl.u32 v9, $0x10  }
0x6a4: {  	v9 =	vmul.f32 v5, v13;
	v12 =	vld.idx.msk [tilespmem:v15+s10+$0x0], $0xffff;
	v15 =	vshrl.u32 v16, $0x10;
	v5 =	vand.u32 $0xFFFF, v16  }
0x6a5: {  	v13 =	vld [tilespmem:s14+$0x4F00];
	v16 =	vshrl.u32 v19, $0x10;
	v4 =	vand.u32 $0xFFFF, v19;
	v19 =	vshrl.u32 v14, $0x10  }
0x6a6: {  	v14 =	vld [tilespmem:s14+$0x4F80]  }
.LBB2_27:
0x6a7: {  	s11 =	sadd.s32 $0x190, s11;
	[tilespmem:v7+s9+$0x0] =	vst.idx.add.f32.msk $0xffff, v8;
	v8 =	vmul.f32 v1, v11;
	v7 =	vmov v2;
	v2 =	vmov v15  }
0x6a8: {  	s14 =	sand.u32 $0x7FF0, s11;
	v11 =	vmul.f32 v18, v17;
	[tilespmem:v6+s9+$0x0] =	vst.idx.add.f32.msk $0xffff, v9;
	v6 =	vmov v3;
	v3 =	vmov v16  }
0x6a9: {  	p0 =	slt.u32 s11, $0x4C90;
	v10 =	vld [tilespmem:s14+$0x180]  }
0x6aa: {  	s12 =	sadd.s32 $0x190, s12;
	v9 =	vmul.f32 v0, v12;
	[tilespmem:v19+s9+$0x0] =	vst.idx.add.f32.msk $0xffff, v11;
	v1 =	vmov v13  }
0x6ab: {  	v19 =	vld [tilespmem:s12+$0xB0];
	v0 =	vmov v14  }
0x6ac: {  	v12 =	vld [tilespmem:s12+$0xFFFFFF40]  }
0x6ad: {  	v13 =	vld [tilespmem:s12+$0xFFFFFF50]  }
0x6ae: {  	v14 =	vld [tilespmem:s12+$0xFFFFFF60]  }
0x6af: {  	v15 =	vld [tilespmem:s12+$0xFFFFFF70]  }
0x6b0: {  	v16 =	vld [tilespmem:s12+$0xFFFFFF80];
	v17 =	vand.u32 $0xFFFF, v19  }
0x6b1: {  	v11 =	vshrl.u32 v12, $0x10;
	v27 =	vand.u32 $0xFFFF, v12;
	v18 =	vld [tilespmem:s12+$0xFFFFFF90]  }
0x6b2: {  	v12 =	vshrl.u32 v13, $0x10;
	v28 =	vand.u32 $0xFFFF, v13;
	v20 =	vld [tilespmem:s12+$0xFFFFFFA0]  }
0x6b3: {  	v13 =	vshrl.u32 v14, $0x10;
	v29 =	vand.u32 $0xFFFF, v14;
	v21 =	vld [tilespmem:s12+$0xFFFFFFB0]  }
0x6b4: {  	v14 =	vshrl.u32 v15, $0x10;
	v30 =	vand.u32 $0xFFFF, v15;
	v22 =	vld [tilespmem:s12+$0xFFFFFFD0]  }
0x6b5: {  	s13 =	sadd.s32 $0x190, s13;
	v15 =	vshrl.u32 v16, $0x10;
	v31 =	vand.u32 $0xFFFF, v16;
	v23 =	vld.idx.msk [tilespmem:v17+s10+$0x0], $0xffff  }
0x6b6: {  	v16 =	vshrl.u32 v18, $0x10;
	v32 =	vand.u32 $0xFFFF, v18;
	v24 =	vld [tilespmem:s13+$0xB0]  }
0x6b7: {  	v17 =	vshrl.u32 v20, $0x10;
	v33 =	vand.u32 $0xFFFF, v20;
	v25 =	vld [tilespmem:s12+$0xFFFFFFE0]  }
0x6b8: {  	v35 =	vshrl.u32 v19, $0x10;
	v18 =	vshrl.u32 v21, $0x10;
	v34 =	vand.u32 $0xFFFF, v21;
	v26 =	vld [tilespmem:s12+$0xFFFFFFF0]  }
0x6b9: {  	v19 =	vshrl.u32 v22, $0x10;
	v36 =	vand.u32 $0xFFFF, v22;
	v37 =	vld [tilespmem:s12+$0x0]  }
0x6ba: {  	v38 =	vld [tilespmem:s12+$0x10]  }
0x6bb: {  	v39 =	vld [tilespmem:s12+$0x20];
	v22 =	vmul.f32 v24, v23  }
0x6bc: {  	v20 =	vshrl.u32 v25, $0x10;
	v40 =	vand.u32 $0xFFFF, v25;
	v41 =	vld [tilespmem:s12+$0x30]  }
0x6bd: {  	v21 =	vshrl.u32 v26, $0x10;
	v42 =	vand.u32 $0xFFFF, v26;
	[tilespmem:v35+s9+$0x0] =	vst.idx.add.f32.msk $0xffff, v22  }
0x6be: {  	v22 =	vshrl.u32 v37, $0x10;
	v35 =	vand.u32 $0xFFFF, v37;
	v37 =	vld [tilespmem:s12+$0x50]  }
0x6bf: {  	v23 =	vshrl.u32 v38, $0x10;
	v38 =	vand.u32 $0xFFFF, v38;
	v43 =	vld [tilespmem:s12+$0x60]  }
0x6c0: {  	v24 =	vshrl.u32 v39, $0x10;
	v39 =	vand.u32 $0xFFFF, v39;
	v44 =	vld [tilespmem:s12+$0x70]  }
0x6c1: {  	v25 =	vshrl.u32 v41, $0x10;
	v41 =	vand.u32 $0xFFFF, v41;
	v45 =	vld [tilespmem:s12+$0x80]  }
0x6c2: {  	v46 =	vld [tilespmem:s12+$0x90]  }
0x6c3: {  	v26 =	vshrl.u32 v37, $0x10;
	v37 =	vand.u32 $0xFFFF, v37;
	v47 =	vld [tilespmem:s12+$0xA0]  }
0x6c4: {  	v48 =	vld.idx.msk [tilespmem:v27+s10+$0x0], $0xffff;
	v27 =	vshrl.u32 v43, $0x10;
	v43 =	vand.u32 $0xFFFF, v43  }
0x6c5: {  	v49 =	vld.idx.msk [tilespmem:v28+s10+$0x0], $0xffff;
	v28 =	vshrl.u32 v44, $0x10;
	v44 =	vand.u32 $0xFFFF, v44  }
0x6c6: {  	v50 =	vld.idx.msk [tilespmem:v29+s10+$0x0], $0xffff;
	v29 =	vshrl.u32 v45, $0x10;
	v45 =	vand.u32 $0xFFFF, v45  }
0x6c7: {  	v51 =	vld.idx.msk [tilespmem:v30+s10+$0x0], $0xffff;
	v30 =	vshrl.u32 v46, $0x10;
	v46 =	vand.u32 $0xFFFF, v46  }
0x6c8: {  	v52 =	vld.idx.msk [tilespmem:v31+s10+$0x0], $0xffff;
	v31 =	vshrl.u32 v47, $0x10;
	v47 =	vand.u32 $0xFFFF, v47  }
0x6c9: {  	v32 =	vld.idx.msk [tilespmem:v32+s10+$0x0], $0xffff  }
0x6ca: {  	v33 =	vld.idx.msk [tilespmem:v33+s10+$0x0], $0xffff  }
0x6cb: {  	v34 =	vld.idx.msk [tilespmem:v34+s10+$0x0], $0xffff  }
0x6cc: {  	v36 =	vld.idx.msk [tilespmem:v36+s10+$0x0], $0xffff  }
0x6cd: {  	v40 =	vld.idx.msk [tilespmem:v40+s10+$0x0], $0xffff  }
0x6ce: {  	v42 =	vld.idx.msk [tilespmem:v42+s10+$0x0], $0xffff  }
0x6cf: {  	v35 =	vld.idx.msk [tilespmem:v35+s10+$0x0], $0xffff  }
0x6d0: {  	v38 =	vld.idx.msk [tilespmem:v38+s10+$0x0], $0xffff  }
0x6d1: {  	v39 =	vld.idx.msk [tilespmem:v39+s10+$0x0], $0xffff  }
0x6d2: {  	v41 =	vld.idx.msk [tilespmem:v41+s10+$0x0], $0xffff  }
0x6d3: {  	v37 =	vld.idx.msk [tilespmem:v37+s10+$0x0], $0xffff  }
0x6d4: {  	v43 =	vld.idx.msk [tilespmem:v43+s10+$0x0], $0xffff  }
0x6d5: {  	v44 =	vld.idx.msk [tilespmem:v44+s10+$0x0], $0xffff  }
0x6d6: {  	v45 =	vld.idx.msk [tilespmem:v45+s10+$0x0], $0xffff  }
0x6d7: {  	v46 =	vld.idx.msk [tilespmem:v46+s10+$0x0], $0xffff  }
0x6d8: {  	v47 =	vld.idx.msk [tilespmem:v47+s10+$0x0], $0xffff  }
0x6d9: {  	v53 =	vld [tilespmem:s13+$0xFFFFFF40]  }
0x6da: {  	v54 =	vld [tilespmem:s13+$0xFFFFFF50]  }
0x6db: {  	v55 =	vld [tilespmem:s13+$0xFFFFFF60]  }
0x6dc: {  	v56 =	vld [tilespmem:s13+$0xFFFFFF70]  }
0x6dd: {  	v57 =	vld [tilespmem:s13+$0xFFFFFF80]  }
0x6de: {  	v48 =	vmul.f32 v53, v48;
	v53 =	vld [tilespmem:s13+$0xFFFFFF90]  }
0x6df: {  	v49 =	vmul.f32 v54, v49;
	v54 =	vld [tilespmem:s13+$0xFFFFFFA0]  }
0x6e0: {  	v50 =	vmul.f32 v55, v50;
	v55 =	vld [tilespmem:s13+$0xFFFFFFB0]  }
0x6e1: {  	v51 =	vmul.f32 v56, v51;
	v56 =	vld [tilespmem:s13+$0xFFFFFFD0]  }
0x6e2: {  	v52 =	vmul.f32 v57, v52;
	v57 =	vld [tilespmem:s13+$0xFFFFFFE0]  }
0x6e3: {  	v32 =	vmul.f32 v53, v32;
	v53 =	vld [tilespmem:s13+$0xFFFFFFF0]  }
0x6e4: {  	v33 =	vmul.f32 v54, v33;
	v54 =	vld [tilespmem:s13+$0x0]  }
0x6e5: {  	v34 =	vmul.f32 v55, v34;
	v55 =	vld [tilespmem:s13+$0x10]  }
0x6e6: {  	v36 =	vmul.f32 v56, v36;
	v56 =	vld [tilespmem:s13+$0x20]  }
0x6e7: {  	v40 =	vmul.f32 v57, v40;
	v57 =	vld [tilespmem:s13+$0x30]  }
0x6e8: {  	v42 =	vmul.f32 v53, v42;
	v53 =	vld [tilespmem:s13+$0x50]  }
0x6e9: {  	v35 =	vmul.f32 v54, v35;
	v54 =	vld [tilespmem:s13+$0x60]  }
0x6ea: {  	v38 =	vmul.f32 v55, v38;
	v55 =	vld [tilespmem:s13+$0x70]  }
0x6eb: {  	v39 =	vmul.f32 v56, v39;
	v56 =	vld [tilespmem:s13+$0x80]  }
0x6ec: {  	v41 =	vmul.f32 v57, v41;
	v57 =	vld [tilespmem:s13+$0x90]  }
0x6ed: {  	v37 =	vmul.f32 v53, v37;
	v53 =	vld [tilespmem:s13+$0xA0]  }
0x6ee: {  	[tilespmem:v11+s9+$0x0] =	vst.idx.add.f32.msk $0xffff, v48;
	v11 =	vmul.f32 v54, v43  }
0x6ef: {  	[tilespmem:v12+s9+$0x0] =	vst.idx.add.f32.msk $0xffff, v49;
	v12 =	vmul.f32 v55, v44  }
0x6f0: {  	[tilespmem:v13+s9+$0x0] =	vst.idx.add.f32.msk $0xffff, v50;
	v13 =	vmul.f32 v56, v45  }
0x6f1: {  	[tilespmem:v14+s9+$0x0] =	vst.idx.add.f32.msk $0xffff, v51;
	v14 =	vmul.f32 v57, v46  }
0x6f2: {  	[tilespmem:v15+s9+$0x0] =	vst.idx.add.f32.msk $0xffff, v52;
	v15 =	vmul.f32 v53, v47  }
0x6f3: {  	[tilespmem:v16+s9+$0x0] =	vst.idx.add.f32.msk $0xffff, v32  }
0x6f4: {  	[tilespmem:v17+s9+$0x0] =	vst.idx.add.f32.msk $0xffff, v33  }
0x6f5: {  	[tilespmem:v18+s9+$0x0] =	vst.idx.add.f32.msk $0xffff, v34  }
0x6f6: {  	[tilespmem:v19+s9+$0x0] =	vst.idx.add.f32.msk $0xffff, v36  }
0x6f7: {  	[tilespmem:v20+s9+$0x0] =	vst.idx.add.f32.msk $0xffff, v40  }
0x6f8: {  	[tilespmem:v21+s9+$0x0] =	vst.idx.add.f32.msk $0xffff, v42  }
0x6f9: {  	[tilespmem:v22+s9+$0x0] =	vst.idx.add.f32.msk $0xffff, v35  }
0x6fa: {  	[tilespmem:v23+s9+$0x0] =	vst.idx.add.f32.msk $0xffff, v38  }
0x6fb: {  	[tilespmem:v24+s9+$0x0] =	vst.idx.add.f32.msk $0xffff, v39  }
0x6fc: {  	[tilespmem:v25+s9+$0x0] =	vst.idx.add.f32.msk $0xffff, v41  }
0x6fd: {  	[tilespmem:v26+s9+$0x0] =	vst.idx.add.f32.msk $0xffff, v37  }
0x6fe: {  	[tilespmem:v27+s9+$0x0] =	vst.idx.add.f32.msk $0xffff, v11  }
0x6ff: {  	[tilespmem:v28+s9+$0x0] =	vst.idx.add.f32.msk $0xffff, v12  }
0x700: {  	[tilespmem:v29+s9+$0x0] =	vst.idx.add.f32.msk $0xffff, v13  }
0x701: {  	v12 =	vand.u32 $0xFFFF, v10;
	[tilespmem:v30+s9+$0x0] =	vst.idx.add.f32.msk $0xffff, v14  }
0x702: {  	[tilespmem:v31+s9+$0x0] =	vst.idx.add.f32.msk $0xffff, v15  }
0x703: {  	v13 =	vld [tilespmem:s14+$0x80]  }
0x704: {  	v14 =	vld [tilespmem:s14+$0x100]  }
0x705: {  	v11 =	vld.idx.msk [tilespmem:v5+s10+$0x0], $0xffff  }
.Ltmp13:
0x706: {  	v17 =	vld.idx.msk [tilespmem:v12+s10+$0x0], $0xffff;
	(pc) =	sbr.rel @p0 .LBB2_27-.Ltmp13, $4  }
0x707: {  	v18 =	vld [tilespmem:s14+$0x5000]  }
0x708: {  	v15 =	vshrl.u32 v13, $0x10;
	v5 =	vand.u32 $0xFFFF, v13;
	v12 =	vld.idx.msk [tilespmem:v4+s10+$0x0], $0xffff  }
0x709: {  	v19 =	vshrl.u32 v10, $0x10;
	v13 =	vld [tilespmem:s14+$0x4F00];
	v16 =	vshrl.u32 v14, $0x10;
	v4 =	vand.u32 $0xFFFF, v14  }
0x70a: {  	v14 =	vld [tilespmem:s14+$0x4F80]  }
0x70b: {  	_ =	sdelay $0x3  }
0x70c: {  	[tilespmem:v7+s9+$0x0] =	vst.idx.add.f32.msk $0xffff, v8  }
0x70d: {  	[tilespmem:v6+s9+$0x0] =	vst.idx.add.f32.msk $0xffff, v9  }
0x70e: {  	v5 =	vld.idx.msk [tilespmem:v5+s10+$0x0], $0xffff  }
0x70f: {  	s0 =	sadd.s32 $0x190, s12;
	v4 =	vld.idx.msk [tilespmem:v4+s10+$0x0], $0xffff  }
0x710: {  	v6 =	vld [tilespmem:s0+$0xB0]  }
0x711: {  	v8 =	vld [tilespmem:s0+$0xFFFFFF50]  }
0x712: {  	v9 =	vld [tilespmem:s0+$0xFFFFFF60]  }
0x713: {  	v10 =	vld [tilespmem:s0+$0xFFFFFF70]  }
0x714: {  	v7 =	vmul.f32 v18, v17;
	v17 =	vld [tilespmem:s0+$0xFFFFFF80]  }
0x715: {  	v20 =	vld [tilespmem:s0+$0xFFFFFFA0]  }
0x716: {  	v21 =	vld [tilespmem:s0+$0xFFFFFFB0]  }
0x717: {  	s1 =	sadd.s32 $0x190, s13;
	v22 =	vld [tilespmem:s0+$0xFFFFFFD0]  }
0x718: {  	v23 =	vld [tilespmem:s1+$0xB0]  }
0x719: {  	v24 =	vld [tilespmem:s0+$0xFFFFFFE0]  }
0x71a: {  	v25 =	vld [tilespmem:s0+$0xFFFFFFF0]  }
0x71b: {  	v26 =	vld [tilespmem:s0+$0x0]  }
0x71c: {  	v27 =	vld [tilespmem:s0+$0x10]  }
0x71d: {  	v28 =	vld [tilespmem:s0+$0x20]  }
0x71e: {  	v29 =	vld [tilespmem:s0+$0x60]  }
0x71f: {  	v31 =	vld [tilespmem:s0+$0x70]  }
0x720: {  	v33 =	vld [tilespmem:s0+$0x80]  }
0x721: {  	v35 =	vld [tilespmem:s0+$0x90]  }
0x722: {  	v37 =	vld [tilespmem:s0+$0xA0]  }
0x723: {  	v54 =	vld [tilespmem:s1+$0xFFFFFF40]  }
0x724: {  	v55 =	vld [tilespmem:s1+$0xFFFFFF50]  }
0x725: {  	v56 =	vld [tilespmem:s1+$0xFFFFFF60]  }
0x726: {  	v57 =	vld [tilespmem:s1+$0xFFFFFF70]  }
0x727: {  	v1 =	vmul.f32 v1, v11;
	v63 =	vld [tilespmem:s1+$0xFFFFFF80]  }
0x728: {  	v59 =	vld [tilespmem:s1+$0x70]  }
0x729: {  	[tilespmem:v2+s9+$0x0] =	vst.idx.add.f32.msk $0xffff, v1  }
0x72a: {  	[tilespmem:v19+s9+$0x0] =	vst.idx.add.f32.msk $0xffff, v7  }
0x72b: {  	v0 =	vmul.f32 v0, v12;
	v7 =	vld [tilespmem:s0+$0xFFFFFF40];
	v61 =	vand.u32 $0xFFFF, v6  }
0x72c: {  	v19 =	vld [tilespmem:s0+$0xFFFFFF90];
	v5 =	vmul.f32 v13, v5;
	v30 =	vand.u32 $0xFFFF, v8  }
0x72d: {  	[tilespmem:v3+s9+$0x0] =	vst.idx.add.f32.msk $0xffff, v0;
	v0 =	vmul.f32 v14, v4;
	v32 =	vand.u32 $0xFFFF, v9  }
0x72e: {  	v34 =	vand.u32 $0xFFFF, v10;
	[tilespmem:v15+s9+$0x0] =	vst.idx.add.f32.msk $0xffff, v5  }
0x72f: {  	v36 =	vand.u32 $0xFFFF, v17;
	[tilespmem:v16+s9+$0x0] =	vst.idx.add.f32.msk $0xffff, v0  }
0x730: {  	v39 =	vand.u32 $0xFFFF, v20;
	v18 =	vld.idx.msk [tilespmem:v61+s10+$0x0], $0xffff  }
0x731: {  	v40 =	vand.u32 $0xFFFF, v21;
	v30 =	vld.idx.msk [tilespmem:v30+s10+$0x0], $0xffff  }
0x732: {  	v41 =	vand.u32 $0xFFFF, v22;
	v32 =	vld.idx.msk [tilespmem:v32+s10+$0x0], $0xffff  }
0x733: {  	v42 =	vand.u32 $0xFFFF, v24;
	v34 =	vld.idx.msk [tilespmem:v34+s10+$0x0], $0xffff  }
0x734: {  	v43 =	vand.u32 $0xFFFF, v25;
	v36 =	vld.idx.msk [tilespmem:v36+s10+$0x0], $0xffff  }
0x735: {  	v44 =	vand.u32 $0xFFFF, v26;
	v39 =	vld.idx.msk [tilespmem:v39+s10+$0x0], $0xffff  }
0x736: {  	v45 =	vand.u32 $0xFFFF, v27;
	v40 =	vld.idx.msk [tilespmem:v40+s10+$0x0], $0xffff  }
0x737: {  	v46 =	vand.u32 $0xFFFF, v28;
	v41 =	vld.idx.msk [tilespmem:v41+s10+$0x0], $0xffff  }
0x738: {  	v49 =	vand.u32 $0xFFFF, v29;
	v42 =	vld.idx.msk [tilespmem:v42+s10+$0x0], $0xffff  }
0x739: {  	v50 =	vand.u32 $0xFFFF, v31;
	v43 =	vld.idx.msk [tilespmem:v43+s10+$0x0], $0xffff  }
0x73a: {  	v51 =	vand.u32 $0xFFFF, v33;
	v44 =	vld.idx.msk [tilespmem:v44+s10+$0x0], $0xffff  }
0x73b: {  	v52 =	vand.u32 $0xFFFF, v35;
	v45 =	vld.idx.msk [tilespmem:v45+s10+$0x0], $0xffff  }
0x73c: {  	v53 =	vand.u32 $0xFFFF, v37;
	v46 =	vld.idx.msk [tilespmem:v46+s10+$0x0], $0xffff  }
0x73d: {  	v38 =	vand.u32 $0xFFFF, v19;
	v49 =	vld.idx.msk [tilespmem:v49+s10+$0x0], $0xffff  }
0x73e: {  	v50 =	vld.idx.msk [tilespmem:v50+s10+$0x0], $0xffff  }
0x73f: {  	v51 =	vld.idx.msk [tilespmem:v51+s10+$0x0], $0xffff  }
0x740: {  	v52 =	vld.idx.msk [tilespmem:v52+s10+$0x0], $0xffff  }
0x741: {  	v53 =	vld.idx.msk [tilespmem:v53+s10+$0x0], $0xffff  }
0x742: {  	v38 =	vld.idx.msk [tilespmem:v38+s10+$0x0], $0xffff  }
0x743: {  	v18 =	vmul.f32 v23, v18;
	v23 =	vld [tilespmem:s0+$0x30]  }
0x744: {  	v6 =	vshrl.u32 v6, $0x10;
	v60 =	vmul.f32 v55, v30;
	v30 =	vld [tilespmem:s1+$0xFFFFFFA0]  }
0x745: {  	v55 =	vld [tilespmem:s1+$0xFFFFFFB0]  }
0x746: {  	v62 =	vand.u32 $0xFFFF, v7;
	v61 =	vmul.f32 v56, v32;
	v32 =	vld [tilespmem:s1+$0xFFFFFFE0]  }
0x747: {  	v8 =	vshrl.u32 v8, $0x10;
	v56 =	vld [tilespmem:s1+$0xFFFFFFF0]  }
0x748: {  	v63 =	vmul.f32 v63, v36;
	v36 =	vld [tilespmem:s1+$0x50]  }
0x749: {  	v9 =	vshrl.u32 v9, $0x10;
	[tilespmem:v6+s9+$0x0] =	vst.idx.add.f32.msk $0xffff, v18  }
0x74a: {  	v6 =	vld [tilespmem:s0+$0x50]  }
0x74b: {  	v18 =	vld.idx.msk [tilespmem:v62+s10+$0x0], $0xffff  }
0x74c: {  	[tilespmem:v8+s9+$0x0] =	vst.idx.add.f32.msk $0xffff, v60  }
0x74d: {  	v17 =	vshrl.u32 v17, $0x10;
	v8 =	vld [tilespmem:s1+$0xFFFFFFD0]  }
0x74e: {  	[tilespmem:v9+s9+$0x0] =	vst.idx.add.f32.msk $0xffff, v61  }
0x74f: {  	v9 =	vld [tilespmem:s1+$0x0]  }
0x750: {  	v10 =	vshrl.u32 v10, $0x10;
	v62 =	vmul.f32 v57, v34;
	v34 =	vld [tilespmem:s1+$0x10]  }
0x751: {  	v7 =	vshrl.u32 v7, $0x10;
	v57 =	vld [tilespmem:s1+$0x20]  }
0x752: {  	[tilespmem:v17+s9+$0x0] =	vst.idx.add.f32.msk $0xffff, v63  }
0x753: {  	v61 =	vld [tilespmem:s1+$0x80]  }
0x754: {  	v63 =	vld [tilespmem:s1+$0xA0];
	v18 =	vmul.f32 v54, v18  }
0x755: {  	[tilespmem:v10+s9+$0x0] =	vst.idx.add.f32.msk $0xffff, v62  }
0x756: {  	v58 =	vshrl.u32 v20, $0x10;
	[tilespmem:v7+s9+$0x0] =	vst.idx.add.f32.msk $0xffff, v18  }
0x757: {  	v60 =	vshrl.u32 v21, $0x10;
	v7 =	vld [tilespmem:s1+$0xFFFFFF90]  }
0x758: {  	v10 =	vld [tilespmem:s1+$0x30];
	v47 =	vand.u32 $0xFFFF, v23  }
0x759: {  	v19 =	vshrl.u32 v19, $0x10;
	v62 =	vld [tilespmem:s1+$0x90];
	v30 =	vmul.f32 v30, v39  }
0x75a: {  	v40 =	vmul.f32 v55, v40;
	v48 =	vand.u32 $0xFFFF, v6;
	v54 =	vld [tilespmem:s1+$0x60]  }
0x75b: {  	v22 =	vshrl.u32 v22, $0x10;
	[tilespmem:v58+s9+$0x0] =	vst.idx.add.f32.msk $0xffff, v30  }
0x75c: {  	v24 =	vshrl.u32 v24, $0x10;
	[tilespmem:v60+s9+$0x0] =	vst.idx.add.f32.msk $0xffff, v40;
	v7 =	vmul.f32 v7, v38  }
0x75d: {  	v25 =	vshrl.u32 v25, $0x10;
	v47 =	vld.idx.msk [tilespmem:v47+s10+$0x0], $0xffff  }
0x75e: {  	v8 =	vmul.f32 v8, v41;
	[tilespmem:v19+s9+$0x0] =	vst.idx.add.f32.msk $0xffff, v7;
	v7 =	vshrl.u32 v26, $0x10  }
0x75f: {  	v32 =	vmul.f32 v32, v42;
	v30 =	vshrl.u32 v27, $0x10;
	v48 =	vld.idx.msk [tilespmem:v48+s10+$0x0], $0xffff  }
0x760: {  	v41 =	vmul.f32 v56, v43;
	[tilespmem:v22+s9+$0x0] =	vst.idx.add.f32.msk $0xffff, v8;
	v8 =	vshrl.u32 v23, $0x10  }
0x761: {  	v9 =	vmul.f32 v9, v44;
	[tilespmem:v24+s9+$0x0] =	vst.idx.add.f32.msk $0xffff, v32;
	v6 =	vshrl.u32 v6, $0x10  }
0x762: {  	v40 =	vshrl.u32 v28, $0x10;
	v42 =	vmul.f32 v34, v45;
	[tilespmem:v25+s9+$0x0] =	vst.idx.add.f32.msk $0xffff, v41  }
0x763: {  	[tilespmem:v7+s9+$0x0] =	vst.idx.add.f32.msk $0xffff, v9;
	v7 =	vshrl.u32 v31, $0x10;
	v9 =	vmul.f32 v10, v47  }
0x764: {  	v43 =	vshrl.u32 v29, $0x10;
	[tilespmem:v30+s9+$0x0] =	vst.idx.add.f32.msk $0xffff, v42;
	v10 =	vmul.f32 v36, v48  }
0x765: {  	v44 =	vmul.f32 v57, v46;
	[tilespmem:v8+s9+$0x0] =	vst.idx.add.f32.msk $0xffff, v9;
	v8 =	vshrl.u32 v33, $0x10  }
0x766: {  	v9 =	vmul.f32 v59, v50;
	[tilespmem:v6+s9+$0x0] =	vst.idx.add.f32.msk $0xffff, v10;
	v6 =	vshrl.u32 v35, $0x10  }
0x767: {  	[tilespmem:v40+s9+$0x0] =	vst.idx.add.f32.msk $0xffff, v44;
	v45 =	vmul.f32 v54, v49;
	v10 =	vshrl.u32 v37, $0x10  }
0x768: {  	[tilespmem:v7+s9+$0x0] =	vst.idx.add.f32.msk $0xffff, v9;
	v7 =	vmul.f32 v61, v51  }
0x769: {  	[tilespmem:v43+s9+$0x0] =	vst.idx.add.f32.msk $0xffff, v45;
	v9 =	vmul.f32 v62, v52  }
0x76a: {  	v46 =	vmul.f32 v63, v53;
	[tilespmem:v8+s9+$0x0] =	vst.idx.add.f32.msk $0xffff, v7  }
0x76b: {  	s11 =	simm.s32 $0x80;
	[tilespmem:v6+s9+$0x0] =	vst.idx.add.f32.msk $0xffff, v9  }
0x76c: {  	s12 =	simm.s32 $0x400;
	s2 =	simm.s32 $0xC500;
	s13 =	simm.s32 $0x1;
	[tilespmem:v10+s9+$0x0] =	vst.idx.add.f32.msk $0xffff, v46  }
0x76d: {  	[spmem:s8] =	stream.strided.scatter [tilespmem:s2], [sflag:$0x1], $0x2800, s12, s11, $0x38;
	[tilespmem:$0x19400] =	vst v63  }
0x76e: {  	_ =	swait.ge [sflag:s13], $0x2800  }
0x76f: {  	s19 =	stileid.u32;
	[sflag:s13] =	ssyncset.done $0x0  }
0x770: {  	s8 =	smul.u32 $0x1400, s19;
	[sflag:s13] =	ssyncadd.s32 $0xFFFFD800  }
0x771: {  	s14 =	rddreg [dreg:$0x3]  }
0x772: {  	s15 =	simm.s32 $0x11500;
	[bflag:$0x0] =	sbarrier.arrive $0xFFFF;
	s0 =	sadd.s32 s8, s14  }
0x773: {  	[tilespmem:s15], [sflag:$0x1] =	stream.linear.gather [spmem:s0], $0xC00, $0x38;
	[tilespmem:$0x19400] =	vst v63  }
0x774: {  	s16 =	simm.s32 $0x12900;
	s0 =	sadd.s32 $0x14000, s0  }
0x775: {  	[tilespmem:s16], [sflag:$0x1] =	stream.linear.gather [spmem:s0], $0xC00, $0x38;
	[tilespmem:$0x19400] =	vst v63  }
0x776: {  	s17 =	simm.s32 $0x12100  }
0x777: {  	[tilespmem:s17], [sflag:$0x1] =	stream.linear.gather [spmem:s6], $0x800, $0x38;
	[tilespmem:$0x19400] =	vst v63  }
0x778: {  	s18 =	simm.s32 $0x13500  }
0x779: {  	[tilespmem:s18], [sflag:$0x1] =	stream.linear.gather [spmem:s7], $0x800, $0x38;
	[tilespmem:$0x19400] =	vst v63  }
0x77a: {  	v3 =	vld [tilespmem:$0x167A0]  }
0x77b: {  	v2 =	vld [tilespmem:$0x16820]  }
0x77c: {  	s20 =	simm.s32 $0x0;
	s9 =	simm.s32 $0x0;
	v1 =	vld [tilespmem:$0x168A0]  }
0x77d: {  	s2 =	sand.u32 $0xC00, s20;
	s0 =	sand.u32 $0x60, s9;
	v0 =	vld [tilespmem:$0x16920];
	_ =	swait.ge [sflag:s13], $0x1800  }
0x77e: {  	s3 =	sadd.s32 $0x11500, s2;
	s10 =	sor.u32 $0x10, s0;
	[sflag:s13] =	ssyncset.done $0x0  }
0x77f: {  	s21 =	sor.u32 s10, s3;
	[sflag:s13] =	ssyncadd.s32 $0xFFFFE800  }
0x780: {  	v4 =	vld [tilespmem:s21+$0x0]  }
0x781: {  	v5 =	vld [tilespmem:s21+$0x80]  }
0x782: {  	v6 =	vld [tilespmem:s21+$0x100]  }
0x783: {  	v7 =	vld [tilespmem:s21+$0x180]  }
0x784: {  	v8 =	vld [tilespmem:s21+$0x200]  }
0x785: {  	v9 =	vld [tilespmem:s21+$0x280]  }
0x786: {  	s5 =	sadd.s32 $0x12900, s2;
	v10 =	vld [tilespmem:s21+$0x300]  }
0x787: {  	s22 =	sadd.s32 $0x12980, s2;
	s23 =	sor.u32 s10, s5;
	v11 =	vld [tilespmem:s21+$0x380]  }
0x788: {  	s24 =	sadd.s32 $0x12A00, s2;
	s25 =	sor.u32 s10, s22;
	v12 =	vld [tilespmem:s23+$0x0]  }
0x789: {  	s11 =	sadd.s32 $0x12A80, s2;
	s26 =	sor.u32 s10, s24;
	v13 =	vld [tilespmem:s25+$0x0]  }
0x78a: {  	s28 =	sadd.s32 $0x12B00, s2;
	s29 =	sor.u32 s10, s11;
	v14 =	vld [tilespmem:s26+$0x0]  }
0x78b: {  	s30 =	sadd.s32 $0x12B80, s2;
	s31 =	sor.u32 s10, s28;
	v15 =	vld [tilespmem:s29+$0x0]  }
0x78c: {  	s14 =	sadd.s32 $0x12C00, s2;
	s15 =	sor.u32 s10, s30;
	v47 =	vld [tilespmem:s31+$0x0]  }
0x78d: {  	s2 =	sadd.s32 $0x12C80, s2;
	s16 =	sor.u32 s10, s14;
	v48 =	vld [tilespmem:s15+$0x0]  }
0x78e: {  	s17 =	sor.u32 s10, s2;
	v49 =	vld [tilespmem:s16+$0x0]  }
0x78f: {  	s3 =	sor.u32 s0, s3;
	v50 =	vld [tilespmem:s17+$0x0]  }
0x790: {  	v51 =	vld [tilespmem:s3+$0x0]  }
0x791: {  	v52 =	vld [tilespmem:s3+$0x80]  }
0x792: {  	v53 =	vld [tilespmem:s3+$0x100]  }
0x793: {  	v54 =	vld [tilespmem:s3+$0x180]  }
0x794: {  	v55 =	vld [tilespmem:s3+$0x200]  }
0x795: {  	v56 =	vld [tilespmem:s3+$0x280]  }
0x796: {  	v57 =	vld [tilespmem:s3+$0x300]  }
0x797: {  	s18 =	sor.u32 s0, s5;
	v58 =	vld [tilespmem:s3+$0x380]  }
0x798: {  	s20 =	sor.u32 s0, s22;
	v59 =	vld [tilespmem:s18+$0x0]  }
0x799: {  	s22 =	sor.u32 s0, s11;
	v60 =	vld [tilespmem:s20+$0x0]  }
0x79a: {  	s21 =	sor.u32 s0, s24;
	v62 =	vld [tilespmem:s22+$0x0]  }
0x79b: {  	s23 =	sor.u32 s0, s28;
	v61 =	vld [tilespmem:s21+$0x0]  }
0x79c: {  	s6 =	simm.s32 $0x100;
	s5 =	simm.s32 $0x20;
	s24 =	sor.u32 s0, s30;
	v63 =	vld [tilespmem:s23+$0x0]  }
0x79d: {  	s11 =	sand.u32 $0x60, s5;
	s25 =	sor.u32 s0, s14;
	s26 =	sand.u32 $0xC00, s6;
	v40 =	vld [tilespmem:s24+$0x0]  }
0x79e: {  	s1 =	sor.u32 $0x10, s11;
	s0 =	sor.u32 s0, s2;
	s28 =	sadd.s32 $0x11500, s26;
	v41 =	vld [tilespmem:s25+$0x0]  }
0x79f: {  	v42 =	vld [tilespmem:s0+$0x0];
	s29 =	sor.u32 s1, s28  }
0x7a0: {  	s30 =	sadd.s32 $0x12900, s26;
	v43 =	vld [tilespmem:s29+$0x0]  }
0x7a1: {  	s2 =	sor.u32 s1, s30;
	v44 =	vld [tilespmem:s29+$0x80]  }
0x7a2: {  	v45 =	vld [tilespmem:s2+$0x0];
	v4 =	vadd.f32 v5, v4;
	v5 =	vadd.f32 v7, v6  }
0x7a3: {  	v6 =	vld [tilespmem:s29+$0x100];
	v7 =	vadd.f32 v9, v8;
	v8 =	vadd.f32 v11, v10  }
0x7a4: {  	v9 =	vld [tilespmem:s29+$0x180];
	v10 =	vadd.f32 v13, v12;
	v11 =	vadd.f32 v15, v14  }
0x7a5: {  	s31 =	sadd.s32 $0x12980, s26;
	v12 =	vld [tilespmem:s29+$0x200];
	v13 =	vadd.f32 v48, v47;
	v14 =	vadd.f32 v50, v49  }
0x7a6: {  	s15 =	sadd.s32 $0x12B00, s26;
	s18 =	sor.u32 s1, s31;
	v15 =	vld [tilespmem:s29+$0x280];
	v46 =	vadd.f32 v56, v55;
	v47 =	vadd.f32 v58, v57  }
0x7a7: {  	s16 =	sadd.s32 $0x12B80, s26;
	s23 =	sor.u32 s1, s15;
	v48 =	vld [tilespmem:s18+$0x0];
	v49 =	vadd.f32 v60, v59;
	v50 =	vadd.f32 v62, v61  }
0x7a8: {  	s24 =	sor.u32 s1, s16;
	v55 =	vld [tilespmem:s23+$0x0];
	v4 =	vadd.f32 v5, v4;
	v5 =	vadd.f32 v8, v7  }
0x7a9: {  	v58 =	vld [tilespmem:s24+$0x0];
	v8 =	vadd.f32 v11, v10;
	v10 =	vadd.f32 v14, v13  }
0x7aa: {  	s14 =	sadd.s32 $0x12A00, s26;
	v7 =	vld [tilespmem:s29+$0x300];
	v13 =	vadd.f32 v52, v51;
	v14 =	vadd.f32 v54, v53  }
0x7ab: {  	s20 =	sadd.s32 $0x12A80, s26;
	s21 =	sor.u32 s1, s14;
	v11 =	vld [tilespmem:s29+$0x380];
	v52 =	vadd.f32 v40, v63;
	v53 =	vadd.f32 v42, v41  }
0x7ac: {  	s17 =	sadd.s32 $0x12C00, s26;
	s22 =	sor.u32 s1, s20;
	v51 =	vld [tilespmem:s21+$0x0];
	v56 =	vadd.f32 v50, v49;
	v13 =	vadd.f32 v14, v13  }
0x7ad: {  	s25 =	sor.u32 s1, s17;
	s18 =	sadd.s32 $0x12C80, s26;
	v54 =	vld [tilespmem:s22+$0x0];
	v14 =	vadd.f32 v47, v46;
	v57 =	vadd.f32 v53, v52  }
0x7ae: {  	s26 =	sor.u32 s1, s18;
	v4 =	vadd.f32 v5, v4;
	v5 =	vadd.f32 v10, v8;
	v8 =	vld [tilespmem:s25+$0x0]  }
0x7af: {  	s28 =	sor.u32 s11, s28;
	v6 =	vadd.f32 v9, v6;
	v10 =	vadd.f32 v14, v13;
	v14 =	vld [tilespmem:s26+$0x0]  }
0x7b0: {  	v59 =	vld [tilespmem:s28+$0x0];
	v12 =	vadd.f32 v15, v12;
	v17 =	vadd.f32 v58, v55  }
0x7b1: {  	v61 =	vld [tilespmem:s28+$0x200];
	v13 =	vadd.f32 v57, v56;
	v60 =	vadd.f32 v5, v4  }
0x7b2: {  	v5 =	vld [tilespmem:s28+$0x80];
	v4 =	vadd.f32 v44, v43;
	v7 =	vadd.f32 v11, v7  }
0x7b3: {  	v9 =	vld [tilespmem:s28+$0x100];
	v15 =	vadd.f32 v54, v51;
	v10 =	vadd.f32 v13, v10  }
0x7b4: {  	v11 =	vld [tilespmem:s28+$0x180];
	v13 =	vadd.f32 v48, v45;
	v8 =	vadd.f32 v14, v8  }
0x7b5: {  	v62 =	vadd.f32 v6, v4;
	v4 =	vld [tilespmem:s28+$0x300];
	v7 =	vadd.f32 v7, v12  }
0x7b6: {  	v12 =	vadd.f32 v15, v13;
	v14 =	vld [tilespmem:s28+$0x280];
	v8 =	vadd.f32 v8, v17  }
0x7b7: {  	s3 =	sor.u32 s11, s30;
	v6 =	vld [tilespmem:s28+$0x380];
	v13 =	vadd.f32 v5, v59  }
0x7b8: {  	s9 =	sand.u32 $0x180, s9;
	s7 =	simm.s32 $0x13D00;
	s0 =	sor.u32 s11, s31;
	v5 =	vld [tilespmem:s3+$0x0];
	v15 =	vadd.f32 v7, v62;
	v12 =	vadd.f32 v8, v12  }
0x7b9: {  	s30 =	sor.u32 s11, s20;
	s2 =	sor.u32 s11, s14;
	s29 =	sor.u32 s10, s9;
	v63 =	vadd.f32 v11, v9;
	v8 =	vld [tilespmem:s0+$0x0]  }
0x7ba: {  	s31 =	sand.u32 $0x180, s5;
	s12 =	sor.u32 s11, s17;
	s10 =	sor.u32 s11, s16;
	[tilespmem:s29+$0x13D00] =	vst v60;
	v7 =	vld [tilespmem:s2+$0x0];
	v12 =	vadd.f32 v12, v15  }
0x7bb: {  	[tilespmem:s7+$0x0] =	vst v10;
	s3 =	sor.u32 s11, s15;
	s11 =	sor.u32 s11, s18;
	v11 =	vld [tilespmem:s30+$0x0];
	v10 =	vadd.f32 v63, v13;
	s0 =	sor.u32 s1, s31;
	v9 =	vadd.f32 v14, v61  }
.LBB2_29:
0x7bc: {  	s5 =	sadd.s32 $0x20, s5;
	v13 =	vld [tilespmem:s3+$0x0];
	v4 =	vadd.f32 v6, v4;
	[tilespmem:s0+$0x13D00] =	vst v12;
	s6 =	sadd.s32 $0x100, s6  }
0x7bd: {  	s0 =	sand.u32 $0x60, s5;
	s14 =	sand.u32 $0xC00, s6;
	p0 =	slt.u32 s5, $0x160;
	v6 =	vld [tilespmem:s10+$0x0]  }
0x7be: {  	s2 =	sadd.s32 $0x11500, s14;
	s9 =	sor.u32 $0x10, s0;
	v12 =	vld [tilespmem:s12+$0x0];
	v5 =	vadd.f32 v8, v5;
	v4 =	vadd.f32 v4, v9  }
0x7bf: {  	s1 =	sor.u32 s0, s2;
	s3 =	sor.u32 s9, s2;
	v8 =	vld [tilespmem:s11+$0x0]  }
0x7c0: {  	v9 =	vld [tilespmem:s3+$0x0];
	v7 =	vadd.f32 v11, v7;
	v4 =	vadd.f32 v4, v10  }
0x7c1: {  	v10 =	vld [tilespmem:s3+$0x80]  }
0x7c2: {  	v11 =	vld [tilespmem:s3+$0x100];
	v6 =	vadd.f32 v6, v13;
	v5 =	vadd.f32 v7, v5  }
0x7c3: {  	v7 =	vld [tilespmem:s3+$0x180]  }
0x7c4: {  	v13 =	vld [tilespmem:s3+$0x200];
	v8 =	vadd.f32 v8, v12  }
0x7c5: {  	v12 =	vld [tilespmem:s3+$0x280]  }
0x7c6: {  	s7 =	sadd.s32 $0x20, s7;
	s10 =	sadd.s32 $0x12900, s14;
	v14 =	vld [tilespmem:s3+$0x300];
	v6 =	vadd.f32 v8, v6  }
0x7c7: {  	s2 =	sor.u32 s0, s10;
	s11 =	sadd.s32 $0x12980, s14;
	v8 =	vld [tilespmem:s3+$0x380];
	s3 =	sor.u32 s9, s10  }
0x7c8: {  	s13 =	sor.u32 s0, s11;
	s10 =	sadd.s32 $0x12A00, s14;
	v15 =	vld [tilespmem:s3+$0x0];
	s3 =	sor.u32 s9, s11;
	v5 =	vadd.f32 v6, v5  }
0x7c9: {  	s15 =	sor.u32 s0, s10;
	s11 =	sadd.s32 $0x12A80, s14;
	v6 =	vld [tilespmem:s3+$0x0];
	s3 =	sor.u32 s9, s10  }
0x7ca: {  	s16 =	sor.u32 s0, s11;
	s10 =	sadd.s32 $0x12B00, s14;
	s11 =	sor.u32 s9, s11;
	v16 =	vld [tilespmem:s3+$0x0];
	v4 =	vadd.f32 v5, v4  }
0x7cb: {  	s12 =	sadd.s32 $0x12B80, s14;
	s3 =	sor.u32 s0, s10;
	v5 =	vld [tilespmem:s11+$0x0];
	s11 =	sor.u32 s9, s10  }
0x7cc: {  	s17 =	sadd.s32 $0x12C00, s14;
	s10 =	sor.u32 s0, s12;
	v17 =	vld [tilespmem:s11+$0x0];
	s11 =	sor.u32 s9, s12;
	[tilespmem:s7+$0x0] =	vst v4  }
0x7cd: {  	s14 =	sadd.s32 $0x12C80, s14;
	s12 =	sor.u32 s0, s17;
	s17 =	sor.u32 s9, s17;
	v4 =	vld [tilespmem:s11+$0x0]  }
0x7ce: {  	s11 =	sor.u32 s0, s14;
	s0 =	sor.u32 s9, s14;
	v18 =	vld [tilespmem:s17+$0x0]  }
0x7cf: {  	v19 =	vld [tilespmem:s0+$0x0]  }
0x7d0: {  	v20 =	vld [tilespmem:s1+$0x0]  }
0x7d1: {  	v9 =	vadd.f32 v10, v9;
	v7 =	vadd.f32 v7, v11;
	v21 =	vld [tilespmem:s1+$0x80]  }
0x7d2: {  	v11 =	vadd.f32 v12, v13;
	v8 =	vadd.f32 v8, v14;
	v10 =	vld [tilespmem:s1+$0x100]  }
0x7d3: {  	v6 =	vadd.f32 v6, v15;
	v5 =	vadd.f32 v5, v16;
	v12 =	vld [tilespmem:s1+$0x180]  }
0x7d4: {  	v14 =	vadd.f32 v4, v17;
	v13 =	vld [tilespmem:s1+$0x200];
	v15 =	vadd.f32 v19, v18  }
0x7d5: {  	v7 =	vadd.f32 v7, v9;
	v8 =	vadd.f32 v8, v11;
	v16 =	vld [tilespmem:s1+$0x280]  }
0x7d6: {  	v9 =	vadd.f32 v5, v6;
	v4 =	vld [tilespmem:s1+$0x300];
	v11 =	vadd.f32 v15, v14  }
.Ltmp14:
0x7d7: {  	v14 =	vadd.f32 v21, v20;
	v6 =	vld [tilespmem:s1+$0x380];
	(pc) =	sbr.rel @p0 .LBB2_29-.Ltmp14, $4  }
0x7d8: {  	v15 =	vadd.f32 v8, v7;
	v5 =	vld [tilespmem:s2+$0x0];
	v11 =	vadd.f32 v11, v9  }
0x7d9: {  	v10 =	vadd.f32 v12, v10;
	v8 =	vld [tilespmem:s13+$0x0]  }
0x7da: {  	s0 =	sand.u32 $0x180, s5;
	v7 =	vld [tilespmem:s15+$0x0];
	v9 =	vadd.f32 v16, v13;
	v12 =	vadd.f32 v11, v15  }
0x7db: {  	s0 =	sor.u32 s9, s0;
	v10 =	vadd.f32 v10, v14;
	v11 =	vld [tilespmem:s16+$0x0]  }
0x7dc: {  	v13 =	vld [tilespmem:s3+$0x0]  }
0x7dd: {  	v14 =	vld [tilespmem:s10+$0x0]  }
0x7de: {  	v15 =	vld [tilespmem:s12+$0x0]  }
0x7df: {  	v16 =	vld [tilespmem:s11+$0x0];
	_ =	sdelay $0x2  }
0x7e0: {  	v4 =	vadd.f32 v6, v4  }
0x7e1: {  	v5 =	vadd.f32 v8, v5;
	v6 =	vadd.f32 v11, v7  }
0x7e2: {  	v7 =	vadd.f32 v14, v13;
	v8 =	vadd.f32 v16, v15  }
0x7e3: {  	v4 =	vadd.f32 v4, v9  }
0x7e4: {  	v5 =	vadd.f32 v6, v5;
	v6 =	vadd.f32 v8, v7;
	_ =	sdelay $0x1  }
0x7e5: {  	v4 =	vadd.f32 v4, v10;
	v5 =	vadd.f32 v6, v5;
	_ =	sdelay $0x1  }
0x7e6: {  	v4 =	vadd.f32 v5, v4  }
0x7e7: {  	[tilespmem:s0+$0x13D00] =	vst v12;
	s20 =	sadd.s32 $0x20, s7  }
0x7e8: {  	s1 =	simm.s32 $0x1;
	s2 =	simm.s32 $0xC00;
	s9 =	simm.s32 $0x180;
	[tilespmem:s20+$0x0] =	vst v4  }
0x7e9: {  	s0 =	sand.u32 $0x60, s9;
	s2 =	sand.u32 $0x1C00, s2;
	_ =	swait.ge [sflag:s1], $0x1000  }
0x7ea: {  	s21 =	sadd.s32 $0x11500, s2;
	s10 =	sor.u32 $0x10, s0;
	[sflag:s1] =	ssyncset.done $0x0  }
0x7eb: {  	s22 =	sor.u32 s10, s21;
	[sflag:s1] =	ssyncadd.s32 $0xFFFFF000  }
0x7ec: {  	v4 =	vld [tilespmem:s22+$0x0]  }
0x7ed: {  	v5 =	vld [tilespmem:s22+$0x80]  }
0x7ee: {  	v6 =	vld [tilespmem:s22+$0x100]  }
0x7ef: {  	v7 =	vld [tilespmem:s22+$0x180]  }
0x7f0: {  	v8 =	vld [tilespmem:s22+$0x200]  }
0x7f1: {  	v9 =	vld [tilespmem:s22+$0x280]  }
0x7f2: {  	s5 =	sadd.s32 $0x12900, s2;
	v10 =	vld [tilespmem:s22+$0x300]  }
0x7f3: {  	s6 =	sadd.s32 $0x12980, s2;
	s23 =	sor.u32 s10, s5;
	v11 =	vld [tilespmem:s22+$0x380]  }
0x7f4: {  	s24 =	sadd.s32 $0x12A00, s2;
	s25 =	sor.u32 s10, s6;
	v12 =	vld [tilespmem:s23+$0x0]  }
0x7f5: {  	s26 =	sadd.s32 $0x12A80, s2;
	s28 =	sor.u32 s10, s24;
	v13 =	vld [tilespmem:s25+$0x0]  }
0x7f6: {  	s29 =	sadd.s32 $0x12B00, s2;
	s30 =	sor.u32 s10, s26;
	v14 =	vld [tilespmem:s28+$0x0]  }
0x7f7: {  	s13 =	sadd.s32 $0x12B80, s2;
	s31 =	sor.u32 s10, s29;
	v15 =	vld [tilespmem:s30+$0x0]  }
0x7f8: {  	s14 =	sadd.s32 $0x12C00, s2;
	s15 =	sor.u32 s10, s13;
	v44 =	vld [tilespmem:s31+$0x0]  }
0x7f9: {  	s2 =	sadd.s32 $0x12C80, s2;
	s16 =	sor.u32 s10, s14;
	v17 =	vld [tilespmem:s15+$0x0]  }
0x7fa: {  	s17 =	sor.u32 s10, s2;
	v18 =	vld [tilespmem:s16+$0x0]  }
0x7fb: {  	s3 =	sor.u32 s0, s21;
	v19 =	vld [tilespmem:s17+$0x0]  }
0x7fc: {  	v20 =	vld [tilespmem:s3+$0x0]  }
0x7fd: {  	v21 =	vld [tilespmem:s3+$0x80]  }
0x7fe: {  	v22 =	vld [tilespmem:s3+$0x100]  }
0x7ff: {  	v23 =	vld [tilespmem:s3+$0x180]  }
0x800: {  	v24 =	vld [tilespmem:s3+$0x200]  }
0x801: {  	v25 =	vld [tilespmem:s3+$0x280]  }
0x802: {  	v26 =	vld [tilespmem:s3+$0x300]  }
0x803: {  	s18 =	sor.u32 s0, s5;
	v27 =	vld [tilespmem:s3+$0x380]  }
0x804: {  	s20 =	sor.u32 s0, s6;
	v28 =	vld [tilespmem:s18+$0x0]  }
0x805: {  	s21 =	sor.u32 s0, s24;
	v29 =	vld [tilespmem:s20+$0x0]  }
0x806: {  	s24 =	sor.u32 s0, s13;
	v30 =	vld [tilespmem:s21+$0x0]  }
0x807: {  	s22 =	sor.u32 s0, s26;
	v33 =	vld [tilespmem:s24+$0x0]  }
0x808: {  	s5 =	simm.s32 $0x1A0;
	s6 =	simm.s32 $0xD00;
	s23 =	sor.u32 s0, s29;
	v31 =	vld [tilespmem:s22+$0x0]  }
0x809: {  	s11 =	sand.u32 $0x60, s5;
	s25 =	sor.u32 s0, s14;
	s26 =	sand.u32 $0x1C00, s6;
	v32 =	vld [tilespmem:s23+$0x0]  }
0x80a: {  	s1 =	sor.u32 $0x10, s11;
	s0 =	sor.u32 s0, s2;
	s28 =	sadd.s32 $0x11500, s26;
	v34 =	vld [tilespmem:s25+$0x0]  }
0x80b: {  	v35 =	vld [tilespmem:s0+$0x0];
	s29 =	sor.u32 s1, s28  }
0x80c: {  	s30 =	sadd.s32 $0x12900, s26;
	v36 =	vld [tilespmem:s29+$0x0]  }
0x80d: {  	s31 =	sadd.s32 $0x12980, s26;
	s2 =	sor.u32 s1, s30;
	v37 =	vld [tilespmem:s29+$0x80]  }
0x80e: {  	s14 =	sadd.s32 $0x12A00, s26;
	s18 =	sor.u32 s1, s31;
	v45 =	vld [tilespmem:s2+$0x0];
	v4 =	vadd.f32 v5, v4;
	v5 =	vadd.f32 v7, v6  }
0x80f: {  	s20 =	sadd.s32 $0x12A80, s26;
	s21 =	sor.u32 s1, s14;
	v48 =	vld [tilespmem:s18+$0x0];
	v7 =	vadd.f32 v9, v8;
	v8 =	vadd.f32 v11, v10  }
0x810: {  	s15 =	sadd.s32 $0x12B00, s26;
	s22 =	sor.u32 s1, s20;
	v51 =	vld [tilespmem:s21+$0x0];
	v10 =	vadd.f32 v13, v12;
	v11 =	vadd.f32 v15, v14  }
0x811: {  	s16 =	sadd.s32 $0x12B80, s26;
	s23 =	sor.u32 s1, s15;
	v54 =	vld [tilespmem:s22+$0x0];
	v13 =	vadd.f32 v17, v44;
	v14 =	vadd.f32 v19, v18  }
0x812: {  	s24 =	sor.u32 s1, s16;
	v55 =	vld [tilespmem:s23+$0x0];
	v46 =	vadd.f32 v25, v24;
	v47 =	vadd.f32 v27, v26  }
0x813: {  	v58 =	vld [tilespmem:s24+$0x0];
	v49 =	vadd.f32 v29, v28;
	v50 =	vadd.f32 v31, v30  }
0x814: {  	v6 =	vld [tilespmem:s29+$0x100];
	v52 =	vadd.f32 v33, v32;
	v53 =	vadd.f32 v35, v34  }
0x815: {  	v9 =	vld [tilespmem:s29+$0x180];
	v4 =	vadd.f32 v5, v4;
	v5 =	vadd.f32 v8, v7  }
0x816: {  	v12 =	vld [tilespmem:s29+$0x200];
	v8 =	vadd.f32 v11, v10;
	v10 =	vadd.f32 v14, v13  }
0x817: {  	v15 =	vld [tilespmem:s29+$0x280];
	v13 =	vadd.f32 v21, v20;
	v14 =	vadd.f32 v23, v22  }
0x818: {  	s17 =	sadd.s32 $0x12C00, s26;
	v7 =	vld [tilespmem:s29+$0x300];
	v56 =	vadd.f32 v50, v49;
	v57 =	vadd.f32 v53, v52  }
0x819: {  	s25 =	sor.u32 s1, s17;
	s18 =	sadd.s32 $0x12C80, s26;
	v11 =	vld [tilespmem:s29+$0x380];
	v13 =	vadd.f32 v14, v13;
	v14 =	vadd.f32 v47, v46  }
0x81a: {  	s26 =	sor.u32 s1, s18;
	v4 =	vadd.f32 v5, v4;
	v5 =	vadd.f32 v10, v8;
	v8 =	vld [tilespmem:s25+$0x0]  }
0x81b: {  	s28 =	sor.u32 s11, s28;
	v17 =	vadd.f32 v58, v55;
	v10 =	vadd.f32 v14, v13;
	v14 =	vld [tilespmem:s26+$0x0]  }
0x81c: {  	v59 =	vld [tilespmem:s28+$0x0];
	v6 =	vadd.f32 v9, v6;
	v12 =	vadd.f32 v15, v12  }
0x81d: {  	v61 =	vld [tilespmem:s28+$0x200];
	v15 =	vadd.f32 v54, v51;
	v13 =	vadd.f32 v57, v56  }
0x81e: {  	v60 =	vadd.f32 v5, v4;
	v5 =	vld [tilespmem:s28+$0x80];
	v4 =	vadd.f32 v37, v36  }
0x81f: {  	v9 =	vld [tilespmem:s28+$0x100];
	v7 =	vadd.f32 v11, v7;
	v10 =	vadd.f32 v13, v10  }
0x820: {  	v11 =	vld [tilespmem:s28+$0x180];
	v13 =	vadd.f32 v48, v45;
	v8 =	vadd.f32 v14, v8  }
0x821: {  	v62 =	vadd.f32 v6, v4;
	v4 =	vld [tilespmem:s28+$0x300];
	v7 =	vadd.f32 v7, v12  }
0x822: {  	v12 =	vadd.f32 v15, v13;
	v14 =	vld [tilespmem:s28+$0x280];
	v8 =	vadd.f32 v8, v17  }
0x823: {  	s3 =	sor.u32 s11, s30;
	v6 =	vld [tilespmem:s28+$0x380];
	v13 =	vadd.f32 v5, v59  }
0x824: {  	s7 =	simm.s32 $0x13E80;
	s9 =	sand.u32 $0x380, s9;
	s0 =	sor.u32 s11, s31;
	v5 =	vld [tilespmem:s3+$0x0];
	v15 =	vadd.f32 v7, v62;
	v12 =	vadd.f32 v8, v12  }
0x825: {  	s30 =	sor.u32 s11, s20;
	s2 =	sor.u32 s11, s14;
	s29 =	sor.u32 s10, s9;
	v63 =	vadd.f32 v11, v9;
	v8 =	vld [tilespmem:s0+$0x0]  }
0x826: {  	s31 =	sand.u32 $0x380, s5;
	s12 =	sor.u32 s11, s17;
	s10 =	sor.u32 s11, s16;
	[tilespmem:s29+$0x13D00] =	vst v60;
	v7 =	vld [tilespmem:s2+$0x0];
	v12 =	vadd.f32 v12, v15  }
0x827: {  	[tilespmem:s7+$0x0] =	vst v10;
	s3 =	sor.u32 s11, s15;
	s11 =	sor.u32 s11, s18;
	v11 =	vld [tilespmem:s30+$0x0];
	v10 =	vadd.f32 v63, v13;
	s0 =	sor.u32 s1, s31;
	v9 =	vadd.f32 v14, v61  }
.LBB2_31:
0x828: {  	s5 =	sadd.s32 $0x20, s5;
	v13 =	vld [tilespmem:s3+$0x0];
	v4 =	vadd.f32 v6, v4;
	[tilespmem:s0+$0x13D00] =	vst v12;
	s6 =	sadd.s32 $0x100, s6  }
0x829: {  	s0 =	sand.u32 $0x60, s5;
	s14 =	sand.u32 $0x1C00, s6;
	p0 =	slt.u32 s5, $0x260;
	v6 =	vld [tilespmem:s10+$0x0]  }
0x82a: {  	s2 =	sadd.s32 $0x11500, s14;
	s9 =	sor.u32 $0x10, s0;
	v12 =	vld [tilespmem:s12+$0x0];
	v5 =	vadd.f32 v8, v5;
	v4 =	vadd.f32 v4, v9  }
0x82b: {  	s1 =	sor.u32 s0, s2;
	s3 =	sor.u32 s9, s2;
	v8 =	vld [tilespmem:s11+$0x0]  }
0x82c: {  	v9 =	vld [tilespmem:s3+$0x0];
	v7 =	vadd.f32 v11, v7;
	v4 =	vadd.f32 v4, v10  }
0x82d: {  	v10 =	vld [tilespmem:s3+$0x80]  }
0x82e: {  	v11 =	vld [tilespmem:s3+$0x100];
	v6 =	vadd.f32 v6, v13;
	v5 =	vadd.f32 v7, v5  }
0x82f: {  	v7 =	vld [tilespmem:s3+$0x180]  }
0x830: {  	v13 =	vld [tilespmem:s3+$0x200];
	v8 =	vadd.f32 v8, v12  }
0x831: {  	v12 =	vld [tilespmem:s3+$0x280]  }
0x832: {  	s7 =	sadd.s32 $0x20, s7;
	s10 =	sadd.s32 $0x12900, s14;
	v14 =	vld [tilespmem:s3+$0x300];
	v6 =	vadd.f32 v8, v6  }
0x833: {  	s2 =	sor.u32 s0, s10;
	s11 =	sadd.s32 $0x12980, s14;
	v8 =	vld [tilespmem:s3+$0x380];
	s3 =	sor.u32 s9, s10  }
0x834: {  	s13 =	sor.u32 s0, s11;
	s10 =	sadd.s32 $0x12A00, s14;
	v15 =	vld [tilespmem:s3+$0x0];
	s3 =	sor.u32 s9, s11;
	v5 =	vadd.f32 v6, v5  }
0x835: {  	s15 =	sor.u32 s0, s10;
	s11 =	sadd.s32 $0x12A80, s14;
	v6 =	vld [tilespmem:s3+$0x0];
	s3 =	sor.u32 s9, s10  }
0x836: {  	s16 =	sor.u32 s0, s11;
	s10 =	sadd.s32 $0x12B00, s14;
	s11 =	sor.u32 s9, s11;
	v16 =	vld [tilespmem:s3+$0x0];
	v4 =	vadd.f32 v5, v4  }
0x837: {  	s12 =	sadd.s32 $0x12B80, s14;
	s3 =	sor.u32 s0, s10;
	v5 =	vld [tilespmem:s11+$0x0];
	s11 =	sor.u32 s9, s10  }
0x838: {  	s17 =	sadd.s32 $0x12C00, s14;
	s10 =	sor.u32 s0, s12;
	v17 =	vld [tilespmem:s11+$0x0];
	s11 =	sor.u32 s9, s12;
	[tilespmem:s7+$0x0] =	vst v4  }
0x839: {  	s14 =	sadd.s32 $0x12C80, s14;
	s12 =	sor.u32 s0, s17;
	s17 =	sor.u32 s9, s17;
	v4 =	vld [tilespmem:s11+$0x0]  }
0x83a: {  	s11 =	sor.u32 s0, s14;
	s0 =	sor.u32 s9, s14;
	v18 =	vld [tilespmem:s17+$0x0]  }
0x83b: {  	v19 =	vld [tilespmem:s0+$0x0]  }
0x83c: {  	v20 =	vld [tilespmem:s1+$0x0]  }
0x83d: {  	v9 =	vadd.f32 v10, v9;
	v7 =	vadd.f32 v7, v11;
	v21 =	vld [tilespmem:s1+$0x80]  }
0x83e: {  	v11 =	vadd.f32 v12, v13;
	v8 =	vadd.f32 v8, v14;
	v10 =	vld [tilespmem:s1+$0x100]  }
0x83f: {  	v6 =	vadd.f32 v6, v15;
	v5 =	vadd.f32 v5, v16;
	v12 =	vld [tilespmem:s1+$0x180]  }
0x840: {  	v14 =	vadd.f32 v4, v17;
	v13 =	vld [tilespmem:s1+$0x200];
	v15 =	vadd.f32 v19, v18  }
0x841: {  	v7 =	vadd.f32 v7, v9;
	v8 =	vadd.f32 v8, v11;
	v16 =	vld [tilespmem:s1+$0x280]  }
0x842: {  	v9 =	vadd.f32 v5, v6;
	v4 =	vld [tilespmem:s1+$0x300];
	v11 =	vadd.f32 v15, v14  }
.Ltmp15:
0x843: {  	v14 =	vadd.f32 v21, v20;
	v6 =	vld [tilespmem:s1+$0x380];
	(pc) =	sbr.rel @p0 .LBB2_31-.Ltmp15, $4  }
0x844: {  	v15 =	vadd.f32 v8, v7;
	v5 =	vld [tilespmem:s2+$0x0];
	v11 =	vadd.f32 v11, v9  }
0x845: {  	v10 =	vadd.f32 v12, v10;
	v8 =	vld [tilespmem:s13+$0x0]  }
0x846: {  	s0 =	sand.u32 $0x380, s5;
	v7 =	vld [tilespmem:s15+$0x0];
	v9 =	vadd.f32 v16, v13;
	v12 =	vadd.f32 v11, v15  }
0x847: {  	s0 =	sor.u32 s9, s0;
	v10 =	vadd.f32 v10, v14;
	v11 =	vld [tilespmem:s16+$0x0]  }
0x848: {  	v13 =	vld [tilespmem:s3+$0x0]  }
0x849: {  	v14 =	vld [tilespmem:s10+$0x0]  }
0x84a: {  	(v2sf) =	vpush v3, $0x0;
	v3 =	vld [tilespmem:s12+$0x0]  }
0x84b: {  	v15 =	vld [tilespmem:s11+$0x0]  }
0x84c: {  	(v2sf) =	vpush v2, $0x0;
	_ =	sdelay $0x1  }
0x84d: {  	v2 =	vadd.f32 v6, v4  }
0x84e: {  	v4 =	vadd.f32 v8, v5;
	v5 =	vadd.f32 v11, v7  }
0x84f: {  	v6 =	vadd.f32 v14, v13;
	v3 =	vadd.f32 v15, v3  }
0x850: {  	v2 =	vadd.f32 v2, v9  }
0x851: {  	v4 =	vadd.f32 v5, v4;
	v3 =	vadd.f32 v3, v6;
	_ =	sdelay $0x1  }
0x852: {  	v2 =	vadd.f32 v2, v10;
	v3 =	vadd.f32 v3, v4;
	_ =	sdelay $0x1  }
0x853: {  	v2 =	vadd.f32 v3, v2  }
0x854: {  	[tilespmem:s0+$0x13D00] =	vst v12;
	s25 =	sadd.s32 $0x20, s7  }
0x855: {  	s26 =	simm.s32 $0x13D00;
	[tilespmem:s25+$0x0] =	vst v2  }
0x856: {  	[spmem:s4] =	stream.linear.scatter [tilespmem:s26], [sflag:$0x2], $0x280, $0x38;
	[tilespmem:$0x19400] =	vst v63  }
0x857: {  	s1 =	spop (v2sf)  }
0x858: {  	s2 =	simm.s32 $0x2;
	s28 =	spop (v2sf)  }
0x859: {  	s1 =	sshll.u32 s1, $0x2;
	_ =	swait.ge [sflag:s2], $0x280  }
0x85a: {  	s1 =	sadd.s32 $0x80, s1;
	[sflag:s2] =	ssyncset.done $0x0  }
0x85b: {  	s29 =	simm.s32 $0x13D20;
	s1 =	sshra.s32 s1, $0x2;
	[sflag:s2] =	ssyncadd.s32 $0xFFFFFD80  }
0x85c: {  	s30 =	sadd.s32 $0x13F80, s1;
	v4 =	vld [tilespmem:s29+$0x10]  }
0x85d: {  	v2 =	vld [tilespmem:s30+$0x10]  }
0x85e: {  	v3 =	vld [tilespmem:s29+$0xFFFFFFF0]  }
0x85f: {  	v6 =	vld [tilespmem:s29+$0x0]  }
0x860: {  	v7 =	vld [tilespmem:s29+$0xFFFFFFE0]  }
0x861: {  	v1 =	vbroadcast v1, $0x0;
	v8 =	vld [tilespmem:s30+$0xFFFFFFE0]  }
0x862: {  	v9 =	vld [tilespmem:s30+$0xFFFFFFF0]  }
0x863: {  	s31 =	simm.s32 $0x13D60;
	v10 =	vld [tilespmem:s30+$0x0];
	v5 =	vmul.f32 v4, v1  }
0x864: {  	v12 =	vld [tilespmem:s31+$0xFFFFFFF0]  }
0x865: {  	s0 =	sshll.u32 s28, $0x2;
	v2 =	vadd.f32 v5, v2;
	v5 =	vld [tilespmem:s31+$0x10]  }
0x866: {  	s0 =	sadd.s32 $0x80, s0;
	s1 =	sadd.s32 $0x40, s30;
	v15 =	vld [tilespmem:s31+$0x0]  }
0x867: {  	s0 =	sshra.s32 s0, $0x2;
	v13 =	vld [tilespmem:s1+$0x10]  }
0x868: {  	s4 =	sadd.s32 $0x13F80, s0;
	v17 =	vld [tilespmem:s31+$0xFFFFFFE0];
	v14 =	vmul.f32 v7, v1;
	[tilespmem:s30+$0x10] =	vst v2  }
0x869: {  	v16 =	vmul.f32 v3, v1;
	v2 =	vbroadcast v0, $0x0;
	v11 =	vld [tilespmem:s4+$0x10]  }
0x86a: {  	v18 =	vld [tilespmem:s1+$0xFFFFFFE0];
	v8 =	vadd.f32 v14, v8;
	v14 =	vmul.f32 v5, v1  }
0x86b: {  	v20 =	vld [tilespmem:s1+$0xFFFFFFF0];
	v19 =	vmul.f32 v6, v1;
	v9 =	vadd.f32 v16, v9;
	v0 =	vmul.f32 v3, v2  }
0x86c: {  	[tilespmem:s30+$0xFFFFFFE0] =	vst v8;
	v8 =	vld [tilespmem:s1+$0x0];
	v3 =	vmul.f32 v6, v2;
	v6 =	vmul.f32 v4, v2;
	v13 =	vadd.f32 v14, v13  }
0x86d: {  	v16 =	vmul.f32 v17, v1;
	[tilespmem:s30+$0xFFFFFFF0] =	vst v9;
	v9 =	vld [tilespmem:s4+$0xFFFFFFE0];
	v4 =	vmul.f32 v7, v2;
	v7 =	vadd.f32 v19, v10  }
0x86e: {  	s5 =	sadd.s32 $0x40, s4;
	v19 =	vmul.f32 v12, v1;
	v10 =	vld [tilespmem:s4+$0xFFFFFFF0];
	v11 =	vadd.f32 v11, v6;
	[tilespmem:s1+$0x10] =	vst v13  }
0x86f: {  	v16 =	vadd.f32 v16, v18;
	[tilespmem:s30+$0x0] =	vst v7;
	v14 =	vmul.f32 v15, v1;
	v6 =	vmul.f32 v12, v2;
	v12 =	vld [tilespmem:s5+$0x10]  }
0x870: {  	s2 =	simm.s32 $0x13DA0;
	s0 =	simm.s32 $0x40;
	s3 =	smov.u32 s1;
	v7 =	vmul.f32 v15, v2;
	v15 =	vadd.f32 v19, v20;
	v13 =	vld [tilespmem:s4+$0x0];
	[tilespmem:s4+$0x10] =	vst v11;
	v11 =	vmul.f32 v17, v2  }
.LBB2_33:
0x871: {  	v17 =	vld [tilespmem:s2+$0x10];
	s0 =	sadd.s32 $0x40, s0;
	v8 =	vadd.f32 v14, v8  }
0x872: {  	v5 =	vmul.f32 v5, v2;
	s3 =	sadd.s32 $0x40, s3;
	v14 =	vld [tilespmem:s2+$0xFFFFFFF0];
	p0 =	slt.u32 s0, $0x240;
	[tilespmem:s1+$0xFFFFFFE0] =	vst v16;
	v9 =	vadd.f32 v9, v4;
	v4 =	vmov v11  }
0x873: {  	v11 =	vld [tilespmem:s3+$0x10];
	[tilespmem:s1+$0xFFFFFFF0] =	vst v15;
	v10 =	vadd.f32 v10, v0;
	v0 =	vmov v6  }
0x874: {  	v15 =	vld [tilespmem:s2+$0x0];
	[tilespmem:s1+$0x0] =	vst v8;
	v6 =	vadd.f32 v12, v5;
	s1 =	smov.u32 s3  }
0x875: {  	v12 =	vld [tilespmem:s2+$0xFFFFFFE0];
	[tilespmem:s4+$0xFFFFFFE0] =	vst v9;
	v9 =	vadd.f32 v13, v3;
	v3 =	vmov v7  }
0x876: {  	v13 =	vld [tilespmem:s3+$0xFFFFFFE0];
	v7 =	vmul.f32 v17, v1;
	[tilespmem:s5+$0x10] =	vst v6;
	v5 =	vmov v17  }
0x877: {  	v17 =	vld [tilespmem:s3+$0xFFFFFFF0];
	v18 =	vmul.f32 v14, v1;
	v6 =	vmul.f32 v14, v2;
	[tilespmem:s4+$0xFFFFFFF0] =	vst v10  }
.Ltmp16:
0x878: {  	v8 =	vld [tilespmem:s3+$0x0];
	v10 =	vadd.f32 v7, v11;
	[tilespmem:s4+$0x0] =	vst v9;
	s4 =	smov.u32 s5;
	(pc) =	sbr.rel @p0 .LBB2_33-.Ltmp16, $4  }
0x879: {  	v14 =	vmul.f32 v15, v1;
	v7 =	vmul.f32 v15, v2;
	v9 =	vld [tilespmem:s5+$0xFFFFFFE0]  }
0x87a: {  	s5 =	sadd.s32 $0x40, s5;
	v15 =	vmul.f32 v12, v1;
	v11 =	vmul.f32 v12, v2;
	[tilespmem:s3+$0x10] =	vst v10;
	v10 =	vld [tilespmem:s4+$0xFFFFFFF0]  }
0x87b: {  	v12 =	vld [tilespmem:s5+$0x10]  }
0x87c: {  	s2 =	sadd.s32 $0x40, s2;
	v16 =	vadd.f32 v15, v13;
	v15 =	vadd.f32 v18, v17;
	v13 =	vld [tilespmem:s4+$0x0]  }
0x87d: {  	_ = 	snop  }
0x87e: {  	v1 =	vadd.f32 v14, v8;
	[tilespmem:s1+$0xFFFFFFE0] =	vst v16  }
0x87f: {  	[tilespmem:s1+$0xFFFFFFF0] =	vst v15;
	v59 =	vld [tilespmem:s5+$0xFFFFFFE0]  }
0x880: {  	v2 =	vmul.f32 v5, v2;
	v4 =	vadd.f32 v9, v4;
	[tilespmem:s1+$0x0] =	vst v1;
	v60 =	vld [tilespmem:s5+$0xFFFFFFF0]  }
0x881: {  	v0 =	vadd.f32 v10, v0;
	v61 =	vld [tilespmem:s5+$0x0]  }
0x882: {  	v2 =	vadd.f32 v12, v2;
	[tilespmem:s4+$0xFFFFFFE0] =	vst v4  }
0x883: {  	v3 =	vadd.f32 v13, v3;
	[tilespmem:s4+$0xFFFFFFF0] =	vst v0  }
0x884: {  	[tilespmem:s5+$0x10] =	vst v2;
	v62 =	vadd.f32 v59, v11  }
0x885: {  	[tilespmem:s4+$0x0] =	vst v3;
	v1 =	vadd.f32 v60, v6  }
0x886: {  	v63 =	vadd.f32 v61, v7;
	[tilespmem:s5+$0xFFFFFFE0] =	vst v62  }
0x887: {  	[tilespmem:s5+$0xFFFFFFF0] =	vst v1  }
0x888: {  	[tilespmem:s5+$0x0] =	vst v63  }
0x889: {  	[bflag:$0x0] =	sbarrier.arrive $0xFFFF  }
0x88a: {  	s0 =	simm.s32 $0x9D00;
	s1 =	simm.s32 $0x2;
	s22 =	rddreg [dreg:$0x4]  }
0x88b: {  	[tilespmem:s0], [sflag:$0x2] =	stream.linear.gather [spmem:s22], $0x2800, $0x38;
	[tilespmem:$0x19400] =	vst v63  }
0x88c: {  	s23 =	sshrl.u32 s8, $0x3;
	s24 =	simm.s32 $0x13F80;
	_ =	swait.ge [sflag:s1], $0x2800  }
0x88d: {  	s4 =	simm.s32 $0x400;
	[sflag:s1] =	ssyncset.done $0x0;
	s2 =	rddreg [dreg:$0x6]  }
0x88e: {  	s3 =	sadd.s32 s2, s23;
	[sflag:s1] =	ssyncadd.s32 $0xFFFFD800;
	s2 =	simm.s32 $0x80  }
0x88f: {  	[hbm4b:s3+s2] =	stream.strided.scatter [tilespmem:s24], [sflag:$0x2], $0x280, s4, s2, $0x38;
	[tilespmem:$0x19400] =	vst v63  }
0x890: {  	_ =	swait.ge [sflag:s1], $0x280  }
0x891: {  	[sflag:s1] =	ssyncset.done $0x0  }
0x892: {  	s26 =	simm.s32 $0x14200;
	s25 =	sadd.s32 $0x10, s3;
	[sflag:s1] =	ssyncadd.s32 $0xFFFFFD80  }
0x893: {  	[hbm4b:s25+s2] =	stream.strided.scatter [tilespmem:s26], [sflag:$0x2], $0x280, s4, s2, $0x38;
	[tilespmem:$0x19400] =	vst v63  }
0x894: {  	_ =	swait.ge [sflag:s1], $0x280  }
0x895: {  	[sflag:s1] =	ssyncset.done $0x0  }
0x896: {  	s29 =	simm.s32 $0x14480;
	s28 =	sadd.s32 $0x20, s3;
	[sflag:s1] =	ssyncadd.s32 $0xFFFFFD80  }
0x897: {  	[hbm4b:s28+s2] =	stream.strided.scatter [tilespmem:s29], [sflag:$0x2], $0x280, s4, s2, $0x38;
	[tilespmem:$0x19400] =	vst v63  }
0x898: {  	_ =	swait.ge [sflag:s1], $0x280  }
0x899: {  	[sflag:s1] =	ssyncset.done $0x0  }
0x89a: {  	s31 =	simm.s32 $0x14700;
	s30 =	sadd.s32 $0x30, s3;
	[sflag:s1] =	ssyncadd.s32 $0xFFFFFD80  }
0x89b: {  	[hbm4b:s30+s2] =	stream.strided.scatter [tilespmem:s31], [sflag:$0x2], $0x280, s4, s2, $0x38;
	[tilespmem:$0x19400] =	vst v63  }
0x89c: {  	_ =	swait.ge [sflag:s1], $0x280  }
0x89d: {  	[sflag:s1] =	ssyncset.done $0x0  }
0x89e: {  	s7 =	simm.s32 $0x14980;
	s6 =	sadd.s32 $0x40, s3;
	[sflag:s1] =	ssyncadd.s32 $0xFFFFFD80  }
0x89f: {  	[hbm4b:s6+s2] =	stream.strided.scatter [tilespmem:s7], [sflag:$0x2], $0x280, s4, s2, $0x38;
	[tilespmem:$0x19400] =	vst v63  }
0x8a0: {  	_ =	swait.ge [sflag:s1], $0x280  }
0x8a1: {  	[sflag:s1] =	ssyncset.done $0x0  }
0x8a2: {  	s9 =	simm.s32 $0x14C00;
	s8 =	sadd.s32 $0x50, s3;
	[sflag:s1] =	ssyncadd.s32 $0xFFFFFD80  }
0x8a3: {  	[hbm4b:s8+s2] =	stream.strided.scatter [tilespmem:s9], [sflag:$0x2], $0x280, s4, s2, $0x38;
	[tilespmem:$0x19400] =	vst v63  }
0x8a4: {  	_ =	swait.ge [sflag:s1], $0x280  }
0x8a5: {  	[sflag:s1] =	ssyncset.done $0x0  }
0x8a6: {  	s11 =	simm.s32 $0x14E80;
	s10 =	sadd.s32 $0x60, s3;
	[sflag:s1] =	ssyncadd.s32 $0xFFFFFD80  }
0x8a7: {  	[hbm4b:s10+s2] =	stream.strided.scatter [tilespmem:s11], [sflag:$0x2], $0x280, s4, s2, $0x38;
	[tilespmem:$0x19400] =	vst v63  }
0x8a8: {  	_ =	swait.ge [sflag:s1], $0x280  }
0x8a9: {  	[sflag:s1] =	ssyncset.done $0x0  }
0x8aa: {  	s13 =	simm.s32 $0x15100;
	s12 =	sadd.s32 $0x70, s3;
	[sflag:s1] =	ssyncadd.s32 $0xFFFFFD80  }
0x8ab: {  	[hbm4b:s12+s2] =	stream.strided.scatter [tilespmem:s13], [sflag:$0x2], $0x280, s4, s2, $0x38;
	[tilespmem:$0x19400] =	vst v63  }
0x8ac: {  	_ =	swait.ge [sflag:s1], $0x280  }
0x8ad: {  	[sflag:s1] =	ssyncset.done $0x0  }
0x8ae: {  	s15 =	simm.s32 $0x15380;
	s14 =	sadd.s32 $0x2800, s3;
	[sflag:s1] =	ssyncadd.s32 $0xFFFFFD80  }
0x8af: {  	[hbm4b:s14+s2] =	stream.strided.scatter [tilespmem:s15], [sflag:$0x2], $0x280, s4, s2, $0x38;
	[tilespmem:$0x19400] =	vst v63  }
0x8b0: {  	_ =	swait.ge [sflag:s1], $0x280  }
0x8b1: {  	[sflag:s1] =	ssyncset.done $0x0  }
0x8b2: {  	s17 =	simm.s32 $0x15600;
	s16 =	sadd.s32 $0x2810, s3;
	[sflag:s1] =	ssyncadd.s32 $0xFFFFFD80  }
0x8b3: {  	[hbm4b:s16+s2] =	stream.strided.scatter [tilespmem:s17], [sflag:$0x2], $0x280, s4, s2, $0x38;
	[tilespmem:$0x19400] =	vst v63  }
0x8b4: {  	_ =	swait.ge [sflag:s1], $0x280  }
0x8b5: {  	[sflag:s1] =	ssyncset.done $0x0  }
0x8b6: {  	s20 =	simm.s32 $0x15880;
	s18 =	sadd.s32 $0x2820, s3;
	[sflag:s1] =	ssyncadd.s32 $0xFFFFFD80  }
0x8b7: {  	[hbm4b:s18+s2] =	stream.strided.scatter [tilespmem:s20], [sflag:$0x2], $0x280, s4, s2, $0x38;
	[tilespmem:$0x19400] =	vst v63  }
0x8b8: {  	_ =	swait.ge [sflag:s1], $0x280  }
0x8b9: {  	[sflag:s1] =	ssyncset.done $0x0  }
0x8ba: {  	s22 =	simm.s32 $0x15B00;
	s21 =	sadd.s32 $0x2830, s3;
	[sflag:s1] =	ssyncadd.s32 $0xFFFFFD80  }
0x8bb: {  	[hbm4b:s21+s2] =	stream.strided.scatter [tilespmem:s22], [sflag:$0x2], $0x280, s4, s2, $0x38;
	[tilespmem:$0x19400] =	vst v63  }
0x8bc: {  	_ =	swait.ge [sflag:s1], $0x280  }
0x8bd: {  	[sflag:s1] =	ssyncset.done $0x0  }
0x8be: {  	s23 =	sadd.s32 $0x2840, s3;
	s24 =	simm.s32 $0x15D80;
	[sflag:s1] =	ssyncadd.s32 $0xFFFFFD80  }
0x8bf: {  	[hbm4b:s23+s2] =	stream.strided.scatter [tilespmem:s24], [sflag:$0x2], $0x280, s4, s2, $0x38;
	[tilespmem:$0x19400] =	vst v63  }
0x8c0: {  	_ =	swait.ge [sflag:s1], $0x280  }
0x8c1: {  	[sflag:s1] =	ssyncset.done $0x0  }
0x8c2: {  	s25 =	sadd.s32 $0x2850, s3;
	s26 =	simm.s32 $0x16000;
	[sflag:s1] =	ssyncadd.s32 $0xFFFFFD80  }
0x8c3: {  	[hbm4b:s25+s2] =	stream.strided.scatter [tilespmem:s26], [sflag:$0x2], $0x280, s4, s2, $0x38;
	[tilespmem:$0x19400] =	vst v63  }
0x8c4: {  	_ =	swait.ge [sflag:s1], $0x280  }
0x8c5: {  	[sflag:s1] =	ssyncset.done $0x0  }
0x8c6: {  	s28 =	sadd.s32 $0x2860, s3;
	s29 =	simm.s32 $0x16280;
	[sflag:s1] =	ssyncadd.s32 $0xFFFFFD80  }
0x8c7: {  	[hbm4b:s28+s2] =	stream.strided.scatter [tilespmem:s29], [sflag:$0x2], $0x280, s4, s2, $0x38;
	[tilespmem:$0x19400] =	vst v63  }
0x8c8: {  	_ =	swait.ge [sflag:s1], $0x280  }
0x8c9: {  	[sflag:s1] =	ssyncset.done $0x0  }
0x8ca: {  	s30 =	sadd.s32 $0x2870, s3;
	s31 =	simm.s32 $0x16500;
	[sflag:s1] =	ssyncadd.s32 $0xFFFFFD80  }
0x8cb: {  	[hbm4b:s30+s2] =	stream.strided.scatter [tilespmem:s31], [sflag:$0x2], $0x280, s4, s2, $0x38;
	[tilespmem:$0x19400] =	vst v63  }
0x8cc: {  	_ =	swait.ge [sflag:s1], $0x280  }
0x8cd: {  	[sflag:s1] =	ssyncset.done $0x0  }
0x8ce: {  	[sflag:s1] =	ssyncadd.s32 $0xFFFFFD80  }
0x8cf: {  	_ =	sfence.sel $0x180000  }
0x8d0: {  	[bflag:$0x0] =	sbarrier.arrive $0xFFFF  }
0x8d1: {  	_ =	strace $0x90000047  }
0x8d2: {  	[bflag:$0x2] =	sbarrier.arrive $0xFFFF  }
0x8d3: {  	p0 =	sne.s32 s19, $0x0;
	s0 =	rddreg [dreg:$0x5]  }
0x8d4: {  	s0 =	sadd.s32 @!p0 $0x100000, s0  }
0x8d5: {  	[sflag:s0] =	ssyncadd.tile.s32 @!p0 $0x1;
	_ =	shalt  }
.Lfunc_end2:
_tile_overlayer_lowered:
.L_overlay_start_2:
0x8d6: {  	(tag) =	ssettag $0x2  }
0x8d7: {  	s0 =	rddreg [dreg:$0x0];
	s2 =	stileid.u32  }
0x8d8: {  	s1 =	rddreg [dreg:$0x1];
	p0 =	sne.s32 s2, $0x0  }
0x8d9: {  	s3 =	rddreg [dreg:$0x2];
	[bflag:$0x3] =	sbarrier.arrive $0xFFFF;
	s2 =	simm.s32 @!p0 $0x1C02  }
0x8da: {  	[timem:s3], [sflag:s2] =	dma.local @!p0 [hbm:s0], s1  }
0x8db: {  	s0 =	simm.s32 @!p0 $0x2  }
0x8dc: {  	_ =	swait.ge @!p0 [sflag:s0], s1  }
0x8dd: {  	s1 =	ssub.s32 @!p0 $0x0, s1;
	[sflag:s0] =	ssyncset.done @!p0 $0x0  }
0x8de: {  	[sflag:s0] =	ssyncadd.s32 @!p0 s1  }
0x8df: {  	[bflag:$0x3] =	sbarrier.arrive $0xFFFF  }
0x8e0: {  	_ =	shalt  }

</sc_bundles>
